<compile_context>
chip_gen: v7x
topology: tpu7x:2x2x1
jax: 0.10.2.dev20260603
libtpu: 0.0.44.dev20260713+nightly
codegen_flags: <defaults>
</compile_context>

<pallas_src>
import functools

import jax
import jax.numpy as jnp
from jax import lax
from jax.experimental import pallas as pl
from jax.experimental.pallas import tpu as pltpu
from jax.experimental.pallas import tpu_sc as plsc

N = 10000
D = 128
E = 320000
NEG_SLOPE = 0.2

NC = 2
NS = 16
NT = NC * NS
CW = 128
CHUNKS = 80
E_PAD = NT * CHUNKS * CW
NPAD = 10240
STRIPE = NPAD // NS
PAD_IDX = N
NEG_BIG = -1e30


def _prep(h_ref, w_ref, b_ref, asrc_ref, adst_ref,
          hp_ref, a1_ref, a2_ref, m_ref):
    hp = jnp.dot(h_ref[...], w_ref[...], preferred_element_type=jnp.float32)
    hp = hp + b_ref[0][None, :]
    hp_full = jnp.concatenate(
        [hp, jnp.zeros((NPAD - N, D), jnp.float32)], axis=0)
    hp_ref[...] = hp_full
    a1 = jnp.dot(hp_full, asrc_ref[0])
    a2 = jnp.dot(hp_full, adst_ref[0])
    mask = lax.broadcasted_iota(jnp.int32, (NPAD,), 0) < N
    a1m = jnp.where(mask, a1, NEG_BIG)
    a2m = jnp.where(mask, a2, NEG_BIG)
    a1_ref[...] = a1m.reshape(1, NPAD)
    a2_ref[...] = a2m.reshape(1, NPAD)
    m = jnp.maximum(jnp.max(a1m) + jnp.max(a2m), 0.0)
    m_ref[...] = jnp.full((1, 128), m, jnp.float32)


def _edge_body(rows_hbm, cols_hbm, hp_hbm, a1_hbm, a2_hbm, m_hbm,
               num_out, s_out,
               idx_v, ga1_v, ga2_v, m_v, e_v, hpb_v,
               num_sh, s_sh, a1_sh, a2_sh,
               idx_sem, ga1_sem, ga2_sem, hp_sem, ns_sem, es_sem):
    c = lax.axis_index("c")
    s = lax.axis_index("s")
    t = c * NS + s

    pltpu.sync_copy(m_hbm.at[0, pl.ds(0, 16)], m_v)

    @pl.when(s == 0)
    def _():
        pltpu.sync_copy(a1_hbm.at[0], a1_sh)
        pltpu.sync_copy(a2_hbm.at[0], a2_sh)

    def _zrow(i, carry):
        for k in range(D // 16):
            hpb_v[0, i, pl.ds(k * 16, 16)] = jnp.zeros((16,), jnp.float32)
        return carry
    lax.fori_loop(0, CW, _zrow, 0)
    for k in range(CW // 16):
        e_v[0, pl.ds(k * 16, 16)] = jnp.zeros((16,), jnp.float32)
    base = s * STRIPE
    for off in range(0, STRIPE, CW):
        pltpu.sync_copy(hpb_v.at[0], num_sh.at[pl.ds(base + off, CW)])
        pltpu.sync_copy(e_v.at[0], s_sh.at[pl.ds(base + off, CW)])
    plsc.subcore_barrier()

    mvec = m_v[...]

    def _idx_start(j, slot):
        pltpu.async_copy(rows_hbm.at[t, j], idx_v.at[slot, 0],
                         idx_sem.at[slot])
        pltpu.async_copy(cols_hbm.at[t, j], idx_v.at[slot, 1],
                         idx_sem.at[slot])

    def _idx_wait(j, slot):
        pltpu.make_async_copy(rows_hbm.at[t, j], idx_v.at[slot, 0],
                              idx_sem.at[slot]).wait()
        pltpu.make_async_copy(cols_hbm.at[t, j], idx_v.at[slot, 1],
                              idx_sem.at[slot]).wait()

    def _gath_start(islot, p):
        pltpu.async_copy(a1_sh.at[idx_v.at[islot, 0]], ga1_v.at[p],
                         ga1_sem.at[p])
        pltpu.async_copy(a2_sh.at[idx_v.at[islot, 1]], ga2_v.at[p],
                         ga2_sem.at[p])
        pltpu.async_copy(hp_hbm.at[idx_v.at[islot, 1]], hpb_v.at[p],
                         hp_sem.at[p])

    def _gath_wait(islot, p):
        pltpu.make_async_copy(a1_sh.at[idx_v.at[islot, 0]], ga1_v.at[p],
                              ga1_sem.at[p]).wait()
        pltpu.make_async_copy(a2_sh.at[idx_v.at[islot, 1]], ga2_v.at[p],
                              ga2_sem.at[p]).wait()
        pltpu.make_async_copy(hp_hbm.at[idx_v.at[islot, 1]], hpb_v.at[p],
                              hp_sem.at[p]).wait()

    _idx_start(0, 0)
    _idx_start(1, 1)
    _idx_wait(0, 0)
    _gath_start(0, 0)

    def _chunk(j, carry):
        p = lax.rem(j, 2)
        q = 1 - p
        islot = lax.rem(j, 3)

        @pl.when(j >= 1)
        def _():
            pltpu.make_async_copy(hpb_v.at[q], num_sh.at[idx_v.at[0, 0]],
                                  ns_sem.at[q]).wait()
            pltpu.make_async_copy(e_v.at[q], s_sh.at[idx_v.at[0, 0]],
                                  es_sem.at[q]).wait()

        @pl.when(j + 1 < CHUNKS)
        def _():
            is1 = lax.rem(j + 1, 3)
            _idx_wait(j + 1, is1)
            _gath_start(is1, q)

        @pl.when(j + 2 < CHUNKS)
        def _():
            _idx_start(j + 2, lax.rem(j + 2, 3))

        _gath_wait(islot, p)

        ga1 = ga1_v.at[p]
        ga2 = ga2_v.at[p]
        ev = e_v.at[p]
        for k in range(CW // 16):
            sl = pl.ds(k * 16, 16)
            x = ga1[sl] + ga2[sl]
            x = jnp.where(x > 0.0, x, NEG_SLOPE * x)
            ev[sl] = jnp.exp(x - mvec)

        hb = hpb_v.at[p]

        def _wgrp(g, carry2):
            e16 = ev[pl.ds(g * 16, 16)]
            for ii in range(16):
                es = e16[ii]
                i = g * 16 + ii
                for k in range(D // 16):
                    sl2 = pl.ds(k * 16, 16)
                    hb[i, sl2] = hb[i, sl2] * es
            return carry2
        lax.fori_loop(0, CW // 16, _wgrp, 0)

        pltpu.async_copy(hb, num_sh.at[idx_v.at[islot, 0]], ns_sem.at[p],
                         add=True)
        pltpu.async_copy(ev, s_sh.at[idx_v.at[islot, 0]], es_sem.at[p],
                         add=True)
        return carry

    lax.fori_loop(0, CHUNKS, _chunk, 0)

    last = (CHUNKS - 1) % 2
    pltpu.make_async_copy(hpb_v.at[last], num_sh.at[idx_v.at[0, 0]],
                          ns_sem.at[last]).wait()
    pltpu.make_async_copy(e_v.at[last], s_sh.at[idx_v.at[0, 0]],
                          es_sem.at[last]).wait()
    plsc.subcore_barrier()

    pltpu.sync_copy(num_sh.at[pl.ds(base, STRIPE)],
                    num_out.at[c, pl.ds(base, STRIPE)])
    pltpu.sync_copy(s_sh.at[pl.ds(base, STRIPE)],
                    s_out.at[c, pl.ds(base, STRIPE)])


_edge_kernel = functools.partial(
    pl.kernel,
    out_type=(
        jax.ShapeDtypeStruct((NC, NPAD, D), jnp.float32),
        jax.ShapeDtypeStruct((NC, NPAD), jnp.float32),
    ),
    mesh=plsc.VectorSubcoreMesh(
        core_axis_name="c", subcore_axis_name="s",
        num_cores=NC, num_subcores=NS),
    scratch_types=[
        pltpu.VMEM((3, 2, CW), jnp.int32),
        pltpu.VMEM((2, CW), jnp.float32),
        pltpu.VMEM((2, CW), jnp.float32),
        pltpu.VMEM((16,), jnp.float32),
        pltpu.VMEM((2, CW), jnp.float32),
        pltpu.VMEM((2, CW, D), jnp.float32),
        pltpu.VMEM_SHARED((NPAD, D), jnp.float32),
        pltpu.VMEM_SHARED((NPAD,), jnp.float32),
        pltpu.VMEM_SHARED((NPAD,), jnp.float32),
        pltpu.VMEM_SHARED((NPAD,), jnp.float32),
        pltpu.SemaphoreType.DMA((3,)),
        pltpu.SemaphoreType.DMA((2,)),
        pltpu.SemaphoreType.DMA((2,)),
        pltpu.SemaphoreType.DMA((2,)),
        pltpu.SemaphoreType.DMA((2,)),
        pltpu.SemaphoreType.DMA((2,)),
    ],
    compiler_params=pltpu.CompilerParams(needs_layout_passes=False),
)(_edge_body)


def _finish(num_ref, s_ref, out_ref):
    n = num_ref[0, :N, :] + num_ref[1, :N, :]
    s = s_ref[0, 0, :N] + s_ref[1, 0, :N]
    out_ref[...] = n / (s + 1e-16)[:, None]


def kernel(edge_index, h, W, b, a_src, a_dst):
    row = edge_index[0]
    col = edge_index[1]
    pad = jnp.full((E_PAD - E,), PAD_IDX, dtype=jnp.int32)
    rows_p = jnp.concatenate([row, pad]).reshape(NT, CHUNKS, CW)
    cols_p = jnp.concatenate([col, pad]).reshape(NT, CHUNKS, CW)

    hp_pad, a1, a2, m = pl.pallas_call(
        _prep,
        out_shape=(
            jax.ShapeDtypeStruct((NPAD, D), jnp.float32),
            jax.ShapeDtypeStruct((1, NPAD), jnp.float32),
            jax.ShapeDtypeStruct((1, NPAD), jnp.float32),
            jax.ShapeDtypeStruct((1, 128), jnp.float32),
        ),
    )(h, W, b.reshape(1, D), a_src.reshape(1, D), a_dst.reshape(1, D))

    num_parts, s_parts = _edge_kernel(rows_p, cols_p, hp_pad, a1, a2, m)

    out = pl.pallas_call(
        _finish,
        out_shape=jax.ShapeDtypeStruct((N, D), jnp.float32),
    )(num_parts, s_parts.reshape(NC, 1, NPAD))

    return out

# --- scband reference (transcript-rebuilt; emitter-appended) ---
"""Pipeline reference for scband-gatconv-9174050144815 (READ-ONLY COPY).

The authoritative reference and input builder live on the scoring server;
editing this copy changes nothing except your own understanding.
"""

import jax, jax.numpy as jnp
import numpy as np

N_NODES = 10000
N_EDGES = 320000
D_IN = 128
D_OUT = 128
NEG_SLOPE = 0.2


def setup_inputs(seed: int = 0) -> dict:
    key = jax.random.key(seed)
    k1, k2, k3, k4, k5, k6 = jax.random.split(key, 6)
    h = jax.random.normal(k1, (N_NODES, D_IN), dtype=jnp.float32)
    edge_index = jax.random.randint(k2, (2, N_EDGES), 0, N_NODES, dtype=jnp.int32)
    # nn.Linear(input_dim, output_dim, bias=True): store as [in, out] for x @ W + b
    W = jax.random.normal(k3, (D_IN, D_OUT), dtype=jnp.float32) * (1.0 / np.sqrt(D_IN))
    b = jax.random.normal(k4, (D_OUT,), dtype=jnp.float32) * 0.01
    # single head: attn_src / attn_dst are Linear(output_dim, 1, bias=False)
    a_src = jax.random.normal(k5, (D_OUT,), dtype=jnp.float32) * (1.0 / np.sqrt(D_OUT))
    a_dst = jax.random.normal(k6, (D_OUT,), dtype=jnp.float32) * (1.0 / np.sqrt(D_OUT))
    return {"edge_index": edge_index, "h": h, "W": W, "b": b, "a_src": a_src, "a_dst": a_dst}


def _segment_softmax(logits, seg_ids, num_segments):
    m = jax.ops.segment_max(logits, seg_ids, num_segments=num_segments)
    m = jnp.where(jnp.isfinite(m), m, 0.0)
    e = jnp.exp(logits - m[seg_ids])
    s = jax.ops.segment_sum(e, seg_ids, num_segments=num_segments)
    return e / (s[seg_ids] + 1e-16)


def reference(edge_index, h, W, b, a_src, a_dst):
    # h = self.linear(h)
    hp = h @ W + b
    row = edge_index[0]
    col = edge_index[1]
    # single-head attention (num_heads=1)
    alpha_src = hp @ a_src  # [N]
    alpha_dst = hp @ a_dst  # [N]
    attn = alpha_src[row] + alpha_dst[col]  # [E]
    # leaky_relu
    attn = jnp.where(attn > 0, attn, NEG_SLOPE * attn)
    # softmax grouped by row (destination index of the sparse matrix)
    attn = _segment_softmax(attn, row, N_NODES)
    # spmm: out[i] = sum_{e: row[e]==i} attn[e] * hp[col[e]]
    out = jax.ops.segment_sum(attn[:, None] * hp[col], row, num_segments=N_NODES)
    # torch.cat over heads with num_heads=1 is identity
    return out

if __name__ == "__main__":
    import jax
    _d = setup_inputs()
    print(jax.jit(kernel)(*tuple(_d.values())))

</pallas_src>

<mosaic_0001>
#map = affine_map<(d0, d1) -> (0, 0, 0)>
#map1 = affine_map<(d0, d1) -> (0, 0)>
module attributes {stable_mosaic.version = 14 : i64} {
  func.func @_edge_body(%arg0: i32, %arg1: i32, %arg2: memref<32x80x128xi32, #tpu.memory_space<hbm>>, %arg3: memref<32x80x128xi32, #tpu.memory_space<hbm>>, %arg4: memref<10240x128xf32, #tpu.memory_space<hbm>>, %arg5: memref<1x10240xf32, #tpu.memory_space<hbm>>, %arg6: memref<1x10240xf32, #tpu.memory_space<hbm>>, %arg7: memref<1x128xf32, #tpu.memory_space<hbm>>, %arg8: memref<2x10240x128xf32, #tpu.memory_space<hbm>>, %arg9: memref<2x10240xf32, #tpu.memory_space<hbm>>, %arg10: memref<3x2x128xi32, #tpu.memory_space<vmem>>, %arg11: memref<2x128xf32, #tpu.memory_space<vmem>>, %arg12: memref<2x128xf32, #tpu.memory_space<vmem>>, %arg13: memref<16xf32, #tpu.memory_space<vmem>>, %arg14: memref<2x128xf32, #tpu.memory_space<vmem>>, %arg15: memref<2x128x128xf32, #tpu.memory_space<vmem>>, %arg16: memref<10240x128xf32, #tpu.memory_space<vmem_shared>>, %arg17: memref<10240xf32, #tpu.memory_space<vmem_shared>>, %arg18: memref<10240xf32, #tpu.memory_space<vmem_shared>>, %arg19: memref<10240xf32, #tpu.memory_space<vmem_shared>>, %arg20: memref<3x!tpu.dma_semaphore, #tpu.memory_space<semaphore_mem>>, %arg21: memref<2x!tpu.dma_semaphore, #tpu.memory_space<semaphore_mem>>, %arg22: memref<2x!tpu.dma_semaphore, #tpu.memory_space<semaphore_mem>>, %arg23: memref<2x!tpu.dma_semaphore, #tpu.memory_space<semaphore_mem>>, %arg24: memref<2x!tpu.dma_semaphore, #tpu.memory_space<semaphore_mem>>, %arg25: memref<2x!tpu.dma_semaphore, #tpu.memory_space<semaphore_mem>>) attributes {dimension_semantics = [#tpu.dimension_semantics<core_parallel>, #tpu.dimension_semantics<subcore_parallel>], iteration_bounds = array<i64: 2, 16>, scalar_prefetch = 0 : i64, scratch_operands = 16 : i64, tpu.core_type = #tpu.core_type<sc_vector_subcore>, window_params = [{transform_indices = #map}, {transform_indices = #map}, {transform_indices = #map1}, {transform_indices = #map1}, {transform_indices = #map1}, {transform_indices = #map1}, {transform_indices = #map}, {transform_indices = #map1}]} {
    %mul3A = arith.constant 16 : i32
    %mul3A_0 = arith.muli %arg0, %mul3A : i32
    %add3A = arith.addi %mul3A_0, %arg1 : i32
    %run_scoped3A = arith.constant 0 : i32
    "tpu.region"() ({
      %run_scoped3A_274 = tpu.sem_alloc : memref<!tpu.dma_semaphore, #tpu.memory_space<semaphore_mem>>
      %dma_start3A_275 = arith.constant 0 : i32
      %dma_start3A_276 = tpu.memref_slice %arg7[%run_scoped3A, %dma_start3A_275] : memref<1x128xf32, #tpu.memory_space<hbm>> -> memref<1x16xf32, #tpu.memory_space<hbm>>
      %dma_start3A_277 = tpu.memref_squeeze %dma_start3A_276 : memref<1x16xf32, #tpu.memory_space<hbm>> -> memref<16xf32, #tpu.memory_space<hbm>>
      %dma_start3A_278 = arith.constant 0 : i32
      %dma_start3A_279 = tpu.memref_slice %arg7[%run_scoped3A, %dma_start3A_278] : memref<1x128xf32, #tpu.memory_space<hbm>> -> memref<1x16xf32, #tpu.memory_space<hbm>>
      %dma_start3A_280 = tpu.memref_squeeze %dma_start3A_279 : memref<1x16xf32, #tpu.memory_space<hbm>> -> memref<16xf32, #tpu.memory_space<hbm>>
      tpu.enqueue_dma source(%dma_start3A_280 : memref<16xf32, #tpu.memory_space<hbm>>) target(%arg13 : memref<16xf32, #tpu.memory_space<vmem>>) target_semaphore(%run_scoped3A_274 : memref<!tpu.dma_semaphore, #tpu.memory_space<semaphore_mem>>)
      %dma_wait3A_281 = arith.constant 0 : i32
      %dma_wait3A_282 = tpu.memref_slice %arg7[%run_scoped3A, %dma_wait3A_281] : memref<1x128xf32, #tpu.memory_space<hbm>> -> memref<1x16xf32, #tpu.memory_space<hbm>>
      %dma_wait3A_283 = tpu.memref_squeeze %dma_wait3A_282 : memref<1x16xf32, #tpu.memory_space<hbm>> -> memref<16xf32, #tpu.memory_space<hbm>>
      %dma_wait3A_284 = arith.constant 0 : i32
      %dma_wait3A_285 = tpu.memref_slice %arg7[%run_scoped3A, %dma_wait3A_284] : memref<1x128xf32, #tpu.memory_space<hbm>> -> memref<1x16xf32, #tpu.memory_space<hbm>>
      %dma_wait3A_286 = tpu.memref_squeeze %dma_wait3A_285 : memref<1x16xf32, #tpu.memory_space<hbm>> -> memref<16xf32, #tpu.memory_space<hbm>>
      tpu.wait_dma2 semaphore(%run_scoped3A_274 : memref<!tpu.dma_semaphore, #tpu.memory_space<semaphore_mem>>) src(%dma_wait3A_286 : memref<16xf32, #tpu.memory_space<hbm>>) dst(%arg13 : memref<16xf32, #tpu.memory_space<vmem>>)
      tpu.yield
    }) : () -> ()
    %eq3A = arith.constant 0 : i32
    %eq3A_1 = arith.cmpi eq, %arg1, %eq3A : i32
    %convert_element_type3A = arith.extui %eq3A_1 : i1 to i32
    %cond3A = arith.constant 0 : i32
    %cond3A_2 = arith.cmpi ne, %convert_element_type3A, %cond3A : i32
    scf.if %cond3A_2 {
      %run_scoped3A_274 = arith.constant 0 : i32
      "tpu.region"() ({
        %run_scoped3A_276 = tpu.sem_alloc : memref<!tpu.dma_semaphore, #tpu.memory_space<semaphore_mem>>
        %dma_start3A_277 = arith.constant 0 : i32
        %dma_start3A_278 = tpu.memref_slice %arg5[%run_scoped3A_274, %dma_start3A_277] : memref<1x10240xf32, #tpu.memory_space<hbm>> -> memref<1x10240xf32, #tpu.memory_space<hbm>>
        %dma_start3A_279 = tpu.memref_squeeze %dma_start3A_278 : memref<1x10240xf32, #tpu.memory_space<hbm>> -> memref<10240xf32, #tpu.memory_space<hbm>>
        tpu.enqueue_dma source(%dma_start3A_279 : memref<10240xf32, #tpu.memory_space<hbm>>) target(%arg18 : memref<10240xf32, #tpu.memory_space<vmem_shared>>) target_semaphore(%run_scoped3A_276 : memref<!tpu.dma_semaphore, #tpu.memory_space<semaphore_mem>>)
        %dma_wait3A_280 = arith.constant 0 : i32
        %dma_wait3A_281 = tpu.memref_slice %arg5[%run_scoped3A_274, %dma_wait3A_280] : memref<1x10240xf32, #tpu.memory_space<hbm>> -> memref<1x10240xf32, #tpu.memory_space<hbm>>
        %dma_wait3A_282 = tpu.memref_squeeze %dma_wait3A_281 : memref<1x10240xf32, #tpu.memory_space<hbm>> -> memref<10240xf32, #tpu.memory_space<hbm>>
        tpu.wait_dma2 semaphore(%run_scoped3A_276 : memref<!tpu.dma_semaphore, #tpu.memory_space<semaphore_mem>>) src(%dma_wait3A_282 : memref<10240xf32, #tpu.memory_space<hbm>>) dst(%arg18 : memref<10240xf32, #tpu.memory_space<vmem_shared>>)
        tpu.yield
      }) : () -> ()
      %run_scoped3A_275 = arith.constant 0 : i32
      "tpu.region"() ({
        %run_scoped3A_276 = tpu.sem_alloc : memref<!tpu.dma_semaphore, #tpu.memory_space<semaphore_mem>>
        %dma_start3A_277 = arith.constant 0 : i32
        %dma_start3A_278 = tpu.memref_slice %arg6[%run_scoped3A_275, %dma_start3A_277] : memref<1x10240xf32, #tpu.memory_space<hbm>> -> memref<1x10240xf32, #tpu.memory_space<hbm>>
        %dma_start3A_279 = tpu.memref_squeeze %dma_start3A_278 : memref<1x10240xf32, #tpu.memory_space<hbm>> -> memref<10240xf32, #tpu.memory_space<hbm>>
        tpu.enqueue_dma source(%dma_start3A_279 : memref<10240xf32, #tpu.memory_space<hbm>>) target(%arg19 : memref<10240xf32, #tpu.memory_space<vmem_shared>>) target_semaphore(%run_scoped3A_276 : memref<!tpu.dma_semaphore, #tpu.memory_space<semaphore_mem>>)
        %dma_wait3A_280 = arith.constant 0 : i32
        %dma_wait3A_281 = tpu.memref_slice %arg6[%run_scoped3A_275, %dma_wait3A_280] : memref<1x10240xf32, #tpu.memory_space<hbm>> -> memref<1x10240xf32, #tpu.memory_space<hbm>>
        %dma_wait3A_282 = tpu.memref_squeeze %dma_wait3A_281 : memref<1x10240xf32, #tpu.memory_space<hbm>> -> memref<10240xf32, #tpu.memory_space<hbm>>
        tpu.wait_dma2 semaphore(%run_scoped3A_276 : memref<!tpu.dma_semaphore, #tpu.memory_space<semaphore_mem>>) src(%dma_wait3A_282 : memref<10240xf32, #tpu.memory_space<hbm>>) dst(%arg19 : memref<10240xf32, #tpu.memory_space<vmem_shared>>)
        tpu.yield
      }) : () -> ()
    } else {
    }
    %scan3A = arith.constant 0 : i32
    %scan3A_3 = arith.constant 0 : i32
    %scan3A_4 = arith.constant 128 : i32
    %scan3A_5 = arith.addi %scan3A_3, %scan3A_4 : i32
    %scan3A_6 = arith.constant 1 : i32
    scf.for %scan3A_274 = %scan3A_3 to %scan3A_5 step %scan3A_6  : i32 {
      %broadcast_in_dim3A_275 = arith.constant 0.000000e+00 : f32
      %broadcast_in_dim3A_276 = vector.broadcast %broadcast_in_dim3A_275 : f32 to vector<16xf32>
      %swap3A_277 = arith.constant 0 : i32
      %swap3A_278 = arith.index_cast %swap3A_277 : i32 to index
      %swap3A_279 = arith.index_cast %scan3A_274 : i32 to index
      %swap3A_280 = arith.constant 0 : index
      %swap3A_281 = tpu.vector_load %arg15[%swap3A_278, %swap3A_279, %swap3A_280] {strides = array<i32>} : memref<2x128x128xf32, #tpu.memory_space<vmem>>, vector<16xf32>,
      tpu.vector_store %arg15[%swap3A_278, %swap3A_279, %swap3A_280], %broadcast_in_dim3A_276 {strides = array<i32>} : memref<2x128x128xf32, #tpu.memory_space<vmem>>, vector<16xf32>,
      %broadcast_in_dim3A_282 = arith.constant 0.000000e+00 : f32
      %broadcast_in_dim3A_283 = vector.broadcast %broadcast_in_dim3A_282 : f32 to vector<16xf32>
      %swap3A_284 = arith.constant 0 : i32
      %swap3A_285 = arith.index_cast %swap3A_284 : i32 to index
      %swap3A_286 = arith.index_cast %scan3A_274 : i32 to index
      %swap3A_287 = arith.constant 16 : index
      %swap3A_288 = tpu.vector_load %arg15[%swap3A_285, %swap3A_286, %swap3A_287] {strides = array<i32>} : memref<2x128x128xf32, #tpu.memory_space<vmem>>, vector<16xf32>,
      tpu.vector_store %arg15[%swap3A_285, %swap3A_286, %swap3A_287], %broadcast_in_dim3A_283 {strides = array<i32>} : memref<2x128x128xf32, #tpu.memory_space<vmem>>, vector<16xf32>,
      %broadcast_in_dim3A_289 = arith.constant 0.000000e+00 : f32
      %broadcast_in_dim3A_290 = vector.broadcast %broadcast_in_dim3A_289 : f32 to vector<16xf32>
      %swap3A_291 = arith.constant 0 : i32
      %swap3A_292 = arith.index_cast %swap3A_291 : i32 to index
      %swap3A_293 = arith.index_cast %scan3A_274 : i32 to index
      %swap3A_294 = arith.constant 32 : index
      %swap3A_295 = tpu.vector_load %arg15[%swap3A_292, %swap3A_293, %swap3A_294] {strides = array<i32>} : memref<2x128x128xf32, #tpu.memory_space<vmem>>, vector<16xf32>,
      tpu.vector_store %arg15[%swap3A_292, %swap3A_293, %swap3A_294], %broadcast_in_dim3A_290 {strides = array<i32>} : memref<2x128x128xf32, #tpu.memory_space<vmem>>, vector<16xf32>,
      %broadcast_in_dim3A_296 = arith.constant 0.000000e+00 : f32
      %broadcast_in_dim3A_297 = vector.broadcast %broadcast_in_dim3A_296 : f32 to vector<16xf32>
      %swap3A_298 = arith.constant 0 : i32
      %swap3A_299 = arith.index_cast %swap3A_298 : i32 to index
      %swap3A_300 = arith.index_cast %scan3A_274 : i32 to index
      %swap3A_301 = arith.constant 48 : index
      %swap3A_302 = tpu.vector_load %arg15[%swap3A_299, %swap3A_300, %swap3A_301] {strides = array<i32>} : memref<2x128x128xf32, #tpu.memory_space<vmem>>, vector<16xf32>,
      tpu.vector_store %arg15[%swap3A_299, %swap3A_300, %swap3A_301], %broadcast_in_dim3A_297 {strides = array<i32>} : memref<2x128x128xf32, #tpu.memory_space<vmem>>, vector<16xf32>,
      %broadcast_in_dim3A_303 = arith.constant 0.000000e+00 : f32
      %broadcast_in_dim3A_304 = vector.broadcast %broadcast_in_dim3A_303 : f32 to vector<16xf32>
      %swap3A_305 = arith.constant 0 : i32
      %swap3A_306 = arith.index_cast %swap3A_305 : i32 to index
      %swap3A_307 = arith.index_cast %scan3A_274 : i32 to index
      %swap3A_308 = arith.constant 64 : index
      %swap3A_309 = tpu.vector_load %arg15[%swap3A_306, %swap3A_307, %swap3A_308] {strides = array<i32>} : memref<2x128x128xf32, #tpu.memory_space<vmem>>, vector<16xf32>,
      tpu.vector_store %arg15[%swap3A_306, %swap3A_307, %swap3A_308], %broadcast_in_dim3A_304 {strides = array<i32>} : memref<2x128x128xf32, #tpu.memory_space<vmem>>, vector<16xf32>,
      %broadcast_in_dim3A_310 = arith.constant 0.000000e+00 : f32
      %broadcast_in_dim3A_311 = vector.broadcast %broadcast_in_dim3A_310 : f32 to vector<16xf32>
      %swap3A_312 = arith.constant 0 : i32
      %swap3A_313 = arith.index_cast %swap3A_312 : i32 to index
      %swap3A_314 = arith.index_cast %scan3A_274 : i32 to index
      %swap3A_315 = arith.constant 80 : index
      %swap3A_316 = tpu.vector_load %arg15[%swap3A_313, %swap3A_314, %swap3A_315] {strides = array<i32>} : memref<2x128x128xf32, #tpu.memory_space<vmem>>, vector<16xf32>,
      tpu.vector_store %arg15[%swap3A_313, %swap3A_314, %swap3A_315], %broadcast_in_dim3A_311 {strides = array<i32>} : memref<2x128x128xf32, #tpu.memory_space<vmem>>, vector<16xf32>,
      %broadcast_in_dim3A_317 = arith.constant 0.000000e+00 : f32
      %broadcast_in_dim3A_318 = vector.broadcast %broadcast_in_dim3A_317 : f32 to vector<16xf32>
      %swap3A_319 = arith.constant 0 : i32
      %swap3A_320 = arith.index_cast %swap3A_319 : i32 to index
      %swap3A_321 = arith.index_cast %scan3A_274 : i32 to index
      %swap3A_322 = arith.constant 96 : index
      %swap3A_323 = tpu.vector_load %arg15[%swap3A_320, %swap3A_321, %swap3A_322] {strides = array<i32>} : memref<2x128x128xf32, #tpu.memory_space<vmem>>, vector<16xf32>,
      tpu.vector_store %arg15[%swap3A_320, %swap3A_321, %swap3A_322], %broadcast_in_dim3A_318 {strides = array<i32>} : memref<2x128x128xf32, #tpu.memory_space<vmem>>, vector<16xf32>,
      %broadcast_in_dim3A_324 = arith.constant 0.000000e+00 : f32
      %broadcast_in_dim3A_325 = vector.broadcast %broadcast_in_dim3A_324 : f32 to vector<16xf32>
      %swap3A_326 = arith.constant 0 : i32
      %swap3A_327 = arith.index_cast %swap3A_326 : i32 to index
      %swap3A_328 = arith.index_cast %scan3A_274 : i32 to index
      %swap3A_329 = arith.constant 112 : index
      %swap3A_330 = tpu.vector_load %arg15[%swap3A_327, %swap3A_328, %swap3A_329] {strides = array<i32>} : memref<2x128x128xf32, #tpu.memory_space<vmem>>, vector<16xf32>,
      tpu.vector_store %arg15[%swap3A_327, %swap3A_328, %swap3A_329], %broadcast_in_dim3A_325 {strides = array<i32>} : memref<2x128x128xf32, #tpu.memory_space<vmem>>, vector<16xf32>,
    }
    %scan3A_7 = arith.constant 128 : i32
    %broadcast_in_dim3A = arith.constant 0.000000e+00 : f32
    %broadcast_in_dim3A_8 = vector.broadcast %broadcast_in_dim3A : f32 to vector<16xf32>
    %swap3A = arith.constant 0 : i32
    %swap3A_9 = arith.index_cast %swap3A : i32 to index
    %swap3A_10 = arith.constant 0 : index
    %swap3A_11 = tpu.vector_load %arg14[%swap3A_9, %swap3A_10] {strides = array<i32>} : memref<2x128xf32, #tpu.memory_space<vmem>>, vector<16xf32>,
    tpu.vector_store %arg14[%swap3A_9, %swap3A_10], %broadcast_in_dim3A_8 {strides = array<i32>} : memref<2x128xf32, #tpu.memory_space<vmem>>, vector<16xf32>,
    %broadcast_in_dim3A_12 = arith.constant 0.000000e+00 : f32
    %broadcast_in_dim3A_13 = vector.broadcast %broadcast_in_dim3A_12 : f32 to vector<16xf32>
    %swap3A_14 = arith.constant 0 : i32
    %swap3A_15 = arith.index_cast %swap3A_14 : i32 to index
    %swap3A_16 = arith.constant 16 : index
    %swap3A_17 = tpu.vector_load %arg14[%swap3A_15, %swap3A_16] {strides = array<i32>} : memref<2x128xf32, #tpu.memory_space<vmem>>, vector<16xf32>,
    tpu.vector_store %arg14[%swap3A_15, %swap3A_16], %broadcast_in_dim3A_13 {strides = array<i32>} : memref<2x128xf32, #tpu.memory_space<vmem>>, vector<16xf32>,
    %broadcast_in_dim3A_18 = arith.constant 0.000000e+00 : f32
    %broadcast_in_dim3A_19 = vector.broadcast %broadcast_in_dim3A_18 : f32 to vector<16xf32>
    %swap3A_20 = arith.constant 0 : i32
    %swap3A_21 = arith.index_cast %swap3A_20 : i32 to index
    %swap3A_22 = arith.constant 32 : index
    %swap3A_23 = tpu.vector_load %arg14[%swap3A_21, %swap3A_22] {strides = array<i32>} : memref<2x128xf32, #tpu.memory_space<vmem>>, vector<16xf32>,
    tpu.vector_store %arg14[%swap3A_21, %swap3A_22], %broadcast_in_dim3A_19 {strides = array<i32>} : memref<2x128xf32, #tpu.memory_space<vmem>>, vector<16xf32>,
    %broadcast_in_dim3A_24 = arith.constant 0.000000e+00 : f32
    %broadcast_in_dim3A_25 = vector.broadcast %broadcast_in_dim3A_24 : f32 to vector<16xf32>
    %swap3A_26 = arith.constant 0 : i32
    %swap3A_27 = arith.index_cast %swap3A_26 : i32 to index
    %swap3A_28 = arith.constant 48 : index
    %swap3A_29 = tpu.vector_load %arg14[%swap3A_27, %swap3A_28] {strides = array<i32>} : memref<2x128xf32, #tpu.memory_space<vmem>>, vector<16xf32>,
    tpu.vector_store %arg14[%swap3A_27, %swap3A_28], %broadcast_in_dim3A_25 {strides = array<i32>} : memref<2x128xf32, #tpu.memory_space<vmem>>, vector<16xf32>,
    %broadcast_in_dim3A_30 = arith.constant 0.000000e+00 : f32
    %broadcast_in_dim3A_31 = vector.broadcast %broadcast_in_dim3A_30 : f32 to vector<16xf32>
    %swap3A_32 = arith.constant 0 : i32
    %swap3A_33 = arith.index_cast %swap3A_32 : i32 to index
    %swap3A_34 = arith.constant 64 : index
    %swap3A_35 = tpu.vector_load %arg14[%swap3A_33, %swap3A_34] {strides = array<i32>} : memref<2x128xf32, #tpu.memory_space<vmem>>, vector<16xf32>,
    tpu.vector_store %arg14[%swap3A_33, %swap3A_34], %broadcast_in_dim3A_31 {strides = array<i32>} : memref<2x128xf32, #tpu.memory_space<vmem>>, vector<16xf32>,
    %broadcast_in_dim3A_36 = arith.constant 0.000000e+00 : f32
    %broadcast_in_dim3A_37 = vector.broadcast %broadcast_in_dim3A_36 : f32 to vector<16xf32>
    %swap3A_38 = arith.constant 0 : i32
    %swap3A_39 = arith.index_cast %swap3A_38 : i32 to index
    %swap3A_40 = arith.constant 80 : index
    %swap3A_41 = tpu.vector_load %arg14[%swap3A_39, %swap3A_40] {strides = array<i32>} : memref<2x128xf32, #tpu.memory_space<vmem>>, vector<16xf32>,
    tpu.vector_store %arg14[%swap3A_39, %swap3A_40], %broadcast_in_dim3A_37 {strides = array<i32>} : memref<2x128xf32, #tpu.memory_space<vmem>>, vector<16xf32>,
    %broadcast_in_dim3A_42 = arith.constant 0.000000e+00 : f32
    %broadcast_in_dim3A_43 = vector.broadcast %broadcast_in_dim3A_42 : f32 to vector<16xf32>
    %swap3A_44 = arith.constant 0 : i32
    %swap3A_45 = arith.index_cast %swap3A_44 : i32 to index
    %swap3A_46 = arith.constant 96 : index
    %swap3A_47 = tpu.vector_load %arg14[%swap3A_45, %swap3A_46] {strides = array<i32>} : memref<2x128xf32, #tpu.memory_space<vmem>>, vector<16xf32>,
    tpu.vector_store %arg14[%swap3A_45, %swap3A_46], %broadcast_in_dim3A_43 {strides = array<i32>} : memref<2x128xf32, #tpu.memory_space<vmem>>, vector<16xf32>,
    %broadcast_in_dim3A_48 = arith.constant 0.000000e+00 : f32
    %broadcast_in_dim3A_49 = vector.broadcast %broadcast_in_dim3A_48 : f32 to vector<16xf32>
    %swap3A_50 = arith.constant 0 : i32
    %swap3A_51 = arith.index_cast %swap3A_50 : i32 to index
    %swap3A_52 = arith.constant 112 : index
    %swap3A_53 = tpu.vector_load %arg14[%swap3A_51, %swap3A_52] {strides = array<i32>} : memref<2x128xf32, #tpu.memory_space<vmem>>, vector<16xf32>,
    tpu.vector_store %arg14[%swap3A_51, %swap3A_52], %broadcast_in_dim3A_49 {strides = array<i32>} : memref<2x128xf32, #tpu.memory_space<vmem>>, vector<16xf32>,
    %mul3A_54 = arith.constant 640 : i32
    %mul3A_55 = arith.muli %arg1, %mul3A_54 : i32
    %add3A_56 = arith.constant 0 : i32
    %add3A_57 = arith.addi %mul3A_55, %add3A_56 : i32
    %run_scoped3A_58 = arith.constant 0 : i32
    "tpu.region"() ({
      %run_scoped3A_274 = tpu.sem_alloc : memref<!tpu.dma_semaphore, #tpu.memory_space<semaphore_mem>>
      %dma_start3A_275 = arith.constant 0 : i32
      %dma_start3A_276 = arith.constant 0 : i32
      %dma_start3A_277 = tpu.memref_slice %arg15[%run_scoped3A_58, %dma_start3A_275, %dma_start3A_276] : memref<2x128x128xf32, #tpu.memory_space<vmem>> -> memref<1x128x128xf32, #tpu.memory_space<vmem>>
      %dma_start3A_278 = tpu.memref_squeeze %dma_start3A_277 : memref<1x128x128xf32, #tpu.memory_space<vmem>> -> memref<128x128xf32, #tpu.memory_space<vmem>>
      %dma_start3A_279 = arith.constant 0 : i32
      %dma_start3A_280 = tpu.memref_slice %arg16[%add3A_57, %dma_start3A_279] : memref<10240x128xf32, #tpu.memory_space<vmem_shared>> -> memref<128x128xf32, #tpu.memory_space<vmem_shared>>
      %dma_start3A_281 = arith.constant 0 : i32
      %dma_start3A_282 = tpu.memref_slice %arg16[%add3A_57, %dma_start3A_281] : memref<10240x128xf32, #tpu.memory_space<vmem_shared>> -> memref<128x128xf32, #tpu.memory_space<vmem_shared>>
      %dma_start3A_283 = arith.constant 0 : i32
      %dma_start3A_284 = arith.constant 0 : i32
      %dma_start3A_285 = tpu.memref_slice %arg15[%run_scoped3A_58, %dma_start3A_283, %dma_start3A_284] : memref<2x128x128xf32, #tpu.memory_space<vmem>> -> memref<1x128x128xf32, #tpu.memory_space<vmem>>
      %dma_start3A_286 = tpu.memref_squeeze %dma_start3A_285 : memref<1x128x128xf32, #tpu.memory_space<vmem>> -> memref<128x128xf32, #tpu.memory_space<vmem>>
      tpu.enqueue_dma source(%dma_start3A_286 : memref<128x128xf32, #tpu.memory_space<vmem>>) target(%dma_start3A_282 : memref<128x128xf32, #tpu.memory_space<vmem_shared>>) target_semaphore(%run_scoped3A_274 : memref<!tpu.dma_semaphore, #tpu.memory_space<semaphore_mem>>)
      %dma_wait3A_287 = arith.constant 0 : i32
      %dma_wait3A_288 = arith.constant 0 : i32
      %dma_wait3A_289 = tpu.memref_slice %arg15[%run_scoped3A_58, %dma_wait3A_287, %dma_wait3A_288] : memref<2x128x128xf32, #tpu.memory_space<vmem>> -> memref<1x128x128xf32, #tpu.memory_space<vmem>>
      %dma_wait3A_290 = tpu.memref_squeeze %dma_wait3A_289 : memref<1x128x128xf32, #tpu.memory_space<vmem>> -> memref<128x128xf32, #tpu.memory_space<vmem>>
      %dma_wait3A_291 = arith.constant 0 : i32
      %dma_wait3A_292 = tpu.memref_slice %arg16[%add3A_57, %dma_wait3A_291] : memref<10240x128xf32, #tpu.memory_space<vmem_shared>> -> memref<128x128xf32, #tpu.memory_space<vmem_shared>>
      %dma_wait3A_293 = arith.constant 0 : i32
      %dma_wait3A_294 = tpu.memref_slice %arg16[%add3A_57, %dma_wait3A_293] : memref<10240x128xf32, #tpu.memory_space<vmem_shared>> -> memref<128x128xf32, #tpu.memory_space<vmem_shared>>
      %dma_wait3A_295 = arith.constant 0 : i32
      %dma_wait3A_296 = arith.constant 0 : i32
      %dma_wait3A_297 = tpu.memref_slice %arg15[%run_scoped3A_58, %dma_wait3A_295, %dma_wait3A_296] : memref<2x128x128xf32, #tpu.memory_space<vmem>> -> memref<1x128x128xf32, #tpu.memory_space<vmem>>
      %dma_wait3A_298 = tpu.memref_squeeze %dma_wait3A_297 : memref<1x128x128xf32, #tpu.memory_space<vmem>> -> memref<128x128xf32, #tpu.memory_space<vmem>>
      tpu.wait_dma2 semaphore(%run_scoped3A_274 : memref<!tpu.dma_semaphore, #tpu.memory_space<semaphore_mem>>) src(%dma_wait3A_298 : memref<128x128xf32, #tpu.memory_space<vmem>>) dst(%dma_wait3A_294 : memref<128x128xf32, #tpu.memory_space<vmem_shared>>)
      tpu.yield
    }) : () -> ()
    %add3A_59 = arith.constant 0 : i32
    %add3A_60 = arith.addi %mul3A_55, %add3A_59 : i32
    %run_scoped3A_61 = arith.constant 0 : i32
    "tpu.region"() ({
      %run_scoped3A_274 = tpu.sem_alloc : memref<!tpu.dma_semaphore, #tpu.memory_space<semaphore_mem>>
      %dma_start3A_275 = arith.constant 0 : i32
      %dma_start3A_276 = tpu.memref_slice %arg14[%run_scoped3A_61, %dma_start3A_275] : memref<2x128xf32, #tpu.memory_space<vmem>> -> memref<1x128xf32, #tpu.memory_space<vmem>>
      %dma_start3A_277 = tpu.memref_squeeze %dma_start3A_276 : memref<1x128xf32, #tpu.memory_space<vmem>> -> memref<128xf32, #tpu.memory_space<vmem>>
      %dma_start3A_278 = tpu.memref_slice %arg17[%add3A_60] : memref<10240xf32, #tpu.memory_space<vmem_shared>> -> memref<128xf32, #tpu.memory_space<vmem_shared>>
      %dma_start3A_279 = tpu.memref_slice %arg17[%add3A_60] : memref<10240xf32, #tpu.memory_space<vmem_shared>> -> memref<128xf32, #tpu.memory_space<vmem_shared>>
      %dma_start3A_280 = arith.constant 0 : i32
      %dma_start3A_281 = tpu.memref_slice %arg14[%run_scoped3A_61, %dma_start3A_280] : memref<2x128xf32, #tpu.memory_space<vmem>> -> memref<1x128xf32, #tpu.memory_space<vmem>>
      %dma_start3A_282 = tpu.memref_squeeze %dma_start3A_281 : memref<1x128xf32, #tpu.memory_space<vmem>> -> memref<128xf32, #tpu.memory_space<vmem>>
      tpu.enqueue_dma source(%dma_start3A_282 : memref<128xf32, #tpu.memory_space<vmem>>) target(%dma_start3A_279 : memref<128xf32, #tpu.memory_space<vmem_shared>>) target_semaphore(%run_scoped3A_274 : memref<!tpu.dma_semaphore, #tpu.memory_space<semaphore_mem>>)
      %dma_wait3A_283 = arith.constant 0 : i32
      %dma_wait3A_284 = tpu.memref_slice %arg14[%run_scoped3A_61, %dma_wait3A_283] : memref<2x128xf32, #tpu.memory_space<vmem>> -> memref<1x128xf32, #tpu.memory_space<vmem>>
      %dma_wait3A_285 = tpu.memref_squeeze %dma_wait3A_284 : memref<1x128xf32, #tpu.memory_space<vmem>> -> memref<128xf32, #tpu.memory_space<vmem>>
      %dma_wait3A_286 = tpu.memref_slice %arg17[%add3A_60] : memref<10240xf32, #tpu.memory_space<vmem_shared>> -> memref<128xf32, #tpu.memory_space<vmem_shared>>
      %dma_wait3A_287 = tpu.memref_slice %arg17[%add3A_60] : memref<10240xf32, #tpu.memory_space<vmem_shared>> -> memref<128xf32, #tpu.memory_space<vmem_shared>>
      %dma_wait3A_288 = arith.constant 0 : i32
      %dma_wait3A_289 = tpu.memref_slice %arg14[%run_scoped3A_61, %dma_wait3A_288] : memref<2x128xf32, #tpu.memory_space<vmem>> -> memref<1x128xf32, #tpu.memory_space<vmem>>
      %dma_wait3A_290 = tpu.memref_squeeze %dma_wait3A_289 : memref<1x128xf32, #tpu.memory_space<vmem>> -> memref<128xf32, #tpu.memory_space<vmem>>
      tpu.wait_dma2 semaphore(%run_scoped3A_274 : memref<!tpu.dma_semaphore, #tpu.memory_space<semaphore_mem>>) src(%dma_wait3A_290 : memref<128xf32, #tpu.memory_space<vmem>>) dst(%dma_wait3A_287 : memref<128xf32, #tpu.memory_space<vmem_shared>>)
      tpu.yield
    }) : () -> ()
    %add3A_62 = arith.constant 128 : i32
    %add3A_63 = arith.addi %mul3A_55, %add3A_62 : i32
    %run_scoped3A_64 = arith.constant 0 : i32
    "tpu.region"() ({
      %run_scoped3A_274 = tpu.sem_alloc : memref<!tpu.dma_semaphore, #tpu.memory_space<semaphore_mem>>
      %dma_start3A_275 = arith.constant 0 : i32
      %dma_start3A_276 = arith.constant 0 : i32
      %dma_start3A_277 = tpu.memref_slice %arg15[%run_scoped3A_64, %dma_start3A_275, %dma_start3A_276] : memref<2x128x128xf32, #tpu.memory_space<vmem>> -> memref<1x128x128xf32, #tpu.memory_space<vmem>>
      %dma_start3A_278 = tpu.memref_squeeze %dma_start3A_277 : memref<1x128x128xf32, #tpu.memory_space<vmem>> -> memref<128x128xf32, #tpu.memory_space<vmem>>
      %dma_start3A_279 = arith.constant 0 : i32
      %dma_start3A_280 = tpu.memref_slice %arg16[%add3A_63, %dma_start3A_279] : memref<10240x128xf32, #tpu.memory_space<vmem_shared>> -> memref<128x128xf32, #tpu.memory_space<vmem_shared>>
      %dma_start3A_281 = arith.constant 0 : i32
      %dma_start3A_282 = tpu.memref_slice %arg16[%add3A_63, %dma_start3A_281] : memref<10240x128xf32, #tpu.memory_space<vmem_shared>> -> memref<128x128xf32, #tpu.memory_space<vmem_shared>>
      %dma_start3A_283 = arith.constant 0 : i32
      %dma_start3A_284 = arith.constant 0 : i32
      %dma_start3A_285 = tpu.memref_slice %arg15[%run_scoped3A_64, %dma_start3A_283, %dma_start3A_284] : memref<2x128x128xf32, #tpu.memory_space<vmem>> -> memref<1x128x128xf32, #tpu.memory_space<vmem>>
      %dma_start3A_286 = tpu.memref_squeeze %dma_start3A_285 : memref<1x128x128xf32, #tpu.memory_space<vmem>> -> memref<128x128xf32, #tpu.memory_space<vmem>>
      tpu.enqueue_dma source(%dma_start3A_286 : memref<128x128xf32, #tpu.memory_space<vmem>>) target(%dma_start3A_282 : memref<128x128xf32, #tpu.memory_space<vmem_shared>>) target_semaphore(%run_scoped3A_274 : memref<!tpu.dma_semaphore, #tpu.memory_space<semaphore_mem>>)
      %dma_wait3A_287 = arith.constant 0 : i32
      %dma_wait3A_288 = arith.constant 0 : i32
      %dma_wait3A_289 = tpu.memref_slice %arg15[%run_scoped3A_64, %dma_wait3A_287, %dma_wait3A_288] : memref<2x128x128xf32, #tpu.memory_space<vmem>> -> memref<1x128x128xf32, #tpu.memory_space<vmem>>
      %dma_wait3A_290 = tpu.memref_squeeze %dma_wait3A_289 : memref<1x128x128xf32, #tpu.memory_space<vmem>> -> memref<128x128xf32, #tpu.memory_space<vmem>>
      %dma_wait3A_291 = arith.constant 0 : i32
      %dma_wait3A_292 = tpu.memref_slice %arg16[%add3A_63, %dma_wait3A_291] : memref<10240x128xf32, #tpu.memory_space<vmem_shared>> -> memref<128x128xf32, #tpu.memory_space<vmem_shared>>
      %dma_wait3A_293 = arith.constant 0 : i32
      %dma_wait3A_294 = tpu.memref_slice %arg16[%add3A_63, %dma_wait3A_293] : memref<10240x128xf32, #tpu.memory_space<vmem_shared>> -> memref<128x128xf32, #tpu.memory_space<vmem_shared>>
      %dma_wait3A_295 = arith.constant 0 : i32
      %dma_wait3A_296 = arith.constant 0 : i32
      %dma_wait3A_297 = tpu.memref_slice %arg15[%run_scoped3A_64, %dma_wait3A_295, %dma_wait3A_296] : memref<2x128x128xf32, #tpu.memory_space<vmem>> -> memref<1x128x128xf32, #tpu.memory_space<vmem>>
      %dma_wait3A_298 = tpu.memref_squeeze %dma_wait3A_297 : memref<1x128x128xf32, #tpu.memory_space<vmem>> -> memref<128x128xf32, #tpu.memory_space<vmem>>
      tpu.wait_dma2 semaphore(%run_scoped3A_274 : memref<!tpu.dma_semaphore, #tpu.memory_space<semaphore_mem>>) src(%dma_wait3A_298 : memref<128x128xf32, #tpu.memory_space<vmem>>) dst(%dma_wait3A_294 : memref<128x128xf32, #tpu.memory_space<vmem_shared>>)
      tpu.yield
    }) : () -> ()
    %add3A_65 = arith.constant 128 : i32
    %add3A_66 = arith.addi %mul3A_55, %add3A_65 : i32
    %run_scoped3A_67 = arith.constant 0 : i32
    "tpu.region"() ({
      %run_scoped3A_274 = tpu.sem_alloc : memref<!tpu.dma_semaphore, #tpu.memory_space<semaphore_mem>>
      %dma_start3A_275 = arith.constant 0 : i32
      %dma_start3A_276 = tpu.memref_slice %arg14[%run_scoped3A_67, %dma_start3A_275] : memref<2x128xf32, #tpu.memory_space<vmem>> -> memref<1x128xf32, #tpu.memory_space<vmem>>
      %dma_start3A_277 = tpu.memref_squeeze %dma_start3A_276 : memref<1x128xf32, #tpu.memory_space<vmem>> -> memref<128xf32, #tpu.memory_space<vmem>>
      %dma_start3A_278 = tpu.memref_slice %arg17[%add3A_66] : memref<10240xf32, #tpu.memory_space<vmem_shared>> -> memref<128xf32, #tpu.memory_space<vmem_shared>>
      %dma_start3A_279 = tpu.memref_slice %arg17[%add3A_66] : memref<10240xf32, #tpu.memory_space<vmem_shared>> -> memref<128xf32, #tpu.memory_space<vmem_shared>>
      %dma_start3A_280 = arith.constant 0 : i32
      %dma_start3A_281 = tpu.memref_slice %arg14[%run_scoped3A_67, %dma_start3A_280] : memref<2x128xf32, #tpu.memory_space<vmem>> -> memref<1x128xf32, #tpu.memory_space<vmem>>
      %dma_start3A_282 = tpu.memref_squeeze %dma_start3A_281 : memref<1x128xf32, #tpu.memory_space<vmem>> -> memref<128xf32, #tpu.memory_space<vmem>>
      tpu.enqueue_dma source(%dma_start3A_282 : memref<128xf32, #tpu.memory_space<vmem>>) target(%dma_start3A_279 : memref<128xf32, #tpu.memory_space<vmem_shared>>) target_semaphore(%run_scoped3A_274 : memref<!tpu.dma_semaphore, #tpu.memory_space<semaphore_mem>>)
      %dma_wait3A_283 = arith.constant 0 : i32
      %dma_wait3A_284 = tpu.memref_slice %arg14[%run_scoped3A_67, %dma_wait3A_283] : memref<2x128xf32, #tpu.memory_space<vmem>> -> memref<1x128xf32, #tpu.memory_space<vmem>>
      %dma_wait3A_285 = tpu.memref_squeeze %dma_wait3A_284 : memref<1x128xf32, #tpu.memory_space<vmem>> -> memref<128xf32, #tpu.memory_space<vmem>>
      %dma_wait3A_286 = tpu.memref_slice %arg17[%add3A_66] : memref<10240xf32, #tpu.memory_space<vmem_shared>> -> memref<128xf32, #tpu.memory_space<vmem_shared>>
      %dma_wait3A_287 = tpu.memref_slice %arg17[%add3A_66] : memref<10240xf32, #tpu.memory_space<vmem_shared>> -> memref<128xf32, #tpu.memory_space<vmem_shared>>
      %dma_wait3A_288 = arith.constant 0 : i32
      %dma_wait3A_289 = tpu.memref_slice %arg14[%run_scoped3A_67, %dma_wait3A_288] : memref<2x128xf32, #tpu.memory_space<vmem>> -> memref<1x128xf32, #tpu.memory_space<vmem>>
      %dma_wait3A_290 = tpu.memref_squeeze %dma_wait3A_289 : memref<1x128xf32, #tpu.memory_space<vmem>> -> memref<128xf32, #tpu.memory_space<vmem>>
      tpu.wait_dma2 semaphore(%run_scoped3A_274 : memref<!tpu.dma_semaphore, #tpu.memory_space<semaphore_mem>>) src(%dma_wait3A_290 : memref<128xf32, #tpu.memory_space<vmem>>) dst(%dma_wait3A_287 : memref<128xf32, #tpu.memory_space<vmem_shared>>)
      tpu.yield
    }) : () -> ()
    %add3A_68 = arith.constant 256 : i32
    %add3A_69 = arith.addi %mul3A_55, %add3A_68 : i32
    %run_scoped3A_70 = arith.constant 0 : i32
    "tpu.region"() ({
      %run_scoped3A_274 = tpu.sem_alloc : memref<!tpu.dma_semaphore, #tpu.memory_space<semaphore_mem>>
      %dma_start3A_275 = arith.constant 0 : i32
      %dma_start3A_276 = arith.constant 0 : i32
      %dma_start3A_277 = tpu.memref_slice %arg15[%run_scoped3A_70, %dma_start3A_275, %dma_start3A_276] : memref<2x128x128xf32, #tpu.memory_space<vmem>> -> memref<1x128x128xf32, #tpu.memory_space<vmem>>
      %dma_start3A_278 = tpu.memref_squeeze %dma_start3A_277 : memref<1x128x128xf32, #tpu.memory_space<vmem>> -> memref<128x128xf32, #tpu.memory_space<vmem>>
      %dma_start3A_279 = arith.constant 0 : i32
      %dma_start3A_280 = tpu.memref_slice %arg16[%add3A_69, %dma_start3A_279] : memref<10240x128xf32, #tpu.memory_space<vmem_shared>> -> memref<128x128xf32, #tpu.memory_space<vmem_shared>>
      %dma_start3A_281 = arith.constant 0 : i32
      %dma_start3A_282 = tpu.memref_slice %arg16[%add3A_69, %dma_start3A_281] : memref<10240x128xf32, #tpu.memory_space<vmem_shared>> -> memref<128x128xf32, #tpu.memory_space<vmem_shared>>
      %dma_start3A_283 = arith.constant 0 : i32
      %dma_start3A_284 = arith.constant 0 : i32
      %dma_start3A_285 = tpu.memref_slice %arg15[%run_scoped3A_70, %dma_start3A_283, %dma_start3A_284] : memref<2x128x128xf32, #tpu.memory_space<vmem>> -> memref<1x128x128xf32, #tpu.memory_space<vmem>>
      %dma_start3A_286 = tpu.memref_squeeze %dma_start3A_285 : memref<1x128x128xf32, #tpu.memory_space<vmem>> -> memref<128x128xf32, #tpu.memory_space<vmem>>
      tpu.enqueue_dma source(%dma_start3A_286 : memref<128x128xf32, #tpu.memory_space<vmem>>) target(%dma_start3A_282 : memref<128x128xf32, #tpu.memory_space<vmem_shared>>) target_semaphore(%run_scoped3A_274 : memref<!tpu.dma_semaphore, #tpu.memory_space<semaphore_mem>>)
      %dma_wait3A_287 = arith.constant 0 : i32
      %dma_wait3A_288 = arith.constant 0 : i32
      %dma_wait3A_289 = tpu.memref_slice %arg15[%run_scoped3A_70, %dma_wait3A_287, %dma_wait3A_288] : memref<2x128x128xf32, #tpu.memory_space<vmem>> -> memref<1x128x128xf32, #tpu.memory_space<vmem>>
      %dma_wait3A_290 = tpu.memref_squeeze %dma_wait3A_289 : memref<1x128x128xf32, #tpu.memory_space<vmem>> -> memref<128x128xf32, #tpu.memory_space<vmem>>
      %dma_wait3A_291 = arith.constant 0 : i32
      %dma_wait3A_292 = tpu.memref_slice %arg16[%add3A_69, %dma_wait3A_291] : memref<10240x128xf32, #tpu.memory_space<vmem_shared>> -> memref<128x128xf32, #tpu.memory_space<vmem_shared>>
      %dma_wait3A_293 = arith.constant 0 : i32
      %dma_wait3A_294 = tpu.memref_slice %arg16[%add3A_69, %dma_wait3A_293] : memref<10240x128xf32, #tpu.memory_space<vmem_shared>> -> memref<128x128xf32, #tpu.memory_space<vmem_shared>>
      %dma_wait3A_295 = arith.constant 0 : i32
      %dma_wait3A_296 = arith.constant 0 : i32
      %dma_wait3A_297 = tpu.memref_slice %arg15[%run_scoped3A_70, %dma_wait3A_295, %dma_wait3A_296] : memref<2x128x128xf32, #tpu.memory_space<vmem>> -> memref<1x128x128xf32, #tpu.memory_space<vmem>>
      %dma_wait3A_298 = tpu.memref_squeeze %dma_wait3A_297 : memref<1x128x128xf32, #tpu.memory_space<vmem>> -> memref<128x128xf32, #tpu.memory_space<vmem>>
      tpu.wait_dma2 semaphore(%run_scoped3A_274 : memref<!tpu.dma_semaphore, #tpu.memory_space<semaphore_mem>>) src(%dma_wait3A_298 : memref<128x128xf32, #tpu.memory_space<vmem>>) dst(%dma_wait3A_294 : memref<128x128xf32, #tpu.memory_space<vmem_shared>>)
      tpu.yield
    }) : () -> ()
    %add3A_71 = arith.constant 256 : i32
    %add3A_72 = arith.addi %mul3A_55, %add3A_71 : i32
    %run_scoped3A_73 = arith.constant 0 : i32
    "tpu.region"() ({
      %run_scoped3A_274 = tpu.sem_alloc : memref<!tpu.dma_semaphore, #tpu.memory_space<semaphore_mem>>
      %dma_start3A_275 = arith.constant 0 : i32
      %dma_start3A_276 = tpu.memref_slice %arg14[%run_scoped3A_73, %dma_start3A_275] : memref<2x128xf32, #tpu.memory_space<vmem>> -> memref<1x128xf32, #tpu.memory_space<vmem>>
      %dma_start3A_277 = tpu.memref_squeeze %dma_start3A_276 : memref<1x128xf32, #tpu.memory_space<vmem>> -> memref<128xf32, #tpu.memory_space<vmem>>
      %dma_start3A_278 = tpu.memref_slice %arg17[%add3A_72] : memref<10240xf32, #tpu.memory_space<vmem_shared>> -> memref<128xf32, #tpu.memory_space<vmem_shared>>
      %dma_start3A_279 = tpu.memref_slice %arg17[%add3A_72] : memref<10240xf32, #tpu.memory_space<vmem_shared>> -> memref<128xf32, #tpu.memory_space<vmem_shared>>
      %dma_start3A_280 = arith.constant 0 : i32
      %dma_start3A_281 = tpu.memref_slice %arg14[%run_scoped3A_73, %dma_start3A_280] : memref<2x128xf32, #tpu.memory_space<vmem>> -> memref<1x128xf32, #tpu.memory_space<vmem>>
      %dma_start3A_282 = tpu.memref_squeeze %dma_start3A_281 : memref<1x128xf32, #tpu.memory_space<vmem>> -> memref<128xf32, #tpu.memory_space<vmem>>
      tpu.enqueue_dma source(%dma_start3A_282 : memref<128xf32, #tpu.memory_space<vmem>>) target(%dma_start3A_279 : memref<128xf32, #tpu.memory_space<vmem_shared>>) target_semaphore(%run_scoped3A_274 : memref<!tpu.dma_semaphore, #tpu.memory_space<semaphore_mem>>)
      %dma_wait3A_283 = arith.constant 0 : i32
      %dma_wait3A_284 = tpu.memref_slice %arg14[%run_scoped3A_73, %dma_wait3A_283] : memref<2x128xf32, #tpu.memory_space<vmem>> -> memref<1x128xf32, #tpu.memory_space<vmem>>
      %dma_wait3A_285 = tpu.memref_squeeze %dma_wait3A_284 : memref<1x128xf32, #tpu.memory_space<vmem>> -> memref<128xf32, #tpu.memory_space<vmem>>
      %dma_wait3A_286 = tpu.memref_slice %arg17[%add3A_72] : memref<10240xf32, #tpu.memory_space<vmem_shared>> -> memref<128xf32, #tpu.memory_space<vmem_shared>>
      %dma_wait3A_287 = tpu.memref_slice %arg17[%add3A_72] : memref<10240xf32, #tpu.memory_space<vmem_shared>> -> memref<128xf32, #tpu.memory_space<vmem_shared>>
      %dma_wait3A_288 = arith.constant 0 : i32
      %dma_wait3A_289 = tpu.memref_slice %arg14[%run_scoped3A_73, %dma_wait3A_288] : memref<2x128xf32, #tpu.memory_space<vmem>> -> memref<1x128xf32, #tpu.memory_space<vmem>>
      %dma_wait3A_290 = tpu.memref_squeeze %dma_wait3A_289 : memref<1x128xf32, #tpu.memory_space<vmem>> -> memref<128xf32, #tpu.memory_space<vmem>>
      tpu.wait_dma2 semaphore(%run_scoped3A_274 : memref<!tpu.dma_semaphore, #tpu.memory_space<semaphore_mem>>) src(%dma_wait3A_290 : memref<128xf32, #tpu.memory_space<vmem>>) dst(%dma_wait3A_287 : memref<128xf32, #tpu.memory_space<vmem_shared>>)
      tpu.yield
    }) : () -> ()
    %add3A_74 = arith.constant 384 : i32
    %add3A_75 = arith.addi %mul3A_55, %add3A_74 : i32
    %run_scoped3A_76 = arith.constant 0 : i32
    "tpu.region"() ({
      %run_scoped3A_274 = tpu.sem_alloc : memref<!tpu.dma_semaphore, #tpu.memory_space<semaphore_mem>>
      %dma_start3A_275 = arith.constant 0 : i32
      %dma_start3A_276 = arith.constant 0 : i32
      %dma_start3A_277 = tpu.memref_slice %arg15[%run_scoped3A_76, %dma_start3A_275, %dma_start3A_276] : memref<2x128x128xf32, #tpu.memory_space<vmem>> -> memref<1x128x128xf32, #tpu.memory_space<vmem>>
      %dma_start3A_278 = tpu.memref_squeeze %dma_start3A_277 : memref<1x128x128xf32, #tpu.memory_space<vmem>> -> memref<128x128xf32, #tpu.memory_space<vmem>>
      %dma_start3A_279 = arith.constant 0 : i32
      %dma_start3A_280 = tpu.memref_slice %arg16[%add3A_75, %dma_start3A_279] : memref<10240x128xf32, #tpu.memory_space<vmem_shared>> -> memref<128x128xf32, #tpu.memory_space<vmem_shared>>
      %dma_start3A_281 = arith.constant 0 : i32
      %dma_start3A_282 = tpu.memref_slice %arg16[%add3A_75, %dma_start3A_281] : memref<10240x128xf32, #tpu.memory_space<vmem_shared>> -> memref<128x128xf32, #tpu.memory_space<vmem_shared>>
      %dma_start3A_283 = arith.constant 0 : i32
      %dma_start3A_284 = arith.constant 0 : i32
      %dma_start3A_285 = tpu.memref_slice %arg15[%run_scoped3A_76, %dma_start3A_283, %dma_start3A_284] : memref<2x128x128xf32, #tpu.memory_space<vmem>> -> memref<1x128x128xf32, #tpu.memory_space<vmem>>
      %dma_start3A_286 = tpu.memref_squeeze %dma_start3A_285 : memref<1x128x128xf32, #tpu.memory_space<vmem>> -> memref<128x128xf32, #tpu.memory_space<vmem>>
      tpu.enqueue_dma source(%dma_start3A_286 : memref<128x128xf32, #tpu.memory_space<vmem>>) target(%dma_start3A_282 : memref<128x128xf32, #tpu.memory_space<vmem_shared>>) target_semaphore(%run_scoped3A_274 : memref<!tpu.dma_semaphore, #tpu.memory_space<semaphore_mem>>)
      %dma_wait3A_287 = arith.constant 0 : i32
      %dma_wait3A_288 = arith.constant 0 : i32
      %dma_wait3A_289 = tpu.memref_slice %arg15[%run_scoped3A_76, %dma_wait3A_287, %dma_wait3A_288] : memref<2x128x128xf32, #tpu.memory_space<vmem>> -> memref<1x128x128xf32, #tpu.memory_space<vmem>>
      %dma_wait3A_290 = tpu.memref_squeeze %dma_wait3A_289 : memref<1x128x128xf32, #tpu.memory_space<vmem>> -> memref<128x128xf32, #tpu.memory_space<vmem>>
      %dma_wait3A_291 = arith.constant 0 : i32
      %dma_wait3A_292 = tpu.memref_slice %arg16[%add3A_75, %dma_wait3A_291] : memref<10240x128xf32, #tpu.memory_space<vmem_shared>> -> memref<128x128xf32, #tpu.memory_space<vmem_shared>>
      %dma_wait3A_293 = arith.constant 0 : i32
      %dma_wait3A_294 = tpu.memref_slice %arg16[%add3A_75, %dma_wait3A_293] : memref<10240x128xf32, #tpu.memory_space<vmem_shared>> -> memref<128x128xf32, #tpu.memory_space<vmem_shared>>
      %dma_wait3A_295 = arith.constant 0 : i32
      %dma_wait3A_296 = arith.constant 0 : i32
      %dma_wait3A_297 = tpu.memref_slice %arg15[%run_scoped3A_76, %dma_wait3A_295, %dma_wait3A_296] : memref<2x128x128xf32, #tpu.memory_space<vmem>> -> memref<1x128x128xf32, #tpu.memory_space<vmem>>
      %dma_wait3A_298 = tpu.memref_squeeze %dma_wait3A_297 : memref<1x128x128xf32, #tpu.memory_space<vmem>> -> memref<128x128xf32, #tpu.memory_space<vmem>>
      tpu.wait_dma2 semaphore(%run_scoped3A_274 : memref<!tpu.dma_semaphore, #tpu.memory_space<semaphore_mem>>) src(%dma_wait3A_298 : memref<128x128xf32, #tpu.memory_space<vmem>>) dst(%dma_wait3A_294 : memref<128x128xf32, #tpu.memory_space<vmem_shared>>)
      tpu.yield
    }) : () -> ()
    %add3A_77 = arith.constant 384 : i32
    %add3A_78 = arith.addi %mul3A_55, %add3A_77 : i32
    %run_scoped3A_79 = arith.constant 0 : i32
    "tpu.region"() ({
      %run_scoped3A_274 = tpu.sem_alloc : memref<!tpu.dma_semaphore, #tpu.memory_space<semaphore_mem>>
      %dma_start3A_275 = arith.constant 0 : i32
      %dma_start3A_276 = tpu.memref_slice %arg14[%run_scoped3A_79, %dma_start3A_275] : memref<2x128xf32, #tpu.memory_space<vmem>> -> memref<1x128xf32, #tpu.memory_space<vmem>>
      %dma_start3A_277 = tpu.memref_squeeze %dma_start3A_276 : memref<1x128xf32, #tpu.memory_space<vmem>> -> memref<128xf32, #tpu.memory_space<vmem>>
      %dma_start3A_278 = tpu.memref_slice %arg17[%add3A_78] : memref<10240xf32, #tpu.memory_space<vmem_shared>> -> memref<128xf32, #tpu.memory_space<vmem_shared>>
      %dma_start3A_279 = tpu.memref_slice %arg17[%add3A_78] : memref<10240xf32, #tpu.memory_space<vmem_shared>> -> memref<128xf32, #tpu.memory_space<vmem_shared>>
      %dma_start3A_280 = arith.constant 0 : i32
      %dma_start3A_281 = tpu.memref_slice %arg14[%run_scoped3A_79, %dma_start3A_280] : memref<2x128xf32, #tpu.memory_space<vmem>> -> memref<1x128xf32, #tpu.memory_space<vmem>>
      %dma_start3A_282 = tpu.memref_squeeze %dma_start3A_281 : memref<1x128xf32, #tpu.memory_space<vmem>> -> memref<128xf32, #tpu.memory_space<vmem>>
      tpu.enqueue_dma source(%dma_start3A_282 : memref<128xf32, #tpu.memory_space<vmem>>) target(%dma_start3A_279 : memref<128xf32, #tpu.memory_space<vmem_shared>>) target_semaphore(%run_scoped3A_274 : memref<!tpu.dma_semaphore, #tpu.memory_space<semaphore_mem>>)
      %dma_wait3A_283 = arith.constant 0 : i32
      %dma_wait3A_284 = tpu.memref_slice %arg14[%run_scoped3A_79, %dma_wait3A_283] : memref<2x128xf32, #tpu.memory_space<vmem>> -> memref<1x128xf32, #tpu.memory_space<vmem>>
      %dma_wait3A_285 = tpu.memref_squeeze %dma_wait3A_284 : memref<1x128xf32, #tpu.memory_space<vmem>> -> memref<128xf32, #tpu.memory_space<vmem>>
      %dma_wait3A_286 = tpu.memref_slice %arg17[%add3A_78] : memref<10240xf32, #tpu.memory_space<vmem_shared>> -> memref<128xf32, #tpu.memory_space<vmem_shared>>
      %dma_wait3A_287 = tpu.memref_slice %arg17[%add3A_78] : memref<10240xf32, #tpu.memory_space<vmem_shared>> -> memref<128xf32, #tpu.memory_space<vmem_shared>>
      %dma_wait3A_288 = arith.constant 0 : i32
      %dma_wait3A_289 = tpu.memref_slice %arg14[%run_scoped3A_79, %dma_wait3A_288] : memref<2x128xf32, #tpu.memory_space<vmem>> -> memref<1x128xf32, #tpu.memory_space<vmem>>
      %dma_wait3A_290 = tpu.memref_squeeze %dma_wait3A_289 : memref<1x128xf32, #tpu.memory_space<vmem>> -> memref<128xf32, #tpu.memory_space<vmem>>
      tpu.wait_dma2 semaphore(%run_scoped3A_274 : memref<!tpu.dma_semaphore, #tpu.memory_space<semaphore_mem>>) src(%dma_wait3A_290 : memref<128xf32, #tpu.memory_space<vmem>>) dst(%dma_wait3A_287 : memref<128xf32, #tpu.memory_space<vmem_shared>>)
      tpu.yield
    }) : () -> ()
    %add3A_80 = arith.constant 512 : i32
    %add3A_81 = arith.addi %mul3A_55, %add3A_80 : i32
    %run_scoped3A_82 = arith.constant 0 : i32
    "tpu.region"() ({
      %run_scoped3A_274 = tpu.sem_alloc : memref<!tpu.dma_semaphore, #tpu.memory_space<semaphore_mem>>
      %dma_start3A_275 = arith.constant 0 : i32
      %dma_start3A_276 = arith.constant 0 : i32
      %dma_start3A_277 = tpu.memref_slice %arg15[%run_scoped3A_82, %dma_start3A_275, %dma_start3A_276] : memref<2x128x128xf32, #tpu.memory_space<vmem>> -> memref<1x128x128xf32, #tpu.memory_space<vmem>>
      %dma_start3A_278 = tpu.memref_squeeze %dma_start3A_277 : memref<1x128x128xf32, #tpu.memory_space<vmem>> -> memref<128x128xf32, #tpu.memory_space<vmem>>
      %dma_start3A_279 = arith.constant 0 : i32
      %dma_start3A_280 = tpu.memref_slice %arg16[%add3A_81, %dma_start3A_279] : memref<10240x128xf32, #tpu.memory_space<vmem_shared>> -> memref<128x128xf32, #tpu.memory_space<vmem_shared>>
      %dma_start3A_281 = arith.constant 0 : i32
      %dma_start3A_282 = tpu.memref_slice %arg16[%add3A_81, %dma_start3A_281] : memref<10240x128xf32, #tpu.memory_space<vmem_shared>> -> memref<128x128xf32, #tpu.memory_space<vmem_shared>>
      %dma_start3A_283 = arith.constant 0 : i32
      %dma_start3A_284 = arith.constant 0 : i32
      %dma_start3A_285 = tpu.memref_slice %arg15[%run_scoped3A_82, %dma_start3A_283, %dma_start3A_284] : memref<2x128x128xf32, #tpu.memory_space<vmem>> -> memref<1x128x128xf32, #tpu.memory_space<vmem>>
      %dma_start3A_286 = tpu.memref_squeeze %dma_start3A_285 : memref<1x128x128xf32, #tpu.memory_space<vmem>> -> memref<128x128xf32, #tpu.memory_space<vmem>>
      tpu.enqueue_dma source(%dma_start3A_286 : memref<128x128xf32, #tpu.memory_space<vmem>>) target(%dma_start3A_282 : memref<128x128xf32, #tpu.memory_space<vmem_shared>>) target_semaphore(%run_scoped3A_274 : memref<!tpu.dma_semaphore, #tpu.memory_space<semaphore_mem>>)
      %dma_wait3A_287 = arith.constant 0 : i32
      %dma_wait3A_288 = arith.constant 0 : i32
      %dma_wait3A_289 = tpu.memref_slice %arg15[%run_scoped3A_82, %dma_wait3A_287, %dma_wait3A_288] : memref<2x128x128xf32, #tpu.memory_space<vmem>> -> memref<1x128x128xf32, #tpu.memory_space<vmem>>
      %dma_wait3A_290 = tpu.memref_squeeze %dma_wait3A_289 : memref<1x128x128xf32, #tpu.memory_space<vmem>> -> memref<128x128xf32, #tpu.memory_space<vmem>>
      %dma_wait3A_291 = arith.constant 0 : i32
      %dma_wait3A_292 = tpu.memref_slice %arg16[%add3A_81, %dma_wait3A_291] : memref<10240x128xf32, #tpu.memory_space<vmem_shared>> -> memref<128x128xf32, #tpu.memory_space<vmem_shared>>
      %dma_wait3A_293 = arith.constant 0 : i32
      %dma_wait3A_294 = tpu.memref_slice %arg16[%add3A_81, %dma_wait3A_293] : memref<10240x128xf32, #tpu.memory_space<vmem_shared>> -> memref<128x128xf32, #tpu.memory_space<vmem_shared>>
      %dma_wait3A_295 = arith.constant 0 : i32
      %dma_wait3A_296 = arith.constant 0 : i32
      %dma_wait3A_297 = tpu.memref_slice %arg15[%run_scoped3A_82, %dma_wait3A_295, %dma_wait3A_296] : memref<2x128x128xf32, #tpu.memory_space<vmem>> -> memref<1x128x128xf32, #tpu.memory_space<vmem>>
      %dma_wait3A_298 = tpu.memref_squeeze %dma_wait3A_297 : memref<1x128x128xf32, #tpu.memory_space<vmem>> -> memref<128x128xf32, #tpu.memory_space<vmem>>
      tpu.wait_dma2 semaphore(%run_scoped3A_274 : memref<!tpu.dma_semaphore, #tpu.memory_space<semaphore_mem>>) src(%dma_wait3A_298 : memref<128x128xf32, #tpu.memory_space<vmem>>) dst(%dma_wait3A_294 : memref<128x128xf32, #tpu.memory_space<vmem_shared>>)
      tpu.yield
    }) : () -> ()
    %add3A_83 = arith.constant 512 : i32
    %add3A_84 = arith.addi %mul3A_55, %add3A_83 : i32
    %run_scoped3A_85 = arith.constant 0 : i32
    "tpu.region"() ({
      %run_scoped3A_274 = tpu.sem_alloc : memref<!tpu.dma_semaphore, #tpu.memory_space<semaphore_mem>>
      %dma_start3A_275 = arith.constant 0 : i32
      %dma_start3A_276 = tpu.memref_slice %arg14[%run_scoped3A_85, %dma_start3A_275] : memref<2x128xf32, #tpu.memory_space<vmem>> -> memref<1x128xf32, #tpu.memory_space<vmem>>
      %dma_start3A_277 = tpu.memref_squeeze %dma_start3A_276 : memref<1x128xf32, #tpu.memory_space<vmem>> -> memref<128xf32, #tpu.memory_space<vmem>>
      %dma_start3A_278 = tpu.memref_slice %arg17[%add3A_84] : memref<10240xf32, #tpu.memory_space<vmem_shared>> -> memref<128xf32, #tpu.memory_space<vmem_shared>>
      %dma_start3A_279 = tpu.memref_slice %arg17[%add3A_84] : memref<10240xf32, #tpu.memory_space<vmem_shared>> -> memref<128xf32, #tpu.memory_space<vmem_shared>>
      %dma_start3A_280 = arith.constant 0 : i32
      %dma_start3A_281 = tpu.memref_slice %arg14[%run_scoped3A_85, %dma_start3A_280] : memref<2x128xf32, #tpu.memory_space<vmem>> -> memref<1x128xf32, #tpu.memory_space<vmem>>
      %dma_start3A_282 = tpu.memref_squeeze %dma_start3A_281 : memref<1x128xf32, #tpu.memory_space<vmem>> -> memref<128xf32, #tpu.memory_space<vmem>>
      tpu.enqueue_dma source(%dma_start3A_282 : memref<128xf32, #tpu.memory_space<vmem>>) target(%dma_start3A_279 : memref<128xf32, #tpu.memory_space<vmem_shared>>) target_semaphore(%run_scoped3A_274 : memref<!tpu.dma_semaphore, #tpu.memory_space<semaphore_mem>>)
      %dma_wait3A_283 = arith.constant 0 : i32
      %dma_wait3A_284 = tpu.memref_slice %arg14[%run_scoped3A_85, %dma_wait3A_283] : memref<2x128xf32, #tpu.memory_space<vmem>> -> memref<1x128xf32, #tpu.memory_space<vmem>>
      %dma_wait3A_285 = tpu.memref_squeeze %dma_wait3A_284 : memref<1x128xf32, #tpu.memory_space<vmem>> -> memref<128xf32, #tpu.memory_space<vmem>>
      %dma_wait3A_286 = tpu.memref_slice %arg17[%add3A_84] : memref<10240xf32, #tpu.memory_space<vmem_shared>> -> memref<128xf32, #tpu.memory_space<vmem_shared>>
      %dma_wait3A_287 = tpu.memref_slice %arg17[%add3A_84] : memref<10240xf32, #tpu.memory_space<vmem_shared>> -> memref<128xf32, #tpu.memory_space<vmem_shared>>
      %dma_wait3A_288 = arith.constant 0 : i32
      %dma_wait3A_289 = tpu.memref_slice %arg14[%run_scoped3A_85, %dma_wait3A_288] : memref<2x128xf32, #tpu.memory_space<vmem>> -> memref<1x128xf32, #tpu.memory_space<vmem>>
      %dma_wait3A_290 = tpu.memref_squeeze %dma_wait3A_289 : memref<1x128xf32, #tpu.memory_space<vmem>> -> memref<128xf32, #tpu.memory_space<vmem>>
      tpu.wait_dma2 semaphore(%run_scoped3A_274 : memref<!tpu.dma_semaphore, #tpu.memory_space<semaphore_mem>>) src(%dma_wait3A_290 : memref<128xf32, #tpu.memory_space<vmem>>) dst(%dma_wait3A_287 : memref<128xf32, #tpu.memory_space<vmem_shared>>)
      tpu.yield
    }) : () -> ()
    %barrier3A = arith.constant 0 : index
    tpu.barrier barrier_id(%barrier3A)
    %get3A = arith.constant 0 : index
    %get3A_86 = tpu.vector_load %arg13[%get3A] {strides = array<i32>} : memref<16xf32, #tpu.memory_space<vmem>>, vector<16xf32>,
    %dma_start3A = arith.constant 0 : i32
    %dma_start3A_87 = arith.constant 0 : i32
    %dma_start3A_88 = arith.constant 0 : i32
    %dma_start3A_89 = arith.constant 0 : i32
    %dma_start3A_90 = arith.constant 0 : i32
    %dma_start3A_91 = tpu.memref_slice %arg10[%dma_start3A_87, %dma_start3A_88, %dma_start3A_90] : memref<3x2x128xi32, #tpu.memory_space<vmem>> -> memref<1x1x128xi32, #tpu.memory_space<vmem>>
    %dma_start3A_92 = tpu.memref_squeeze %dma_start3A_91 : memref<1x1x128xi32, #tpu.memory_space<vmem>> -> memref<128xi32, #tpu.memory_space<vmem>>
    %dma_start3A_93 = arith.constant 0 : i32
    %dma_start3A_94 = tpu.memref_slice %arg2[%add3A, %dma_start3A, %dma_start3A_93] : memref<32x80x128xi32, #tpu.memory_space<hbm>> -> memref<1x1x128xi32, #tpu.memory_space<hbm>>
    %dma_start3A_95 = tpu.memref_squeeze %dma_start3A_94 : memref<1x1x128xi32, #tpu.memory_space<hbm>> -> memref<128xi32, #tpu.memory_space<hbm>>
    %dma_start3A_96 = tpu.memref_slice %arg20[%dma_start3A_89] : memref<3x!tpu.dma_semaphore, #tpu.memory_space<semaphore_mem>> -> memref<1x!tpu.dma_semaphore, #tpu.memory_space<semaphore_mem>>
    %dma_start3A_97 = tpu.memref_squeeze %dma_start3A_96 : memref<1x!tpu.dma_semaphore, #tpu.memory_space<semaphore_mem>> -> memref<!tpu.dma_semaphore, #tpu.memory_space<semaphore_mem>>
    %dma_start3A_98 = arith.constant 0 : i32
    %dma_start3A_99 = tpu.memref_slice %arg10[%dma_start3A_87, %dma_start3A_88, %dma_start3A_98] : memref<3x2x128xi32, #tpu.memory_space<vmem>> -> memref<1x1x128xi32, #tpu.memory_space<vmem>>
    %dma_start3A_100 = tpu.memref_squeeze %dma_start3A_99 : memref<1x1x128xi32, #tpu.memory_space<vmem>> -> memref<128xi32, #tpu.memory_space<vmem>>
    %dma_start3A_101 = arith.constant 0 : i32
    %dma_start3A_102 = tpu.memref_slice %arg2[%add3A, %dma_start3A, %dma_start3A_101] : memref<32x80x128xi32, #tpu.memory_space<hbm>> -> memref<1x1x128xi32, #tpu.memory_space<hbm>>
    %dma_start3A_103 = tpu.memref_squeeze %dma_start3A_102 : memref<1x1x128xi32, #tpu.memory_space<hbm>> -> memref<128xi32, #tpu.memory_space<hbm>>
    tpu.enqueue_dma source(%dma_start3A_103 : memref<128xi32, #tpu.memory_space<hbm>>) target(%dma_start3A_100 : memref<128xi32, #tpu.memory_space<vmem>>) target_semaphore(%dma_start3A_97 : memref<!tpu.dma_semaphore, #tpu.memory_space<semaphore_mem>>)
    %dma_start3A_104 = arith.constant 0 : i32
    %dma_start3A_105 = arith.constant 0 : i32
    %dma_start3A_106 = arith.constant 1 : i32
    %dma_start3A_107 = arith.constant 0 : i32
    %dma_start3A_108 = arith.constant 0 : i32
    %dma_start3A_109 = tpu.memref_slice %arg10[%dma_start3A_105, %dma_start3A_106, %dma_start3A_108] : memref<3x2x128xi32, #tpu.memory_space<vmem>> -> memref<1x1x128xi32, #tpu.memory_space<vmem>>
    %dma_start3A_110 = tpu.memref_squeeze %dma_start3A_109 : memref<1x1x128xi32, #tpu.memory_space<vmem>> -> memref<128xi32, #tpu.memory_space<vmem>>
    %dma_start3A_111 = arith.constant 0 : i32
    %dma_start3A_112 = tpu.memref_slice %arg3[%add3A, %dma_start3A_104, %dma_start3A_111] : memref<32x80x128xi32, #tpu.memory_space<hbm>> -> memref<1x1x128xi32, #tpu.memory_space<hbm>>
    %dma_start3A_113 = tpu.memref_squeeze %dma_start3A_112 : memref<1x1x128xi32, #tpu.memory_space<hbm>> -> memref<128xi32, #tpu.memory_space<hbm>>
    %dma_start3A_114 = tpu.memref_slice %arg20[%dma_start3A_107] : memref<3x!tpu.dma_semaphore, #tpu.memory_space<semaphore_mem>> -> memref<1x!tpu.dma_semaphore, #tpu.memory_space<semaphore_mem>>
    %dma_start3A_115 = tpu.memref_squeeze %dma_start3A_114 : memref<1x!tpu.dma_semaphore, #tpu.memory_space<semaphore_mem>> -> memref<!tpu.dma_semaphore, #tpu.memory_space<semaphore_mem>>
    %dma_start3A_116 = arith.constant 0 : i32
    %dma_start3A_117 = tpu.memref_slice %arg10[%dma_start3A_105, %dma_start3A_106, %dma_start3A_116] : memref<3x2x128xi32, #tpu.memory_space<vmem>> -> memref<1x1x128xi32, #tpu.memory_space<vmem>>
    %dma_start3A_118 = tpu.memref_squeeze %dma_start3A_117 : memref<1x1x128xi32, #tpu.memory_space<vmem>> -> memref<128xi32, #tpu.memory_space<vmem>>
    %dma_start3A_119 = arith.constant 0 : i32
    %dma_start3A_120 = tpu.memref_slice %arg3[%add3A, %dma_start3A_104, %dma_start3A_119] : memref<32x80x128xi32, #tpu.memory_space<hbm>> -> memref<1x1x128xi32, #tpu.memory_space<hbm>>
    %dma_start3A_121 = tpu.memref_squeeze %dma_start3A_120 : memref<1x1x128xi32, #tpu.memory_space<hbm>> -> memref<128xi32, #tpu.memory_space<hbm>>
    tpu.enqueue_dma source(%dma_start3A_121 : memref<128xi32, #tpu.memory_space<hbm>>) target(%dma_start3A_118 : memref<128xi32, #tpu.memory_space<vmem>>) target_semaphore(%dma_start3A_115 : memref<!tpu.dma_semaphore, #tpu.memory_space<semaphore_mem>>)
    %dma_start3A_122 = arith.constant 1 : i32
    %dma_start3A_123 = arith.constant 1 : i32
    %dma_start3A_124 = arith.constant 0 : i32
    %dma_start3A_125 = arith.constant 1 : i32
    %dma_start3A_126 = arith.constant 0 : i32
    %dma_start3A_127 = tpu.memref_slice %arg10[%dma_start3A_123, %dma_start3A_124, %dma_start3A_126] : memref<3x2x128xi32, #tpu.memory_space<vmem>> -> memref<1x1x128xi32, #tpu.memory_space<vmem>>
    %dma_start3A_128 = tpu.memref_squeeze %dma_start3A_127 : memref<1x1x128xi32, #tpu.memory_space<vmem>> -> memref<128xi32, #tpu.memory_space<vmem>>
    %dma_start3A_129 = arith.constant 0 : i32
    %dma_start3A_130 = tpu.memref_slice %arg2[%add3A, %dma_start3A_122, %dma_start3A_129] : memref<32x80x128xi32, #tpu.memory_space<hbm>> -> memref<1x1x128xi32, #tpu.memory_space<hbm>>
    %dma_start3A_131 = tpu.memref_squeeze %dma_start3A_130 : memref<1x1x128xi32, #tpu.memory_space<hbm>> -> memref<128xi32, #tpu.memory_space<hbm>>
    %dma_start3A_132 = tpu.memref_slice %arg20[%dma_start3A_125] : memref<3x!tpu.dma_semaphore, #tpu.memory_space<semaphore_mem>> -> memref<1x!tpu.dma_semaphore, #tpu.memory_space<semaphore_mem>>
    %dma_start3A_133 = tpu.memref_squeeze %dma_start3A_132 : memref<1x!tpu.dma_semaphore, #tpu.memory_space<semaphore_mem>> -> memref<!tpu.dma_semaphore, #tpu.memory_space<semaphore_mem>>
    %dma_start3A_134 = arith.constant 0 : i32
    %dma_start3A_135 = tpu.memref_slice %arg10[%dma_start3A_123, %dma_start3A_124, %dma_start3A_134] : memref<3x2x128xi32, #tpu.memory_space<vmem>> -> memref<1x1x128xi32, #tpu.memory_space<vmem>>
    %dma_start3A_136 = tpu.memref_squeeze %dma_start3A_135 : memref<1x1x128xi32, #tpu.memory_space<vmem>> -> memref<128xi32, #tpu.memory_space<vmem>>
    %dma_start3A_137 = arith.constant 0 : i32
    %dma_start3A_138 = tpu.memref_slice %arg2[%add3A, %dma_start3A_122, %dma_start3A_137] : memref<32x80x128xi32, #tpu.memory_space<hbm>> -> memref<1x1x128xi32, #tpu.memory_space<hbm>>
    %dma_start3A_139 = tpu.memref_squeeze %dma_start3A_138 : memref<1x1x128xi32, #tpu.memory_space<hbm>> -> memref<128xi32, #tpu.memory_space<hbm>>
    tpu.enqueue_dma source(%dma_start3A_139 : memref<128xi32, #tpu.memory_space<hbm>>) target(%dma_start3A_136 : memref<128xi32, #tpu.memory_space<vmem>>) target_semaphore(%dma_start3A_133 : memref<!tpu.dma_semaphore, #tpu.memory_space<semaphore_mem>>)
    %dma_start3A_140 = arith.constant 1 : i32
    %dma_start3A_141 = arith.constant 1 : i32
    %dma_start3A_142 = arith.constant 1 : i32
    %dma_start3A_143 = arith.constant 1 : i32
    %dma_start3A_144 = arith.constant 0 : i32
    %dma_start3A_145 = tpu.memref_slice %arg10[%dma_start3A_141, %dma_start3A_142, %dma_start3A_144] : memref<3x2x128xi32, #tpu.memory_space<vmem>> -> memref<1x1x128xi32, #tpu.memory_space<vmem>>
    %dma_start3A_146 = tpu.memref_squeeze %dma_start3A_145 : memref<1x1x128xi32, #tpu.memory_space<vmem>> -> memref<128xi32, #tpu.memory_space<vmem>>
    %dma_start3A_147 = arith.constant 0 : i32
    %dma_start3A_148 = tpu.memref_slice %arg3[%add3A, %dma_start3A_140, %dma_start3A_147] : memref<32x80x128xi32, #tpu.memory_space<hbm>> -> memref<1x1x128xi32, #tpu.memory_space<hbm>>
    %dma_start3A_149 = tpu.memref_squeeze %dma_start3A_148 : memref<1x1x128xi32, #tpu.memory_space<hbm>> -> memref<128xi32, #tpu.memory_space<hbm>>
    %dma_start3A_150 = tpu.memref_slice %arg20[%dma_start3A_143] : memref<3x!tpu.dma_semaphore, #tpu.memory_space<semaphore_mem>> -> memref<1x!tpu.dma_semaphore, #tpu.memory_space<semaphore_mem>>
    %dma_start3A_151 = tpu.memref_squeeze %dma_start3A_150 : memref<1x!tpu.dma_semaphore, #tpu.memory_space<semaphore_mem>> -> memref<!tpu.dma_semaphore, #tpu.memory_space<semaphore_mem>>
    %dma_start3A_152 = arith.constant 0 : i32
    %dma_start3A_153 = tpu.memref_slice %arg10[%dma_start3A_141, %dma_start3A_142, %dma_start3A_152] : memref<3x2x128xi32, #tpu.memory_space<vmem>> -> memref<1x1x128xi32, #tpu.memory_space<vmem>>
    %dma_start3A_154 = tpu.memref_squeeze %dma_start3A_153 : memref<1x1x128xi32, #tpu.memory_space<vmem>> -> memref<128xi32, #tpu.memory_space<vmem>>
    %dma_start3A_155 = arith.constant 0 : i32
    %dma_start3A_156 = tpu.memref_slice %arg3[%add3A, %dma_start3A_140, %dma_start3A_155] : memref<32x80x128xi32, #tpu.memory_space<hbm>> -> memref<1x1x128xi32, #tpu.memory_space<hbm>>
    %dma_start3A_157 = tpu.memref_squeeze %dma_start3A_156 : memref<1x1x128xi32, #tpu.memory_space<hbm>> -> memref<128xi32, #tpu.memory_space<hbm>>
    tpu.enqueue_dma source(%dma_start3A_157 : memref<128xi32, #tpu.memory_space<hbm>>) target(%dma_start3A_154 : memref<128xi32, #tpu.memory_space<vmem>>) target_semaphore(%dma_start3A_151 : memref<!tpu.dma_semaphore, #tpu.memory_space<semaphore_mem>>)
    %dma_wait3A = arith.constant 0 : i32
    %dma_wait3A_158 = arith.constant 0 : i32
    %dma_wait3A_159 = arith.constant 0 : i32
    %dma_wait3A_160 = arith.constant 0 : i32
    %dma_wait3A_161 = arith.constant 0 : i32
    %dma_wait3A_162 = tpu.memref_slice %arg10[%dma_wait3A_158, %dma_wait3A_159, %dma_wait3A_161] : memref<3x2x128xi32, #tpu.memory_space<vmem>> -> memref<1x1x128xi32, #tpu.memory_space<vmem>>
    %dma_wait3A_163 = tpu.memref_squeeze %dma_wait3A_162 : memref<1x1x128xi32, #tpu.memory_space<vmem>> -> memref<128xi32, #tpu.memory_space<vmem>>
    %dma_wait3A_164 = arith.constant 0 : i32
    %dma_wait3A_165 = tpu.memref_slice %arg2[%add3A, %dma_wait3A, %dma_wait3A_164] : memref<32x80x128xi32, #tpu.memory_space<hbm>> -> memref<1x1x128xi32, #tpu.memory_space<hbm>>
    %dma_wait3A_166 = tpu.memref_squeeze %dma_wait3A_165 : memref<1x1x128xi32, #tpu.memory_space<hbm>> -> memref<128xi32, #tpu.memory_space<hbm>>
    %dma_wait3A_167 = tpu.memref_slice %arg20[%dma_wait3A_160] : memref<3x!tpu.dma_semaphore, #tpu.memory_space<semaphore_mem>> -> memref<1x!tpu.dma_semaphore, #tpu.memory_space<semaphore_mem>>
    %dma_wait3A_168 = tpu.memref_squeeze %dma_wait3A_167 : memref<1x!tpu.dma_semaphore, #tpu.memory_space<semaphore_mem>> -> memref<!tpu.dma_semaphore, #tpu.memory_space<semaphore_mem>>
    %dma_wait3A_169 = arith.constant 0 : i32
    %dma_wait3A_170 = tpu.memref_slice %arg10[%dma_wait3A_158, %dma_wait3A_159, %dma_wait3A_169] : memref<3x2x128xi32, #tpu.memory_space<vmem>> -> memref<1x1x128xi32, #tpu.memory_space<vmem>>
    %dma_wait3A_171 = tpu.memref_squeeze %dma_wait3A_170 : memref<1x1x128xi32, #tpu.memory_space<vmem>> -> memref<128xi32, #tpu.memory_space<vmem>>
    %dma_wait3A_172 = arith.constant 0 : i32
    %dma_wait3A_173 = tpu.memref_slice %arg2[%add3A, %dma_wait3A, %dma_wait3A_172] : memref<32x80x128xi32, #tpu.memory_space<hbm>> -> memref<1x1x128xi32, #tpu.memory_space<hbm>>
    %dma_wait3A_174 = tpu.memref_squeeze %dma_wait3A_173 : memref<1x1x128xi32, #tpu.memory_space<hbm>> -> memref<128xi32, #tpu.memory_space<hbm>>
    tpu.wait_dma2 semaphore(%dma_wait3A_168 : memref<!tpu.dma_semaphore, #tpu.memory_space<semaphore_mem>>) src(%dma_wait3A_174 : memref<128xi32, #tpu.memory_space<hbm>>) dst(%dma_wait3A_171 : memref<128xi32, #tpu.memory_space<vmem>>)
    %dma_wait3A_175 = arith.constant 0 : i32
    %dma_wait3A_176 = arith.constant 0 : i32
    %dma_wait3A_177 = arith.constant 1 : i32
    %dma_wait3A_178 = arith.constant 0 : i32
    %dma_wait3A_179 = arith.constant 0 : i32
    %dma_wait3A_180 = tpu.memref_slice %arg10[%dma_wait3A_176, %dma_wait3A_177, %dma_wait3A_179] : memref<3x2x128xi32, #tpu.memory_space<vmem>> -> memref<1x1x128xi32, #tpu.memory_space<vmem>>
    %dma_wait3A_181 = tpu.memref_squeeze %dma_wait3A_180 : memref<1x1x128xi32, #tpu.memory_space<vmem>> -> memref<128xi32, #tpu.memory_space<vmem>>
    %dma_wait3A_182 = arith.constant 0 : i32
    %dma_wait3A_183 = tpu.memref_slice %arg3[%add3A, %dma_wait3A_175, %dma_wait3A_182] : memref<32x80x128xi32, #tpu.memory_space<hbm>> -> memref<1x1x128xi32, #tpu.memory_space<hbm>>
    %dma_wait3A_184 = tpu.memref_squeeze %dma_wait3A_183 : memref<1x1x128xi32, #tpu.memory_space<hbm>> -> memref<128xi32, #tpu.memory_space<hbm>>
    %dma_wait3A_185 = tpu.memref_slice %arg20[%dma_wait3A_178] : memref<3x!tpu.dma_semaphore, #tpu.memory_space<semaphore_mem>> -> memref<1x!tpu.dma_semaphore, #tpu.memory_space<semaphore_mem>>
    %dma_wait3A_186 = tpu.memref_squeeze %dma_wait3A_185 : memref<1x!tpu.dma_semaphore, #tpu.memory_space<semaphore_mem>> -> memref<!tpu.dma_semaphore, #tpu.memory_space<semaphore_mem>>
    %dma_wait3A_187 = arith.constant 0 : i32
    %dma_wait3A_188 = tpu.memref_slice %arg10[%dma_wait3A_176, %dma_wait3A_177, %dma_wait3A_187] : memref<3x2x128xi32, #tpu.memory_space<vmem>> -> memref<1x1x128xi32, #tpu.memory_space<vmem>>
    %dma_wait3A_189 = tpu.memref_squeeze %dma_wait3A_188 : memref<1x1x128xi32, #tpu.memory_space<vmem>> -> memref<128xi32, #tpu.memory_space<vmem>>
    %dma_wait3A_190 = arith.constant 0 : i32
    %dma_wait3A_191 = tpu.memref_slice %arg3[%add3A, %dma_wait3A_175, %dma_wait3A_190] : memref<32x80x128xi32, #tpu.memory_space<hbm>> -> memref<1x1x128xi32, #tpu.memory_space<hbm>>
    %dma_wait3A_192 = tpu.memref_squeeze %dma_wait3A_191 : memref<1x1x128xi32, #tpu.memory_space<hbm>> -> memref<128xi32, #tpu.memory_space<hbm>>
    tpu.wait_dma2 semaphore(%dma_wait3A_186 : memref<!tpu.dma_semaphore, #tpu.memory_space<semaphore_mem>>) src(%dma_wait3A_192 : memref<128xi32, #tpu.memory_space<hbm>>) dst(%dma_wait3A_189 : memref<128xi32, #tpu.memory_space<vmem>>)
    %dma_start3A_193 = arith.constant 0 : i32
    %dma_start3A_194 = arith.constant 0 : i32
    %dma_start3A_195 = arith.constant 0 : i32
    %dma_start3A_196 = arith.constant 0 : i32
    %dma_start3A_197 = arith.constant 0 : i32
    %dma_start3A_198 = tpu.memref_slice %arg11[%dma_start3A_195, %dma_start3A_197] : memref<2x128xf32, #tpu.memory_space<vmem>> -> memref<1x128xf32, #tpu.memory_space<vmem>>
    %dma_start3A_199 = tpu.memref_squeeze %dma_start3A_198 : memref<1x128xf32, #tpu.memory_space<vmem>> -> memref<128xf32, #tpu.memory_space<vmem>>
    %dma_start3A_200 = arith.constant 0 : i32
    %dma_start3A_201 = tpu.memref_slice %arg10[%dma_start3A_193, %dma_start3A_194, %dma_start3A_200] : memref<3x2x128xi32, #tpu.memory_space<vmem>> -> memref<1x1x128xi32, #tpu.memory_space<vmem>>
    %dma_start3A_202 = tpu.memref_squeeze %dma_start3A_201 : memref<1x1x128xi32, #tpu.memory_space<vmem>> -> memref<128xi32, #tpu.memory_space<vmem>>
    %dma_start3A_203 = arith.constant 0 : i32
    %dma_start3A_204 = tpu.memref_slice %arg18[%dma_start3A_203] : memref<10240xf32, #tpu.memory_space<vmem_shared>> -> memref<10240xf32, #tpu.memory_space<vmem_shared>>
    %dma_start3A_205 = tpu.memref_slice %arg21[%dma_start3A_196] : memref<2x!tpu.dma_semaphore, #tpu.memory_space<semaphore_mem>> -> memref<1x!tpu.dma_semaphore, #tpu.memory_space<semaphore_mem>>
    %dma_start3A_206 = tpu.memref_squeeze %dma_start3A_205 : memref<1x!tpu.dma_semaphore, #tpu.memory_space<semaphore_mem>> -> memref<!tpu.dma_semaphore, #tpu.memory_space<semaphore_mem>>
    tpu.enqueue_indirect_dma source(%dma_start3A_204 : memref<10240xf32, #tpu.memory_space<vmem_shared>>) target(%dma_start3A_199 : memref<128xf32, #tpu.memory_space<vmem>>) offsets(%dma_start3A_202 : memref<128xi32, #tpu.memory_space<vmem>>) semaphore(%dma_start3A_206 : memref<!tpu.dma_semaphore, #tpu.memory_space<semaphore_mem>>)
    %dma_start3A_207 = arith.constant 0 : i32
    %dma_start3A_208 = arith.constant 1 : i32
    %dma_start3A_209 = arith.constant 0 : i32
    %dma_start3A_210 = arith.constant 0 : i32
    %dma_start3A_211 = arith.constant 0 : i32
    %dma_start3A_212 = tpu.memref_slice %arg12[%dma_start3A_209, %dma_start3A_211] : memref<2x128xf32, #tpu.memory_space<vmem>> -> memref<1x128xf32, #tpu.memory_space<vmem>>
    %dma_start3A_213 = tpu.memref_squeeze %dma_start3A_212 : memref<1x128xf32, #tpu.memory_space<vmem>> -> memref<128xf32, #tpu.memory_space<vmem>>
    %dma_start3A_214 = arith.constant 0 : i32
    %dma_start3A_215 = tpu.memref_slice %arg10[%dma_start3A_207, %dma_start3A_208, %dma_start3A_214] : memref<3x2x128xi32, #tpu.memory_space<vmem>> -> memref<1x1x128xi32, #tpu.memory_space<vmem>>
    %dma_start3A_216 = tpu.memref_squeeze %dma_start3A_215 : memref<1x1x128xi32, #tpu.memory_space<vmem>> -> memref<128xi32, #tpu.memory_space<vmem>>
    %dma_start3A_217 = arith.constant 0 : i32
    %dma_start3A_218 = tpu.memref_slice %arg19[%dma_start3A_217] : memref<10240xf32, #tpu.memory_space<vmem_shared>> -> memref<10240xf32, #tpu.memory_space<vmem_shared>>
    %dma_start3A_219 = tpu.memref_slice %arg22[%dma_start3A_210] : memref<2x!tpu.dma_semaphore, #tpu.memory_space<semaphore_mem>> -> memref<1x!tpu.dma_semaphore, #tpu.memory_space<semaphore_mem>>
    %dma_start3A_220 = tpu.memref_squeeze %dma_start3A_219 : memref<1x!tpu.dma_semaphore, #tpu.memory_space<semaphore_mem>> -> memref<!tpu.dma_semaphore, #tpu.memory_space<semaphore_mem>>
    tpu.enqueue_indirect_dma source(%dma_start3A_218 : memref<10240xf32, #tpu.memory_space<vmem_shared>>) target(%dma_start3A_213 : memref<128xf32, #tpu.memory_space<vmem>>) offsets(%dma_start3A_216 : memref<128xi32, #tpu.memory_space<vmem>>) semaphore(%dma_start3A_220 : memref<!tpu.dma_semaphore, #tpu.memory_space<semaphore_mem>>)
    %dma_start3A_221 = arith.constant 0 : i32
    %dma_start3A_222 = arith.constant 1 : i32
    %dma_start3A_223 = arith.constant 0 : i32
    %dma_start3A_224 = arith.constant 0 : i32
    %dma_start3A_225 = arith.constant 0 : i32
    %dma_start3A_226 = arith.constant 0 : i32
    %dma_start3A_227 = tpu.memref_slice %arg15[%dma_start3A_223, %dma_start3A_225, %dma_start3A_226] : memref<2x128x128xf32, #tpu.memory_space<vmem>> -> memref<1x128x128xf32, #tpu.memory_space<vmem>>
    %dma_start3A_228 = tpu.memref_squeeze %dma_start3A_227 : memref<1x128x128xf32, #tpu.memory_space<vmem>> -> memref<128x128xf32, #tpu.memory_space<vmem>>
    %dma_start3A_229 = arith.constant 0 : i32
    %dma_start3A_230 = tpu.memref_slice %arg10[%dma_start3A_221, %dma_start3A_222, %dma_start3A_229] : memref<3x2x128xi32, #tpu.memory_space<vmem>> -> memref<1x1x128xi32, #tpu.memory_space<vmem>>
    %dma_start3A_231 = tpu.memref_squeeze %dma_start3A_230 : memref<1x1x128xi32, #tpu.memory_space<vmem>> -> memref<128xi32, #tpu.memory_space<vmem>>
    %dma_start3A_232 = arith.constant 0 : i32
    %dma_start3A_233 = arith.constant 0 : i32
    %dma_start3A_234 = tpu.memref_slice %arg4[%dma_start3A_232, %dma_start3A_233] : memref<10240x128xf32, #tpu.memory_space<hbm>> -> memref<10240x128xf32, #tpu.memory_space<hbm>>
    %dma_start3A_235 = tpu.memref_slice %arg23[%dma_start3A_224] : memref<2x!tpu.dma_semaphore, #tpu.memory_space<semaphore_mem>> -> memref<1x!tpu.dma_semaphore, #tpu.memory_space<semaphore_mem>>
    %dma_start3A_236 = tpu.memref_squeeze %dma_start3A_235 : memref<1x!tpu.dma_semaphore, #tpu.memory_space<semaphore_mem>> -> memref<!tpu.dma_semaphore, #tpu.memory_space<semaphore_mem>>
    tpu.enqueue_indirect_dma source(%dma_start3A_234 : memref<10240x128xf32, #tpu.memory_space<hbm>>) target(%dma_start3A_228 : memref<128x128xf32, #tpu.memory_space<vmem>>) offsets(%dma_start3A_231 : memref<128xi32, #tpu.memory_space<vmem>>) semaphore(%dma_start3A_236 : memref<!tpu.dma_semaphore, #tpu.memory_space<semaphore_mem>>)
    %scan3A_237 = arith.constant 0 : i32
    %scan3A_238 = arith.constant 0 : i32
    %scan3A_239 = arith.constant 80 : i32
    %scan3A_240 = arith.addi %scan3A_238, %scan3A_239 : i32
    %scan3A_241 = arith.constant 1 : i32
    scf.for %scan3A_274 = %scan3A_238 to %scan3A_240 step %scan3A_241  : i32 {
      %rem3A = arith.constant 2 : i32
      %rem3A_275 = arith.remsi %scan3A_274, %rem3A : i32
      %sub3A = arith.constant 1 : i32
      %sub3A_276 = arith.subi %sub3A, %rem3A_275 : i32
      %rem3A_277 = arith.constant 3 : i32
      %rem3A_278 = arith.remsi %scan3A_274, %rem3A_277 : i32
      %ge3A = arith.constant 1 : i32
      %ge3A_279 = arith.cmpi sge, %scan3A_274, %ge3A : i32
      %convert_element_type3A_280 = arith.extui %ge3A_279 : i1 to i32
      %cond3A_281 = arith.constant 0 : i32
      %cond3A_282 = arith.cmpi ne, %convert_element_type3A_280, %cond3A_281 : i32
      scf.if %cond3A_282 {
        %dma_wait3A_558 = arith.constant 0 : i32
        %dma_wait3A_559 = arith.constant 0 : i32
        %dma_wait3A_560 = arith.constant 0 : i32
        %dma_wait3A_561 = arith.constant 0 : i32
        %dma_wait3A_562 = tpu.memref_slice %arg15[%sub3A_276, %dma_wait3A_560, %dma_wait3A_561] : memref<2x128x128xf32, #tpu.memory_space<vmem>> -> memref<1x128x128xf32, #tpu.memory_space<vmem>>
        %dma_wait3A_563 = tpu.memref_squeeze %dma_wait3A_562 : memref<1x128x128xf32, #tpu.memory_space<vmem>> -> memref<128x128xf32, #tpu.memory_space<vmem>>
        %dma_wait3A_564 = arith.constant 0 : i32
        %dma_wait3A_565 = tpu.memref_slice %arg10[%dma_wait3A_558, %dma_wait3A_559, %dma_wait3A_564] : memref<3x2x128xi32, #tpu.memory_space<vmem>> -> memref<1x1x128xi32, #tpu.memory_space<vmem>>
        %dma_wait3A_566 = tpu.memref_squeeze %dma_wait3A_565 : memref<1x1x128xi32, #tpu.memory_space<vmem>> -> memref<128xi32, #tpu.memory_space<vmem>>
        %dma_wait3A_567 = arith.constant 0 : i32
        %dma_wait3A_568 = arith.constant 0 : i32
        %dma_wait3A_569 = tpu.memref_slice %arg16[%dma_wait3A_567, %dma_wait3A_568] : memref<10240x128xf32, #tpu.memory_space<vmem_shared>> -> memref<10240x128xf32, #tpu.memory_space<vmem_shared>>
        %dma_wait3A_570 = tpu.memref_slice %arg24[%sub3A_276] : memref<2x!tpu.dma_semaphore, #tpu.memory_space<semaphore_mem>> -> memref<1x!tpu.dma_semaphore, #tpu.memory_space<semaphore_mem>>
        %dma_wait3A_571 = tpu.memref_squeeze %dma_wait3A_570 : memref<1x!tpu.dma_semaphore, #tpu.memory_space<semaphore_mem>> -> memref<!tpu.dma_semaphore, #tpu.memory_space<semaphore_mem>>
        tpu.wait_indirect_dma semaphore(%dma_wait3A_571 : memref<!tpu.dma_semaphore, #tpu.memory_space<semaphore_mem>>) src(%dma_wait3A_563 : memref<128x128xf32, #tpu.memory_space<vmem>>) dst(%dma_wait3A_569 : memref<10240x128xf32, #tpu.memory_space<vmem_shared>>)
        %dma_wait3A_572 = arith.constant 0 : i32
        %dma_wait3A_573 = arith.constant 0 : i32
        %dma_wait3A_574 = arith.constant 0 : i32
        %dma_wait3A_575 = tpu.memref_slice %arg14[%sub3A_276, %dma_wait3A_574] : memref<2x128xf32, #tpu.memory_space<vmem>> -> memref<1x128xf32, #tpu.memory_space<vmem>>
        %dma_wait3A_576 = tpu.memref_squeeze %dma_wait3A_575 : memref<1x128xf32, #tpu.memory_space<vmem>> -> memref<128xf32, #tpu.memory_space<vmem>>
        %dma_wait3A_577 = arith.constant 0 : i32
        %dma_wait3A_578 = tpu.memref_slice %arg10[%dma_wait3A_572, %dma_wait3A_573, %dma_wait3A_577] : memref<3x2x128xi32, #tpu.memory_space<vmem>> -> memref<1x1x128xi32, #tpu.memory_space<vmem>>
        %dma_wait3A_579 = tpu.memref_squeeze %dma_wait3A_578 : memref<1x1x128xi32, #tpu.memory_space<vmem>> -> memref<128xi32, #tpu.memory_space<vmem>>
        %dma_wait3A_580 = arith.constant 0 : i32
        %dma_wait3A_581 = tpu.memref_slice %arg17[%dma_wait3A_580] : memref<10240xf32, #tpu.memory_space<vmem_shared>> -> memref<10240xf32, #tpu.memory_space<vmem_shared>>
        %dma_wait3A_582 = tpu.memref_slice %arg25[%sub3A_276] : memref<2x!tpu.dma_semaphore, #tpu.memory_space<semaphore_mem>> -> memref<1x!tpu.dma_semaphore, #tpu.memory_space<semaphore_mem>>
        %dma_wait3A_583 = tpu.memref_squeeze %dma_wait3A_582 : memref<1x!tpu.dma_semaphore, #tpu.memory_space<semaphore_mem>> -> memref<!tpu.dma_semaphore, #tpu.memory_space<semaphore_mem>>
        tpu.wait_indirect_dma semaphore(%dma_wait3A_583 : memref<!tpu.dma_semaphore, #tpu.memory_space<semaphore_mem>>) src(%dma_wait3A_576 : memref<128xf32, #tpu.memory_space<vmem>>) dst(%dma_wait3A_581 : memref<10240xf32, #tpu.memory_space<vmem_shared>>)
      } else {
      }
      %add3A_283 = arith.constant 1 : i32
      %add3A_284 = arith.addi %scan3A_274, %add3A_283 : i32
      %lt3A = arith.constant 80 : i32
      %lt3A_285 = arith.cmpi slt, %add3A_284, %lt3A : i32
      %convert_element_type3A_286 = arith.extui %lt3A_285 : i1 to i32
      %cond3A_287 = arith.constant 0 : i32
      %cond3A_288 = arith.cmpi ne, %convert_element_type3A_286, %cond3A_287 : i32
      scf.if %cond3A_288 {
        %add3A_558 = arith.constant 1 : i32
        %add3A_559 = arith.addi %scan3A_274, %add3A_558 : i32
        %rem3A_560 = arith.constant 3 : i32
        %rem3A_561 = arith.remsi %add3A_559, %rem3A_560 : i32
        %add3A_562 = arith.constant 1 : i32
        %add3A_563 = arith.addi %scan3A_274, %add3A_562 : i32
        %dma_wait3A_564 = arith.constant 0 : i32
        %dma_wait3A_565 = arith.constant 0 : i32
        %dma_wait3A_566 = tpu.memref_slice %arg10[%rem3A_561, %dma_wait3A_564, %dma_wait3A_565] : memref<3x2x128xi32, #tpu.memory_space<vmem>> -> memref<1x1x128xi32, #tpu.memory_space<vmem>>
        %dma_wait3A_567 = tpu.memref_squeeze %dma_wait3A_566 : memref<1x1x128xi32, #tpu.memory_space<vmem>> -> memref<128xi32, #tpu.memory_space<vmem>>
        %dma_wait3A_568 = arith.constant 0 : i32
        %dma_wait3A_569 = tpu.memref_slice %arg2[%add3A, %add3A_563, %dma_wait3A_568] : memref<32x80x128xi32, #tpu.memory_space<hbm>> -> memref<1x1x128xi32, #tpu.memory_space<hbm>>
        %dma_wait3A_570 = tpu.memref_squeeze %dma_wait3A_569 : memref<1x1x128xi32, #tpu.memory_space<hbm>> -> memref<128xi32, #tpu.memory_space<hbm>>
        %dma_wait3A_571 = tpu.memref_slice %arg20[%rem3A_561] : memref<3x!tpu.dma_semaphore, #tpu.memory_space<semaphore_mem>> -> memref<1x!tpu.dma_semaphore, #tpu.memory_space<semaphore_mem>>
        %dma_wait3A_572 = tpu.memref_squeeze %dma_wait3A_571 : memref<1x!tpu.dma_semaphore, #tpu.memory_space<semaphore_mem>> -> memref<!tpu.dma_semaphore, #tpu.memory_space<semaphore_mem>>
        %dma_wait3A_573 = arith.constant 0 : i32
        %dma_wait3A_574 = tpu.memref_slice %arg10[%rem3A_561, %dma_wait3A_564, %dma_wait3A_573] : memref<3x2x128xi32, #tpu.memory_space<vmem>> -> memref<1x1x128xi32, #tpu.memory_space<vmem>>
        %dma_wait3A_575 = tpu.memref_squeeze %dma_wait3A_574 : memref<1x1x128xi32, #tpu.memory_space<vmem>> -> memref<128xi32, #tpu.memory_space<vmem>>
        %dma_wait3A_576 = arith.constant 0 : i32
        %dma_wait3A_577 = tpu.memref_slice %arg2[%add3A, %add3A_563, %dma_wait3A_576] : memref<32x80x128xi32, #tpu.memory_space<hbm>> -> memref<1x1x128xi32, #tpu.memory_space<hbm>>
        %dma_wait3A_578 = tpu.memref_squeeze %dma_wait3A_577 : memref<1x1x128xi32, #tpu.memory_space<hbm>> -> memref<128xi32, #tpu.memory_space<hbm>>
        tpu.wait_dma2 semaphore(%dma_wait3A_572 : memref<!tpu.dma_semaphore, #tpu.memory_space<semaphore_mem>>) src(%dma_wait3A_578 : memref<128xi32, #tpu.memory_space<hbm>>) dst(%dma_wait3A_575 : memref<128xi32, #tpu.memory_space<vmem>>)
        %dma_wait3A_579 = arith.constant 1 : i32
        %dma_wait3A_580 = arith.constant 0 : i32
        %dma_wait3A_581 = tpu.memref_slice %arg10[%rem3A_561, %dma_wait3A_579, %dma_wait3A_580] : memref<3x2x128xi32, #tpu.memory_space<vmem>> -> memref<1x1x128xi32, #tpu.memory_space<vmem>>
        %dma_wait3A_582 = tpu.memref_squeeze %dma_wait3A_581 : memref<1x1x128xi32, #tpu.memory_space<vmem>> -> memref<128xi32, #tpu.memory_space<vmem>>
        %dma_wait3A_583 = arith.constant 0 : i32
        %dma_wait3A_584 = tpu.memref_slice %arg3[%add3A, %add3A_563, %dma_wait3A_583] : memref<32x80x128xi32, #tpu.memory_space<hbm>> -> memref<1x1x128xi32, #tpu.memory_space<hbm>>
        %dma_wait3A_585 = tpu.memref_squeeze %dma_wait3A_584 : memref<1x1x128xi32, #tpu.memory_space<hbm>> -> memref<128xi32, #tpu.memory_space<hbm>>
        %dma_wait3A_586 = tpu.memref_slice %arg20[%rem3A_561] : memref<3x!tpu.dma_semaphore, #tpu.memory_space<semaphore_mem>> -> memref<1x!tpu.dma_semaphore, #tpu.memory_space<semaphore_mem>>
        %dma_wait3A_587 = tpu.memref_squeeze %dma_wait3A_586 : memref<1x!tpu.dma_semaphore, #tpu.memory_space<semaphore_mem>> -> memref<!tpu.dma_semaphore, #tpu.memory_space<semaphore_mem>>
        %dma_wait3A_588 = arith.constant 0 : i32
        %dma_wait3A_589 = tpu.memref_slice %arg10[%rem3A_561, %dma_wait3A_579, %dma_wait3A_588] : memref<3x2x128xi32, #tpu.memory_space<vmem>> -> memref<1x1x128xi32, #tpu.memory_space<vmem>>
        %dma_wait3A_590 = tpu.memref_squeeze %dma_wait3A_589 : memref<1x1x128xi32, #tpu.memory_space<vmem>> -> memref<128xi32, #tpu.memory_space<vmem>>
        %dma_wait3A_591 = arith.constant 0 : i32
        %dma_wait3A_592 = tpu.memref_slice %arg3[%add3A, %add3A_563, %dma_wait3A_591] : memref<32x80x128xi32, #tpu.memory_space<hbm>> -> memref<1x1x128xi32, #tpu.memory_space<hbm>>
        %dma_wait3A_593 = tpu.memref_squeeze %dma_wait3A_592 : memref<1x1x128xi32, #tpu.memory_space<hbm>> -> memref<128xi32, #tpu.memory_space<hbm>>
        tpu.wait_dma2 semaphore(%dma_wait3A_587 : memref<!tpu.dma_semaphore, #tpu.memory_space<semaphore_mem>>) src(%dma_wait3A_593 : memref<128xi32, #tpu.memory_space<hbm>>) dst(%dma_wait3A_590 : memref<128xi32, #tpu.memory_space<vmem>>)
        %dma_start3A_594 = arith.constant 0 : i32
        %dma_start3A_595 = arith.constant 0 : i32
        %dma_start3A_596 = tpu.memref_slice %arg11[%sub3A_276, %dma_start3A_595] : memref<2x128xf32, #tpu.memory_space<vmem>> -> memref<1x128xf32, #tpu.memory_space<vmem>>
        %dma_start3A_597 = tpu.memref_squeeze %dma_start3A_596 : memref<1x128xf32, #tpu.memory_space<vmem>> -> memref<128xf32, #tpu.memory_space<vmem>>
        %dma_start3A_598 = arith.constant 0 : i32
        %dma_start3A_599 = tpu.memref_slice %arg10[%rem3A_561, %dma_start3A_594, %dma_start3A_598] : memref<3x2x128xi32, #tpu.memory_space<vmem>> -> memref<1x1x128xi32, #tpu.memory_space<vmem>>
        %dma_start3A_600 = tpu.memref_squeeze %dma_start3A_599 : memref<1x1x128xi32, #tpu.memory_space<vmem>> -> memref<128xi32, #tpu.memory_space<vmem>>
        %dma_start3A_601 = arith.constant 0 : i32
        %dma_start3A_602 = tpu.memref_slice %arg18[%dma_start3A_601] : memref<10240xf32, #tpu.memory_space<vmem_shared>> -> memref<10240xf32, #tpu.memory_space<vmem_shared>>
        %dma_start3A_603 = tpu.memref_slice %arg21[%sub3A_276] : memref<2x!tpu.dma_semaphore, #tpu.memory_space<semaphore_mem>> -> memref<1x!tpu.dma_semaphore, #tpu.memory_space<semaphore_mem>>
        %dma_start3A_604 = tpu.memref_squeeze %dma_start3A_603 : memref<1x!tpu.dma_semaphore, #tpu.memory_space<semaphore_mem>> -> memref<!tpu.dma_semaphore, #tpu.memory_space<semaphore_mem>>
        tpu.enqueue_indirect_dma source(%dma_start3A_602 : memref<10240xf32, #tpu.memory_space<vmem_shared>>) target(%dma_start3A_597 : memref<128xf32, #tpu.memory_space<vmem>>) offsets(%dma_start3A_600 : memref<128xi32, #tpu.memory_space<vmem>>) semaphore(%dma_start3A_604 : memref<!tpu.dma_semaphore, #tpu.memory_space<semaphore_mem>>)
        %dma_start3A_605 = arith.constant 1 : i32
        %dma_start3A_606 = arith.constant 0 : i32
        %dma_start3A_607 = tpu.memref_slice %arg12[%sub3A_276, %dma_start3A_606] : memref<2x128xf32, #tpu.memory_space<vmem>> -> memref<1x128xf32, #tpu.memory_space<vmem>>
        %dma_start3A_608 = tpu.memref_squeeze %dma_start3A_607 : memref<1x128xf32, #tpu.memory_space<vmem>> -> memref<128xf32, #tpu.memory_space<vmem>>
        %dma_start3A_609 = arith.constant 0 : i32
        %dma_start3A_610 = tpu.memref_slice %arg10[%rem3A_561, %dma_start3A_605, %dma_start3A_609] : memref<3x2x128xi32, #tpu.memory_space<vmem>> -> memref<1x1x128xi32, #tpu.memory_space<vmem>>
        %dma_start3A_611 = tpu.memref_squeeze %dma_start3A_610 : memref<1x1x128xi32, #tpu.memory_space<vmem>> -> memref<128xi32, #tpu.memory_space<vmem>>
        %dma_start3A_612 = arith.constant 0 : i32
        %dma_start3A_613 = tpu.memref_slice %arg19[%dma_start3A_612] : memref<10240xf32, #tpu.memory_space<vmem_shared>> -> memref<10240xf32, #tpu.memory_space<vmem_shared>>
        %dma_start3A_614 = tpu.memref_slice %arg22[%sub3A_276] : memref<2x!tpu.dma_semaphore, #tpu.memory_space<semaphore_mem>> -> memref<1x!tpu.dma_semaphore, #tpu.memory_space<semaphore_mem>>
        %dma_start3A_615 = tpu.memref_squeeze %dma_start3A_614 : memref<1x!tpu.dma_semaphore, #tpu.memory_space<semaphore_mem>> -> memref<!tpu.dma_semaphore, #tpu.memory_space<semaphore_mem>>
        tpu.enqueue_indirect_dma source(%dma_start3A_613 : memref<10240xf32, #tpu.memory_space<vmem_shared>>) target(%dma_start3A_608 : memref<128xf32, #tpu.memory_space<vmem>>) offsets(%dma_start3A_611 : memref<128xi32, #tpu.memory_space<vmem>>) semaphore(%dma_start3A_615 : memref<!tpu.dma_semaphore, #tpu.memory_space<semaphore_mem>>)
        %dma_start3A_616 = arith.constant 1 : i32
        %dma_start3A_617 = arith.constant 0 : i32
        %dma_start3A_618 = arith.constant 0 : i32
        %dma_start3A_619 = tpu.memref_slice %arg15[%sub3A_276, %dma_start3A_617, %dma_start3A_618] : memref<2x128x128xf32, #tpu.memory_space<vmem>> -> memref<1x128x128xf32, #tpu.memory_space<vmem>>
        %dma_start3A_620 = tpu.memref_squeeze %dma_start3A_619 : memref<1x128x128xf32, #tpu.memory_space<vmem>> -> memref<128x128xf32, #tpu.memory_space<vmem>>
        %dma_start3A_621 = arith.constant 0 : i32
        %dma_start3A_622 = tpu.memref_slice %arg10[%rem3A_561, %dma_start3A_616, %dma_start3A_621] : memref<3x2x128xi32, #tpu.memory_space<vmem>> -> memref<1x1x128xi32, #tpu.memory_space<vmem>>
        %dma_start3A_623 = tpu.memref_squeeze %dma_start3A_622 : memref<1x1x128xi32, #tpu.memory_space<vmem>> -> memref<128xi32, #tpu.memory_space<vmem>>
        %dma_start3A_624 = arith.constant 0 : i32
        %dma_start3A_625 = arith.constant 0 : i32
        %dma_start3A_626 = tpu.memref_slice %arg4[%dma_start3A_624, %dma_start3A_625] : memref<10240x128xf32, #tpu.memory_space<hbm>> -> memref<10240x128xf32, #tpu.memory_space<hbm>>
        %dma_start3A_627 = tpu.memref_slice %arg23[%sub3A_276] : memref<2x!tpu.dma_semaphore, #tpu.memory_space<semaphore_mem>> -> memref<1x!tpu.dma_semaphore, #tpu.memory_space<semaphore_mem>>
        %dma_start3A_628 = tpu.memref_squeeze %dma_start3A_627 : memref<1x!tpu.dma_semaphore, #tpu.memory_space<semaphore_mem>> -> memref<!tpu.dma_semaphore, #tpu.memory_space<semaphore_mem>>
        tpu.enqueue_indirect_dma source(%dma_start3A_626 : memref<10240x128xf32, #tpu.memory_space<hbm>>) target(%dma_start3A_620 : memref<128x128xf32, #tpu.memory_space<vmem>>) offsets(%dma_start3A_623 : memref<128xi32, #tpu.memory_space<vmem>>) semaphore(%dma_start3A_628 : memref<!tpu.dma_semaphore, #tpu.memory_space<semaphore_mem>>)
      } else {
      }
      %add3A_289 = arith.constant 2 : i32
      %add3A_290 = arith.addi %scan3A_274, %add3A_289 : i32
      %lt3A_291 = arith.constant 80 : i32
      %lt3A_292 = arith.cmpi slt, %add3A_290, %lt3A_291 : i32
      %convert_element_type3A_293 = arith.extui %lt3A_292 : i1 to i32
      %cond3A_294 = arith.constant 0 : i32
      %cond3A_295 = arith.cmpi ne, %convert_element_type3A_293, %cond3A_294 : i32
      scf.if %cond3A_295 {
        %add3A_558 = arith.constant 2 : i32
        %add3A_559 = arith.addi %scan3A_274, %add3A_558 : i32
        %add3A_560 = arith.constant 2 : i32
        %add3A_561 = arith.addi %scan3A_274, %add3A_560 : i32
        %rem3A_562 = arith.constant 3 : i32
        %rem3A_563 = arith.remsi %add3A_561, %rem3A_562 : i32
        %dma_start3A_564 = arith.constant 0 : i32
        %dma_start3A_565 = arith.constant 0 : i32
        %dma_start3A_566 = tpu.memref_slice %arg10[%rem3A_563, %dma_start3A_564, %dma_start3A_565] : memref<3x2x128xi32, #tpu.memory_space<vmem>> -> memref<1x1x128xi32, #tpu.memory_space<vmem>>
        %dma_start3A_567 = tpu.memref_squeeze %dma_start3A_566 : memref<1x1x128xi32, #tpu.memory_space<vmem>> -> memref<128xi32, #tpu.memory_space<vmem>>
        %dma_start3A_568 = arith.constant 0 : i32
        %dma_start3A_569 = tpu.memref_slice %arg2[%add3A, %add3A_559, %dma_start3A_568] : memref<32x80x128xi32, #tpu.memory_space<hbm>> -> memref<1x1x128xi32, #tpu.memory_space<hbm>>
        %dma_start3A_570 = tpu.memref_squeeze %dma_start3A_569 : memref<1x1x128xi32, #tpu.memory_space<hbm>> -> memref<128xi32, #tpu.memory_space<hbm>>
        %dma_start3A_571 = tpu.memref_slice %arg20[%rem3A_563] : memref<3x!tpu.dma_semaphore, #tpu.memory_space<semaphore_mem>> -> memref<1x!tpu.dma_semaphore, #tpu.memory_space<semaphore_mem>>
        %dma_start3A_572 = tpu.memref_squeeze %dma_start3A_571 : memref<1x!tpu.dma_semaphore, #tpu.memory_space<semaphore_mem>> -> memref<!tpu.dma_semaphore, #tpu.memory_space<semaphore_mem>>
        %dma_start3A_573 = arith.constant 0 : i32
        %dma_start3A_574 = tpu.memref_slice %arg10[%rem3A_563, %dma_start3A_564, %dma_start3A_573] : memref<3x2x128xi32, #tpu.memory_space<vmem>> -> memref<1x1x128xi32, #tpu.memory_space<vmem>>
        %dma_start3A_575 = tpu.memref_squeeze %dma_start3A_574 : memref<1x1x128xi32, #tpu.memory_space<vmem>> -> memref<128xi32, #tpu.memory_space<vmem>>
        %dma_start3A_576 = arith.constant 0 : i32
        %dma_start3A_577 = tpu.memref_slice %arg2[%add3A, %add3A_559, %dma_start3A_576] : memref<32x80x128xi32, #tpu.memory_space<hbm>> -> memref<1x1x128xi32, #tpu.memory_space<hbm>>
        %dma_start3A_578 = tpu.memref_squeeze %dma_start3A_577 : memref<1x1x128xi32, #tpu.memory_space<hbm>> -> memref<128xi32, #tpu.memory_space<hbm>>
        tpu.enqueue_dma source(%dma_start3A_578 : memref<128xi32, #tpu.memory_space<hbm>>) target(%dma_start3A_575 : memref<128xi32, #tpu.memory_space<vmem>>) target_semaphore(%dma_start3A_572 : memref<!tpu.dma_semaphore, #tpu.memory_space<semaphore_mem>>)
        %dma_start3A_579 = arith.constant 1 : i32
        %dma_start3A_580 = arith.constant 0 : i32
        %dma_start3A_581 = tpu.memref_slice %arg10[%rem3A_563, %dma_start3A_579, %dma_start3A_580] : memref<3x2x128xi32, #tpu.memory_space<vmem>> -> memref<1x1x128xi32, #tpu.memory_space<vmem>>
        %dma_start3A_582 = tpu.memref_squeeze %dma_start3A_581 : memref<1x1x128xi32, #tpu.memory_space<vmem>> -> memref<128xi32, #tpu.memory_space<vmem>>
        %dma_start3A_583 = arith.constant 0 : i32
        %dma_start3A_584 = tpu.memref_slice %arg3[%add3A, %add3A_559, %dma_start3A_583] : memref<32x80x128xi32, #tpu.memory_space<hbm>> -> memref<1x1x128xi32, #tpu.memory_space<hbm>>
        %dma_start3A_585 = tpu.memref_squeeze %dma_start3A_584 : memref<1x1x128xi32, #tpu.memory_space<hbm>> -> memref<128xi32, #tpu.memory_space<hbm>>
        %dma_start3A_586 = tpu.memref_slice %arg20[%rem3A_563] : memref<3x!tpu.dma_semaphore, #tpu.memory_space<semaphore_mem>> -> memref<1x!tpu.dma_semaphore, #tpu.memory_space<semaphore_mem>>
        %dma_start3A_587 = tpu.memref_squeeze %dma_start3A_586 : memref<1x!tpu.dma_semaphore, #tpu.memory_space<semaphore_mem>> -> memref<!tpu.dma_semaphore, #tpu.memory_space<semaphore_mem>>
        %dma_start3A_588 = arith.constant 0 : i32
        %dma_start3A_589 = tpu.memref_slice %arg10[%rem3A_563, %dma_start3A_579, %dma_start3A_588] : memref<3x2x128xi32, #tpu.memory_space<vmem>> -> memref<1x1x128xi32, #tpu.memory_space<vmem>>
        %dma_start3A_590 = tpu.memref_squeeze %dma_start3A_589 : memref<1x1x128xi32, #tpu.memory_space<vmem>> -> memref<128xi32, #tpu.memory_space<vmem>>
        %dma_start3A_591 = arith.constant 0 : i32
        %dma_start3A_592 = tpu.memref_slice %arg3[%add3A, %add3A_559, %dma_start3A_591] : memref<32x80x128xi32, #tpu.memory_space<hbm>> -> memref<1x1x128xi32, #tpu.memory_space<hbm>>
        %dma_start3A_593 = tpu.memref_squeeze %dma_start3A_592 : memref<1x1x128xi32, #tpu.memory_space<hbm>> -> memref<128xi32, #tpu.memory_space<hbm>>
        tpu.enqueue_dma source(%dma_start3A_593 : memref<128xi32, #tpu.memory_space<hbm>>) target(%dma_start3A_590 : memref<128xi32, #tpu.memory_space<vmem>>) target_semaphore(%dma_start3A_587 : memref<!tpu.dma_semaphore, #tpu.memory_space<semaphore_mem>>)
      } else {
      }
      %dma_wait3A_296 = arith.constant 0 : i32
      %dma_wait3A_297 = arith.constant 0 : i32
      %dma_wait3A_298 = tpu.memref_slice %arg11[%rem3A_275, %dma_wait3A_297] : memref<2x128xf32, #tpu.memory_space<vmem>> -> memref<1x128xf32, #tpu.memory_space<vmem>>
      %dma_wait3A_299 = tpu.memref_squeeze %dma_wait3A_298 : memref<1x128xf32, #tpu.memory_space<vmem>> -> memref<128xf32, #tpu.memory_space<vmem>>
      %dma_wait3A_300 = arith.constant 0 : i32
      %dma_wait3A_301 = tpu.memref_slice %arg10[%rem3A_278, %dma_wait3A_296, %dma_wait3A_300] : memref<3x2x128xi32, #tpu.memory_space<vmem>> -> memref<1x1x128xi32, #tpu.memory_space<vmem>>
      %dma_wait3A_302 = tpu.memref_squeeze %dma_wait3A_301 : memref<1x1x128xi32, #tpu.memory_space<vmem>> -> memref<128xi32, #tpu.memory_space<vmem>>
      %dma_wait3A_303 = arith.constant 0 : i32
      %dma_wait3A_304 = tpu.memref_slice %arg18[%dma_wait3A_303] : memref<10240xf32, #tpu.memory_space<vmem_shared>> -> memref<10240xf32, #tpu.memory_space<vmem_shared>>
      %dma_wait3A_305 = tpu.memref_slice %arg21[%rem3A_275] : memref<2x!tpu.dma_semaphore, #tpu.memory_space<semaphore_mem>> -> memref<1x!tpu.dma_semaphore, #tpu.memory_space<semaphore_mem>>
      %dma_wait3A_306 = tpu.memref_squeeze %dma_wait3A_305 : memref<1x!tpu.dma_semaphore, #tpu.memory_space<semaphore_mem>> -> memref<!tpu.dma_semaphore, #tpu.memory_space<semaphore_mem>>
      tpu.wait_indirect_dma semaphore(%dma_wait3A_306 : memref<!tpu.dma_semaphore, #tpu.memory_space<semaphore_mem>>) src(%dma_wait3A_304 : memref<10240xf32, #tpu.memory_space<vmem_shared>>) dst(%dma_wait3A_299 : memref<128xf32, #tpu.memory_space<vmem>>)
      %dma_wait3A_307 = arith.constant 1 : i32
      %dma_wait3A_308 = arith.constant 0 : i32
      %dma_wait3A_309 = tpu.memref_slice %arg12[%rem3A_275, %dma_wait3A_308] : memref<2x128xf32, #tpu.memory_space<vmem>> -> memref<1x128xf32, #tpu.memory_space<vmem>>
      %dma_wait3A_310 = tpu.memref_squeeze %dma_wait3A_309 : memref<1x128xf32, #tpu.memory_space<vmem>> -> memref<128xf32, #tpu.memory_space<vmem>>
      %dma_wait3A_311 = arith.constant 0 : i32
      %dma_wait3A_312 = tpu.memref_slice %arg10[%rem3A_278, %dma_wait3A_307, %dma_wait3A_311] : memref<3x2x128xi32, #tpu.memory_space<vmem>> -> memref<1x1x128xi32, #tpu.memory_space<vmem>>
      %dma_wait3A_313 = tpu.memref_squeeze %dma_wait3A_312 : memref<1x1x128xi32, #tpu.memory_space<vmem>> -> memref<128xi32, #tpu.memory_space<vmem>>
      %dma_wait3A_314 = arith.constant 0 : i32
      %dma_wait3A_315 = tpu.memref_slice %arg19[%dma_wait3A_314] : memref<10240xf32, #tpu.memory_space<vmem_shared>> -> memref<10240xf32, #tpu.memory_space<vmem_shared>>
      %dma_wait3A_316 = tpu.memref_slice %arg22[%rem3A_275] : memref<2x!tpu.dma_semaphore, #tpu.memory_space<semaphore_mem>> -> memref<1x!tpu.dma_semaphore, #tpu.memory_space<semaphore_mem>>
      %dma_wait3A_317 = tpu.memref_squeeze %dma_wait3A_316 : memref<1x!tpu.dma_semaphore, #tpu.memory_space<semaphore_mem>> -> memref<!tpu.dma_semaphore, #tpu.memory_space<semaphore_mem>>
      tpu.wait_indirect_dma semaphore(%dma_wait3A_317 : memref<!tpu.dma_semaphore, #tpu.memory_space<semaphore_mem>>) src(%dma_wait3A_315 : memref<10240xf32, #tpu.memory_space<vmem_shared>>) dst(%dma_wait3A_310 : memref<128xf32, #tpu.memory_space<vmem>>)
      %dma_wait3A_318 = arith.constant 1 : i32
      %dma_wait3A_319 = arith.constant 0 : i32
      %dma_wait3A_320 = arith.constant 0 : i32
      %dma_wait3A_321 = tpu.memref_slice %arg15[%rem3A_275, %dma_wait3A_319, %dma_wait3A_320] : memref<2x128x128xf32, #tpu.memory_space<vmem>> -> memref<1x128x128xf32, #tpu.memory_space<vmem>>
      %dma_wait3A_322 = tpu.memref_squeeze %dma_wait3A_321 : memref<1x128x128xf32, #tpu.memory_space<vmem>> -> memref<128x128xf32, #tpu.memory_space<vmem>>
      %dma_wait3A_323 = arith.constant 0 : i32
      %dma_wait3A_324 = tpu.memref_slice %arg10[%rem3A_278, %dma_wait3A_318, %dma_wait3A_323] : memref<3x2x128xi32, #tpu.memory_space<vmem>> -> memref<1x1x128xi32, #tpu.memory_space<vmem>>
      %dma_wait3A_325 = tpu.memref_squeeze %dma_wait3A_324 : memref<1x1x128xi32, #tpu.memory_space<vmem>> -> memref<128xi32, #tpu.memory_space<vmem>>
      %dma_wait3A_326 = arith.constant 0 : i32
      %dma_wait3A_327 = arith.constant 0 : i32
      %dma_wait3A_328 = tpu.memref_slice %arg4[%dma_wait3A_326, %dma_wait3A_327] : memref<10240x128xf32, #tpu.memory_space<hbm>> -> memref<10240x128xf32, #tpu.memory_space<hbm>>
      %dma_wait3A_329 = tpu.memref_slice %arg23[%rem3A_275] : memref<2x!tpu.dma_semaphore, #tpu.memory_space<semaphore_mem>> -> memref<1x!tpu.dma_semaphore, #tpu.memory_space<semaphore_mem>>
      %dma_wait3A_330 = tpu.memref_squeeze %dma_wait3A_329 : memref<1x!tpu.dma_semaphore, #tpu.memory_space<semaphore_mem>> -> memref<!tpu.dma_semaphore, #tpu.memory_space<semaphore_mem>>
      tpu.wait_indirect_dma semaphore(%dma_wait3A_330 : memref<!tpu.dma_semaphore, #tpu.memory_space<semaphore_mem>>) src(%dma_wait3A_328 : memref<10240x128xf32, #tpu.memory_space<hbm>>) dst(%dma_wait3A_322 : memref<128x128xf32, #tpu.memory_space<vmem>>)
      %get3A_331 = arith.constant 0 : i32
      %get3A_332 = tpu.memref_slice %arg11[%rem3A_275, %get3A_331] : memref<2x128xf32, #tpu.memory_space<vmem>> -> memref<1x128xf32, #tpu.memory_space<vmem>>
      %get3A_333 = tpu.memref_squeeze %get3A_332 : memref<1x128xf32, #tpu.memory_space<vmem>> -> memref<128xf32, #tpu.memory_space<vmem>>
      %get3A_334 = arith.constant 0 : index
      %get3A_335 = tpu.vector_load %get3A_333[%get3A_334] {strides = array<i32>} : memref<128xf32, #tpu.memory_space<vmem>>, vector<16xf32>,
      %get3A_336 = arith.constant 0 : i32
      %get3A_337 = tpu.memref_slice %arg12[%rem3A_275, %get3A_336] : memref<2x128xf32, #tpu.memory_space<vmem>> -> memref<1x128xf32, #tpu.memory_space<vmem>>
      %get3A_338 = tpu.memref_squeeze %get3A_337 : memref<1x128xf32, #tpu.memory_space<vmem>> -> memref<128xf32, #tpu.memory_space<vmem>>
      %get3A_339 = arith.constant 0 : index
      %get3A_340 = tpu.vector_load %get3A_338[%get3A_339] {strides = array<i32>} : memref<128xf32, #tpu.memory_space<vmem>>, vector<16xf32>,
      %add3A_341 = arith.addf %get3A_335, %get3A_340 : vector<16xf32>
      %gt3A = arith.constant 0.000000e+00 : f32
      %gt3A_342 = vector.broadcast %gt3A : f32 to vector<16xf32>
      %gt3A_343 = arith.cmpf ogt, %add3A_341, %gt3A_342 : vector<16xf32>
      %mul3A_344 = arith.constant 2.000000e-01 : f32
      %mul3A_345 = vector.broadcast %mul3A_344 : f32 to vector<16xf32>
      %mul3A_346 = arith.mulf %mul3A_345, %add3A_341 : vector<16xf32>
      %select_n3A = arith.select %gt3A_343, %add3A_341, %mul3A_346 : vector<16xi1>, vector<16xf32>
      %sub3A_347 = arith.subf %select_n3A, %get3A_86 : vector<16xf32>
      %exp3A = math.exp %sub3A_347 : vector<16xf32>
      %swap3A_348 = arith.constant 0 : i32
      %swap3A_349 = tpu.memref_slice %arg14[%rem3A_275, %swap3A_348] : memref<2x128xf32, #tpu.memory_space<vmem>> -> memref<1x128xf32, #tpu.memory_space<vmem>>
      %swap3A_350 = tpu.memref_squeeze %swap3A_349 : memref<1x128xf32, #tpu.memory_space<vmem>> -> memref<128xf32, #tpu.memory_space<vmem>>
      %swap3A_351 = arith.constant 0 : index
      %swap3A_352 = tpu.vector_load %swap3A_350[%swap3A_351] {strides = array<i32>} : memref<128xf32, #tpu.memory_space<vmem>>, vector<16xf32>,
      tpu.vector_store %swap3A_350[%swap3A_351], %exp3A {strides = array<i32>} : memref<128xf32, #tpu.memory_space<vmem>>, vector<16xf32>,
      %get3A_353 = arith.constant 0 : i32
      %get3A_354 = tpu.memref_slice %arg11[%rem3A_275, %get3A_353] : memref<2x128xf32, #tpu.memory_space<vmem>> -> memref<1x128xf32, #tpu.memory_space<vmem>>
      %get3A_355 = tpu.memref_squeeze %get3A_354 : memref<1x128xf32, #tpu.memory_space<vmem>> -> memref<128xf32, #tpu.memory_space<vmem>>
      %get3A_356 = arith.constant 16 : index
      %get3A_357 = tpu.vector_load %get3A_355[%get3A_356] {strides = array<i32>} : memref<128xf32, #tpu.memory_space<vmem>>, vector<16xf32>,
      %get3A_358 = arith.constant 0 : i32
      %get3A_359 = tpu.memref_slice %arg12[%rem3A_275, %get3A_358] : memref<2x128xf32, #tpu.memory_space<vmem>> -> memref<1x128xf32, #tpu.memory_space<vmem>>
      %get3A_360 = tpu.memref_squeeze %get3A_359 : memref<1x128xf32, #tpu.memory_space<vmem>> -> memref<128xf32, #tpu.memory_space<vmem>>
      %get3A_361 = arith.constant 16 : index
      %get3A_362 = tpu.vector_load %get3A_360[%get3A_361] {strides = array<i32>} : memref<128xf32, #tpu.memory_space<vmem>>, vector<16xf32>,
      %add3A_363 = arith.addf %get3A_357, %get3A_362 : vector<16xf32>
      %gt3A_364 = arith.constant 0.000000e+00 : f32
      %gt3A_365 = vector.broadcast %gt3A_364 : f32 to vector<16xf32>
      %gt3A_366 = arith.cmpf ogt, %add3A_363, %gt3A_365 : vector<16xf32>
      %mul3A_367 = arith.constant 2.000000e-01 : f32
      %mul3A_368 = vector.broadcast %mul3A_367 : f32 to vector<16xf32>
      %mul3A_369 = arith.mulf %mul3A_368, %add3A_363 : vector<16xf32>
      %select_n3A_370 = arith.select %gt3A_366, %add3A_363, %mul3A_369 : vector<16xi1>, vector<16xf32>
      %sub3A_371 = arith.subf %select_n3A_370, %get3A_86 : vector<16xf32>
      %exp3A_372 = math.exp %sub3A_371 : vector<16xf32>
      %swap3A_373 = arith.constant 0 : i32
      %swap3A_374 = tpu.memref_slice %arg14[%rem3A_275, %swap3A_373] : memref<2x128xf32, #tpu.memory_space<vmem>> -> memref<1x128xf32, #tpu.memory_space<vmem>>
      %swap3A_375 = tpu.memref_squeeze %swap3A_374 : memref<1x128xf32, #tpu.memory_space<vmem>> -> memref<128xf32, #tpu.memory_space<vmem>>
      %swap3A_376 = arith.constant 16 : index
      %swap3A_377 = tpu.vector_load %swap3A_375[%swap3A_376] {strides = array<i32>} : memref<128xf32, #tpu.memory_space<vmem>>, vector<16xf32>,
      tpu.vector_store %swap3A_375[%swap3A_376], %exp3A_372 {strides = array<i32>} : memref<128xf32, #tpu.memory_space<vmem>>, vector<16xf32>,
      %get3A_378 = arith.constant 0 : i32
      %get3A_379 = tpu.memref_slice %arg11[%rem3A_275, %get3A_378] : memref<2x128xf32, #tpu.memory_space<vmem>> -> memref<1x128xf32, #tpu.memory_space<vmem>>
      %get3A_380 = tpu.memref_squeeze %get3A_379 : memref<1x128xf32, #tpu.memory_space<vmem>> -> memref<128xf32, #tpu.memory_space<vmem>>
      %get3A_381 = arith.constant 32 : index
      %get3A_382 = tpu.vector_load %get3A_380[%get3A_381] {strides = array<i32>} : memref<128xf32, #tpu.memory_space<vmem>>, vector<16xf32>,
      %get3A_383 = arith.constant 0 : i32
      %get3A_384 = tpu.memref_slice %arg12[%rem3A_275, %get3A_383] : memref<2x128xf32, #tpu.memory_space<vmem>> -> memref<1x128xf32, #tpu.memory_space<vmem>>
      %get3A_385 = tpu.memref_squeeze %get3A_384 : memref<1x128xf32, #tpu.memory_space<vmem>> -> memref<128xf32, #tpu.memory_space<vmem>>
      %get3A_386 = arith.constant 32 : index
      %get3A_387 = tpu.vector_load %get3A_385[%get3A_386] {strides = array<i32>} : memref<128xf32, #tpu.memory_space<vmem>>, vector<16xf32>,
      %add3A_388 = arith.addf %get3A_382, %get3A_387 : vector<16xf32>
      %gt3A_389 = arith.constant 0.000000e+00 : f32
      %gt3A_390 = vector.broadcast %gt3A_389 : f32 to vector<16xf32>
      %gt3A_391 = arith.cmpf ogt, %add3A_388, %gt3A_390 : vector<16xf32>
      %mul3A_392 = arith.constant 2.000000e-01 : f32
      %mul3A_393 = vector.broadcast %mul3A_392 : f32 to vector<16xf32>
      %mul3A_394 = arith.mulf %mul3A_393, %add3A_388 : vector<16xf32>
      %select_n3A_395 = arith.select %gt3A_391, %add3A_388, %mul3A_394 : vector<16xi1>, vector<16xf32>
      %sub3A_396 = arith.subf %select_n3A_395, %get3A_86 : vector<16xf32>
      %exp3A_397 = math.exp %sub3A_396 : vector<16xf32>
      %swap3A_398 = arith.constant 0 : i32
      %swap3A_399 = tpu.memref_slice %arg14[%rem3A_275, %swap3A_398] : memref<2x128xf32, #tpu.memory_space<vmem>> -> memref<1x128xf32, #tpu.memory_space<vmem>>
      %swap3A_400 = tpu.memref_squeeze %swap3A_399 : memref<1x128xf32, #tpu.memory_space<vmem>> -> memref<128xf32, #tpu.memory_space<vmem>>
      %swap3A_401 = arith.constant 32 : index
      %swap3A_402 = tpu.vector_load %swap3A_400[%swap3A_401] {strides = array<i32>} : memref<128xf32, #tpu.memory_space<vmem>>, vector<16xf32>,
      tpu.vector_store %swap3A_400[%swap3A_401], %exp3A_397 {strides = array<i32>} : memref<128xf32, #tpu.memory_space<vmem>>, vector<16xf32>,
      %get3A_403 = arith.constant 0 : i32
      %get3A_404 = tpu.memref_slice %arg11[%rem3A_275, %get3A_403] : memref<2x128xf32, #tpu.memory_space<vmem>> -> memref<1x128xf32, #tpu.memory_space<vmem>>
      %get3A_405 = tpu.memref_squeeze %get3A_404 : memref<1x128xf32, #tpu.memory_space<vmem>> -> memref<128xf32, #tpu.memory_space<vmem>>
      %get3A_406 = arith.constant 48 : index
      %get3A_407 = tpu.vector_load %get3A_405[%get3A_406] {strides = array<i32>} : memref<128xf32, #tpu.memory_space<vmem>>, vector<16xf32>,
      %get3A_408 = arith.constant 0 : i32
      %get3A_409 = tpu.memref_slice %arg12[%rem3A_275, %get3A_408] : memref<2x128xf32, #tpu.memory_space<vmem>> -> memref<1x128xf32, #tpu.memory_space<vmem>>
      %get3A_410 = tpu.memref_squeeze %get3A_409 : memref<1x128xf32, #tpu.memory_space<vmem>> -> memref<128xf32, #tpu.memory_space<vmem>>
      %get3A_411 = arith.constant 48 : index
      %get3A_412 = tpu.vector_load %get3A_410[%get3A_411] {strides = array<i32>} : memref<128xf32, #tpu.memory_space<vmem>>, vector<16xf32>,
      %add3A_413 = arith.addf %get3A_407, %get3A_412 : vector<16xf32>
      %gt3A_414 = arith.constant 0.000000e+00 : f32
      %gt3A_415 = vector.broadcast %gt3A_414 : f32 to vector<16xf32>
      %gt3A_416 = arith.cmpf ogt, %add3A_413, %gt3A_415 : vector<16xf32>
      %mul3A_417 = arith.constant 2.000000e-01 : f32
      %mul3A_418 = vector.broadcast %mul3A_417 : f32 to vector<16xf32>
      %mul3A_419 = arith.mulf %mul3A_418, %add3A_413 : vector<16xf32>
      %select_n3A_420 = arith.select %gt3A_416, %add3A_413, %mul3A_419 : vector<16xi1>, vector<16xf32>
      %sub3A_421 = arith.subf %select_n3A_420, %get3A_86 : vector<16xf32>
      %exp3A_422 = math.exp %sub3A_421 : vector<16xf32>
      %swap3A_423 = arith.constant 0 : i32
      %swap3A_424 = tpu.memref_slice %arg14[%rem3A_275, %swap3A_423] : memref<2x128xf32, #tpu.memory_space<vmem>> -> memref<1x128xf32, #tpu.memory_space<vmem>>
      %swap3A_425 = tpu.memref_squeeze %swap3A_424 : memref<1x128xf32, #tpu.memory_space<vmem>> -> memref<128xf32, #tpu.memory_space<vmem>>
      %swap3A_426 = arith.constant 48 : index
      %swap3A_427 = tpu.vector_load %swap3A_425[%swap3A_426] {strides = array<i32>} : memref<128xf32, #tpu.memory_space<vmem>>, vector<16xf32>,
      tpu.vector_store %swap3A_425[%swap3A_426], %exp3A_422 {strides = array<i32>} : memref<128xf32, #tpu.memory_space<vmem>>, vector<16xf32>,
      %get3A_428 = arith.constant 0 : i32
      %get3A_429 = tpu.memref_slice %arg11[%rem3A_275, %get3A_428] : memref<2x128xf32, #tpu.memory_space<vmem>> -> memref<1x128xf32, #tpu.memory_space<vmem>>
      %get3A_430 = tpu.memref_squeeze %get3A_429 : memref<1x128xf32, #tpu.memory_space<vmem>> -> memref<128xf32, #tpu.memory_space<vmem>>
      %get3A_431 = arith.constant 64 : index
      %get3A_432 = tpu.vector_load %get3A_430[%get3A_431] {strides = array<i32>} : memref<128xf32, #tpu.memory_space<vmem>>, vector<16xf32>,
      %get3A_433 = arith.constant 0 : i32
      %get3A_434 = tpu.memref_slice %arg12[%rem3A_275, %get3A_433] : memref<2x128xf32, #tpu.memory_space<vmem>> -> memref<1x128xf32, #tpu.memory_space<vmem>>
      %get3A_435 = tpu.memref_squeeze %get3A_434 : memref<1x128xf32, #tpu.memory_space<vmem>> -> memref<128xf32, #tpu.memory_space<vmem>>
      %get3A_436 = arith.constant 64 : index
      %get3A_437 = tpu.vector_load %get3A_435[%get3A_436] {strides = array<i32>} : memref<128xf32, #tpu.memory_space<vmem>>, vector<16xf32>,
      %add3A_438 = arith.addf %get3A_432, %get3A_437 : vector<16xf32>
      %gt3A_439 = arith.constant 0.000000e+00 : f32
      %gt3A_440 = vector.broadcast %gt3A_439 : f32 to vector<16xf32>
      %gt3A_441 = arith.cmpf ogt, %add3A_438, %gt3A_440 : vector<16xf32>
      %mul3A_442 = arith.constant 2.000000e-01 : f32
      %mul3A_443 = vector.broadcast %mul3A_442 : f32 to vector<16xf32>
      %mul3A_444 = arith.mulf %mul3A_443, %add3A_438 : vector<16xf32>
      %select_n3A_445 = arith.select %gt3A_441, %add3A_438, %mul3A_444 : vector<16xi1>, vector<16xf32>
      %sub3A_446 = arith.subf %select_n3A_445, %get3A_86 : vector<16xf32>
      %exp3A_447 = math.exp %sub3A_446 : vector<16xf32>
      %swap3A_448 = arith.constant 0 : i32
      %swap3A_449 = tpu.memref_slice %arg14[%rem3A_275, %swap3A_448] : memref<2x128xf32, #tpu.memory_space<vmem>> -> memref<1x128xf32, #tpu.memory_space<vmem>>
      %swap3A_450 = tpu.memref_squeeze %swap3A_449 : memref<1x128xf32, #tpu.memory_space<vmem>> -> memref<128xf32, #tpu.memory_space<vmem>>
      %swap3A_451 = arith.constant 64 : index
      %swap3A_452 = tpu.vector_load %swap3A_450[%swap3A_451] {strides = array<i32>} : memref<128xf32, #tpu.memory_space<vmem>>, vector<16xf32>,
      tpu.vector_store %swap3A_450[%swap3A_451], %exp3A_447 {strides = array<i32>} : memref<128xf32, #tpu.memory_space<vmem>>, vector<16xf32>,
      %get3A_453 = arith.constant 0 : i32
      %get3A_454 = tpu.memref_slice %arg11[%rem3A_275, %get3A_453] : memref<2x128xf32, #tpu.memory_space<vmem>> -> memref<1x128xf32, #tpu.memory_space<vmem>>
      %get3A_455 = tpu.memref_squeeze %get3A_454 : memref<1x128xf32, #tpu.memory_space<vmem>> -> memref<128xf32, #tpu.memory_space<vmem>>
      %get3A_456 = arith.constant 80 : index
      %get3A_457 = tpu.vector_load %get3A_455[%get3A_456] {strides = array<i32>} : memref<128xf32, #tpu.memory_space<vmem>>, vector<16xf32>,
      %get3A_458 = arith.constant 0 : i32
      %get3A_459 = tpu.memref_slice %arg12[%rem3A_275, %get3A_458] : memref<2x128xf32, #tpu.memory_space<vmem>> -> memref<1x128xf32, #tpu.memory_space<vmem>>
      %get3A_460 = tpu.memref_squeeze %get3A_459 : memref<1x128xf32, #tpu.memory_space<vmem>> -> memref<128xf32, #tpu.memory_space<vmem>>
      %get3A_461 = arith.constant 80 : index
      %get3A_462 = tpu.vector_load %get3A_460[%get3A_461] {strides = array<i32>} : memref<128xf32, #tpu.memory_space<vmem>>, vector<16xf32>,
      %add3A_463 = arith.addf %get3A_457, %get3A_462 : vector<16xf32>
      %gt3A_464 = arith.constant 0.000000e+00 : f32
      %gt3A_465 = vector.broadcast %gt3A_464 : f32 to vector<16xf32>
      %gt3A_466 = arith.cmpf ogt, %add3A_463, %gt3A_465 : vector<16xf32>
      %mul3A_467 = arith.constant 2.000000e-01 : f32
      %mul3A_468 = vector.broadcast %mul3A_467 : f32 to vector<16xf32>
      %mul3A_469 = arith.mulf %mul3A_468, %add3A_463 : vector<16xf32>
      %select_n3A_470 = arith.select %gt3A_466, %add3A_463, %mul3A_469 : vector<16xi1>, vector<16xf32>
      %sub3A_471 = arith.subf %select_n3A_470, %get3A_86 : vector<16xf32>
      %exp3A_472 = math.exp %sub3A_471 : vector<16xf32>
      %swap3A_473 = arith.constant 0 : i32
      %swap3A_474 = tpu.memref_slice %arg14[%rem3A_275, %swap3A_473] : memref<2x128xf32, #tpu.memory_space<vmem>> -> memref<1x128xf32, #tpu.memory_space<vmem>>
      %swap3A_475 = tpu.memref_squeeze %swap3A_474 : memref<1x128xf32, #tpu.memory_space<vmem>> -> memref<128xf32, #tpu.memory_space<vmem>>
      %swap3A_476 = arith.constant 80 : index
      %swap3A_477 = tpu.vector_load %swap3A_475[%swap3A_476] {strides = array<i32>} : memref<128xf32, #tpu.memory_space<vmem>>, vector<16xf32>,
      tpu.vector_store %swap3A_475[%swap3A_476], %exp3A_472 {strides = array<i32>} : memref<128xf32, #tpu.memory_space<vmem>>, vector<16xf32>,
      %get3A_478 = arith.constant 0 : i32
      %get3A_479 = tpu.memref_slice %arg11[%rem3A_275, %get3A_478] : memref<2x128xf32, #tpu.memory_space<vmem>> -> memref<1x128xf32, #tpu.memory_space<vmem>>
      %get3A_480 = tpu.memref_squeeze %get3A_479 : memref<1x128xf32, #tpu.memory_space<vmem>> -> memref<128xf32, #tpu.memory_space<vmem>>
      %get3A_481 = arith.constant 96 : index
      %get3A_482 = tpu.vector_load %get3A_480[%get3A_481] {strides = array<i32>} : memref<128xf32, #tpu.memory_space<vmem>>, vector<16xf32>,
      %get3A_483 = arith.constant 0 : i32
      %get3A_484 = tpu.memref_slice %arg12[%rem3A_275, %get3A_483] : memref<2x128xf32, #tpu.memory_space<vmem>> -> memref<1x128xf32, #tpu.memory_space<vmem>>
      %get3A_485 = tpu.memref_squeeze %get3A_484 : memref<1x128xf32, #tpu.memory_space<vmem>> -> memref<128xf32, #tpu.memory_space<vmem>>
      %get3A_486 = arith.constant 96 : index
      %get3A_487 = tpu.vector_load %get3A_485[%get3A_486] {strides = array<i32>} : memref<128xf32, #tpu.memory_space<vmem>>, vector<16xf32>,
      %add3A_488 = arith.addf %get3A_482, %get3A_487 : vector<16xf32>
      %gt3A_489 = arith.constant 0.000000e+00 : f32
      %gt3A_490 = vector.broadcast %gt3A_489 : f32 to vector<16xf32>
      %gt3A_491 = arith.cmpf ogt, %add3A_488, %gt3A_490 : vector<16xf32>
      %mul3A_492 = arith.constant 2.000000e-01 : f32
      %mul3A_493 = vector.broadcast %mul3A_492 : f32 to vector<16xf32>
      %mul3A_494 = arith.mulf %mul3A_493, %add3A_488 : vector<16xf32>
      %select_n3A_495 = arith.select %gt3A_491, %add3A_488, %mul3A_494 : vector<16xi1>, vector<16xf32>
      %sub3A_496 = arith.subf %select_n3A_495, %get3A_86 : vector<16xf32>
      %exp3A_497 = math.exp %sub3A_496 : vector<16xf32>
      %swap3A_498 = arith.constant 0 : i32
      %swap3A_499 = tpu.memref_slice %arg14[%rem3A_275, %swap3A_498] : memref<2x128xf32, #tpu.memory_space<vmem>> -> memref<1x128xf32, #tpu.memory_space<vmem>>
      %swap3A_500 = tpu.memref_squeeze %swap3A_499 : memref<1x128xf32, #tpu.memory_space<vmem>> -> memref<128xf32, #tpu.memory_space<vmem>>
      %swap3A_501 = arith.constant 96 : index
      %swap3A_502 = tpu.vector_load %swap3A_500[%swap3A_501] {strides = array<i32>} : memref<128xf32, #tpu.memory_space<vmem>>, vector<16xf32>,
      tpu.vector_store %swap3A_500[%swap3A_501], %exp3A_497 {strides = array<i32>} : memref<128xf32, #tpu.memory_space<vmem>>, vector<16xf32>,
      %get3A_503 = arith.constant 0 : i32
      %get3A_504 = tpu.memref_slice %arg11[%rem3A_275, %get3A_503] : memref<2x128xf32, #tpu.memory_space<vmem>> -> memref<1x128xf32, #tpu.memory_space<vmem>>
      %get3A_505 = tpu.memref_squeeze %get3A_504 : memref<1x128xf32, #tpu.memory_space<vmem>> -> memref<128xf32, #tpu.memory_space<vmem>>
      %get3A_506 = arith.constant 112 : index
      %get3A_507 = tpu.vector_load %get3A_505[%get3A_506] {strides = array<i32>} : memref<128xf32, #tpu.memory_space<vmem>>, vector<16xf32>,
      %get3A_508 = arith.constant 0 : i32
      %get3A_509 = tpu.memref_slice %arg12[%rem3A_275, %get3A_508] : memref<2x128xf32, #tpu.memory_space<vmem>> -> memref<1x128xf32, #tpu.memory_space<vmem>>
      %get3A_510 = tpu.memref_squeeze %get3A_509 : memref<1x128xf32, #tpu.memory_space<vmem>> -> memref<128xf32, #tpu.memory_space<vmem>>
      %get3A_511 = arith.constant 112 : index
      %get3A_512 = tpu.vector_load %get3A_510[%get3A_511] {strides = array<i32>} : memref<128xf32, #tpu.memory_space<vmem>>, vector<16xf32>,
      %add3A_513 = arith.addf %get3A_507, %get3A_512 : vector<16xf32>
      %gt3A_514 = arith.constant 0.000000e+00 : f32
      %gt3A_515 = vector.broadcast %gt3A_514 : f32 to vector<16xf32>
      %gt3A_516 = arith.cmpf ogt, %add3A_513, %gt3A_515 : vector<16xf32>
      %mul3A_517 = arith.constant 2.000000e-01 : f32
      %mul3A_518 = vector.broadcast %mul3A_517 : f32 to vector<16xf32>
      %mul3A_519 = arith.mulf %mul3A_518, %add3A_513 : vector<16xf32>
      %select_n3A_520 = arith.select %gt3A_516, %add3A_513, %mul3A_519 : vector<16xi1>, vector<16xf32>
      %sub3A_521 = arith.subf %select_n3A_520, %get3A_86 : vector<16xf32>
      %exp3A_522 = math.exp %sub3A_521 : vector<16xf32>
      %swap3A_523 = arith.constant 0 : i32
      %swap3A_524 = tpu.memref_slice %arg14[%rem3A_275, %swap3A_523] : memref<2x128xf32, #tpu.memory_space<vmem>> -> memref<1x128xf32, #tpu.memory_space<vmem>>
      %swap3A_525 = tpu.memref_squeeze %swap3A_524 : memref<1x128xf32, #tpu.memory_space<vmem>> -> memref<128xf32, #tpu.memory_space<vmem>>
      %swap3A_526 = arith.constant 112 : index
      %swap3A_527 = tpu.vector_load %swap3A_525[%swap3A_526] {strides = array<i32>} : memref<128xf32, #tpu.memory_space<vmem>>, vector<16xf32>,
      tpu.vector_store %swap3A_525[%swap3A_526], %exp3A_522 {strides = array<i32>} : memref<128xf32, #tpu.memory_space<vmem>>, vector<16xf32>,
      %scan3A_528 = arith.constant 0 : i32
      %scan3A_529 = arith.constant 0 : i32
      %scan3A_530 = arith.constant 8 : i32
      %scan3A_531 = arith.addi %scan3A_529, %scan3A_530 : i32
      %scan3A_532 = arith.constant 1 : i32
      scf.for %scan3A_558 = %scan3A_529 to %scan3A_531 step %scan3A_532  : i32 {
        %mul3A_559 = arith.constant 16 : i32
        %mul3A_560 = arith.muli %scan3A_558, %mul3A_559 : i32
        %get3A_561 = arith.constant 0 : i32
        %get3A_562 = tpu.memref_slice %arg14[%rem3A_275, %get3A_561] : memref<2x128xf32, #tpu.memory_space<vmem>> -> memref<1x128xf32, #tpu.memory_space<vmem>>
        %get3A_563 = tpu.memref_squeeze %get3A_562 : memref<1x128xf32, #tpu.memory_space<vmem>> -> memref<128xf32, #tpu.memory_space<vmem>>
        %get3A_564 = arith.index_cast %mul3A_560 : i32 to index
        %get3A_565 = tpu.vector_load %get3A_563[%get3A_564] {strides = array<i32>} : memref<128xf32, #tpu.memory_space<vmem>>, vector<16xf32>,
        %slice3A = vector.extract_strided_slice %get3A_565 {offsets = [0], sizes = [1], strides = [1]} : vector<16xf32> to vector<1xf32>
        %squeeze3A = vector.extract %slice3A[0] : f32 from vector<1xf32>
        %mul3A_566 = arith.constant 16 : i32
        %mul3A_567 = arith.muli %scan3A_558, %mul3A_566 : i32
        %add3A_568 = arith.constant 0 : i32
        %add3A_569 = arith.addi %mul3A_567, %add3A_568 : i32
        %get3A_570 = arith.constant 0 : i32
        %get3A_571 = arith.constant 0 : i32
        %get3A_572 = tpu.memref_slice %arg15[%rem3A_275, %get3A_570, %get3A_571] : memref<2x128x128xf32, #tpu.memory_space<vmem>> -> memref<1x128x128xf32, #tpu.memory_space<vmem>>
        %get3A_573 = tpu.memref_squeeze %get3A_572 : memref<1x128x128xf32, #tpu.memory_space<vmem>> -> memref<128x128xf32, #tpu.memory_space<vmem>>
        %get3A_574 = arith.index_cast %add3A_569 : i32 to index
        %get3A_575 = arith.constant 0 : index
        %get3A_576 = tpu.vector_load %get3A_573[%get3A_574, %get3A_575] {strides = array<i32>} : memref<128x128xf32, #tpu.memory_space<vmem>>, vector<16xf32>,
        %mul3A_577 = vector.broadcast %squeeze3A : f32 to vector<16xf32>
        %mul3A_578 = arith.mulf %get3A_576, %mul3A_577 : vector<16xf32>
        %swap3A_579 = arith.constant 0 : i32
        %swap3A_580 = arith.constant 0 : i32
        %swap3A_581 = tpu.memref_slice %arg15[%rem3A_275, %swap3A_579, %swap3A_580] : memref<2x128x128xf32, #tpu.memory_space<vmem>> -> memref<1x128x128xf32, #tpu.memory_space<vmem>>
        %swap3A_582 = tpu.memref_squeeze %swap3A_581 : memref<1x128x128xf32, #tpu.memory_space<vmem>> -> memref<128x128xf32, #tpu.memory_space<vmem>>
        %swap3A_583 = arith.index_cast %add3A_569 : i32 to index
        %swap3A_584 = arith.constant 0 : index
        %swap3A_585 = tpu.vector_load %swap3A_582[%swap3A_583, %swap3A_584] {strides = array<i32>} : memref<128x128xf32, #tpu.memory_space<vmem>>, vector<16xf32>,
        tpu.vector_store %swap3A_582[%swap3A_583, %swap3A_584], %mul3A_578 {strides = array<i32>} : memref<128x128xf32, #tpu.memory_space<vmem>>, vector<16xf32>,
        %get3A_586 = arith.constant 0 : i32
        %get3A_587 = arith.constant 0 : i32
        %get3A_588 = tpu.memref_slice %arg15[%rem3A_275, %get3A_586, %get3A_587] : memref<2x128x128xf32, #tpu.memory_space<vmem>> -> memref<1x128x128xf32, #tpu.memory_space<vmem>>
        %get3A_589 = tpu.memref_squeeze %get3A_588 : memref<1x128x128xf32, #tpu.memory_space<vmem>> -> memref<128x128xf32, #tpu.memory_space<vmem>>
        %get3A_590 = arith.index_cast %add3A_569 : i32 to index
        %get3A_591 = arith.constant 16 : index
        %get3A_592 = tpu.vector_load %get3A_589[%get3A_590, %get3A_591] {strides = array<i32>} : memref<128x128xf32, #tpu.memory_space<vmem>>, vector<16xf32>,
        %mul3A_593 = vector.broadcast %squeeze3A : f32 to vector<16xf32>
        %mul3A_594 = arith.mulf %get3A_592, %mul3A_593 : vector<16xf32>
        %swap3A_595 = arith.constant 0 : i32
        %swap3A_596 = arith.constant 0 : i32
        %swap3A_597 = tpu.memref_slice %arg15[%rem3A_275, %swap3A_595, %swap3A_596] : memref<2x128x128xf32, #tpu.memory_space<vmem>> -> memref<1x128x128xf32, #tpu.memory_space<vmem>>
        %swap3A_598 = tpu.memref_squeeze %swap3A_597 : memref<1x128x128xf32, #tpu.memory_space<vmem>> -> memref<128x128xf32, #tpu.memory_space<vmem>>
        %swap3A_599 = arith.index_cast %add3A_569 : i32 to index
        %swap3A_600 = arith.constant 16 : index
        %swap3A_601 = tpu.vector_load %swap3A_598[%swap3A_599, %swap3A_600] {strides = array<i32>} : memref<128x128xf32, #tpu.memory_space<vmem>>, vector<16xf32>,
        tpu.vector_store %swap3A_598[%swap3A_599, %swap3A_600], %mul3A_594 {strides = array<i32>} : memref<128x128xf32, #tpu.memory_space<vmem>>, vector<16xf32>,
        %get3A_602 = arith.constant 0 : i32
        %get3A_603 = arith.constant 0 : i32
        %get3A_604 = tpu.memref_slice %arg15[%rem3A_275, %get3A_602, %get3A_603] : memref<2x128x128xf32, #tpu.memory_space<vmem>> -> memref<1x128x128xf32, #tpu.memory_space<vmem>>
        %get3A_605 = tpu.memref_squeeze %get3A_604 : memref<1x128x128xf32, #tpu.memory_space<vmem>> -> memref<128x128xf32, #tpu.memory_space<vmem>>
        %get3A_606 = arith.index_cast %add3A_569 : i32 to index
        %get3A_607 = arith.constant 32 : index
        %get3A_608 = tpu.vector_load %get3A_605[%get3A_606, %get3A_607] {strides = array<i32>} : memref<128x128xf32, #tpu.memory_space<vmem>>, vector<16xf32>,
        %mul3A_609 = vector.broadcast %squeeze3A : f32 to vector<16xf32>
        %mul3A_610 = arith.mulf %get3A_608, %mul3A_609 : vector<16xf32>
        %swap3A_611 = arith.constant 0 : i32
        %swap3A_612 = arith.constant 0 : i32
        %swap3A_613 = tpu.memref_slice %arg15[%rem3A_275, %swap3A_611, %swap3A_612] : memref<2x128x128xf32, #tpu.memory_space<vmem>> -> memref<1x128x128xf32, #tpu.memory_space<vmem>>
        %swap3A_614 = tpu.memref_squeeze %swap3A_613 : memref<1x128x128xf32, #tpu.memory_space<vmem>> -> memref<128x128xf32, #tpu.memory_space<vmem>>
        %swap3A_615 = arith.index_cast %add3A_569 : i32 to index
        %swap3A_616 = arith.constant 32 : index
        %swap3A_617 = tpu.vector_load %swap3A_614[%swap3A_615, %swap3A_616] {strides = array<i32>} : memref<128x128xf32, #tpu.memory_space<vmem>>, vector<16xf32>,
        tpu.vector_store %swap3A_614[%swap3A_615, %swap3A_616], %mul3A_610 {strides = array<i32>} : memref<128x128xf32, #tpu.memory_space<vmem>>, vector<16xf32>,
        %get3A_618 = arith.constant 0 : i32
        %get3A_619 = arith.constant 0 : i32
        %get3A_620 = tpu.memref_slice %arg15[%rem3A_275, %get3A_618, %get3A_619] : memref<2x128x128xf32, #tpu.memory_space<vmem>> -> memref<1x128x128xf32, #tpu.memory_space<vmem>>
        %get3A_621 = tpu.memref_squeeze %get3A_620 : memref<1x128x128xf32, #tpu.memory_space<vmem>> -> memref<128x128xf32, #tpu.memory_space<vmem>>
        %get3A_622 = arith.index_cast %add3A_569 : i32 to index
        %get3A_623 = arith.constant 48 : index
        %get3A_624 = tpu.vector_load %get3A_621[%get3A_622, %get3A_623] {strides = array<i32>} : memref<128x128xf32, #tpu.memory_space<vmem>>, vector<16xf32>,
        %mul3A_625 = vector.broadcast %squeeze3A : f32 to vector<16xf32>
        %mul3A_626 = arith.mulf %get3A_624, %mul3A_625 : vector<16xf32>
        %swap3A_627 = arith.constant 0 : i32
        %swap3A_628 = arith.constant 0 : i32
        %swap3A_629 = tpu.memref_slice %arg15[%rem3A_275, %swap3A_627, %swap3A_628] : memref<2x128x128xf32, #tpu.memory_space<vmem>> -> memref<1x128x128xf32, #tpu.memory_space<vmem>>
        %swap3A_630 = tpu.memref_squeeze %swap3A_629 : memref<1x128x128xf32, #tpu.memory_space<vmem>> -> memref<128x128xf32, #tpu.memory_space<vmem>>
        %swap3A_631 = arith.index_cast %add3A_569 : i32 to index
        %swap3A_632 = arith.constant 48 : index
        %swap3A_633 = tpu.vector_load %swap3A_630[%swap3A_631, %swap3A_632] {strides = array<i32>} : memref<128x128xf32, #tpu.memory_space<vmem>>, vector<16xf32>,
        tpu.vector_store %swap3A_630[%swap3A_631, %swap3A_632], %mul3A_626 {strides = array<i32>} : memref<128x128xf32, #tpu.memory_space<vmem>>, vector<16xf32>,
        %get3A_634 = arith.constant 0 : i32
        %get3A_635 = arith.constant 0 : i32
        %get3A_636 = tpu.memref_slice %arg15[%rem3A_275, %get3A_634, %get3A_635] : memref<2x128x128xf32, #tpu.memory_space<vmem>> -> memref<1x128x128xf32, #tpu.memory_space<vmem>>
        %get3A_637 = tpu.memref_squeeze %get3A_636 : memref<1x128x128xf32, #tpu.memory_space<vmem>> -> memref<128x128xf32, #tpu.memory_space<vmem>>
        %get3A_638 = arith.index_cast %add3A_569 : i32 to index
        %get3A_639 = arith.constant 64 : index
        %get3A_640 = tpu.vector_load %get3A_637[%get3A_638, %get3A_639] {strides = array<i32>} : memref<128x128xf32, #tpu.memory_space<vmem>>, vector<16xf32>,
        %mul3A_641 = vector.broadcast %squeeze3A : f32 to vector<16xf32>
        %mul3A_642 = arith.mulf %get3A_640, %mul3A_641 : vector<16xf32>
        %swap3A_643 = arith.constant 0 : i32
        %swap3A_644 = arith.constant 0 : i32
        %swap3A_645 = tpu.memref_slice %arg15[%rem3A_275, %swap3A_643, %swap3A_644] : memref<2x128x128xf32, #tpu.memory_space<vmem>> -> memref<1x128x128xf32, #tpu.memory_space<vmem>>
        %swap3A_646 = tpu.memref_squeeze %swap3A_645 : memref<1x128x128xf32, #tpu.memory_space<vmem>> -> memref<128x128xf32, #tpu.memory_space<vmem>>
        %swap3A_647 = arith.index_cast %add3A_569 : i32 to index
        %swap3A_648 = arith.constant 64 : index
        %swap3A_649 = tpu.vector_load %swap3A_646[%swap3A_647, %swap3A_648] {strides = array<i32>} : memref<128x128xf32, #tpu.memory_space<vmem>>, vector<16xf32>,
        tpu.vector_store %swap3A_646[%swap3A_647, %swap3A_648], %mul3A_642 {strides = array<i32>} : memref<128x128xf32, #tpu.memory_space<vmem>>, vector<16xf32>,
        %get3A_650 = arith.constant 0 : i32
        %get3A_651 = arith.constant 0 : i32
        %get3A_652 = tpu.memref_slice %arg15[%rem3A_275, %get3A_650, %get3A_651] : memref<2x128x128xf32, #tpu.memory_space<vmem>> -> memref<1x128x128xf32, #tpu.memory_space<vmem>>
        %get3A_653 = tpu.memref_squeeze %get3A_652 : memref<1x128x128xf32, #tpu.memory_space<vmem>> -> memref<128x128xf32, #tpu.memory_space<vmem>>
        %get3A_654 = arith.index_cast %add3A_569 : i32 to index
        %get3A_655 = arith.constant 80 : index
        %get3A_656 = tpu.vector_load %get3A_653[%get3A_654, %get3A_655] {strides = array<i32>} : memref<128x128xf32, #tpu.memory_space<vmem>>, vector<16xf32>,
        %mul3A_657 = vector.broadcast %squeeze3A : f32 to vector<16xf32>
        %mul3A_658 = arith.mulf %get3A_656, %mul3A_657 : vector<16xf32>
        %swap3A_659 = arith.constant 0 : i32
        %swap3A_660 = arith.constant 0 : i32
        %swap3A_661 = tpu.memref_slice %arg15[%rem3A_275, %swap3A_659, %swap3A_660] : memref<2x128x128xf32, #tpu.memory_space<vmem>> -> memref<1x128x128xf32, #tpu.memory_space<vmem>>
        %swap3A_662 = tpu.memref_squeeze %swap3A_661 : memref<1x128x128xf32, #tpu.memory_space<vmem>> -> memref<128x128xf32, #tpu.memory_space<vmem>>
        %swap3A_663 = arith.index_cast %add3A_569 : i32 to index
        %swap3A_664 = arith.constant 80 : index
        %swap3A_665 = tpu.vector_load %swap3A_662[%swap3A_663, %swap3A_664] {strides = array<i32>} : memref<128x128xf32, #tpu.memory_space<vmem>>, vector<16xf32>,
        tpu.vector_store %swap3A_662[%swap3A_663, %swap3A_664], %mul3A_658 {strides = array<i32>} : memref<128x128xf32, #tpu.memory_space<vmem>>, vector<16xf32>,
        %get3A_666 = arith.constant 0 : i32
        %get3A_667 = arith.constant 0 : i32
        %get3A_668 = tpu.memref_slice %arg15[%rem3A_275, %get3A_666, %get3A_667] : memref<2x128x128xf32, #tpu.memory_space<vmem>> -> memref<1x128x128xf32, #tpu.memory_space<vmem>>
        %get3A_669 = tpu.memref_squeeze %get3A_668 : memref<1x128x128xf32, #tpu.memory_space<vmem>> -> memref<128x128xf32, #tpu.memory_space<vmem>>
        %get3A_670 = arith.index_cast %add3A_569 : i32 to index
        %get3A_671 = arith.constant 96 : index
        %get3A_672 = tpu.vector_load %get3A_669[%get3A_670, %get3A_671] {strides = array<i32>} : memref<128x128xf32, #tpu.memory_space<vmem>>, vector<16xf32>,
        %mul3A_673 = vector.broadcast %squeeze3A : f32 to vector<16xf32>
        %mul3A_674 = arith.mulf %get3A_672, %mul3A_673 : vector<16xf32>
        %swap3A_675 = arith.constant 0 : i32
        %swap3A_676 = arith.constant 0 : i32
        %swap3A_677 = tpu.memref_slice %arg15[%rem3A_275, %swap3A_675, %swap3A_676] : memref<2x128x128xf32, #tpu.memory_space<vmem>> -> memref<1x128x128xf32, #tpu.memory_space<vmem>>
        %swap3A_678 = tpu.memref_squeeze %swap3A_677 : memref<1x128x128xf32, #tpu.memory_space<vmem>> -> memref<128x128xf32, #tpu.memory_space<vmem>>
        %swap3A_679 = arith.index_cast %add3A_569 : i32 to index
        %swap3A_680 = arith.constant 96 : index
        %swap3A_681 = tpu.vector_load %swap3A_678[%swap3A_679, %swap3A_680] {strides = array<i32>} : memref<128x128xf32, #tpu.memory_space<vmem>>, vector<16xf32>,
        tpu.vector_store %swap3A_678[%swap3A_679, %swap3A_680], %mul3A_674 {strides = array<i32>} : memref<128x128xf32, #tpu.memory_space<vmem>>, vector<16xf32>,
        %get3A_682 = arith.constant 0 : i32
        %get3A_683 = arith.constant 0 : i32
        %get3A_684 = tpu.memref_slice %arg15[%rem3A_275, %get3A_682, %get3A_683] : memref<2x128x128xf32, #tpu.memory_space<vmem>> -> memref<1x128x128xf32, #tpu.memory_space<vmem>>
        %get3A_685 = tpu.memref_squeeze %get3A_684 : memref<1x128x128xf32, #tpu.memory_space<vmem>> -> memref<128x128xf32, #tpu.memory_space<vmem>>
        %get3A_686 = arith.index_cast %add3A_569 : i32 to index
        %get3A_687 = arith.constant 112 : index
        %get3A_688 = tpu.vector_load %get3A_685[%get3A_686, %get3A_687] {strides = array<i32>} : memref<128x128xf32, #tpu.memory_space<vmem>>, vector<16xf32>,
        %mul3A_689 = vector.broadcast %squeeze3A : f32 to vector<16xf32>
        %mul3A_690 = arith.mulf %get3A_688, %mul3A_689 : vector<16xf32>
        %swap3A_691 = arith.constant 0 : i32
        %swap3A_692 = arith.constant 0 : i32
        %swap3A_693 = tpu.memref_slice %arg15[%rem3A_275, %swap3A_691, %swap3A_692] : memref<2x128x128xf32, #tpu.memory_space<vmem>> -> memref<1x128x128xf32, #tpu.memory_space<vmem>>
        %swap3A_694 = tpu.memref_squeeze %swap3A_693 : memref<1x128x128xf32, #tpu.memory_space<vmem>> -> memref<128x128xf32, #tpu.memory_space<vmem>>
        %swap3A_695 = arith.index_cast %add3A_569 : i32 to index
        %swap3A_696 = arith.constant 112 : index
        %swap3A_697 = tpu.vector_load %swap3A_694[%swap3A_695, %swap3A_696] {strides = array<i32>} : memref<128x128xf32, #tpu.memory_space<vmem>>, vector<16xf32>,
        tpu.vector_store %swap3A_694[%swap3A_695, %swap3A_696], %mul3A_690 {strides = array<i32>} : memref<128x128xf32, #tpu.memory_space<vmem>>, vector<16xf32>,
        %slice3A_698 = vector.extract_strided_slice %get3A_565 {offsets = [1], sizes = [1], strides = [1]} : vector<16xf32> to vector<1xf32>
        %squeeze3A_699 = vector.extract %slice3A_698[0] : f32 from vector<1xf32>
        %mul3A_700 = arith.constant 16 : i32
        %mul3A_701 = arith.muli %scan3A_558, %mul3A_700 : i32
        %add3A_702 = arith.constant 1 : i32
        %add3A_703 = arith.addi %mul3A_701, %add3A_702 : i32
        %get3A_704 = arith.constant 0 : i32
        %get3A_705 = arith.constant 0 : i32
        %get3A_706 = tpu.memref_slice %arg15[%rem3A_275, %get3A_704, %get3A_705] : memref<2x128x128xf32, #tpu.memory_space<vmem>> -> memref<1x128x128xf32, #tpu.memory_space<vmem>>
        %get3A_707 = tpu.memref_squeeze %get3A_706 : memref<1x128x128xf32, #tpu.memory_space<vmem>> -> memref<128x128xf32, #tpu.memory_space<vmem>>
        %get3A_708 = arith.index_cast %add3A_703 : i32 to index
        %get3A_709 = arith.constant 0 : index
        %get3A_710 = tpu.vector_load %get3A_707[%get3A_708, %get3A_709] {strides = array<i32>} : memref<128x128xf32, #tpu.memory_space<vmem>>, vector<16xf32>,
        %mul3A_711 = vector.broadcast %squeeze3A_699 : f32 to vector<16xf32>
        %mul3A_712 = arith.mulf %get3A_710, %mul3A_711 : vector<16xf32>
        %swap3A_713 = arith.constant 0 : i32
        %swap3A_714 = arith.constant 0 : i32
        %swap3A_715 = tpu.memref_slice %arg15[%rem3A_275, %swap3A_713, %swap3A_714] : memref<2x128x128xf32, #tpu.memory_space<vmem>> -> memref<1x128x128xf32, #tpu.memory_space<vmem>>
        %swap3A_716 = tpu.memref_squeeze %swap3A_715 : memref<1x128x128xf32, #tpu.memory_space<vmem>> -> memref<128x128xf32, #tpu.memory_space<vmem>>
        %swap3A_717 = arith.index_cast %add3A_703 : i32 to index
        %swap3A_718 = arith.constant 0 : index
        %swap3A_719 = tpu.vector_load %swap3A_716[%swap3A_717, %swap3A_718] {strides = array<i32>} : memref<128x128xf32, #tpu.memory_space<vmem>>, vector<16xf32>,
        tpu.vector_store %swap3A_716[%swap3A_717, %swap3A_718], %mul3A_712 {strides = array<i32>} : memref<128x128xf32, #tpu.memory_space<vmem>>, vector<16xf32>,
        %get3A_720 = arith.constant 0 : i32
        %get3A_721 = arith.constant 0 : i32
        %get3A_722 = tpu.memref_slice %arg15[%rem3A_275, %get3A_720, %get3A_721] : memref<2x128x128xf32, #tpu.memory_space<vmem>> -> memref<1x128x128xf32, #tpu.memory_space<vmem>>
        %get3A_723 = tpu.memref_squeeze %get3A_722 : memref<1x128x128xf32, #tpu.memory_space<vmem>> -> memref<128x128xf32, #tpu.memory_space<vmem>>
        %get3A_724 = arith.index_cast %add3A_703 : i32 to index
        %get3A_725 = arith.constant 16 : index
        %get3A_726 = tpu.vector_load %get3A_723[%get3A_724, %get3A_725] {strides = array<i32>} : memref<128x128xf32, #tpu.memory_space<vmem>>, vector<16xf32>,
        %mul3A_727 = vector.broadcast %squeeze3A_699 : f32 to vector<16xf32>
        %mul3A_728 = arith.mulf %get3A_726, %mul3A_727 : vector<16xf32>
        %swap3A_729 = arith.constant 0 : i32
        %swap3A_730 = arith.constant 0 : i32
        %swap3A_731 = tpu.memref_slice %arg15[%rem3A_275, %swap3A_729, %swap3A_730] : memref<2x128x128xf32, #tpu.memory_space<vmem>> -> memref<1x128x128xf32, #tpu.memory_space<vmem>>
        %swap3A_732 = tpu.memref_squeeze %swap3A_731 : memref<1x128x128xf32, #tpu.memory_space<vmem>> -> memref<128x128xf32, #tpu.memory_space<vmem>>
        %swap3A_733 = arith.index_cast %add3A_703 : i32 to index
        %swap3A_734 = arith.constant 16 : index
        %swap3A_735 = tpu.vector_load %swap3A_732[%swap3A_733, %swap3A_734] {strides = array<i32>} : memref<128x128xf32, #tpu.memory_space<vmem>>, vector<16xf32>,
        tpu.vector_store %swap3A_732[%swap3A_733, %swap3A_734], %mul3A_728 {strides = array<i32>} : memref<128x128xf32, #tpu.memory_space<vmem>>, vector<16xf32>,
        %get3A_736 = arith.constant 0 : i32
        %get3A_737 = arith.constant 0 : i32
        %get3A_738 = tpu.memref_slice %arg15[%rem3A_275, %get3A_736, %get3A_737] : memref<2x128x128xf32, #tpu.memory_space<vmem>> -> memref<1x128x128xf32, #tpu.memory_space<vmem>>
        %get3A_739 = tpu.memref_squeeze %get3A_738 : memref<1x128x128xf32, #tpu.memory_space<vmem>> -> memref<128x128xf32, #tpu.memory_space<vmem>>
        %get3A_740 = arith.index_cast %add3A_703 : i32 to index
        %get3A_741 = arith.constant 32 : index
        %get3A_742 = tpu.vector_load %get3A_739[%get3A_740, %get3A_741] {strides = array<i32>} : memref<128x128xf32, #tpu.memory_space<vmem>>, vector<16xf32>,
        %mul3A_743 = vector.broadcast %squeeze3A_699 : f32 to vector<16xf32>
        %mul3A_744 = arith.mulf %get3A_742, %mul3A_743 : vector<16xf32>
        %swap3A_745 = arith.constant 0 : i32
        %swap3A_746 = arith.constant 0 : i32
        %swap3A_747 = tpu.memref_slice %arg15[%rem3A_275, %swap3A_745, %swap3A_746] : memref<2x128x128xf32, #tpu.memory_space<vmem>> -> memref<1x128x128xf32, #tpu.memory_space<vmem>>
        %swap3A_748 = tpu.memref_squeeze %swap3A_747 : memref<1x128x128xf32, #tpu.memory_space<vmem>> -> memref<128x128xf32, #tpu.memory_space<vmem>>
        %swap3A_749 = arith.index_cast %add3A_703 : i32 to index
        %swap3A_750 = arith.constant 32 : index
        %swap3A_751 = tpu.vector_load %swap3A_748[%swap3A_749, %swap3A_750] {strides = array<i32>} : memref<128x128xf32, #tpu.memory_space<vmem>>, vector<16xf32>,
        tpu.vector_store %swap3A_748[%swap3A_749, %swap3A_750], %mul3A_744 {strides = array<i32>} : memref<128x128xf32, #tpu.memory_space<vmem>>, vector<16xf32>,
        %get3A_752 = arith.constant 0 : i32
        %get3A_753 = arith.constant 0 : i32
        %get3A_754 = tpu.memref_slice %arg15[%rem3A_275, %get3A_752, %get3A_753] : memref<2x128x128xf32, #tpu.memory_space<vmem>> -> memref<1x128x128xf32, #tpu.memory_space<vmem>>
        %get3A_755 = tpu.memref_squeeze %get3A_754 : memref<1x128x128xf32, #tpu.memory_space<vmem>> -> memref<128x128xf32, #tpu.memory_space<vmem>>
        %get3A_756 = arith.index_cast %add3A_703 : i32 to index
        %get3A_757 = arith.constant 48 : index
        %get3A_758 = tpu.vector_load %get3A_755[%get3A_756, %get3A_757] {strides = array<i32>} : memref<128x128xf32, #tpu.memory_space<vmem>>, vector<16xf32>,
        %mul3A_759 = vector.broadcast %squeeze3A_699 : f32 to vector<16xf32>
        %mul3A_760 = arith.mulf %get3A_758, %mul3A_759 : vector<16xf32>
        %swap3A_761 = arith.constant 0 : i32
        %swap3A_762 = arith.constant 0 : i32
        %swap3A_763 = tpu.memref_slice %arg15[%rem3A_275, %swap3A_761, %swap3A_762] : memref<2x128x128xf32, #tpu.memory_space<vmem>> -> memref<1x128x128xf32, #tpu.memory_space<vmem>>
        %swap3A_764 = tpu.memref_squeeze %swap3A_763 : memref<1x128x128xf32, #tpu.memory_space<vmem>> -> memref<128x128xf32, #tpu.memory_space<vmem>>
        %swap3A_765 = arith.index_cast %add3A_703 : i32 to index
        %swap3A_766 = arith.constant 48 : index
        %swap3A_767 = tpu.vector_load %swap3A_764[%swap3A_765, %swap3A_766] {strides = array<i32>} : memref<128x128xf32, #tpu.memory_space<vmem>>, vector<16xf32>,
        tpu.vector_store %swap3A_764[%swap3A_765, %swap3A_766], %mul3A_760 {strides = array<i32>} : memref<128x128xf32, #tpu.memory_space<vmem>>, vector<16xf32>,
        %get3A_768 = arith.constant 0 : i32
        %get3A_769 = arith.constant 0 : i32
        %get3A_770 = tpu.memref_slice %arg15[%rem3A_275, %get3A_768, %get3A_769] : memref<2x128x128xf32, #tpu.memory_space<vmem>> -> memref<1x128x128xf32, #tpu.memory_space<vmem>>
        %get3A_771 = tpu.memref_squeeze %get3A_770 : memref<1x128x128xf32, #tpu.memory_space<vmem>> -> memref<128x128xf32, #tpu.memory_space<vmem>>
        %get3A_772 = arith.index_cast %add3A_703 : i32 to index
        %get3A_773 = arith.constant 64 : index
        %get3A_774 = tpu.vector_load %get3A_771[%get3A_772, %get3A_773] {strides = array<i32>} : memref<128x128xf32, #tpu.memory_space<vmem>>, vector<16xf32>,
        %mul3A_775 = vector.broadcast %squeeze3A_699 : f32 to vector<16xf32>
        %mul3A_776 = arith.mulf %get3A_774, %mul3A_775 : vector<16xf32>
        %swap3A_777 = arith.constant 0 : i32
        %swap3A_778 = arith.constant 0 : i32
        %swap3A_779 = tpu.memref_slice %arg15[%rem3A_275, %swap3A_777, %swap3A_778] : memref<2x128x128xf32, #tpu.memory_space<vmem>> -> memref<1x128x128xf32, #tpu.memory_space<vmem>>
        %swap3A_780 = tpu.memref_squeeze %swap3A_779 : memref<1x128x128xf32, #tpu.memory_space<vmem>> -> memref<128x128xf32, #tpu.memory_space<vmem>>
        %swap3A_781 = arith.index_cast %add3A_703 : i32 to index
        %swap3A_782 = arith.constant 64 : index
        %swap3A_783 = tpu.vector_load %swap3A_780[%swap3A_781, %swap3A_782] {strides = array<i32>} : memref<128x128xf32, #tpu.memory_space<vmem>>, vector<16xf32>,
        tpu.vector_store %swap3A_780[%swap3A_781, %swap3A_782], %mul3A_776 {strides = array<i32>} : memref<128x128xf32, #tpu.memory_space<vmem>>, vector<16xf32>,
        %get3A_784 = arith.constant 0 : i32
        %get3A_785 = arith.constant 0 : i32
        %get3A_786 = tpu.memref_slice %arg15[%rem3A_275, %get3A_784, %get3A_785] : memref<2x128x128xf32, #tpu.memory_space<vmem>> -> memref<1x128x128xf32, #tpu.memory_space<vmem>>
        %get3A_787 = tpu.memref_squeeze %get3A_786 : memref<1x128x128xf32, #tpu.memory_space<vmem>> -> memref<128x128xf32, #tpu.memory_space<vmem>>
        %get3A_788 = arith.index_cast %add3A_703 : i32 to index
        %get3A_789 = arith.constant 80 : index
        %get3A_790 = tpu.vector_load %get3A_787[%get3A_788, %get3A_789] {strides = array<i32>} : memref<128x128xf32, #tpu.memory_space<vmem>>, vector<16xf32>,
        %mul3A_791 = vector.broadcast %squeeze3A_699 : f32 to vector<16xf32>
        %mul3A_792 = arith.mulf %get3A_790, %mul3A_791 : vector<16xf32>
        %swap3A_793 = arith.constant 0 : i32
        %swap3A_794 = arith.constant 0 : i32
        %swap3A_795 = tpu.memref_slice %arg15[%rem3A_275, %swap3A_793, %swap3A_794] : memref<2x128x128xf32, #tpu.memory_space<vmem>> -> memref<1x128x128xf32, #tpu.memory_space<vmem>>
        %swap3A_796 = tpu.memref_squeeze %swap3A_795 : memref<1x128x128xf32, #tpu.memory_space<vmem>> -> memref<128x128xf32, #tpu.memory_space<vmem>>
        %swap3A_797 = arith.index_cast %add3A_703 : i32 to index
        %swap3A_798 = arith.constant 80 : index
        %swap3A_799 = tpu.vector_load %swap3A_796[%swap3A_797, %swap3A_798] {strides = array<i32>} : memref<128x128xf32, #tpu.memory_space<vmem>>, vector<16xf32>,
        tpu.vector_store %swap3A_796[%swap3A_797, %swap3A_798], %mul3A_792 {strides = array<i32>} : memref<128x128xf32, #tpu.memory_space<vmem>>, vector<16xf32>,
        %get3A_800 = arith.constant 0 : i32
        %get3A_801 = arith.constant 0 : i32
        %get3A_802 = tpu.memref_slice %arg15[%rem3A_275, %get3A_800, %get3A_801] : memref<2x128x128xf32, #tpu.memory_space<vmem>> -> memref<1x128x128xf32, #tpu.memory_space<vmem>>
        %get3A_803 = tpu.memref_squeeze %get3A_802 : memref<1x128x128xf32, #tpu.memory_space<vmem>> -> memref<128x128xf32, #tpu.memory_space<vmem>>
        %get3A_804 = arith.index_cast %add3A_703 : i32 to index
        %get3A_805 = arith.constant 96 : index
        %get3A_806 = tpu.vector_load %get3A_803[%get3A_804, %get3A_805] {strides = array<i32>} : memref<128x128xf32, #tpu.memory_space<vmem>>, vector<16xf32>,
        %mul3A_807 = vector.broadcast %squeeze3A_699 : f32 to vector<16xf32>
        %mul3A_808 = arith.mulf %get3A_806, %mul3A_807 : vector<16xf32>
        %swap3A_809 = arith.constant 0 : i32
        %swap3A_810 = arith.constant 0 : i32
        %swap3A_811 = tpu.memref_slice %arg15[%rem3A_275, %swap3A_809, %swap3A_810] : memref<2x128x128xf32, #tpu.memory_space<vmem>> -> memref<1x128x128xf32, #tpu.memory_space<vmem>>
        %swap3A_812 = tpu.memref_squeeze %swap3A_811 : memref<1x128x128xf32, #tpu.memory_space<vmem>> -> memref<128x128xf32, #tpu.memory_space<vmem>>
        %swap3A_813 = arith.index_cast %add3A_703 : i32 to index
        %swap3A_814 = arith.constant 96 : index
        %swap3A_815 = tpu.vector_load %swap3A_812[%swap3A_813, %swap3A_814] {strides = array<i32>} : memref<128x128xf32, #tpu.memory_space<vmem>>, vector<16xf32>,
        tpu.vector_store %swap3A_812[%swap3A_813, %swap3A_814], %mul3A_808 {strides = array<i32>} : memref<128x128xf32, #tpu.memory_space<vmem>>, vector<16xf32>,
        %get3A_816 = arith.constant 0 : i32
        %get3A_817 = arith.constant 0 : i32
        %get3A_818 = tpu.memref_slice %arg15[%rem3A_275, %get3A_816, %get3A_817] : memref<2x128x128xf32, #tpu.memory_space<vmem>> -> memref<1x128x128xf32, #tpu.memory_space<vmem>>
        %get3A_819 = tpu.memref_squeeze %get3A_818 : memref<1x128x128xf32, #tpu.memory_space<vmem>> -> memref<128x128xf32, #tpu.memory_space<vmem>>
        %get3A_820 = arith.index_cast %add3A_703 : i32 to index
        %get3A_821 = arith.constant 112 : index
        %get3A_822 = tpu.vector_load %get3A_819[%get3A_820, %get3A_821] {strides = array<i32>} : memref<128x128xf32, #tpu.memory_space<vmem>>, vector<16xf32>,
        %mul3A_823 = vector.broadcast %squeeze3A_699 : f32 to vector<16xf32>
        %mul3A_824 = arith.mulf %get3A_822, %mul3A_823 : vector<16xf32>
        %swap3A_825 = arith.constant 0 : i32
        %swap3A_826 = arith.constant 0 : i32
        %swap3A_827 = tpu.memref_slice %arg15[%rem3A_275, %swap3A_825, %swap3A_826] : memref<2x128x128xf32, #tpu.memory_space<vmem>> -> memref<1x128x128xf32, #tpu.memory_space<vmem>>
        %swap3A_828 = tpu.memref_squeeze %swap3A_827 : memref<1x128x128xf32, #tpu.memory_space<vmem>> -> memref<128x128xf32, #tpu.memory_space<vmem>>
        %swap3A_829 = arith.index_cast %add3A_703 : i32 to index
        %swap3A_830 = arith.constant 112 : index
        %swap3A_831 = tpu.vector_load %swap3A_828[%swap3A_829, %swap3A_830] {strides = array<i32>} : memref<128x128xf32, #tpu.memory_space<vmem>>, vector<16xf32>,
        tpu.vector_store %swap3A_828[%swap3A_829, %swap3A_830], %mul3A_824 {strides = array<i32>} : memref<128x128xf32, #tpu.memory_space<vmem>>, vector<16xf32>,
        %slice3A_832 = vector.extract_strided_slice %get3A_565 {offsets = [2], sizes = [1], strides = [1]} : vector<16xf32> to vector<1xf32>
        %squeeze3A_833 = vector.extract %slice3A_832[0] : f32 from vector<1xf32>
        %mul3A_834 = arith.constant 16 : i32
        %mul3A_835 = arith.muli %scan3A_558, %mul3A_834 : i32
        %add3A_836 = arith.constant 2 : i32
        %add3A_837 = arith.addi %mul3A_835, %add3A_836 : i32
        %get3A_838 = arith.constant 0 : i32
        %get3A_839 = arith.constant 0 : i32
        %get3A_840 = tpu.memref_slice %arg15[%rem3A_275, %get3A_838, %get3A_839] : memref<2x128x128xf32, #tpu.memory_space<vmem>> -> memref<1x128x128xf32, #tpu.memory_space<vmem>>
        %get3A_841 = tpu.memref_squeeze %get3A_840 : memref<1x128x128xf32, #tpu.memory_space<vmem>> -> memref<128x128xf32, #tpu.memory_space<vmem>>
        %get3A_842 = arith.index_cast %add3A_837 : i32 to index
        %get3A_843 = arith.constant 0 : index
        %get3A_844 = tpu.vector_load %get3A_841[%get3A_842, %get3A_843] {strides = array<i32>} : memref<128x128xf32, #tpu.memory_space<vmem>>, vector<16xf32>,
        %mul3A_845 = vector.broadcast %squeeze3A_833 : f32 to vector<16xf32>
        %mul3A_846 = arith.mulf %get3A_844, %mul3A_845 : vector<16xf32>
        %swap3A_847 = arith.constant 0 : i32
        %swap3A_848 = arith.constant 0 : i32
        %swap3A_849 = tpu.memref_slice %arg15[%rem3A_275, %swap3A_847, %swap3A_848] : memref<2x128x128xf32, #tpu.memory_space<vmem>> -> memref<1x128x128xf32, #tpu.memory_space<vmem>>
        %swap3A_850 = tpu.memref_squeeze %swap3A_849 : memref<1x128x128xf32, #tpu.memory_space<vmem>> -> memref<128x128xf32, #tpu.memory_space<vmem>>
        %swap3A_851 = arith.index_cast %add3A_837 : i32 to index
        %swap3A_852 = arith.constant 0 : index
        %swap3A_853 = tpu.vector_load %swap3A_850[%swap3A_851, %swap3A_852] {strides = array<i32>} : memref<128x128xf32, #tpu.memory_space<vmem>>, vector<16xf32>,
        tpu.vector_store %swap3A_850[%swap3A_851, %swap3A_852], %mul3A_846 {strides = array<i32>} : memref<128x128xf32, #tpu.memory_space<vmem>>, vector<16xf32>,
        %get3A_854 = arith.constant 0 : i32
        %get3A_855 = arith.constant 0 : i32
        %get3A_856 = tpu.memref_slice %arg15[%rem3A_275, %get3A_854, %get3A_855] : memref<2x128x128xf32, #tpu.memory_space<vmem>> -> memref<1x128x128xf32, #tpu.memory_space<vmem>>
        %get3A_857 = tpu.memref_squeeze %get3A_856 : memref<1x128x128xf32, #tpu.memory_space<vmem>> -> memref<128x128xf32, #tpu.memory_space<vmem>>
        %get3A_858 = arith.index_cast %add3A_837 : i32 to index
        %get3A_859 = arith.constant 16 : index
        %get3A_860 = tpu.vector_load %get3A_857[%get3A_858, %get3A_859] {strides = array<i32>} : memref<128x128xf32, #tpu.memory_space<vmem>>, vector<16xf32>,
        %mul3A_861 = vector.broadcast %squeeze3A_833 : f32 to vector<16xf32>
        %mul3A_862 = arith.mulf %get3A_860, %mul3A_861 : vector<16xf32>
        %swap3A_863 = arith.constant 0 : i32
        %swap3A_864 = arith.constant 0 : i32
        %swap3A_865 = tpu.memref_slice %arg15[%rem3A_275, %swap3A_863, %swap3A_864] : memref<2x128x128xf32, #tpu.memory_space<vmem>> -> memref<1x128x128xf32, #tpu.memory_space<vmem>>
        %swap3A_866 = tpu.memref_squeeze %swap3A_865 : memref<1x128x128xf32, #tpu.memory_space<vmem>> -> memref<128x128xf32, #tpu.memory_space<vmem>>
        %swap3A_867 = arith.index_cast %add3A_837 : i32 to index
        %swap3A_868 = arith.constant 16 : index
        %swap3A_869 = tpu.vector_load %swap3A_866[%swap3A_867, %swap3A_868] {strides = array<i32>} : memref<128x128xf32, #tpu.memory_space<vmem>>, vector<16xf32>,
        tpu.vector_store %swap3A_866[%swap3A_867, %swap3A_868], %mul3A_862 {strides = array<i32>} : memref<128x128xf32, #tpu.memory_space<vmem>>, vector<16xf32>,
        %get3A_870 = arith.constant 0 : i32
        %get3A_871 = arith.constant 0 : i32
        %get3A_872 = tpu.memref_slice %arg15[%rem3A_275, %get3A_870, %get3A_871] : memref<2x128x128xf32, #tpu.memory_space<vmem>> -> memref<1x128x128xf32, #tpu.memory_space<vmem>>
        %get3A_873 = tpu.memref_squeeze %get3A_872 : memref<1x128x128xf32, #tpu.memory_space<vmem>> -> memref<128x128xf32, #tpu.memory_space<vmem>>
        %get3A_874 = arith.index_cast %add3A_837 : i32 to index
        %get3A_875 = arith.constant 32 : index
        %get3A_876 = tpu.vector_load %get3A_873[%get3A_874, %get3A_875] {strides = array<i32>} : memref<128x128xf32, #tpu.memory_space<vmem>>, vector<16xf32>,
        %mul3A_877 = vector.broadcast %squeeze3A_833 : f32 to vector<16xf32>
        %mul3A_878 = arith.mulf %get3A_876, %mul3A_877 : vector<16xf32>
        %swap3A_879 = arith.constant 0 : i32
        %swap3A_880 = arith.constant 0 : i32
        %swap3A_881 = tpu.memref_slice %arg15[%rem3A_275, %swap3A_879, %swap3A_880] : memref<2x128x128xf32, #tpu.memory_space<vmem>> -> memref<1x128x128xf32, #tpu.memory_space<vmem>>
        %swap3A_882 = tpu.memref_squeeze %swap3A_881 : memref<1x128x128xf32, #tpu.memory_space<vmem>> -> memref<128x128xf32, #tpu.memory_space<vmem>>
        %swap3A_883 = arith.index_cast %add3A_837 : i32 to index
        %swap3A_884 = arith.constant 32 : index
        %swap3A_885 = tpu.vector_load %swap3A_882[%swap3A_883, %swap3A_884] {strides = array<i32>} : memref<128x128xf32, #tpu.memory_space<vmem>>, vector<16xf32>,
        tpu.vector_store %swap3A_882[%swap3A_883, %swap3A_884], %mul3A_878 {strides = array<i32>} : memref<128x128xf32, #tpu.memory_space<vmem>>, vector<16xf32>,
        %get3A_886 = arith.constant 0 : i32
        %get3A_887 = arith.constant 0 : i32
        %get3A_888 = tpu.memref_slice %arg15[%rem3A_275, %get3A_886, %get3A_887] : memref<2x128x128xf32, #tpu.memory_space<vmem>> -> memref<1x128x128xf32, #tpu.memory_space<vmem>>
        %get3A_889 = tpu.memref_squeeze %get3A_888 : memref<1x128x128xf32, #tpu.memory_space<vmem>> -> memref<128x128xf32, #tpu.memory_space<vmem>>
        %get3A_890 = arith.index_cast %add3A_837 : i32 to index
        %get3A_891 = arith.constant 48 : index
        %get3A_892 = tpu.vector_load %get3A_889[%get3A_890, %get3A_891] {strides = array<i32>} : memref<128x128xf32, #tpu.memory_space<vmem>>, vector<16xf32>,
        %mul3A_893 = vector.broadcast %squeeze3A_833 : f32 to vector<16xf32>
        %mul3A_894 = arith.mulf %get3A_892, %mul3A_893 : vector<16xf32>
        %swap3A_895 = arith.constant 0 : i32
        %swap3A_896 = arith.constant 0 : i32
        %swap3A_897 = tpu.memref_slice %arg15[%rem3A_275, %swap3A_895, %swap3A_896] : memref<2x128x128xf32, #tpu.memory_space<vmem>> -> memref<1x128x128xf32, #tpu.memory_space<vmem>>
        %swap3A_898 = tpu.memref_squeeze %swap3A_897 : memref<1x128x128xf32, #tpu.memory_space<vmem>> -> memref<128x128xf32, #tpu.memory_space<vmem>>
        %swap3A_899 = arith.index_cast %add3A_837 : i32 to index
        %swap3A_900 = arith.constant 48 : index
        %swap3A_901 = tpu.vector_load %swap3A_898[%swap3A_899, %swap3A_900] {strides = array<i32>} : memref<128x128xf32, #tpu.memory_space<vmem>>, vector<16xf32>,
        tpu.vector_store %swap3A_898[%swap3A_899, %swap3A_900], %mul3A_894 {strides = array<i32>} : memref<128x128xf32, #tpu.memory_space<vmem>>, vector<16xf32>,
        %get3A_902 = arith.constant 0 : i32
        %get3A_903 = arith.constant 0 : i32
        %get3A_904 = tpu.memref_slice %arg15[%rem3A_275, %get3A_902, %get3A_903] : memref<2x128x128xf32, #tpu.memory_space<vmem>> -> memref<1x128x128xf32, #tpu.memory_space<vmem>>
        %get3A_905 = tpu.memref_squeeze %get3A_904 : memref<1x128x128xf32, #tpu.memory_space<vmem>> -> memref<128x128xf32, #tpu.memory_space<vmem>>
        %get3A_906 = arith.index_cast %add3A_837 : i32 to index
        %get3A_907 = arith.constant 64 : index
        %get3A_908 = tpu.vector_load %get3A_905[%get3A_906, %get3A_907] {strides = array<i32>} : memref<128x128xf32, #tpu.memory_space<vmem>>, vector<16xf32>,
        %mul3A_909 = vector.broadcast %squeeze3A_833 : f32 to vector<16xf32>
        %mul3A_910 = arith.mulf %get3A_908, %mul3A_909 : vector<16xf32>
        %swap3A_911 = arith.constant 0 : i32
        %swap3A_912 = arith.constant 0 : i32
        %swap3A_913 = tpu.memref_slice %arg15[%rem3A_275, %swap3A_911, %swap3A_912] : memref<2x128x128xf32, #tpu.memory_space<vmem>> -> memref<1x128x128xf32, #tpu.memory_space<vmem>>
        %swap3A_914 = tpu.memref_squeeze %swap3A_913 : memref<1x128x128xf32, #tpu.memory_space<vmem>> -> memref<128x128xf32, #tpu.memory_space<vmem>>
        %swap3A_915 = arith.index_cast %add3A_837 : i32 to index
        %swap3A_916 = arith.constant 64 : index
        %swap3A_917 = tpu.vector_load %swap3A_914[%swap3A_915, %swap3A_916] {strides = array<i32>} : memref<128x128xf32, #tpu.memory_space<vmem>>, vector<16xf32>,
        tpu.vector_store %swap3A_914[%swap3A_915, %swap3A_916], %mul3A_910 {strides = array<i32>} : memref<128x128xf32, #tpu.memory_space<vmem>>, vector<16xf32>,
        %get3A_918 = arith.constant 0 : i32
        %get3A_919 = arith.constant 0 : i32
        %get3A_920 = tpu.memref_slice %arg15[%rem3A_275, %get3A_918, %get3A_919] : memref<2x128x128xf32, #tpu.memory_space<vmem>> -> memref<1x128x128xf32, #tpu.memory_space<vmem>>
        %get3A_921 = tpu.memref_squeeze %get3A_920 : memref<1x128x128xf32, #tpu.memory_space<vmem>> -> memref<128x128xf32, #tpu.memory_space<vmem>>
        %get3A_922 = arith.index_cast %add3A_837 : i32 to index
        %get3A_923 = arith.constant 80 : index
        %get3A_924 = tpu.vector_load %get3A_921[%get3A_922, %get3A_923] {strides = array<i32>} : memref<128x128xf32, #tpu.memory_space<vmem>>, vector<16xf32>,
        %mul3A_925 = vector.broadcast %squeeze3A_833 : f32 to vector<16xf32>
        %mul3A_926 = arith.mulf %get3A_924, %mul3A_925 : vector<16xf32>
        %swap3A_927 = arith.constant 0 : i32
        %swap3A_928 = arith.constant 0 : i32
        %swap3A_929 = tpu.memref_slice %arg15[%rem3A_275, %swap3A_927, %swap3A_928] : memref<2x128x128xf32, #tpu.memory_space<vmem>> -> memref<1x128x128xf32, #tpu.memory_space<vmem>>
        %swap3A_930 = tpu.memref_squeeze %swap3A_929 : memref<1x128x128xf32, #tpu.memory_space<vmem>> -> memref<128x128xf32, #tpu.memory_space<vmem>>
        %swap3A_931 = arith.index_cast %add3A_837 : i32 to index
        %swap3A_932 = arith.constant 80 : index
        %swap3A_933 = tpu.vector_load %swap3A_930[%swap3A_931, %swap3A_932] {strides = array<i32>} : memref<128x128xf32, #tpu.memory_space<vmem>>, vector<16xf32>,
        tpu.vector_store %swap3A_930[%swap3A_931, %swap3A_932], %mul3A_926 {strides = array<i32>} : memref<128x128xf32, #tpu.memory_space<vmem>>, vector<16xf32>,
        %get3A_934 = arith.constant 0 : i32
        %get3A_935 = arith.constant 0 : i32
        %get3A_936 = tpu.memref_slice %arg15[%rem3A_275, %get3A_934, %get3A_935] : memref<2x128x128xf32, #tpu.memory_space<vmem>> -> memref<1x128x128xf32, #tpu.memory_space<vmem>>
        %get3A_937 = tpu.memref_squeeze %get3A_936 : memref<1x128x128xf32, #tpu.memory_space<vmem>> -> memref<128x128xf32, #tpu.memory_space<vmem>>
        %get3A_938 = arith.index_cast %add3A_837 : i32 to index
        %get3A_939 = arith.constant 96 : index
        %get3A_940 = tpu.vector_load %get3A_937[%get3A_938, %get3A_939] {strides = array<i32>} : memref<128x128xf32, #tpu.memory_space<vmem>>, vector<16xf32>,
        %mul3A_941 = vector.broadcast %squeeze3A_833 : f32 to vector<16xf32>
        %mul3A_942 = arith.mulf %get3A_940, %mul3A_941 : vector<16xf32>
        %swap3A_943 = arith.constant 0 : i32
        %swap3A_944 = arith.constant 0 : i32
        %swap3A_945 = tpu.memref_slice %arg15[%rem3A_275, %swap3A_943, %swap3A_944] : memref<2x128x128xf32, #tpu.memory_space<vmem>> -> memref<1x128x128xf32, #tpu.memory_space<vmem>>
        %swap3A_946 = tpu.memref_squeeze %swap3A_945 : memref<1x128x128xf32, #tpu.memory_space<vmem>> -> memref<128x128xf32, #tpu.memory_space<vmem>>
        %swap3A_947 = arith.index_cast %add3A_837 : i32 to index
        %swap3A_948 = arith.constant 96 : index
        %swap3A_949 = tpu.vector_load %swap3A_946[%swap3A_947, %swap3A_948] {strides = array<i32>} : memref<128x128xf32, #tpu.memory_space<vmem>>, vector<16xf32>,
        tpu.vector_store %swap3A_946[%swap3A_947, %swap3A_948], %mul3A_942 {strides = array<i32>} : memref<128x128xf32, #tpu.memory_space<vmem>>, vector<16xf32>,
        %get3A_950 = arith.constant 0 : i32
        %get3A_951 = arith.constant 0 : i32
        %get3A_952 = tpu.memref_slice %arg15[%rem3A_275, %get3A_950, %get3A_951] : memref<2x128x128xf32, #tpu.memory_space<vmem>> -> memref<1x128x128xf32, #tpu.memory_space<vmem>>
        %get3A_953 = tpu.memref_squeeze %get3A_952 : memref<1x128x128xf32, #tpu.memory_space<vmem>> -> memref<128x128xf32, #tpu.memory_space<vmem>>
        %get3A_954 = arith.index_cast %add3A_837 : i32 to index
        %get3A_955 = arith.constant 112 : index
        %get3A_956 = tpu.vector_load %get3A_953[%get3A_954, %get3A_955] {strides = array<i32>} : memref<128x128xf32, #tpu.memory_space<vmem>>, vector<16xf32>,
        %mul3A_957 = vector.broadcast %squeeze3A_833 : f32 to vector<16xf32>
        %mul3A_958 = arith.mulf %get3A_956, %mul3A_957 : vector<16xf32>
        %swap3A_959 = arith.constant 0 : i32
        %swap3A_960 = arith.constant 0 : i32
        %swap3A_961 = tpu.memref_slice %arg15[%rem3A_275, %swap3A_959, %swap3A_960] : memref<2x128x128xf32, #tpu.memory_space<vmem>> -> memref<1x128x128xf32, #tpu.memory_space<vmem>>
        %swap3A_962 = tpu.memref_squeeze %swap3A_961 : memref<1x128x128xf32, #tpu.memory_space<vmem>> -> memref<128x128xf32, #tpu.memory_space<vmem>>
        %swap3A_963 = arith.index_cast %add3A_837 : i32 to index
        %swap3A_964 = arith.constant 112 : index
        %swap3A_965 = tpu.vector_load %swap3A_962[%swap3A_963, %swap3A_964] {strides = array<i32>} : memref<128x128xf32, #tpu.memory_space<vmem>>, vector<16xf32>,
        tpu.vector_store %swap3A_962[%swap3A_963, %swap3A_964], %mul3A_958 {strides = array<i32>} : memref<128x128xf32, #tpu.memory_space<vmem>>, vector<16xf32>,
        %slice3A_966 = vector.extract_strided_slice %get3A_565 {offsets = [3], sizes = [1], strides = [1]} : vector<16xf32> to vector<1xf32>
        %squeeze3A_967 = vector.extract %slice3A_966[0] : f32 from vector<1xf32>
        %mul3A_968 = arith.constant 16 : i32
        %mul3A_969 = arith.muli %scan3A_558, %mul3A_968 : i32
        %add3A_970 = arith.constant 3 : i32
        %add3A_971 = arith.addi %mul3A_969, %add3A_970 : i32
        %get3A_972 = arith.constant 0 : i32
        %get3A_973 = arith.constant 0 : i32
        %get3A_974 = tpu.memref_slice %arg15[%rem3A_275, %get3A_972, %get3A_973] : memref<2x128x128xf32, #tpu.memory_space<vmem>> -> memref<1x128x128xf32, #tpu.memory_space<vmem>>
        %get3A_975 = tpu.memref_squeeze %get3A_974 : memref<1x128x128xf32, #tpu.memory_space<vmem>> -> memref<128x128xf32, #tpu.memory_space<vmem>>
        %get3A_976 = arith.index_cast %add3A_971 : i32 to index
        %get3A_977 = arith.constant 0 : index
        %get3A_978 = tpu.vector_load %get3A_975[%get3A_976, %get3A_977] {strides = array<i32>} : memref<128x128xf32, #tpu.memory_space<vmem>>, vector<16xf32>,
        %mul3A_979 = vector.broadcast %squeeze3A_967 : f32 to vector<16xf32>
        %mul3A_980 = arith.mulf %get3A_978, %mul3A_979 : vector<16xf32>
        %swap3A_981 = arith.constant 0 : i32
        %swap3A_982 = arith.constant 0 : i32
        %swap3A_983 = tpu.memref_slice %arg15[%rem3A_275, %swap3A_981, %swap3A_982] : memref<2x128x128xf32, #tpu.memory_space<vmem>> -> memref<1x128x128xf32, #tpu.memory_space<vmem>>
        %swap3A_984 = tpu.memref_squeeze %swap3A_983 : memref<1x128x128xf32, #tpu.memory_space<vmem>> -> memref<128x128xf32, #tpu.memory_space<vmem>>
        %swap3A_985 = arith.index_cast %add3A_971 : i32 to index
        %swap3A_986 = arith.constant 0 : index
        %swap3A_987 = tpu.vector_load %swap3A_984[%swap3A_985, %swap3A_986] {strides = array<i32>} : memref<128x128xf32, #tpu.memory_space<vmem>>, vector<16xf32>,
        tpu.vector_store %swap3A_984[%swap3A_985, %swap3A_986], %mul3A_980 {strides = array<i32>} : memref<128x128xf32, #tpu.memory_space<vmem>>, vector<16xf32>,
        %get3A_988 = arith.constant 0 : i32
        %get3A_989 = arith.constant 0 : i32
        %get3A_990 = tpu.memref_slice %arg15[%rem3A_275, %get3A_988, %get3A_989] : memref<2x128x128xf32, #tpu.memory_space<vmem>> -> memref<1x128x128xf32, #tpu.memory_space<vmem>>
        %get3A_991 = tpu.memref_squeeze %get3A_990 : memref<1x128x128xf32, #tpu.memory_space<vmem>> -> memref<128x128xf32, #tpu.memory_space<vmem>>
        %get3A_992 = arith.index_cast %add3A_971 : i32 to index
        %get3A_993 = arith.constant 16 : index
        %get3A_994 = tpu.vector_load %get3A_991[%get3A_992, %get3A_993] {strides = array<i32>} : memref<128x128xf32, #tpu.memory_space<vmem>>, vector<16xf32>,
        %mul3A_995 = vector.broadcast %squeeze3A_967 : f32 to vector<16xf32>
        %mul3A_996 = arith.mulf %get3A_994, %mul3A_995 : vector<16xf32>
        %swap3A_997 = arith.constant 0 : i32
        %swap3A_998 = arith.constant 0 : i32
        %swap3A_999 = tpu.memref_slice %arg15[%rem3A_275, %swap3A_997, %swap3A_998] : memref<2x128x128xf32, #tpu.memory_space<vmem>> -> memref<1x128x128xf32, #tpu.memory_space<vmem>>
        %swap3A_1000 = tpu.memref_squeeze %swap3A_999 : memref<1x128x128xf32, #tpu.memory_space<vmem>> -> memref<128x128xf32, #tpu.memory_space<vmem>>
        %swap3A_1001 = arith.index_cast %add3A_971 : i32 to index
        %swap3A_1002 = arith.constant 16 : index
        %swap3A_1003 = tpu.vector_load %swap3A_1000[%swap3A_1001, %swap3A_1002] {strides = array<i32>} : memref<128x128xf32, #tpu.memory_space<vmem>>, vector<16xf32>,
        tpu.vector_store %swap3A_1000[%swap3A_1001, %swap3A_1002], %mul3A_996 {strides = array<i32>} : memref<128x128xf32, #tpu.memory_space<vmem>>, vector<16xf32>,
        %get3A_1004 = arith.constant 0 : i32
        %get3A_1005 = arith.constant 0 : i32
        %get3A_1006 = tpu.memref_slice %arg15[%rem3A_275, %get3A_1004, %get3A_1005] : memref<2x128x128xf32, #tpu.memory_space<vmem>> -> memref<1x128x128xf32, #tpu.memory_space<vmem>>
        %get3A_1007 = tpu.memref_squeeze %get3A_1006 : memref<1x128x128xf32, #tpu.memory_space<vmem>> -> memref<128x128xf32, #tpu.memory_space<vmem>>
        %get3A_1008 = arith.index_cast %add3A_971 : i32 to index
        %get3A_1009 = arith.constant 32 : index
        %get3A_1010 = tpu.vector_load %get3A_1007[%get3A_1008, %get3A_1009] {strides = array<i32>} : memref<128x128xf32, #tpu.memory_space<vmem>>, vector<16xf32>,
        %mul3A_1011 = vector.broadcast %squeeze3A_967 : f32 to vector<16xf32>
        %mul3A_1012 = arith.mulf %get3A_1010, %mul3A_1011 : vector<16xf32>
        %swap3A_1013 = arith.constant 0 : i32
        %swap3A_1014 = arith.constant 0 : i32
        %swap3A_1015 = tpu.memref_slice %arg15[%rem3A_275, %swap3A_1013, %swap3A_1014] : memref<2x128x128xf32, #tpu.memory_space<vmem>> -> memref<1x128x128xf32, #tpu.memory_space<vmem>>
        %swap3A_1016 = tpu.memref_squeeze %swap3A_1015 : memref<1x128x128xf32, #tpu.memory_space<vmem>> -> memref<128x128xf32, #tpu.memory_space<vmem>>
        %swap3A_1017 = arith.index_cast %add3A_971 : i32 to index
        %swap3A_1018 = arith.constant 32 : index
        %swap3A_1019 = tpu.vector_load %swap3A_1016[%swap3A_1017, %swap3A_1018] {strides = array<i32>} : memref<128x128xf32, #tpu.memory_space<vmem>>, vector<16xf32>,
        tpu.vector_store %swap3A_1016[%swap3A_1017, %swap3A_1018], %mul3A_1012 {strides = array<i32>} : memref<128x128xf32, #tpu.memory_space<vmem>>, vector<16xf32>,
        %get3A_1020 = arith.constant 0 : i32
        %get3A_1021 = arith.constant 0 : i32
        %get3A_1022 = tpu.memref_slice %arg15[%rem3A_275, %get3A_1020, %get3A_1021] : memref<2x128x128xf32, #tpu.memory_space<vmem>> -> memref<1x128x128xf32, #tpu.memory_space<vmem>>
        %get3A_1023 = tpu.memref_squeeze %get3A_1022 : memref<1x128x128xf32, #tpu.memory_space<vmem>> -> memref<128x128xf32, #tpu.memory_space<vmem>>
        %get3A_1024 = arith.index_cast %add3A_971 : i32 to index
        %get3A_1025 = arith.constant 48 : index
        %get3A_1026 = tpu.vector_load %get3A_1023[%get3A_1024, %get3A_1025] {strides = array<i32>} : memref<128x128xf32, #tpu.memory_space<vmem>>, vector<16xf32>,
        %mul3A_1027 = vector.broadcast %squeeze3A_967 : f32 to vector<16xf32>
        %mul3A_1028 = arith.mulf %get3A_1026, %mul3A_1027 : vector<16xf32>
        %swap3A_1029 = arith.constant 0 : i32
        %swap3A_1030 = arith.constant 0 : i32
        %swap3A_1031 = tpu.memref_slice %arg15[%rem3A_275, %swap3A_1029, %swap3A_1030] : memref<2x128x128xf32, #tpu.memory_space<vmem>> -> memref<1x128x128xf32, #tpu.memory_space<vmem>>
        %swap3A_1032 = tpu.memref_squeeze %swap3A_1031 : memref<1x128x128xf32, #tpu.memory_space<vmem>> -> memref<128x128xf32, #tpu.memory_space<vmem>>
        %swap3A_1033 = arith.index_cast %add3A_971 : i32 to index
        %swap3A_1034 = arith.constant 48 : index
        %swap3A_1035 = tpu.vector_load %swap3A_1032[%swap3A_1033, %swap3A_1034] {strides = array<i32>} : memref<128x128xf32, #tpu.memory_space<vmem>>, vector<16xf32>,
        tpu.vector_store %swap3A_1032[%swap3A_1033, %swap3A_1034], %mul3A_1028 {strides = array<i32>} : memref<128x128xf32, #tpu.memory_space<vmem>>, vector<16xf32>,
        %get3A_1036 = arith.constant 0 : i32
        %get3A_1037 = arith.constant 0 : i32
        %get3A_1038 = tpu.memref_slice %arg15[%rem3A_275, %get3A_1036, %get3A_1037] : memref<2x128x128xf32, #tpu.memory_space<vmem>> -> memref<1x128x128xf32, #tpu.memory_space<vmem>>
        %get3A_1039 = tpu.memref_squeeze %get3A_1038 : memref<1x128x128xf32, #tpu.memory_space<vmem>> -> memref<128x128xf32, #tpu.memory_space<vmem>>
        %get3A_1040 = arith.index_cast %add3A_971 : i32 to index
        %get3A_1041 = arith.constant 64 : index
        %get3A_1042 = tpu.vector_load %get3A_1039[%get3A_1040, %get3A_1041] {strides = array<i32>} : memref<128x128xf32, #tpu.memory_space<vmem>>, vector<16xf32>,
        %mul3A_1043 = vector.broadcast %squeeze3A_967 : f32 to vector<16xf32>
        %mul3A_1044 = arith.mulf %get3A_1042, %mul3A_1043 : vector<16xf32>
        %swap3A_1045 = arith.constant 0 : i32
        %swap3A_1046 = arith.constant 0 : i32
        %swap3A_1047 = tpu.memref_slice %arg15[%rem3A_275, %swap3A_1045, %swap3A_1046] : memref<2x128x128xf32, #tpu.memory_space<vmem>> -> memref<1x128x128xf32, #tpu.memory_space<vmem>>
        %swap3A_1048 = tpu.memref_squeeze %swap3A_1047 : memref<1x128x128xf32, #tpu.memory_space<vmem>> -> memref<128x128xf32, #tpu.memory_space<vmem>>
        %swap3A_1049 = arith.index_cast %add3A_971 : i32 to index
        %swap3A_1050 = arith.constant 64 : index
        %swap3A_1051 = tpu.vector_load %swap3A_1048[%swap3A_1049, %swap3A_1050] {strides = array<i32>} : memref<128x128xf32, #tpu.memory_space<vmem>>, vector<16xf32>,
        tpu.vector_store %swap3A_1048[%swap3A_1049, %swap3A_1050], %mul3A_1044 {strides = array<i32>} : memref<128x128xf32, #tpu.memory_space<vmem>>, vector<16xf32>,
        %get3A_1052 = arith.constant 0 : i32
        %get3A_1053 = arith.constant 0 : i32
        %get3A_1054 = tpu.memref_slice %arg15[%rem3A_275, %get3A_1052, %get3A_1053] : memref<2x128x128xf32, #tpu.memory_space<vmem>> -> memref<1x128x128xf32, #tpu.memory_space<vmem>>
        %get3A_1055 = tpu.memref_squeeze %get3A_1054 : memref<1x128x128xf32, #tpu.memory_space<vmem>> -> memref<128x128xf32, #tpu.memory_space<vmem>>
        %get3A_1056 = arith.index_cast %add3A_971 : i32 to index
        %get3A_1057 = arith.constant 80 : index
        %get3A_1058 = tpu.vector_load %get3A_1055[%get3A_1056, %get3A_1057] {strides = array<i32>} : memref<128x128xf32, #tpu.memory_space<vmem>>, vector<16xf32>,
        %mul3A_1059 = vector.broadcast %squeeze3A_967 : f32 to vector<16xf32>
        %mul3A_1060 = arith.mulf %get3A_1058, %mul3A_1059 : vector<16xf32>
        %swap3A_1061 = arith.constant 0 : i32
        %swap3A_1062 = arith.constant 0 : i32
        %swap3A_1063 = tpu.memref_slice %arg15[%rem3A_275, %swap3A_1061, %swap3A_1062] : memref<2x128x128xf32, #tpu.memory_space<vmem>> -> memref<1x128x128xf32, #tpu.memory_space<vmem>>
        %swap3A_1064 = tpu.memref_squeeze %swap3A_1063 : memref<1x128x128xf32, #tpu.memory_space<vmem>> -> memref<128x128xf32, #tpu.memory_space<vmem>>
        %swap3A_1065 = arith.index_cast %add3A_971 : i32 to index
        %swap3A_1066 = arith.constant 80 : index
        %swap3A_1067 = tpu.vector_load %swap3A_1064[%swap3A_1065, %swap3A_1066] {strides = array<i32>} : memref<128x128xf32, #tpu.memory_space<vmem>>, vector<16xf32>,
        tpu.vector_store %swap3A_1064[%swap3A_1065, %swap3A_1066], %mul3A_1060 {strides = array<i32>} : memref<128x128xf32, #tpu.memory_space<vmem>>, vector<16xf32>,
        %get3A_1068 = arith.constant 0 : i32
        %get3A_1069 = arith.constant 0 : i32
        %get3A_1070 = tpu.memref_slice %arg15[%rem3A_275, %get3A_1068, %get3A_1069] : memref<2x128x128xf32, #tpu.memory_space<vmem>> -> memref<1x128x128xf32, #tpu.memory_space<vmem>>
        %get3A_1071 = tpu.memref_squeeze %get3A_1070 : memref<1x128x128xf32, #tpu.memory_space<vmem>> -> memref<128x128xf32, #tpu.memory_space<vmem>>
        %get3A_1072 = arith.index_cast %add3A_971 : i32 to index
        %get3A_1073 = arith.constant 96 : index
        %get3A_1074 = tpu.vector_load %get3A_1071[%get3A_1072, %get3A_1073] {strides = array<i32>} : memref<128x128xf32, #tpu.memory_space<vmem>>, vector<16xf32>,
        %mul3A_1075 = vector.broadcast %squeeze3A_967 : f32 to vector<16xf32>
        %mul3A_1076 = arith.mulf %get3A_1074, %mul3A_1075 : vector<16xf32>
        %swap3A_1077 = arith.constant 0 : i32
        %swap3A_1078 = arith.constant 0 : i32
        %swap3A_1079 = tpu.memref_slice %arg15[%rem3A_275, %swap3A_1077, %swap3A_1078] : memref<2x128x128xf32, #tpu.memory_space<vmem>> -> memref<1x128x128xf32, #tpu.memory_space<vmem>>
        %swap3A_1080 = tpu.memref_squeeze %swap3A_1079 : memref<1x128x128xf32, #tpu.memory_space<vmem>> -> memref<128x128xf32, #tpu.memory_space<vmem>>
        %swap3A_1081 = arith.index_cast %add3A_971 : i32 to index
        %swap3A_1082 = arith.constant 96 : index
        %swap3A_1083 = tpu.vector_load %swap3A_1080[%swap3A_1081, %swap3A_1082] {strides = array<i32>} : memref<128x128xf32, #tpu.memory_space<vmem>>, vector<16xf32>,
        tpu.vector_store %swap3A_1080[%swap3A_1081, %swap3A_1082], %mul3A_1076 {strides = array<i32>} : memref<128x128xf32, #tpu.memory_space<vmem>>, vector<16xf32>,
        %get3A_1084 = arith.constant 0 : i32
        %get3A_1085 = arith.constant 0 : i32
        %get3A_1086 = tpu.memref_slice %arg15[%rem3A_275, %get3A_1084, %get3A_1085] : memref<2x128x128xf32, #tpu.memory_space<vmem>> -> memref<1x128x128xf32, #tpu.memory_space<vmem>>
        %get3A_1087 = tpu.memref_squeeze %get3A_1086 : memref<1x128x128xf32, #tpu.memory_space<vmem>> -> memref<128x128xf32, #tpu.memory_space<vmem>>
        %get3A_1088 = arith.index_cast %add3A_971 : i32 to index
        %get3A_1089 = arith.constant 112 : index
        %get3A_1090 = tpu.vector_load %get3A_1087[%get3A_1088, %get3A_1089] {strides = array<i32>} : memref<128x128xf32, #tpu.memory_space<vmem>>, vector<16xf32>,
        %mul3A_1091 = vector.broadcast %squeeze3A_967 : f32 to vector<16xf32>
        %mul3A_1092 = arith.mulf %get3A_1090, %mul3A_1091 : vector<16xf32>
        %swap3A_1093 = arith.constant 0 : i32
        %swap3A_1094 = arith.constant 0 : i32
        %swap3A_1095 = tpu.memref_slice %arg15[%rem3A_275, %swap3A_1093, %swap3A_1094] : memref<2x128x128xf32, #tpu.memory_space<vmem>> -> memref<1x128x128xf32, #tpu.memory_space<vmem>>
        %swap3A_1096 = tpu.memref_squeeze %swap3A_1095 : memref<1x128x128xf32, #tpu.memory_space<vmem>> -> memref<128x128xf32, #tpu.memory_space<vmem>>
        %swap3A_1097 = arith.index_cast %add3A_971 : i32 to index
        %swap3A_1098 = arith.constant 112 : index
        %swap3A_1099 = tpu.vector_load %swap3A_1096[%swap3A_1097, %swap3A_1098] {strides = array<i32>} : memref<128x128xf32, #tpu.memory_space<vmem>>, vector<16xf32>,
        tpu.vector_store %swap3A_1096[%swap3A_1097, %swap3A_1098], %mul3A_1092 {strides = array<i32>} : memref<128x128xf32, #tpu.memory_space<vmem>>, vector<16xf32>,
        %slice3A_1100 = vector.extract_strided_slice %get3A_565 {offsets = [4], sizes = [1], strides = [1]} : vector<16xf32> to vector<1xf32>
        %squeeze3A_1101 = vector.extract %slice3A_1100[0] : f32 from vector<1xf32>
        %mul3A_1102 = arith.constant 16 : i32
        %mul3A_1103 = arith.muli %scan3A_558, %mul3A_1102 : i32
        %add3A_1104 = arith.constant 4 : i32
        %add3A_1105 = arith.addi %mul3A_1103, %add3A_1104 : i32
        %get3A_1106 = arith.constant 0 : i32
        %get3A_1107 = arith.constant 0 : i32
        %get3A_1108 = tpu.memref_slice %arg15[%rem3A_275, %get3A_1106, %get3A_1107] : memref<2x128x128xf32, #tpu.memory_space<vmem>> -> memref<1x128x128xf32, #tpu.memory_space<vmem>>
        %get3A_1109 = tpu.memref_squeeze %get3A_1108 : memref<1x128x128xf32, #tpu.memory_space<vmem>> -> memref<128x128xf32, #tpu.memory_space<vmem>>
        %get3A_1110 = arith.index_cast %add3A_1105 : i32 to index
        %get3A_1111 = arith.constant 0 : index
        %get3A_1112 = tpu.vector_load %get3A_1109[%get3A_1110, %get3A_1111] {strides = array<i32>} : memref<128x128xf32, #tpu.memory_space<vmem>>, vector<16xf32>,
        %mul3A_1113 = vector.broadcast %squeeze3A_1101 : f32 to vector<16xf32>
        %mul3A_1114 = arith.mulf %get3A_1112, %mul3A_1113 : vector<16xf32>
        %swap3A_1115 = arith.constant 0 : i32
        %swap3A_1116 = arith.constant 0 : i32
        %swap3A_1117 = tpu.memref_slice %arg15[%rem3A_275, %swap3A_1115, %swap3A_1116] : memref<2x128x128xf32, #tpu.memory_space<vmem>> -> memref<1x128x128xf32, #tpu.memory_space<vmem>>
        %swap3A_1118 = tpu.memref_squeeze %swap3A_1117 : memref<1x128x128xf32, #tpu.memory_space<vmem>> -> memref<128x128xf32, #tpu.memory_space<vmem>>
        %swap3A_1119 = arith.index_cast %add3A_1105 : i32 to index
        %swap3A_1120 = arith.constant 0 : index
        %swap3A_1121 = tpu.vector_load %swap3A_1118[%swap3A_1119, %swap3A_1120] {strides = array<i32>} : memref<128x128xf32, #tpu.memory_space<vmem>>, vector<16xf32>,
        tpu.vector_store %swap3A_1118[%swap3A_1119, %swap3A_1120], %mul3A_1114 {strides = array<i32>} : memref<128x128xf32, #tpu.memory_space<vmem>>, vector<16xf32>,
        %get3A_1122 = arith.constant 0 : i32
        %get3A_1123 = arith.constant 0 : i32
        %get3A_1124 = tpu.memref_slice %arg15[%rem3A_275, %get3A_1122, %get3A_1123] : memref<2x128x128xf32, #tpu.memory_space<vmem>> -> memref<1x128x128xf32, #tpu.memory_space<vmem>>
        %get3A_1125 = tpu.memref_squeeze %get3A_1124 : memref<1x128x128xf32, #tpu.memory_space<vmem>> -> memref<128x128xf32, #tpu.memory_space<vmem>>
        %get3A_1126 = arith.index_cast %add3A_1105 : i32 to index
        %get3A_1127 = arith.constant 16 : index
        %get3A_1128 = tpu.vector_load %get3A_1125[%get3A_1126, %get3A_1127] {strides = array<i32>} : memref<128x128xf32, #tpu.memory_space<vmem>>, vector<16xf32>,
        %mul3A_1129 = vector.broadcast %squeeze3A_1101 : f32 to vector<16xf32>
        %mul3A_1130 = arith.mulf %get3A_1128, %mul3A_1129 : vector<16xf32>
        %swap3A_1131 = arith.constant 0 : i32
        %swap3A_1132 = arith.constant 0 : i32
        %swap3A_1133 = tpu.memref_slice %arg15[%rem3A_275, %swap3A_1131, %swap3A_1132] : memref<2x128x128xf32, #tpu.memory_space<vmem>> -> memref<1x128x128xf32, #tpu.memory_space<vmem>>
        %swap3A_1134 = tpu.memref_squeeze %swap3A_1133 : memref<1x128x128xf32, #tpu.memory_space<vmem>> -> memref<128x128xf32, #tpu.memory_space<vmem>>
        %swap3A_1135 = arith.index_cast %add3A_1105 : i32 to index
        %swap3A_1136 = arith.constant 16 : index
        %swap3A_1137 = tpu.vector_load %swap3A_1134[%swap3A_1135, %swap3A_1136] {strides = array<i32>} : memref<128x128xf32, #tpu.memory_space<vmem>>, vector<16xf32>,
        tpu.vector_store %swap3A_1134[%swap3A_1135, %swap3A_1136], %mul3A_1130 {strides = array<i32>} : memref<128x128xf32, #tpu.memory_space<vmem>>, vector<16xf32>,
        %get3A_1138 = arith.constant 0 : i32
        %get3A_1139 = arith.constant 0 : i32
        %get3A_1140 = tpu.memref_slice %arg15[%rem3A_275, %get3A_1138, %get3A_1139] : memref<2x128x128xf32, #tpu.memory_space<vmem>> -> memref<1x128x128xf32, #tpu.memory_space<vmem>>
        %get3A_1141 = tpu.memref_squeeze %get3A_1140 : memref<1x128x128xf32, #tpu.memory_space<vmem>> -> memref<128x128xf32, #tpu.memory_space<vmem>>
        %get3A_1142 = arith.index_cast %add3A_1105 : i32 to index
        %get3A_1143 = arith.constant 32 : index
        %get3A_1144 = tpu.vector_load %get3A_1141[%get3A_1142, %get3A_1143] {strides = array<i32>} : memref<128x128xf32, #tpu.memory_space<vmem>>, vector<16xf32>,
        %mul3A_1145 = vector.broadcast %squeeze3A_1101 : f32 to vector<16xf32>
        %mul3A_1146 = arith.mulf %get3A_1144, %mul3A_1145 : vector<16xf32>
        %swap3A_1147 = arith.constant 0 : i32
        %swap3A_1148 = arith.constant 0 : i32
        %swap3A_1149 = tpu.memref_slice %arg15[%rem3A_275, %swap3A_1147, %swap3A_1148] : memref<2x128x128xf32, #tpu.memory_space<vmem>> -> memref<1x128x128xf32, #tpu.memory_space<vmem>>
        %swap3A_1150 = tpu.memref_squeeze %swap3A_1149 : memref<1x128x128xf32, #tpu.memory_space<vmem>> -> memref<128x128xf32, #tpu.memory_space<vmem>>
        %swap3A_1151 = arith.index_cast %add3A_1105 : i32 to index
        %swap3A_1152 = arith.constant 32 : index
        %swap3A_1153 = tpu.vector_load %swap3A_1150[%swap3A_1151, %swap3A_1152] {strides = array<i32>} : memref<128x128xf32, #tpu.memory_space<vmem>>, vector<16xf32>,
        tpu.vector_store %swap3A_1150[%swap3A_1151, %swap3A_1152], %mul3A_1146 {strides = array<i32>} : memref<128x128xf32, #tpu.memory_space<vmem>>, vector<16xf32>,
        %get3A_1154 = arith.constant 0 : i32
        %get3A_1155 = arith.constant 0 : i32
        %get3A_1156 = tpu.memref_slice %arg15[%rem3A_275, %get3A_1154, %get3A_1155] : memref<2x128x128xf32, #tpu.memory_space<vmem>> -> memref<1x128x128xf32, #tpu.memory_space<vmem>>
        %get3A_1157 = tpu.memref_squeeze %get3A_1156 : memref<1x128x128xf32, #tpu.memory_space<vmem>> -> memref<128x128xf32, #tpu.memory_space<vmem>>
        %get3A_1158 = arith.index_cast %add3A_1105 : i32 to index
        %get3A_1159 = arith.constant 48 : index
        %get3A_1160 = tpu.vector_load %get3A_1157[%get3A_1158, %get3A_1159] {strides = array<i32>} : memref<128x128xf32, #tpu.memory_space<vmem>>, vector<16xf32>,
        %mul3A_1161 = vector.broadcast %squeeze3A_1101 : f32 to vector<16xf32>
        %mul3A_1162 = arith.mulf %get3A_1160, %mul3A_1161 : vector<16xf32>
        %swap3A_1163 = arith.constant 0 : i32
        %swap3A_1164 = arith.constant 0 : i32
        %swap3A_1165 = tpu.memref_slice %arg15[%rem3A_275, %swap3A_1163, %swap3A_1164] : memref<2x128x128xf32, #tpu.memory_space<vmem>> -> memref<1x128x128xf32, #tpu.memory_space<vmem>>
        %swap3A_1166 = tpu.memref_squeeze %swap3A_1165 : memref<1x128x128xf32, #tpu.memory_space<vmem>> -> memref<128x128xf32, #tpu.memory_space<vmem>>
        %swap3A_1167 = arith.index_cast %add3A_1105 : i32 to index
        %swap3A_1168 = arith.constant 48 : index
        %swap3A_1169 = tpu.vector_load %swap3A_1166[%swap3A_1167, %swap3A_1168] {strides = array<i32>} : memref<128x128xf32, #tpu.memory_space<vmem>>, vector<16xf32>,
        tpu.vector_store %swap3A_1166[%swap3A_1167, %swap3A_1168], %mul3A_1162 {strides = array<i32>} : memref<128x128xf32, #tpu.memory_space<vmem>>, vector<16xf32>,
        %get3A_1170 = arith.constant 0 : i32
        %get3A_1171 = arith.constant 0 : i32
        %get3A_1172 = tpu.memref_slice %arg15[%rem3A_275, %get3A_1170, %get3A_1171] : memref<2x128x128xf32, #tpu.memory_space<vmem>> -> memref<1x128x128xf32, #tpu.memory_space<vmem>>
        %get3A_1173 = tpu.memref_squeeze %get3A_1172 : memref<1x128x128xf32, #tpu.memory_space<vmem>> -> memref<128x128xf32, #tpu.memory_space<vmem>>
        %get3A_1174 = arith.index_cast %add3A_1105 : i32 to index
        %get3A_1175 = arith.constant 64 : index
        %get3A_1176 = tpu.vector_load %get3A_1173[%get3A_1174, %get3A_1175] {strides = array<i32>} : memref<128x128xf32, #tpu.memory_space<vmem>>, vector<16xf32>,
        %mul3A_1177 = vector.broadcast %squeeze3A_1101 : f32 to vector<16xf32>
        %mul3A_1178 = arith.mulf %get3A_1176, %mul3A_1177 : vector<16xf32>
        %swap3A_1179 = arith.constant 0 : i32
        %swap3A_1180 = arith.constant 0 : i32
        %swap3A_1181 = tpu.memref_slice %arg15[%rem3A_275, %swap3A_1179, %swap3A_1180] : memref<2x128x128xf32, #tpu.memory_space<vmem>> -> memref<1x128x128xf32, #tpu.memory_space<vmem>>
        %swap3A_1182 = tpu.memref_squeeze %swap3A_1181 : memref<1x128x128xf32, #tpu.memory_space<vmem>> -> memref<128x128xf32, #tpu.memory_space<vmem>>
        %swap3A_1183 = arith.index_cast %add3A_1105 : i32 to index
        %swap3A_1184 = arith.constant 64 : index
        %swap3A_1185 = tpu.vector_load %swap3A_1182[%swap3A_1183, %swap3A_1184] {strides = array<i32>} : memref<128x128xf32, #tpu.memory_space<vmem>>, vector<16xf32>,
        tpu.vector_store %swap3A_1182[%swap3A_1183, %swap3A_1184], %mul3A_1178 {strides = array<i32>} : memref<128x128xf32, #tpu.memory_space<vmem>>, vector<16xf32>,
        %get3A_1186 = arith.constant 0 : i32
        %get3A_1187 = arith.constant 0 : i32
        %get3A_1188 = tpu.memref_slice %arg15[%rem3A_275, %get3A_1186, %get3A_1187] : memref<2x128x128xf32, #tpu.memory_space<vmem>> -> memref<1x128x128xf32, #tpu.memory_space<vmem>>
        %get3A_1189 = tpu.memref_squeeze %get3A_1188 : memref<1x128x128xf32, #tpu.memory_space<vmem>> -> memref<128x128xf32, #tpu.memory_space<vmem>>
        %get3A_1190 = arith.index_cast %add3A_1105 : i32 to index
        %get3A_1191 = arith.constant 80 : index
        %get3A_1192 = tpu.vector_load %get3A_1189[%get3A_1190, %get3A_1191] {strides = array<i32>} : memref<128x128xf32, #tpu.memory_space<vmem>>, vector<16xf32>,
        %mul3A_1193 = vector.broadcast %squeeze3A_1101 : f32 to vector<16xf32>
        %mul3A_1194 = arith.mulf %get3A_1192, %mul3A_1193 : vector<16xf32>
        %swap3A_1195 = arith.constant 0 : i32
        %swap3A_1196 = arith.constant 0 : i32
        %swap3A_1197 = tpu.memref_slice %arg15[%rem3A_275, %swap3A_1195, %swap3A_1196] : memref<2x128x128xf32, #tpu.memory_space<vmem>> -> memref<1x128x128xf32, #tpu.memory_space<vmem>>
        %swap3A_1198 = tpu.memref_squeeze %swap3A_1197 : memref<1x128x128xf32, #tpu.memory_space<vmem>> -> memref<128x128xf32, #tpu.memory_space<vmem>>
        %swap3A_1199 = arith.index_cast %add3A_1105 : i32 to index
        %swap3A_1200 = arith.constant 80 : index
        %swap3A_1201 = tpu.vector_load %swap3A_1198[%swap3A_1199, %swap3A_1200] {strides = array<i32>} : memref<128x128xf32, #tpu.memory_space<vmem>>, vector<16xf32>,
        tpu.vector_store %swap3A_1198[%swap3A_1199, %swap3A_1200], %mul3A_1194 {strides = array<i32>} : memref<128x128xf32, #tpu.memory_space<vmem>>, vector<16xf32>,
        %get3A_1202 = arith.constant 0 : i32
        %get3A_1203 = arith.constant 0 : i32
        %get3A_1204 = tpu.memref_slice %arg15[%rem3A_275, %get3A_1202, %get3A_1203] : memref<2x128x128xf32, #tpu.memory_space<vmem>> -> memref<1x128x128xf32, #tpu.memory_space<vmem>>
        %get3A_1205 = tpu.memref_squeeze %get3A_1204 : memref<1x128x128xf32, #tpu.memory_space<vmem>> -> memref<128x128xf32, #tpu.memory_space<vmem>>
        %get3A_1206 = arith.index_cast %add3A_1105 : i32 to index
        %get3A_1207 = arith.constant 96 : index
        %get3A_1208 = tpu.vector_load %get3A_1205[%get3A_1206, %get3A_1207] {strides = array<i32>} : memref<128x128xf32, #tpu.memory_space<vmem>>, vector<16xf32>,
        %mul3A_1209 = vector.broadcast %squeeze3A_1101 : f32 to vector<16xf32>
        %mul3A_1210 = arith.mulf %get3A_1208, %mul3A_1209 : vector<16xf32>
        %swap3A_1211 = arith.constant 0 : i32
        %swap3A_1212 = arith.constant 0 : i32
        %swap3A_1213 = tpu.memref_slice %arg15[%rem3A_275, %swap3A_1211, %swap3A_1212] : memref<2x128x128xf32, #tpu.memory_space<vmem>> -> memref<1x128x128xf32, #tpu.memory_space<vmem>>
        %swap3A_1214 = tpu.memref_squeeze %swap3A_1213 : memref<1x128x128xf32, #tpu.memory_space<vmem>> -> memref<128x128xf32, #tpu.memory_space<vmem>>
        %swap3A_1215 = arith.index_cast %add3A_1105 : i32 to index
        %swap3A_1216 = arith.constant 96 : index
        %swap3A_1217 = tpu.vector_load %swap3A_1214[%swap3A_1215, %swap3A_1216] {strides = array<i32>} : memref<128x128xf32, #tpu.memory_space<vmem>>, vector<16xf32>,
        tpu.vector_store %swap3A_1214[%swap3A_1215, %swap3A_1216], %mul3A_1210 {strides = array<i32>} : memref<128x128xf32, #tpu.memory_space<vmem>>, vector<16xf32>,
        %get3A_1218 = arith.constant 0 : i32
        %get3A_1219 = arith.constant 0 : i32
        %get3A_1220 = tpu.memref_slice %arg15[%rem3A_275, %get3A_1218, %get3A_1219] : memref<2x128x128xf32, #tpu.memory_space<vmem>> -> memref<1x128x128xf32, #tpu.memory_space<vmem>>
        %get3A_1221 = tpu.memref_squeeze %get3A_1220 : memref<1x128x128xf32, #tpu.memory_space<vmem>> -> memref<128x128xf32, #tpu.memory_space<vmem>>
        %get3A_1222 = arith.index_cast %add3A_1105 : i32 to index
        %get3A_1223 = arith.constant 112 : index
        %get3A_1224 = tpu.vector_load %get3A_1221[%get3A_1222, %get3A_1223] {strides = array<i32>} : memref<128x128xf32, #tpu.memory_space<vmem>>, vector<16xf32>,
        %mul3A_1225 = vector.broadcast %squeeze3A_1101 : f32 to vector<16xf32>
        %mul3A_1226 = arith.mulf %get3A_1224, %mul3A_1225 : vector<16xf32>
        %swap3A_1227 = arith.constant 0 : i32
        %swap3A_1228 = arith.constant 0 : i32
        %swap3A_1229 = tpu.memref_slice %arg15[%rem3A_275, %swap3A_1227, %swap3A_1228] : memref<2x128x128xf32, #tpu.memory_space<vmem>> -> memref<1x128x128xf32, #tpu.memory_space<vmem>>
        %swap3A_1230 = tpu.memref_squeeze %swap3A_1229 : memref<1x128x128xf32, #tpu.memory_space<vmem>> -> memref<128x128xf32, #tpu.memory_space<vmem>>
        %swap3A_1231 = arith.index_cast %add3A_1105 : i32 to index
        %swap3A_1232 = arith.constant 112 : index
        %swap3A_1233 = tpu.vector_load %swap3A_1230[%swap3A_1231, %swap3A_1232] {strides = array<i32>} : memref<128x128xf32, #tpu.memory_space<vmem>>, vector<16xf32>,
        tpu.vector_store %swap3A_1230[%swap3A_1231, %swap3A_1232], %mul3A_1226 {strides = array<i32>} : memref<128x128xf32, #tpu.memory_space<vmem>>, vector<16xf32>,
        %slice3A_1234 = vector.extract_strided_slice %get3A_565 {offsets = [5], sizes = [1], strides = [1]} : vector<16xf32> to vector<1xf32>
        %squeeze3A_1235 = vector.extract %slice3A_1234[0] : f32 from vector<1xf32>
        %mul3A_1236 = arith.constant 16 : i32
        %mul3A_1237 = arith.muli %scan3A_558, %mul3A_1236 : i32
        %add3A_1238 = arith.constant 5 : i32
        %add3A_1239 = arith.addi %mul3A_1237, %add3A_1238 : i32
        %get3A_1240 = arith.constant 0 : i32
        %get3A_1241 = arith.constant 0 : i32
        %get3A_1242 = tpu.memref_slice %arg15[%rem3A_275, %get3A_1240, %get3A_1241] : memref<2x128x128xf32, #tpu.memory_space<vmem>> -> memref<1x128x128xf32, #tpu.memory_space<vmem>>
        %get3A_1243 = tpu.memref_squeeze %get3A_1242 : memref<1x128x128xf32, #tpu.memory_space<vmem>> -> memref<128x128xf32, #tpu.memory_space<vmem>>
        %get3A_1244 = arith.index_cast %add3A_1239 : i32 to index
        %get3A_1245 = arith.constant 0 : index
        %get3A_1246 = tpu.vector_load %get3A_1243[%get3A_1244, %get3A_1245] {strides = array<i32>} : memref<128x128xf32, #tpu.memory_space<vmem>>, vector<16xf32>,
        %mul3A_1247 = vector.broadcast %squeeze3A_1235 : f32 to vector<16xf32>
        %mul3A_1248 = arith.mulf %get3A_1246, %mul3A_1247 : vector<16xf32>
        %swap3A_1249 = arith.constant 0 : i32
        %swap3A_1250 = arith.constant 0 : i32
        %swap3A_1251 = tpu.memref_slice %arg15[%rem3A_275, %swap3A_1249, %swap3A_1250] : memref<2x128x128xf32, #tpu.memory_space<vmem>> -> memref<1x128x128xf32, #tpu.memory_space<vmem>>
        %swap3A_1252 = tpu.memref_squeeze %swap3A_1251 : memref<1x128x128xf32, #tpu.memory_space<vmem>> -> memref<128x128xf32, #tpu.memory_space<vmem>>
        %swap3A_1253 = arith.index_cast %add3A_1239 : i32 to index
        %swap3A_1254 = arith.constant 0 : index
        %swap3A_1255 = tpu.vector_load %swap3A_1252[%swap3A_1253, %swap3A_1254] {strides = array<i32>} : memref<128x128xf32, #tpu.memory_space<vmem>>, vector<16xf32>,
        tpu.vector_store %swap3A_1252[%swap3A_1253, %swap3A_1254], %mul3A_1248 {strides = array<i32>} : memref<128x128xf32, #tpu.memory_space<vmem>>, vector<16xf32>,
        %get3A_1256 = arith.constant 0 : i32
        %get3A_1257 = arith.constant 0 : i32
        %get3A_1258 = tpu.memref_slice %arg15[%rem3A_275, %get3A_1256, %get3A_1257] : memref<2x128x128xf32, #tpu.memory_space<vmem>> -> memref<1x128x128xf32, #tpu.memory_space<vmem>>
        %get3A_1259 = tpu.memref_squeeze %get3A_1258 : memref<1x128x128xf32, #tpu.memory_space<vmem>> -> memref<128x128xf32, #tpu.memory_space<vmem>>
        %get3A_1260 = arith.index_cast %add3A_1239 : i32 to index
        %get3A_1261 = arith.constant 16 : index
        %get3A_1262 = tpu.vector_load %get3A_1259[%get3A_1260, %get3A_1261] {strides = array<i32>} : memref<128x128xf32, #tpu.memory_space<vmem>>, vector<16xf32>,
        %mul3A_1263 = vector.broadcast %squeeze3A_1235 : f32 to vector<16xf32>
        %mul3A_1264 = arith.mulf %get3A_1262, %mul3A_1263 : vector<16xf32>
        %swap3A_1265 = arith.constant 0 : i32
        %swap3A_1266 = arith.constant 0 : i32
        %swap3A_1267 = tpu.memref_slice %arg15[%rem3A_275, %swap3A_1265, %swap3A_1266] : memref<2x128x128xf32, #tpu.memory_space<vmem>> -> memref<1x128x128xf32, #tpu.memory_space<vmem>>
        %swap3A_1268 = tpu.memref_squeeze %swap3A_1267 : memref<1x128x128xf32, #tpu.memory_space<vmem>> -> memref<128x128xf32, #tpu.memory_space<vmem>>
        %swap3A_1269 = arith.index_cast %add3A_1239 : i32 to index
        %swap3A_1270 = arith.constant 16 : index
        %swap3A_1271 = tpu.vector_load %swap3A_1268[%swap3A_1269, %swap3A_1270] {strides = array<i32>} : memref<128x128xf32, #tpu.memory_space<vmem>>, vector<16xf32>,
        tpu.vector_store %swap3A_1268[%swap3A_1269, %swap3A_1270], %mul3A_1264 {strides = array<i32>} : memref<128x128xf32, #tpu.memory_space<vmem>>, vector<16xf32>,
        %get3A_1272 = arith.constant 0 : i32
        %get3A_1273 = arith.constant 0 : i32
        %get3A_1274 = tpu.memref_slice %arg15[%rem3A_275, %get3A_1272, %get3A_1273] : memref<2x128x128xf32, #tpu.memory_space<vmem>> -> memref<1x128x128xf32, #tpu.memory_space<vmem>>
        %get3A_1275 = tpu.memref_squeeze %get3A_1274 : memref<1x128x128xf32, #tpu.memory_space<vmem>> -> memref<128x128xf32, #tpu.memory_space<vmem>>
        %get3A_1276 = arith.index_cast %add3A_1239 : i32 to index
        %get3A_1277 = arith.constant 32 : index
        %get3A_1278 = tpu.vector_load %get3A_1275[%get3A_1276, %get3A_1277] {strides = array<i32>} : memref<128x128xf32, #tpu.memory_space<vmem>>, vector<16xf32>,
        %mul3A_1279 = vector.broadcast %squeeze3A_1235 : f32 to vector<16xf32>
        %mul3A_1280 = arith.mulf %get3A_1278, %mul3A_1279 : vector<16xf32>
        %swap3A_1281 = arith.constant 0 : i32
        %swap3A_1282 = arith.constant 0 : i32
        %swap3A_1283 = tpu.memref_slice %arg15[%rem3A_275, %swap3A_1281, %swap3A_1282] : memref<2x128x128xf32, #tpu.memory_space<vmem>> -> memref<1x128x128xf32, #tpu.memory_space<vmem>>
        %swap3A_1284 = tpu.memref_squeeze %swap3A_1283 : memref<1x128x128xf32, #tpu.memory_space<vmem>> -> memref<128x128xf32, #tpu.memory_space<vmem>>
        %swap3A_1285 = arith.index_cast %add3A_1239 : i32 to index
        %swap3A_1286 = arith.constant 32 : index
        %swap3A_1287 = tpu.vector_load %swap3A_1284[%swap3A_1285, %swap3A_1286] {strides = array<i32>} : memref<128x128xf32, #tpu.memory_space<vmem>>, vector<16xf32>,
        tpu.vector_store %swap3A_1284[%swap3A_1285, %swap3A_1286], %mul3A_1280 {strides = array<i32>} : memref<128x128xf32, #tpu.memory_space<vmem>>, vector<16xf32>,
        %get3A_1288 = arith.constant 0 : i32
        %get3A_1289 = arith.constant 0 : i32
        %get3A_1290 = tpu.memref_slice %arg15[%rem3A_275, %get3A_1288, %get3A_1289] : memref<2x128x128xf32, #tpu.memory_space<vmem>> -> memref<1x128x128xf32, #tpu.memory_space<vmem>>
        %get3A_1291 = tpu.memref_squeeze %get3A_1290 : memref<1x128x128xf32, #tpu.memory_space<vmem>> -> memref<128x128xf32, #tpu.memory_space<vmem>>
        %get3A_1292 = arith.index_cast %add3A_1239 : i32 to index
        %get3A_1293 = arith.constant 48 : index
        %get3A_1294 = tpu.vector_load %get3A_1291[%get3A_1292, %get3A_1293] {strides = array<i32>} : memref<128x128xf32, #tpu.memory_space<vmem>>, vector<16xf32>,
        %mul3A_1295 = vector.broadcast %squeeze3A_1235 : f32 to vector<16xf32>
        %mul3A_1296 = arith.mulf %get3A_1294, %mul3A_1295 : vector<16xf32>
        %swap3A_1297 = arith.constant 0 : i32
        %swap3A_1298 = arith.constant 0 : i32
        %swap3A_1299 = tpu.memref_slice %arg15[%rem3A_275, %swap3A_1297, %swap3A_1298] : memref<2x128x128xf32, #tpu.memory_space<vmem>> -> memref<1x128x128xf32, #tpu.memory_space<vmem>>
        %swap3A_1300 = tpu.memref_squeeze %swap3A_1299 : memref<1x128x128xf32, #tpu.memory_space<vmem>> -> memref<128x128xf32, #tpu.memory_space<vmem>>
        %swap3A_1301 = arith.index_cast %add3A_1239 : i32 to index
        %swap3A_1302 = arith.constant 48 : index
        %swap3A_1303 = tpu.vector_load %swap3A_1300[%swap3A_1301, %swap3A_1302] {strides = array<i32>} : memref<128x128xf32, #tpu.memory_space<vmem>>, vector<16xf32>,
        tpu.vector_store %swap3A_1300[%swap3A_1301, %swap3A_1302], %mul3A_1296 {strides = array<i32>} : memref<128x128xf32, #tpu.memory_space<vmem>>, vector<16xf32>,
        %get3A_1304 = arith.constant 0 : i32
        %get3A_1305 = arith.constant 0 : i32
        %get3A_1306 = tpu.memref_slice %arg15[%rem3A_275, %get3A_1304, %get3A_1305] : memref<2x128x128xf32, #tpu.memory_space<vmem>> -> memref<1x128x128xf32, #tpu.memory_space<vmem>>
        %get3A_1307 = tpu.memref_squeeze %get3A_1306 : memref<1x128x128xf32, #tpu.memory_space<vmem>> -> memref<128x128xf32, #tpu.memory_space<vmem>>
        %get3A_1308 = arith.index_cast %add3A_1239 : i32 to index
        %get3A_1309 = arith.constant 64 : index
        %get3A_1310 = tpu.vector_load %get3A_1307[%get3A_1308, %get3A_1309] {strides = array<i32>} : memref<128x128xf32, #tpu.memory_space<vmem>>, vector<16xf32>,
        %mul3A_1311 = vector.broadcast %squeeze3A_1235 : f32 to vector<16xf32>
        %mul3A_1312 = arith.mulf %get3A_1310, %mul3A_1311 : vector<16xf32>
        %swap3A_1313 = arith.constant 0 : i32
        %swap3A_1314 = arith.constant 0 : i32
        %swap3A_1315 = tpu.memref_slice %arg15[%rem3A_275, %swap3A_1313, %swap3A_1314] : memref<2x128x128xf32, #tpu.memory_space<vmem>> -> memref<1x128x128xf32, #tpu.memory_space<vmem>>
        %swap3A_1316 = tpu.memref_squeeze %swap3A_1315 : memref<1x128x128xf32, #tpu.memory_space<vmem>> -> memref<128x128xf32, #tpu.memory_space<vmem>>
        %swap3A_1317 = arith.index_cast %add3A_1239 : i32 to index
        %swap3A_1318 = arith.constant 64 : index
        %swap3A_1319 = tpu.vector_load %swap3A_1316[%swap3A_1317, %swap3A_1318] {strides = array<i32>} : memref<128x128xf32, #tpu.memory_space<vmem>>, vector<16xf32>,
        tpu.vector_store %swap3A_1316[%swap3A_1317, %swap3A_1318], %mul3A_1312 {strides = array<i32>} : memref<128x128xf32, #tpu.memory_space<vmem>>, vector<16xf32>,
        %get3A_1320 = arith.constant 0 : i32
        %get3A_1321 = arith.constant 0 : i32
        %get3A_1322 = tpu.memref_slice %arg15[%rem3A_275, %get3A_1320, %get3A_1321] : memref<2x128x128xf32, #tpu.memory_space<vmem>> -> memref<1x128x128xf32, #tpu.memory_space<vmem>>
        %get3A_1323 = tpu.memref_squeeze %get3A_1322 : memref<1x128x128xf32, #tpu.memory_space<vmem>> -> memref<128x128xf32, #tpu.memory_space<vmem>>
        %get3A_1324 = arith.index_cast %add3A_1239 : i32 to index
        %get3A_1325 = arith.constant 80 : index
        %get3A_1326 = tpu.vector_load %get3A_1323[%get3A_1324, %get3A_1325] {strides = array<i32>} : memref<128x128xf32, #tpu.memory_space<vmem>>, vector<16xf32>,
        %mul3A_1327 = vector.broadcast %squeeze3A_1235 : f32 to vector<16xf32>
        %mul3A_1328 = arith.mulf %get3A_1326, %mul3A_1327 : vector<16xf32>
        %swap3A_1329 = arith.constant 0 : i32
        %swap3A_1330 = arith.constant 0 : i32
        %swap3A_1331 = tpu.memref_slice %arg15[%rem3A_275, %swap3A_1329, %swap3A_1330] : memref<2x128x128xf32, #tpu.memory_space<vmem>> -> memref<1x128x128xf32, #tpu.memory_space<vmem>>
        %swap3A_1332 = tpu.memref_squeeze %swap3A_1331 : memref<1x128x128xf32, #tpu.memory_space<vmem>> -> memref<128x128xf32, #tpu.memory_space<vmem>>
        %swap3A_1333 = arith.index_cast %add3A_1239 : i32 to index
        %swap3A_1334 = arith.constant 80 : index
        %swap3A_1335 = tpu.vector_load %swap3A_1332[%swap3A_1333, %swap3A_1334] {strides = array<i32>} : memref<128x128xf32, #tpu.memory_space<vmem>>, vector<16xf32>,
        tpu.vector_store %swap3A_1332[%swap3A_1333, %swap3A_1334], %mul3A_1328 {strides = array<i32>} : memref<128x128xf32, #tpu.memory_space<vmem>>, vector<16xf32>,
        %get3A_1336 = arith.constant 0 : i32
        %get3A_1337 = arith.constant 0 : i32
        %get3A_1338 = tpu.memref_slice %arg15[%rem3A_275, %get3A_1336, %get3A_1337] : memref<2x128x128xf32, #tpu.memory_space<vmem>> -> memref<1x128x128xf32, #tpu.memory_space<vmem>>
        %get3A_1339 = tpu.memref_squeeze %get3A_1338 : memref<1x128x128xf32, #tpu.memory_space<vmem>> -> memref<128x128xf32, #tpu.memory_space<vmem>>
        %get3A_1340 = arith.index_cast %add3A_1239 : i32 to index
        %get3A_1341 = arith.constant 96 : index
        %get3A_1342 = tpu.vector_load %get3A_1339[%get3A_1340, %get3A_1341] {strides = array<i32>} : memref<128x128xf32, #tpu.memory_space<vmem>>, vector<16xf32>,
        %mul3A_1343 = vector.broadcast %squeeze3A_1235 : f32 to vector<16xf32>
        %mul3A_1344 = arith.mulf %get3A_1342, %mul3A_1343 : vector<16xf32>
        %swap3A_1345 = arith.constant 0 : i32
        %swap3A_1346 = arith.constant 0 : i32
        %swap3A_1347 = tpu.memref_slice %arg15[%rem3A_275, %swap3A_1345, %swap3A_1346] : memref<2x128x128xf32, #tpu.memory_space<vmem>> -> memref<1x128x128xf32, #tpu.memory_space<vmem>>
        %swap3A_1348 = tpu.memref_squeeze %swap3A_1347 : memref<1x128x128xf32, #tpu.memory_space<vmem>> -> memref<128x128xf32, #tpu.memory_space<vmem>>
        %swap3A_1349 = arith.index_cast %add3A_1239 : i32 to index
        %swap3A_1350 = arith.constant 96 : index
        %swap3A_1351 = tpu.vector_load %swap3A_1348[%swap3A_1349, %swap3A_1350] {strides = array<i32>} : memref<128x128xf32, #tpu.memory_space<vmem>>, vector<16xf32>,
        tpu.vector_store %swap3A_1348[%swap3A_1349, %swap3A_1350], %mul3A_1344 {strides = array<i32>} : memref<128x128xf32, #tpu.memory_space<vmem>>, vector<16xf32>,
        %get3A_1352 = arith.constant 0 : i32
        %get3A_1353 = arith.constant 0 : i32
        %get3A_1354 = tpu.memref_slice %arg15[%rem3A_275, %get3A_1352, %get3A_1353] : memref<2x128x128xf32, #tpu.memory_space<vmem>> -> memref<1x128x128xf32, #tpu.memory_space<vmem>>
        %get3A_1355 = tpu.memref_squeeze %get3A_1354 : memref<1x128x128xf32, #tpu.memory_space<vmem>> -> memref<128x128xf32, #tpu.memory_space<vmem>>
        %get3A_1356 = arith.index_cast %add3A_1239 : i32 to index
        %get3A_1357 = arith.constant 112 : index
        %get3A_1358 = tpu.vector_load %get3A_1355[%get3A_1356, %get3A_1357] {strides = array<i32>} : memref<128x128xf32, #tpu.memory_space<vmem>>, vector<16xf32>,
        %mul3A_1359 = vector.broadcast %squeeze3A_1235 : f32 to vector<16xf32>
        %mul3A_1360 = arith.mulf %get3A_1358, %mul3A_1359 : vector<16xf32>
        %swap3A_1361 = arith.constant 0 : i32
        %swap3A_1362 = arith.constant 0 : i32
        %swap3A_1363 = tpu.memref_slice %arg15[%rem3A_275, %swap3A_1361, %swap3A_1362] : memref<2x128x128xf32, #tpu.memory_space<vmem>> -> memref<1x128x128xf32, #tpu.memory_space<vmem>>
        %swap3A_1364 = tpu.memref_squeeze %swap3A_1363 : memref<1x128x128xf32, #tpu.memory_space<vmem>> -> memref<128x128xf32, #tpu.memory_space<vmem>>
        %swap3A_1365 = arith.index_cast %add3A_1239 : i32 to index
        %swap3A_1366 = arith.constant 112 : index
        %swap3A_1367 = tpu.vector_load %swap3A_1364[%swap3A_1365, %swap3A_1366] {strides = array<i32>} : memref<128x128xf32, #tpu.memory_space<vmem>>, vector<16xf32>,
        tpu.vector_store %swap3A_1364[%swap3A_1365, %swap3A_1366], %mul3A_1360 {strides = array<i32>} : memref<128x128xf32, #tpu.memory_space<vmem>>, vector<16xf32>,
        %slice3A_1368 = vector.extract_strided_slice %get3A_565 {offsets = [6], sizes = [1], strides = [1]} : vector<16xf32> to vector<1xf32>
        %squeeze3A_1369 = vector.extract %slice3A_1368[0] : f32 from vector<1xf32>
        %mul3A_1370 = arith.constant 16 : i32
        %mul3A_1371 = arith.muli %scan3A_558, %mul3A_1370 : i32
        %add3A_1372 = arith.constant 6 : i32
        %add3A_1373 = arith.addi %mul3A_1371, %add3A_1372 : i32
        %get3A_1374 = arith.constant 0 : i32
        %get3A_1375 = arith.constant 0 : i32
        %get3A_1376 = tpu.memref_slice %arg15[%rem3A_275, %get3A_1374, %get3A_1375] : memref<2x128x128xf32, #tpu.memory_space<vmem>> -> memref<1x128x128xf32, #tpu.memory_space<vmem>>
        %get3A_1377 = tpu.memref_squeeze %get3A_1376 : memref<1x128x128xf32, #tpu.memory_space<vmem>> -> memref<128x128xf32, #tpu.memory_space<vmem>>
        %get3A_1378 = arith.index_cast %add3A_1373 : i32 to index
        %get3A_1379 = arith.constant 0 : index
        %get3A_1380 = tpu.vector_load %get3A_1377[%get3A_1378, %get3A_1379] {strides = array<i32>} : memref<128x128xf32, #tpu.memory_space<vmem>>, vector<16xf32>,
        %mul3A_1381 = vector.broadcast %squeeze3A_1369 : f32 to vector<16xf32>
        %mul3A_1382 = arith.mulf %get3A_1380, %mul3A_1381 : vector<16xf32>
        %swap3A_1383 = arith.constant 0 : i32
        %swap3A_1384 = arith.constant 0 : i32
        %swap3A_1385 = tpu.memref_slice %arg15[%rem3A_275, %swap3A_1383, %swap3A_1384] : memref<2x128x128xf32, #tpu.memory_space<vmem>> -> memref<1x128x128xf32, #tpu.memory_space<vmem>>
        %swap3A_1386 = tpu.memref_squeeze %swap3A_1385 : memref<1x128x128xf32, #tpu.memory_space<vmem>> -> memref<128x128xf32, #tpu.memory_space<vmem>>
        %swap3A_1387 = arith.index_cast %add3A_1373 : i32 to index
        %swap3A_1388 = arith.constant 0 : index
        %swap3A_1389 = tpu.vector_load %swap3A_1386[%swap3A_1387, %swap3A_1388] {strides = array<i32>} : memref<128x128xf32, #tpu.memory_space<vmem>>, vector<16xf32>,
        tpu.vector_store %swap3A_1386[%swap3A_1387, %swap3A_1388], %mul3A_1382 {strides = array<i32>} : memref<128x128xf32, #tpu.memory_space<vmem>>, vector<16xf32>,
        %get3A_1390 = arith.constant 0 : i32
        %get3A_1391 = arith.constant 0 : i32
        %get3A_1392 = tpu.memref_slice %arg15[%rem3A_275, %get3A_1390, %get3A_1391] : memref<2x128x128xf32, #tpu.memory_space<vmem>> -> memref<1x128x128xf32, #tpu.memory_space<vmem>>
        %get3A_1393 = tpu.memref_squeeze %get3A_1392 : memref<1x128x128xf32, #tpu.memory_space<vmem>> -> memref<128x128xf32, #tpu.memory_space<vmem>>
        %get3A_1394 = arith.index_cast %add3A_1373 : i32 to index
        %get3A_1395 = arith.constant 16 : index
        %get3A_1396 = tpu.vector_load %get3A_1393[%get3A_1394, %get3A_1395] {strides = array<i32>} : memref<128x128xf32, #tpu.memory_space<vmem>>, vector<16xf32>,
        %mul3A_1397 = vector.broadcast %squeeze3A_1369 : f32 to vector<16xf32>
        %mul3A_1398 = arith.mulf %get3A_1396, %mul3A_1397 : vector<16xf32>
        %swap3A_1399 = arith.constant 0 : i32
        %swap3A_1400 = arith.constant 0 : i32
        %swap3A_1401 = tpu.memref_slice %arg15[%rem3A_275, %swap3A_1399, %swap3A_1400] : memref<2x128x128xf32, #tpu.memory_space<vmem>> -> memref<1x128x128xf32, #tpu.memory_space<vmem>>
        %swap3A_1402 = tpu.memref_squeeze %swap3A_1401 : memref<1x128x128xf32, #tpu.memory_space<vmem>> -> memref<128x128xf32, #tpu.memory_space<vmem>>
        %swap3A_1403 = arith.index_cast %add3A_1373 : i32 to index
        %swap3A_1404 = arith.constant 16 : index
        %swap3A_1405 = tpu.vector_load %swap3A_1402[%swap3A_1403, %swap3A_1404] {strides = array<i32>} : memref<128x128xf32, #tpu.memory_space<vmem>>, vector<16xf32>,
        tpu.vector_store %swap3A_1402[%swap3A_1403, %swap3A_1404], %mul3A_1398 {strides = array<i32>} : memref<128x128xf32, #tpu.memory_space<vmem>>, vector<16xf32>,
        %get3A_1406 = arith.constant 0 : i32
        %get3A_1407 = arith.constant 0 : i32
        %get3A_1408 = tpu.memref_slice %arg15[%rem3A_275, %get3A_1406, %get3A_1407] : memref<2x128x128xf32, #tpu.memory_space<vmem>> -> memref<1x128x128xf32, #tpu.memory_space<vmem>>
        %get3A_1409 = tpu.memref_squeeze %get3A_1408 : memref<1x128x128xf32, #tpu.memory_space<vmem>> -> memref<128x128xf32, #tpu.memory_space<vmem>>
        %get3A_1410 = arith.index_cast %add3A_1373 : i32 to index
        %get3A_1411 = arith.constant 32 : index
        %get3A_1412 = tpu.vector_load %get3A_1409[%get3A_1410, %get3A_1411] {strides = array<i32>} : memref<128x128xf32, #tpu.memory_space<vmem>>, vector<16xf32>,
        %mul3A_1413 = vector.broadcast %squeeze3A_1369 : f32 to vector<16xf32>
        %mul3A_1414 = arith.mulf %get3A_1412, %mul3A_1413 : vector<16xf32>
        %swap3A_1415 = arith.constant 0 : i32
        %swap3A_1416 = arith.constant 0 : i32
        %swap3A_1417 = tpu.memref_slice %arg15[%rem3A_275, %swap3A_1415, %swap3A_1416] : memref<2x128x128xf32, #tpu.memory_space<vmem>> -> memref<1x128x128xf32, #tpu.memory_space<vmem>>
        %swap3A_1418 = tpu.memref_squeeze %swap3A_1417 : memref<1x128x128xf32, #tpu.memory_space<vmem>> -> memref<128x128xf32, #tpu.memory_space<vmem>>
        %swap3A_1419 = arith.index_cast %add3A_1373 : i32 to index
        %swap3A_1420 = arith.constant 32 : index
        %swap3A_1421 = tpu.vector_load %swap3A_1418[%swap3A_1419, %swap3A_1420] {strides = array<i32>} : memref<128x128xf32, #tpu.memory_space<vmem>>, vector<16xf32>,
        tpu.vector_store %swap3A_1418[%swap3A_1419, %swap3A_1420], %mul3A_1414 {strides = array<i32>} : memref<128x128xf32, #tpu.memory_space<vmem>>, vector<16xf32>,
        %get3A_1422 = arith.constant 0 : i32
        %get3A_1423 = arith.constant 0 : i32
        %get3A_1424 = tpu.memref_slice %arg15[%rem3A_275, %get3A_1422, %get3A_1423] : memref<2x128x128xf32, #tpu.memory_space<vmem>> -> memref<1x128x128xf32, #tpu.memory_space<vmem>>
        %get3A_1425 = tpu.memref_squeeze %get3A_1424 : memref<1x128x128xf32, #tpu.memory_space<vmem>> -> memref<128x128xf32, #tpu.memory_space<vmem>>
        %get3A_1426 = arith.index_cast %add3A_1373 : i32 to index
        %get3A_1427 = arith.constant 48 : index
        %get3A_1428 = tpu.vector_load %get3A_1425[%get3A_1426, %get3A_1427] {strides = array<i32>} : memref<128x128xf32, #tpu.memory_space<vmem>>, vector<16xf32>,
        %mul3A_1429 = vector.broadcast %squeeze3A_1369 : f32 to vector<16xf32>
        %mul3A_1430 = arith.mulf %get3A_1428, %mul3A_1429 : vector<16xf32>
        %swap3A_1431 = arith.constant 0 : i32
        %swap3A_1432 = arith.constant 0 : i32
        %swap3A_1433 = tpu.memref_slice %arg15[%rem3A_275, %swap3A_1431, %swap3A_1432] : memref<2x128x128xf32, #tpu.memory_space<vmem>> -> memref<1x128x128xf32, #tpu.memory_space<vmem>>
        %swap3A_1434 = tpu.memref_squeeze %swap3A_1433 : memref<1x128x128xf32, #tpu.memory_space<vmem>> -> memref<128x128xf32, #tpu.memory_space<vmem>>
        %swap3A_1435 = arith.index_cast %add3A_1373 : i32 to index
        %swap3A_1436 = arith.constant 48 : index
        %swap3A_1437 = tpu.vector_load %swap3A_1434[%swap3A_1435, %swap3A_1436] {strides = array<i32>} : memref<128x128xf32, #tpu.memory_space<vmem>>, vector<16xf32>,
        tpu.vector_store %swap3A_1434[%swap3A_1435, %swap3A_1436], %mul3A_1430 {strides = array<i32>} : memref<128x128xf32, #tpu.memory_space<vmem>>, vector<16xf32>,
        %get3A_1438 = arith.constant 0 : i32
        %get3A_1439 = arith.constant 0 : i32
        %get3A_1440 = tpu.memref_slice %arg15[%rem3A_275, %get3A_1438, %get3A_1439] : memref<2x128x128xf32, #tpu.memory_space<vmem>> -> memref<1x128x128xf32, #tpu.memory_space<vmem>>
        %get3A_1441 = tpu.memref_squeeze %get3A_1440 : memref<1x128x128xf32, #tpu.memory_space<vmem>> -> memref<128x128xf32, #tpu.memory_space<vmem>>
        %get3A_1442 = arith.index_cast %add3A_1373 : i32 to index
        %get3A_1443 = arith.constant 64 : index
        %get3A_1444 = tpu.vector_load %get3A_1441[%get3A_1442, %get3A_1443] {strides = array<i32>} : memref<128x128xf32, #tpu.memory_space<vmem>>, vector<16xf32>,
        %mul3A_1445 = vector.broadcast %squeeze3A_1369 : f32 to vector<16xf32>
        %mul3A_1446 = arith.mulf %get3A_1444, %mul3A_1445 : vector<16xf32>
        %swap3A_1447 = arith.constant 0 : i32
        %swap3A_1448 = arith.constant 0 : i32
        %swap3A_1449 = tpu.memref_slice %arg15[%rem3A_275, %swap3A_1447, %swap3A_1448] : memref<2x128x128xf32, #tpu.memory_space<vmem>> -> memref<1x128x128xf32, #tpu.memory_space<vmem>>
        %swap3A_1450 = tpu.memref_squeeze %swap3A_1449 : memref<1x128x128xf32, #tpu.memory_space<vmem>> -> memref<128x128xf32, #tpu.memory_space<vmem>>
        %swap3A_1451 = arith.index_cast %add3A_1373 : i32 to index
        %swap3A_1452 = arith.constant 64 : index
        %swap3A_1453 = tpu.vector_load %swap3A_1450[%swap3A_1451, %swap3A_1452] {strides = array<i32>} : memref<128x128xf32, #tpu.memory_space<vmem>>, vector<16xf32>,
        tpu.vector_store %swap3A_1450[%swap3A_1451, %swap3A_1452], %mul3A_1446 {strides = array<i32>} : memref<128x128xf32, #tpu.memory_space<vmem>>, vector<16xf32>,
        %get3A_1454 = arith.constant 0 : i32
        %get3A_1455 = arith.constant 0 : i32
        %get3A_1456 = tpu.memref_slice %arg15[%rem3A_275, %get3A_1454, %get3A_1455] : memref<2x128x128xf32, #tpu.memory_space<vmem>> -> memref<1x128x128xf32, #tpu.memory_space<vmem>>
        %get3A_1457 = tpu.memref_squeeze %get3A_1456 : memref<1x128x128xf32, #tpu.memory_space<vmem>> -> memref<128x128xf32, #tpu.memory_space<vmem>>
        %get3A_1458 = arith.index_cast %add3A_1373 : i32 to index
        %get3A_1459 = arith.constant 80 : index
        %get3A_1460 = tpu.vector_load %get3A_1457[%get3A_1458, %get3A_1459] {strides = array<i32>} : memref<128x128xf32, #tpu.memory_space<vmem>>, vector<16xf32>,
        %mul3A_1461 = vector.broadcast %squeeze3A_1369 : f32 to vector<16xf32>
        %mul3A_1462 = arith.mulf %get3A_1460, %mul3A_1461 : vector<16xf32>
        %swap3A_1463 = arith.constant 0 : i32
        %swap3A_1464 = arith.constant 0 : i32
        %swap3A_1465 = tpu.memref_slice %arg15[%rem3A_275, %swap3A_1463, %swap3A_1464] : memref<2x128x128xf32, #tpu.memory_space<vmem>> -> memref<1x128x128xf32, #tpu.memory_space<vmem>>
        %swap3A_1466 = tpu.memref_squeeze %swap3A_1465 : memref<1x128x128xf32, #tpu.memory_space<vmem>> -> memref<128x128xf32, #tpu.memory_space<vmem>>
        %swap3A_1467 = arith.index_cast %add3A_1373 : i32 to index
        %swap3A_1468 = arith.constant 80 : index
        %swap3A_1469 = tpu.vector_load %swap3A_1466[%swap3A_1467, %swap3A_1468] {strides = array<i32>} : memref<128x128xf32, #tpu.memory_space<vmem>>, vector<16xf32>,
        tpu.vector_store %swap3A_1466[%swap3A_1467, %swap3A_1468], %mul3A_1462 {strides = array<i32>} : memref<128x128xf32, #tpu.memory_space<vmem>>, vector<16xf32>,
        %get3A_1470 = arith.constant 0 : i32
        %get3A_1471 = arith.constant 0 : i32
        %get3A_1472 = tpu.memref_slice %arg15[%rem3A_275, %get3A_1470, %get3A_1471] : memref<2x128x128xf32, #tpu.memory_space<vmem>> -> memref<1x128x128xf32, #tpu.memory_space<vmem>>
        %get3A_1473 = tpu.memref_squeeze %get3A_1472 : memref<1x128x128xf32, #tpu.memory_space<vmem>> -> memref<128x128xf32, #tpu.memory_space<vmem>>
        %get3A_1474 = arith.index_cast %add3A_1373 : i32 to index
        %get3A_1475 = arith.constant 96 : index
        %get3A_1476 = tpu.vector_load %get3A_1473[%get3A_1474, %get3A_1475] {strides = array<i32>} : memref<128x128xf32, #tpu.memory_space<vmem>>, vector<16xf32>,
        %mul3A_1477 = vector.broadcast %squeeze3A_1369 : f32 to vector<16xf32>
        %mul3A_1478 = arith.mulf %get3A_1476, %mul3A_1477 : vector<16xf32>
        %swap3A_1479 = arith.constant 0 : i32
        %swap3A_1480 = arith.constant 0 : i32
        %swap3A_1481 = tpu.memref_slice %arg15[%rem3A_275, %swap3A_1479, %swap3A_1480] : memref<2x128x128xf32, #tpu.memory_space<vmem>> -> memref<1x128x128xf32, #tpu.memory_space<vmem>>
        %swap3A_1482 = tpu.memref_squeeze %swap3A_1481 : memref<1x128x128xf32, #tpu.memory_space<vmem>> -> memref<128x128xf32, #tpu.memory_space<vmem>>
        %swap3A_1483 = arith.index_cast %add3A_1373 : i32 to index
        %swap3A_1484 = arith.constant 96 : index
        %swap3A_1485 = tpu.vector_load %swap3A_1482[%swap3A_1483, %swap3A_1484] {strides = array<i32>} : memref<128x128xf32, #tpu.memory_space<vmem>>, vector<16xf32>,
        tpu.vector_store %swap3A_1482[%swap3A_1483, %swap3A_1484], %mul3A_1478 {strides = array<i32>} : memref<128x128xf32, #tpu.memory_space<vmem>>, vector<16xf32>,
        %get3A_1486 = arith.constant 0 : i32
        %get3A_1487 = arith.constant 0 : i32
        %get3A_1488 = tpu.memref_slice %arg15[%rem3A_275, %get3A_1486, %get3A_1487] : memref<2x128x128xf32, #tpu.memory_space<vmem>> -> memref<1x128x128xf32, #tpu.memory_space<vmem>>
        %get3A_1489 = tpu.memref_squeeze %get3A_1488 : memref<1x128x128xf32, #tpu.memory_space<vmem>> -> memref<128x128xf32, #tpu.memory_space<vmem>>
        %get3A_1490 = arith.index_cast %add3A_1373 : i32 to index
        %get3A_1491 = arith.constant 112 : index
        %get3A_1492 = tpu.vector_load %get3A_1489[%get3A_1490, %get3A_1491] {strides = array<i32>} : memref<128x128xf32, #tpu.memory_space<vmem>>, vector<16xf32>,
        %mul3A_1493 = vector.broadcast %squeeze3A_1369 : f32 to vector<16xf32>
        %mul3A_1494 = arith.mulf %get3A_1492, %mul3A_1493 : vector<16xf32>
        %swap3A_1495 = arith.constant 0 : i32
        %swap3A_1496 = arith.constant 0 : i32
        %swap3A_1497 = tpu.memref_slice %arg15[%rem3A_275, %swap3A_1495, %swap3A_1496] : memref<2x128x128xf32, #tpu.memory_space<vmem>> -> memref<1x128x128xf32, #tpu.memory_space<vmem>>
        %swap3A_1498 = tpu.memref_squeeze %swap3A_1497 : memref<1x128x128xf32, #tpu.memory_space<vmem>> -> memref<128x128xf32, #tpu.memory_space<vmem>>
        %swap3A_1499 = arith.index_cast %add3A_1373 : i32 to index
        %swap3A_1500 = arith.constant 112 : index
        %swap3A_1501 = tpu.vector_load %swap3A_1498[%swap3A_1499, %swap3A_1500] {strides = array<i32>} : memref<128x128xf32, #tpu.memory_space<vmem>>, vector<16xf32>,
        tpu.vector_store %swap3A_1498[%swap3A_1499, %swap3A_1500], %mul3A_1494 {strides = array<i32>} : memref<128x128xf32, #tpu.memory_space<vmem>>, vector<16xf32>,
        %slice3A_1502 = vector.extract_strided_slice %get3A_565 {offsets = [7], sizes = [1], strides = [1]} : vector<16xf32> to vector<1xf32>
        %squeeze3A_1503 = vector.extract %slice3A_1502[0] : f32 from vector<1xf32>
        %mul3A_1504 = arith.constant 16 : i32
        %mul3A_1505 = arith.muli %scan3A_558, %mul3A_1504 : i32
        %add3A_1506 = arith.constant 7 : i32
        %add3A_1507 = arith.addi %mul3A_1505, %add3A_1506 : i32
        %get3A_1508 = arith.constant 0 : i32
        %get3A_1509 = arith.constant 0 : i32
        %get3A_1510 = tpu.memref_slice %arg15[%rem3A_275, %get3A_1508, %get3A_1509] : memref<2x128x128xf32, #tpu.memory_space<vmem>> -> memref<1x128x128xf32, #tpu.memory_space<vmem>>
        %get3A_1511 = tpu.memref_squeeze %get3A_1510 : memref<1x128x128xf32, #tpu.memory_space<vmem>> -> memref<128x128xf32, #tpu.memory_space<vmem>>
        %get3A_1512 = arith.index_cast %add3A_1507 : i32 to index
        %get3A_1513 = arith.constant 0 : index
        %get3A_1514 = tpu.vector_load %get3A_1511[%get3A_1512, %get3A_1513] {strides = array<i32>} : memref<128x128xf32, #tpu.memory_space<vmem>>, vector<16xf32>,
        %mul3A_1515 = vector.broadcast %squeeze3A_1503 : f32 to vector<16xf32>
        %mul3A_1516 = arith.mulf %get3A_1514, %mul3A_1515 : vector<16xf32>
        %swap3A_1517 = arith.constant 0 : i32
        %swap3A_1518 = arith.constant 0 : i32
        %swap3A_1519 = tpu.memref_slice %arg15[%rem3A_275, %swap3A_1517, %swap3A_1518] : memref<2x128x128xf32, #tpu.memory_space<vmem>> -> memref<1x128x128xf32, #tpu.memory_space<vmem>>
        %swap3A_1520 = tpu.memref_squeeze %swap3A_1519 : memref<1x128x128xf32, #tpu.memory_space<vmem>> -> memref<128x128xf32, #tpu.memory_space<vmem>>
        %swap3A_1521 = arith.index_cast %add3A_1507 : i32 to index
        %swap3A_1522 = arith.constant 0 : index
        %swap3A_1523 = tpu.vector_load %swap3A_1520[%swap3A_1521, %swap3A_1522] {strides = array<i32>} : memref<128x128xf32, #tpu.memory_space<vmem>>, vector<16xf32>,
        tpu.vector_store %swap3A_1520[%swap3A_1521, %swap3A_1522], %mul3A_1516 {strides = array<i32>} : memref<128x128xf32, #tpu.memory_space<vmem>>, vector<16xf32>,
        %get3A_1524 = arith.constant 0 : i32
        %get3A_1525 = arith.constant 0 : i32
        %get3A_1526 = tpu.memref_slice %arg15[%rem3A_275, %get3A_1524, %get3A_1525] : memref<2x128x128xf32, #tpu.memory_space<vmem>> -> memref<1x128x128xf32, #tpu.memory_space<vmem>>
        %get3A_1527 = tpu.memref_squeeze %get3A_1526 : memref<1x128x128xf32, #tpu.memory_space<vmem>> -> memref<128x128xf32, #tpu.memory_space<vmem>>
        %get3A_1528 = arith.index_cast %add3A_1507 : i32 to index
        %get3A_1529 = arith.constant 16 : index
        %get3A_1530 = tpu.vector_load %get3A_1527[%get3A_1528, %get3A_1529] {strides = array<i32>} : memref<128x128xf32, #tpu.memory_space<vmem>>, vector<16xf32>,
        %mul3A_1531 = vector.broadcast %squeeze3A_1503 : f32 to vector<16xf32>
        %mul3A_1532 = arith.mulf %get3A_1530, %mul3A_1531 : vector<16xf32>
        %swap3A_1533 = arith.constant 0 : i32
        %swap3A_1534 = arith.constant 0 : i32
        %swap3A_1535 = tpu.memref_slice %arg15[%rem3A_275, %swap3A_1533, %swap3A_1534] : memref<2x128x128xf32, #tpu.memory_space<vmem>> -> memref<1x128x128xf32, #tpu.memory_space<vmem>>
        %swap3A_1536 = tpu.memref_squeeze %swap3A_1535 : memref<1x128x128xf32, #tpu.memory_space<vmem>> -> memref<128x128xf32, #tpu.memory_space<vmem>>
        %swap3A_1537 = arith.index_cast %add3A_1507 : i32 to index
        %swap3A_1538 = arith.constant 16 : index
        %swap3A_1539 = tpu.vector_load %swap3A_1536[%swap3A_1537, %swap3A_1538] {strides = array<i32>} : memref<128x128xf32, #tpu.memory_space<vmem>>, vector<16xf32>,
        tpu.vector_store %swap3A_1536[%swap3A_1537, %swap3A_1538], %mul3A_1532 {strides = array<i32>} : memref<128x128xf32, #tpu.memory_space<vmem>>, vector<16xf32>,
        %get3A_1540 = arith.constant 0 : i32
        %get3A_1541 = arith.constant 0 : i32
        %get3A_1542 = tpu.memref_slice %arg15[%rem3A_275, %get3A_1540, %get3A_1541] : memref<2x128x128xf32, #tpu.memory_space<vmem>> -> memref<1x128x128xf32, #tpu.memory_space<vmem>>
        %get3A_1543 = tpu.memref_squeeze %get3A_1542 : memref<1x128x128xf32, #tpu.memory_space<vmem>> -> memref<128x128xf32, #tpu.memory_space<vmem>>
        %get3A_1544 = arith.index_cast %add3A_1507 : i32 to index
        %get3A_1545 = arith.constant 32 : index
        %get3A_1546 = tpu.vector_load %get3A_1543[%get3A_1544, %get3A_1545] {strides = array<i32>} : memref<128x128xf32, #tpu.memory_space<vmem>>, vector<16xf32>,
        %mul3A_1547 = vector.broadcast %squeeze3A_1503 : f32 to vector<16xf32>
        %mul3A_1548 = arith.mulf %get3A_1546, %mul3A_1547 : vector<16xf32>
        %swap3A_1549 = arith.constant 0 : i32
        %swap3A_1550 = arith.constant 0 : i32
        %swap3A_1551 = tpu.memref_slice %arg15[%rem3A_275, %swap3A_1549, %swap3A_1550] : memref<2x128x128xf32, #tpu.memory_space<vmem>> -> memref<1x128x128xf32, #tpu.memory_space<vmem>>
        %swap3A_1552 = tpu.memref_squeeze %swap3A_1551 : memref<1x128x128xf32, #tpu.memory_space<vmem>> -> memref<128x128xf32, #tpu.memory_space<vmem>>
        %swap3A_1553 = arith.index_cast %add3A_1507 : i32 to index
        %swap3A_1554 = arith.constant 32 : index
        %swap3A_1555 = tpu.vector_load %swap3A_1552[%swap3A_1553, %swap3A_1554] {strides = array<i32>} : memref<128x128xf32, #tpu.memory_space<vmem>>, vector<16xf32>,
        tpu.vector_store %swap3A_1552[%swap3A_1553, %swap3A_1554], %mul3A_1548 {strides = array<i32>} : memref<128x128xf32, #tpu.memory_space<vmem>>, vector<16xf32>,
        %get3A_1556 = arith.constant 0 : i32
        %get3A_1557 = arith.constant 0 : i32
        %get3A_1558 = tpu.memref_slice %arg15[%rem3A_275, %get3A_1556, %get3A_1557] : memref<2x128x128xf32, #tpu.memory_space<vmem>> -> memref<1x128x128xf32, #tpu.memory_space<vmem>>
        %get3A_1559 = tpu.memref_squeeze %get3A_1558 : memref<1x128x128xf32, #tpu.memory_space<vmem>> -> memref<128x128xf32, #tpu.memory_space<vmem>>
        %get3A_1560 = arith.index_cast %add3A_1507 : i32 to index
        %get3A_1561 = arith.constant 48 : index
        %get3A_1562 = tpu.vector_load %get3A_1559[%get3A_1560, %get3A_1561] {strides = array<i32>} : memref<128x128xf32, #tpu.memory_space<vmem>>, vector<16xf32>,
        %mul3A_1563 = vector.broadcast %squeeze3A_1503 : f32 to vector<16xf32>
        %mul3A_1564 = arith.mulf %get3A_1562, %mul3A_1563 : vector<16xf32>
        %swap3A_1565 = arith.constant 0 : i32
        %swap3A_1566 = arith.constant 0 : i32
        %swap3A_1567 = tpu.memref_slice %arg15[%rem3A_275, %swap3A_1565, %swap3A_1566] : memref<2x128x128xf32, #tpu.memory_space<vmem>> -> memref<1x128x128xf32, #tpu.memory_space<vmem>>
        %swap3A_1568 = tpu.memref_squeeze %swap3A_1567 : memref<1x128x128xf32, #tpu.memory_space<vmem>> -> memref<128x128xf32, #tpu.memory_space<vmem>>
        %swap3A_1569 = arith.index_cast %add3A_1507 : i32 to index
        %swap3A_1570 = arith.constant 48 : index
        %swap3A_1571 = tpu.vector_load %swap3A_1568[%swap3A_1569, %swap3A_1570] {strides = array<i32>} : memref<128x128xf32, #tpu.memory_space<vmem>>, vector<16xf32>,
        tpu.vector_store %swap3A_1568[%swap3A_1569, %swap3A_1570], %mul3A_1564 {strides = array<i32>} : memref<128x128xf32, #tpu.memory_space<vmem>>, vector<16xf32>,
        %get3A_1572 = arith.constant 0 : i32
        %get3A_1573 = arith.constant 0 : i32
        %get3A_1574 = tpu.memref_slice %arg15[%rem3A_275, %get3A_1572, %get3A_1573] : memref<2x128x128xf32, #tpu.memory_space<vmem>> -> memref<1x128x128xf32, #tpu.memory_space<vmem>>
        %get3A_1575 = tpu.memref_squeeze %get3A_1574 : memref<1x128x128xf32, #tpu.memory_space<vmem>> -> memref<128x128xf32, #tpu.memory_space<vmem>>
        %get3A_1576 = arith.index_cast %add3A_1507 : i32 to index
        %get3A_1577 = arith.constant 64 : index
        %get3A_1578 = tpu.vector_load %get3A_1575[%get3A_1576, %get3A_1577] {strides = array<i32>} : memref<128x128xf32, #tpu.memory_space<vmem>>, vector<16xf32>,
        %mul3A_1579 = vector.broadcast %squeeze3A_1503 : f32 to vector<16xf32>
        %mul3A_1580 = arith.mulf %get3A_1578, %mul3A_1579 : vector<16xf32>
        %swap3A_1581 = arith.constant 0 : i32
        %swap3A_1582 = arith.constant 0 : i32
        %swap3A_1583 = tpu.memref_slice %arg15[%rem3A_275, %swap3A_1581, %swap3A_1582] : memref<2x128x128xf32, #tpu.memory_space<vmem>> -> memref<1x128x128xf32, #tpu.memory_space<vmem>>
        %swap3A_1584 = tpu.memref_squeeze %swap3A_1583 : memref<1x128x128xf32, #tpu.memory_space<vmem>> -> memref<128x128xf32, #tpu.memory_space<vmem>>
        %swap3A_1585 = arith.index_cast %add3A_1507 : i32 to index
        %swap3A_1586 = arith.constant 64 : index
        %swap3A_1587 = tpu.vector_load %swap3A_1584[%swap3A_1585, %swap3A_1586] {strides = array<i32>} : memref<128x128xf32, #tpu.memory_space<vmem>>, vector<16xf32>,
        tpu.vector_store %swap3A_1584[%swap3A_1585, %swap3A_1586], %mul3A_1580 {strides = array<i32>} : memref<128x128xf32, #tpu.memory_space<vmem>>, vector<16xf32>,
        %get3A_1588 = arith.constant 0 : i32
        %get3A_1589 = arith.constant 0 : i32
        %get3A_1590 = tpu.memref_slice %arg15[%rem3A_275, %get3A_1588, %get3A_1589] : memref<2x128x128xf32, #tpu.memory_space<vmem>> -> memref<1x128x128xf32, #tpu.memory_space<vmem>>
        %get3A_1591 = tpu.memref_squeeze %get3A_1590 : memref<1x128x128xf32, #tpu.memory_space<vmem>> -> memref<128x128xf32, #tpu.memory_space<vmem>>
        %get3A_1592 = arith.index_cast %add3A_1507 : i32 to index
        %get3A_1593 = arith.constant 80 : index
        %get3A_1594 = tpu.vector_load %get3A_1591[%get3A_1592, %get3A_1593] {strides = array<i32>} : memref<128x128xf32, #tpu.memory_space<vmem>>, vector<16xf32>,
        %mul3A_1595 = vector.broadcast %squeeze3A_1503 : f32 to vector<16xf32>
        %mul3A_1596 = arith.mulf %get3A_1594, %mul3A_1595 : vector<16xf32>
        %swap3A_1597 = arith.constant 0 : i32
        %swap3A_1598 = arith.constant 0 : i32
        %swap3A_1599 = tpu.memref_slice %arg15[%rem3A_275, %swap3A_1597, %swap3A_1598] : memref<2x128x128xf32, #tpu.memory_space<vmem>> -> memref<1x128x128xf32, #tpu.memory_space<vmem>>
        %swap3A_1600 = tpu.memref_squeeze %swap3A_1599 : memref<1x128x128xf32, #tpu.memory_space<vmem>> -> memref<128x128xf32, #tpu.memory_space<vmem>>
        %swap3A_1601 = arith.index_cast %add3A_1507 : i32 to index
        %swap3A_1602 = arith.constant 80 : index
        %swap3A_1603 = tpu.vector_load %swap3A_1600[%swap3A_1601, %swap3A_1602] {strides = array<i32>} : memref<128x128xf32, #tpu.memory_space<vmem>>, vector<16xf32>,
        tpu.vector_store %swap3A_1600[%swap3A_1601, %swap3A_1602], %mul3A_1596 {strides = array<i32>} : memref<128x128xf32, #tpu.memory_space<vmem>>, vector<16xf32>,
        %get3A_1604 = arith.constant 0 : i32
        %get3A_1605 = arith.constant 0 : i32
        %get3A_1606 = tpu.memref_slice %arg15[%rem3A_275, %get3A_1604, %get3A_1605] : memref<2x128x128xf32, #tpu.memory_space<vmem>> -> memref<1x128x128xf32, #tpu.memory_space<vmem>>
        %get3A_1607 = tpu.memref_squeeze %get3A_1606 : memref<1x128x128xf32, #tpu.memory_space<vmem>> -> memref<128x128xf32, #tpu.memory_space<vmem>>
        %get3A_1608 = arith.index_cast %add3A_1507 : i32 to index
        %get3A_1609 = arith.constant 96 : index
        %get3A_1610 = tpu.vector_load %get3A_1607[%get3A_1608, %get3A_1609] {strides = array<i32>} : memref<128x128xf32, #tpu.memory_space<vmem>>, vector<16xf32>,
        %mul3A_1611 = vector.broadcast %squeeze3A_1503 : f32 to vector<16xf32>
        %mul3A_1612 = arith.mulf %get3A_1610, %mul3A_1611 : vector<16xf32>
        %swap3A_1613 = arith.constant 0 : i32
        %swap3A_1614 = arith.constant 0 : i32
        %swap3A_1615 = tpu.memref_slice %arg15[%rem3A_275, %swap3A_1613, %swap3A_1614] : memref<2x128x128xf32, #tpu.memory_space<vmem>> -> memref<1x128x128xf32, #tpu.memory_space<vmem>>
        %swap3A_1616 = tpu.memref_squeeze %swap3A_1615 : memref<1x128x128xf32, #tpu.memory_space<vmem>> -> memref<128x128xf32, #tpu.memory_space<vmem>>
        %swap3A_1617 = arith.index_cast %add3A_1507 : i32 to index
        %swap3A_1618 = arith.constant 96 : index
        %swap3A_1619 = tpu.vector_load %swap3A_1616[%swap3A_1617, %swap3A_1618] {strides = array<i32>} : memref<128x128xf32, #tpu.memory_space<vmem>>, vector<16xf32>,
        tpu.vector_store %swap3A_1616[%swap3A_1617, %swap3A_1618], %mul3A_1612 {strides = array<i32>} : memref<128x128xf32, #tpu.memory_space<vmem>>, vector<16xf32>,
        %get3A_1620 = arith.constant 0 : i32
        %get3A_1621 = arith.constant 0 : i32
        %get3A_1622 = tpu.memref_slice %arg15[%rem3A_275, %get3A_1620, %get3A_1621] : memref<2x128x128xf32, #tpu.memory_space<vmem>> -> memref<1x128x128xf32, #tpu.memory_space<vmem>>
        %get3A_1623 = tpu.memref_squeeze %get3A_1622 : memref<1x128x128xf32, #tpu.memory_space<vmem>> -> memref<128x128xf32, #tpu.memory_space<vmem>>
        %get3A_1624 = arith.index_cast %add3A_1507 : i32 to index
        %get3A_1625 = arith.constant 112 : index
        %get3A_1626 = tpu.vector_load %get3A_1623[%get3A_1624, %get3A_1625] {strides = array<i32>} : memref<128x128xf32, #tpu.memory_space<vmem>>, vector<16xf32>,
        %mul3A_1627 = vector.broadcast %squeeze3A_1503 : f32 to vector<16xf32>
        %mul3A_1628 = arith.mulf %get3A_1626, %mul3A_1627 : vector<16xf32>
        %swap3A_1629 = arith.constant 0 : i32
        %swap3A_1630 = arith.constant 0 : i32
        %swap3A_1631 = tpu.memref_slice %arg15[%rem3A_275, %swap3A_1629, %swap3A_1630] : memref<2x128x128xf32, #tpu.memory_space<vmem>> -> memref<1x128x128xf32, #tpu.memory_space<vmem>>
        %swap3A_1632 = tpu.memref_squeeze %swap3A_1631 : memref<1x128x128xf32, #tpu.memory_space<vmem>> -> memref<128x128xf32, #tpu.memory_space<vmem>>
        %swap3A_1633 = arith.index_cast %add3A_1507 : i32 to index
        %swap3A_1634 = arith.constant 112 : index
        %swap3A_1635 = tpu.vector_load %swap3A_1632[%swap3A_1633, %swap3A_1634] {strides = array<i32>} : memref<128x128xf32, #tpu.memory_space<vmem>>, vector<16xf32>,
        tpu.vector_store %swap3A_1632[%swap3A_1633, %swap3A_1634], %mul3A_1628 {strides = array<i32>} : memref<128x128xf32, #tpu.memory_space<vmem>>, vector<16xf32>,
        %slice3A_1636 = vector.extract_strided_slice %get3A_565 {offsets = [8], sizes = [1], strides = [1]} : vector<16xf32> to vector<1xf32>
        %squeeze3A_1637 = vector.extract %slice3A_1636[0] : f32 from vector<1xf32>
        %mul3A_1638 = arith.constant 16 : i32
        %mul3A_1639 = arith.muli %scan3A_558, %mul3A_1638 : i32
        %add3A_1640 = arith.constant 8 : i32
        %add3A_1641 = arith.addi %mul3A_1639, %add3A_1640 : i32
        %get3A_1642 = arith.constant 0 : i32
        %get3A_1643 = arith.constant 0 : i32
        %get3A_1644 = tpu.memref_slice %arg15[%rem3A_275, %get3A_1642, %get3A_1643] : memref<2x128x128xf32, #tpu.memory_space<vmem>> -> memref<1x128x128xf32, #tpu.memory_space<vmem>>
        %get3A_1645 = tpu.memref_squeeze %get3A_1644 : memref<1x128x128xf32, #tpu.memory_space<vmem>> -> memref<128x128xf32, #tpu.memory_space<vmem>>
        %get3A_1646 = arith.index_cast %add3A_1641 : i32 to index
        %get3A_1647 = arith.constant 0 : index
        %get3A_1648 = tpu.vector_load %get3A_1645[%get3A_1646, %get3A_1647] {strides = array<i32>} : memref<128x128xf32, #tpu.memory_space<vmem>>, vector<16xf32>,
        %mul3A_1649 = vector.broadcast %squeeze3A_1637 : f32 to vector<16xf32>
        %mul3A_1650 = arith.mulf %get3A_1648, %mul3A_1649 : vector<16xf32>
        %swap3A_1651 = arith.constant 0 : i32
        %swap3A_1652 = arith.constant 0 : i32
        %swap3A_1653 = tpu.memref_slice %arg15[%rem3A_275, %swap3A_1651, %swap3A_1652] : memref<2x128x128xf32, #tpu.memory_space<vmem>> -> memref<1x128x128xf32, #tpu.memory_space<vmem>>
        %swap3A_1654 = tpu.memref_squeeze %swap3A_1653 : memref<1x128x128xf32, #tpu.memory_space<vmem>> -> memref<128x128xf32, #tpu.memory_space<vmem>>
        %swap3A_1655 = arith.index_cast %add3A_1641 : i32 to index
        %swap3A_1656 = arith.constant 0 : index
        %swap3A_1657 = tpu.vector_load %swap3A_1654[%swap3A_1655, %swap3A_1656] {strides = array<i32>} : memref<128x128xf32, #tpu.memory_space<vmem>>, vector<16xf32>,
        tpu.vector_store %swap3A_1654[%swap3A_1655, %swap3A_1656], %mul3A_1650 {strides = array<i32>} : memref<128x128xf32, #tpu.memory_space<vmem>>, vector<16xf32>,
        %get3A_1658 = arith.constant 0 : i32
        %get3A_1659 = arith.constant 0 : i32
        %get3A_1660 = tpu.memref_slice %arg15[%rem3A_275, %get3A_1658, %get3A_1659] : memref<2x128x128xf32, #tpu.memory_space<vmem>> -> memref<1x128x128xf32, #tpu.memory_space<vmem>>
        %get3A_1661 = tpu.memref_squeeze %get3A_1660 : memref<1x128x128xf32, #tpu.memory_space<vmem>> -> memref<128x128xf32, #tpu.memory_space<vmem>>
        %get3A_1662 = arith.index_cast %add3A_1641 : i32 to index
        %get3A_1663 = arith.constant 16 : index
        %get3A_1664 = tpu.vector_load %get3A_1661[%get3A_1662, %get3A_1663] {strides = array<i32>} : memref<128x128xf32, #tpu.memory_space<vmem>>, vector<16xf32>,
        %mul3A_1665 = vector.broadcast %squeeze3A_1637 : f32 to vector<16xf32>
        %mul3A_1666 = arith.mulf %get3A_1664, %mul3A_1665 : vector<16xf32>
        %swap3A_1667 = arith.constant 0 : i32
        %swap3A_1668 = arith.constant 0 : i32
        %swap3A_1669 = tpu.memref_slice %arg15[%rem3A_275, %swap3A_1667, %swap3A_1668] : memref<2x128x128xf32, #tpu.memory_space<vmem>> -> memref<1x128x128xf32, #tpu.memory_space<vmem>>
        %swap3A_1670 = tpu.memref_squeeze %swap3A_1669 : memref<1x128x128xf32, #tpu.memory_space<vmem>> -> memref<128x128xf32, #tpu.memory_space<vmem>>
        %swap3A_1671 = arith.index_cast %add3A_1641 : i32 to index
        %swap3A_1672 = arith.constant 16 : index
        %swap3A_1673 = tpu.vector_load %swap3A_1670[%swap3A_1671, %swap3A_1672] {strides = array<i32>} : memref<128x128xf32, #tpu.memory_space<vmem>>, vector<16xf32>,
        tpu.vector_store %swap3A_1670[%swap3A_1671, %swap3A_1672], %mul3A_1666 {strides = array<i32>} : memref<128x128xf32, #tpu.memory_space<vmem>>, vector<16xf32>,
        %get3A_1674 = arith.constant 0 : i32
        %get3A_1675 = arith.constant 0 : i32
        %get3A_1676 = tpu.memref_slice %arg15[%rem3A_275, %get3A_1674, %get3A_1675] : memref<2x128x128xf32, #tpu.memory_space<vmem>> -> memref<1x128x128xf32, #tpu.memory_space<vmem>>
        %get3A_1677 = tpu.memref_squeeze %get3A_1676 : memref<1x128x128xf32, #tpu.memory_space<vmem>> -> memref<128x128xf32, #tpu.memory_space<vmem>>
        %get3A_1678 = arith.index_cast %add3A_1641 : i32 to index
        %get3A_1679 = arith.constant 32 : index
        %get3A_1680 = tpu.vector_load %get3A_1677[%get3A_1678, %get3A_1679] {strides = array<i32>} : memref<128x128xf32, #tpu.memory_space<vmem>>, vector<16xf32>,
        %mul3A_1681 = vector.broadcast %squeeze3A_1637 : f32 to vector<16xf32>
        %mul3A_1682 = arith.mulf %get3A_1680, %mul3A_1681 : vector<16xf32>
        %swap3A_1683 = arith.constant 0 : i32
        %swap3A_1684 = arith.constant 0 : i32
        %swap3A_1685 = tpu.memref_slice %arg15[%rem3A_275, %swap3A_1683, %swap3A_1684] : memref<2x128x128xf32, #tpu.memory_space<vmem>> -> memref<1x128x128xf32, #tpu.memory_space<vmem>>
        %swap3A_1686 = tpu.memref_squeeze %swap3A_1685 : memref<1x128x128xf32, #tpu.memory_space<vmem>> -> memref<128x128xf32, #tpu.memory_space<vmem>>
        %swap3A_1687 = arith.index_cast %add3A_1641 : i32 to index
        %swap3A_1688 = arith.constant 32 : index
        %swap3A_1689 = tpu.vector_load %swap3A_1686[%swap3A_1687, %swap3A_1688] {strides = array<i32>} : memref<128x128xf32, #tpu.memory_space<vmem>>, vector<16xf32>,
        tpu.vector_store %swap3A_1686[%swap3A_1687, %swap3A_1688], %mul3A_1682 {strides = array<i32>} : memref<128x128xf32, #tpu.memory_space<vmem>>, vector<16xf32>,
        %get3A_1690 = arith.constant 0 : i32
        %get3A_1691 = arith.constant 0 : i32
        %get3A_1692 = tpu.memref_slice %arg15[%rem3A_275, %get3A_1690, %get3A_1691] : memref<2x128x128xf32, #tpu.memory_space<vmem>> -> memref<1x128x128xf32, #tpu.memory_space<vmem>>
        %get3A_1693 = tpu.memref_squeeze %get3A_1692 : memref<1x128x128xf32, #tpu.memory_space<vmem>> -> memref<128x128xf32, #tpu.memory_space<vmem>>
        %get3A_1694 = arith.index_cast %add3A_1641 : i32 to index
        %get3A_1695 = arith.constant 48 : index
        %get3A_1696 = tpu.vector_load %get3A_1693[%get3A_1694, %get3A_1695] {strides = array<i32>} : memref<128x128xf32, #tpu.memory_space<vmem>>, vector<16xf32>,
        %mul3A_1697 = vector.broadcast %squeeze3A_1637 : f32 to vector<16xf32>
        %mul3A_1698 = arith.mulf %get3A_1696, %mul3A_1697 : vector<16xf32>
        %swap3A_1699 = arith.constant 0 : i32
        %swap3A_1700 = arith.constant 0 : i32
        %swap3A_1701 = tpu.memref_slice %arg15[%rem3A_275, %swap3A_1699, %swap3A_1700] : memref<2x128x128xf32, #tpu.memory_space<vmem>> -> memref<1x128x128xf32, #tpu.memory_space<vmem>>
        %swap3A_1702 = tpu.memref_squeeze %swap3A_1701 : memref<1x128x128xf32, #tpu.memory_space<vmem>> -> memref<128x128xf32, #tpu.memory_space<vmem>>
        %swap3A_1703 = arith.index_cast %add3A_1641 : i32 to index
        %swap3A_1704 = arith.constant 48 : index
        %swap3A_1705 = tpu.vector_load %swap3A_1702[%swap3A_1703, %swap3A_1704] {strides = array<i32>} : memref<128x128xf32, #tpu.memory_space<vmem>>, vector<16xf32>,
        tpu.vector_store %swap3A_1702[%swap3A_1703, %swap3A_1704], %mul3A_1698 {strides = array<i32>} : memref<128x128xf32, #tpu.memory_space<vmem>>, vector<16xf32>,
        %get3A_1706 = arith.constant 0 : i32
        %get3A_1707 = arith.constant 0 : i32
        %get3A_1708 = tpu.memref_slice %arg15[%rem3A_275, %get3A_1706, %get3A_1707] : memref<2x128x128xf32, #tpu.memory_space<vmem>> -> memref<1x128x128xf32, #tpu.memory_space<vmem>>
        %get3A_1709 = tpu.memref_squeeze %get3A_1708 : memref<1x128x128xf32, #tpu.memory_space<vmem>> -> memref<128x128xf32, #tpu.memory_space<vmem>>
        %get3A_1710 = arith.index_cast %add3A_1641 : i32 to index
        %get3A_1711 = arith.constant 64 : index
        %get3A_1712 = tpu.vector_load %get3A_1709[%get3A_1710, %get3A_1711] {strides = array<i32>} : memref<128x128xf32, #tpu.memory_space<vmem>>, vector<16xf32>,
        %mul3A_1713 = vector.broadcast %squeeze3A_1637 : f32 to vector<16xf32>
        %mul3A_1714 = arith.mulf %get3A_1712, %mul3A_1713 : vector<16xf32>
        %swap3A_1715 = arith.constant 0 : i32
        %swap3A_1716 = arith.constant 0 : i32
        %swap3A_1717 = tpu.memref_slice %arg15[%rem3A_275, %swap3A_1715, %swap3A_1716] : memref<2x128x128xf32, #tpu.memory_space<vmem>> -> memref<1x128x128xf32, #tpu.memory_space<vmem>>
        %swap3A_1718 = tpu.memref_squeeze %swap3A_1717 : memref<1x128x128xf32, #tpu.memory_space<vmem>> -> memref<128x128xf32, #tpu.memory_space<vmem>>
        %swap3A_1719 = arith.index_cast %add3A_1641 : i32 to index
        %swap3A_1720 = arith.constant 64 : index
        %swap3A_1721 = tpu.vector_load %swap3A_1718[%swap3A_1719, %swap3A_1720] {strides = array<i32>} : memref<128x128xf32, #tpu.memory_space<vmem>>, vector<16xf32>,
        tpu.vector_store %swap3A_1718[%swap3A_1719, %swap3A_1720], %mul3A_1714 {strides = array<i32>} : memref<128x128xf32, #tpu.memory_space<vmem>>, vector<16xf32>,
        %get3A_1722 = arith.constant 0 : i32
        %get3A_1723 = arith.constant 0 : i32
        %get3A_1724 = tpu.memref_slice %arg15[%rem3A_275, %get3A_1722, %get3A_1723] : memref<2x128x128xf32, #tpu.memory_space<vmem>> -> memref<1x128x128xf32, #tpu.memory_space<vmem>>
        %get3A_1725 = tpu.memref_squeeze %get3A_1724 : memref<1x128x128xf32, #tpu.memory_space<vmem>> -> memref<128x128xf32, #tpu.memory_space<vmem>>
        %get3A_1726 = arith.index_cast %add3A_1641 : i32 to index
        %get3A_1727 = arith.constant 80 : index
        %get3A_1728 = tpu.vector_load %get3A_1725[%get3A_1726, %get3A_1727] {strides = array<i32>} : memref<128x128xf32, #tpu.memory_space<vmem>>, vector<16xf32>,
        %mul3A_1729 = vector.broadcast %squeeze3A_1637 : f32 to vector<16xf32>
        %mul3A_1730 = arith.mulf %get3A_1728, %mul3A_1729 : vector<16xf32>
        %swap3A_1731 = arith.constant 0 : i32
        %swap3A_1732 = arith.constant 0 : i32
        %swap3A_1733 = tpu.memref_slice %arg15[%rem3A_275, %swap3A_1731, %swap3A_1732] : memref<2x128x128xf32, #tpu.memory_space<vmem>> -> memref<1x128x128xf32, #tpu.memory_space<vmem>>
        %swap3A_1734 = tpu.memref_squeeze %swap3A_1733 : memref<1x128x128xf32, #tpu.memory_space<vmem>> -> memref<128x128xf32, #tpu.memory_space<vmem>>
        %swap3A_1735 = arith.index_cast %add3A_1641 : i32 to index
        %swap3A_1736 = arith.constant 80 : index
        %swap3A_1737 = tpu.vector_load %swap3A_1734[%swap3A_1735, %swap3A_1736] {strides = array<i32>} : memref<128x128xf32, #tpu.memory_space<vmem>>, vector<16xf32>,
        tpu.vector_store %swap3A_1734[%swap3A_1735, %swap3A_1736], %mul3A_1730 {strides = array<i32>} : memref<128x128xf32, #tpu.memory_space<vmem>>, vector<16xf32>,
        %get3A_1738 = arith.constant 0 : i32
        %get3A_1739 = arith.constant 0 : i32
        %get3A_1740 = tpu.memref_slice %arg15[%rem3A_275, %get3A_1738, %get3A_1739] : memref<2x128x128xf32, #tpu.memory_space<vmem>> -> memref<1x128x128xf32, #tpu.memory_space<vmem>>
        %get3A_1741 = tpu.memref_squeeze %get3A_1740 : memref<1x128x128xf32, #tpu.memory_space<vmem>> -> memref<128x128xf32, #tpu.memory_space<vmem>>
        %get3A_1742 = arith.index_cast %add3A_1641 : i32 to index
        %get3A_1743 = arith.constant 96 : index
        %get3A_1744 = tpu.vector_load %get3A_1741[%get3A_1742, %get3A_1743] {strides = array<i32>} : memref<128x128xf32, #tpu.memory_space<vmem>>, vector<16xf32>,
        %mul3A_1745 = vector.broadcast %squeeze3A_1637 : f32 to vector<16xf32>
        %mul3A_1746 = arith.mulf %get3A_1744, %mul3A_1745 : vector<16xf32>
        %swap3A_1747 = arith.constant 0 : i32
        %swap3A_1748 = arith.constant 0 : i32
        %swap3A_1749 = tpu.memref_slice %arg15[%rem3A_275, %swap3A_1747, %swap3A_1748] : memref<2x128x128xf32, #tpu.memory_space<vmem>> -> memref<1x128x128xf32, #tpu.memory_space<vmem>>
        %swap3A_1750 = tpu.memref_squeeze %swap3A_1749 : memref<1x128x128xf32, #tpu.memory_space<vmem>> -> memref<128x128xf32, #tpu.memory_space<vmem>>
        %swap3A_1751 = arith.index_cast %add3A_1641 : i32 to index
        %swap3A_1752 = arith.constant 96 : index
        %swap3A_1753 = tpu.vector_load %swap3A_1750[%swap3A_1751, %swap3A_1752] {strides = array<i32>} : memref<128x128xf32, #tpu.memory_space<vmem>>, vector<16xf32>,
        tpu.vector_store %swap3A_1750[%swap3A_1751, %swap3A_1752], %mul3A_1746 {strides = array<i32>} : memref<128x128xf32, #tpu.memory_space<vmem>>, vector<16xf32>,
        %get3A_1754 = arith.constant 0 : i32
        %get3A_1755 = arith.constant 0 : i32
        %get3A_1756 = tpu.memref_slice %arg15[%rem3A_275, %get3A_1754, %get3A_1755] : memref<2x128x128xf32, #tpu.memory_space<vmem>> -> memref<1x128x128xf32, #tpu.memory_space<vmem>>
        %get3A_1757 = tpu.memref_squeeze %get3A_1756 : memref<1x128x128xf32, #tpu.memory_space<vmem>> -> memref<128x128xf32, #tpu.memory_space<vmem>>
        %get3A_1758 = arith.index_cast %add3A_1641 : i32 to index
        %get3A_1759 = arith.constant 112 : index
        %get3A_1760 = tpu.vector_load %get3A_1757[%get3A_1758, %get3A_1759] {strides = array<i32>} : memref<128x128xf32, #tpu.memory_space<vmem>>, vector<16xf32>,
        %mul3A_1761 = vector.broadcast %squeeze3A_1637 : f32 to vector<16xf32>
        %mul3A_1762 = arith.mulf %get3A_1760, %mul3A_1761 : vector<16xf32>
        %swap3A_1763 = arith.constant 0 : i32
        %swap3A_1764 = arith.constant 0 : i32
        %swap3A_1765 = tpu.memref_slice %arg15[%rem3A_275, %swap3A_1763, %swap3A_1764] : memref<2x128x128xf32, #tpu.memory_space<vmem>> -> memref<1x128x128xf32, #tpu.memory_space<vmem>>
        %swap3A_1766 = tpu.memref_squeeze %swap3A_1765 : memref<1x128x128xf32, #tpu.memory_space<vmem>> -> memref<128x128xf32, #tpu.memory_space<vmem>>
        %swap3A_1767 = arith.index_cast %add3A_1641 : i32 to index
        %swap3A_1768 = arith.constant 112 : index
        %swap3A_1769 = tpu.vector_load %swap3A_1766[%swap3A_1767, %swap3A_1768] {strides = array<i32>} : memref<128x128xf32, #tpu.memory_space<vmem>>, vector<16xf32>,
        tpu.vector_store %swap3A_1766[%swap3A_1767, %swap3A_1768], %mul3A_1762 {strides = array<i32>} : memref<128x128xf32, #tpu.memory_space<vmem>>, vector<16xf32>,
        %slice3A_1770 = vector.extract_strided_slice %get3A_565 {offsets = [9], sizes = [1], strides = [1]} : vector<16xf32> to vector<1xf32>
        %squeeze3A_1771 = vector.extract %slice3A_1770[0] : f32 from vector<1xf32>
        %mul3A_1772 = arith.constant 16 : i32
        %mul3A_1773 = arith.muli %scan3A_558, %mul3A_1772 : i32
        %add3A_1774 = arith.constant 9 : i32
        %add3A_1775 = arith.addi %mul3A_1773, %add3A_1774 : i32
        %get3A_1776 = arith.constant 0 : i32
        %get3A_1777 = arith.constant 0 : i32
        %get3A_1778 = tpu.memref_slice %arg15[%rem3A_275, %get3A_1776, %get3A_1777] : memref<2x128x128xf32, #tpu.memory_space<vmem>> -> memref<1x128x128xf32, #tpu.memory_space<vmem>>
        %get3A_1779 = tpu.memref_squeeze %get3A_1778 : memref<1x128x128xf32, #tpu.memory_space<vmem>> -> memref<128x128xf32, #tpu.memory_space<vmem>>
        %get3A_1780 = arith.index_cast %add3A_1775 : i32 to index
        %get3A_1781 = arith.constant 0 : index
        %get3A_1782 = tpu.vector_load %get3A_1779[%get3A_1780, %get3A_1781] {strides = array<i32>} : memref<128x128xf32, #tpu.memory_space<vmem>>, vector<16xf32>,
        %mul3A_1783 = vector.broadcast %squeeze3A_1771 : f32 to vector<16xf32>
        %mul3A_1784 = arith.mulf %get3A_1782, %mul3A_1783 : vector<16xf32>
        %swap3A_1785 = arith.constant 0 : i32
        %swap3A_1786 = arith.constant 0 : i32
        %swap3A_1787 = tpu.memref_slice %arg15[%rem3A_275, %swap3A_1785, %swap3A_1786] : memref<2x128x128xf32, #tpu.memory_space<vmem>> -> memref<1x128x128xf32, #tpu.memory_space<vmem>>
        %swap3A_1788 = tpu.memref_squeeze %swap3A_1787 : memref<1x128x128xf32, #tpu.memory_space<vmem>> -> memref<128x128xf32, #tpu.memory_space<vmem>>
        %swap3A_1789 = arith.index_cast %add3A_1775 : i32 to index
        %swap3A_1790 = arith.constant 0 : index
        %swap3A_1791 = tpu.vector_load %swap3A_1788[%swap3A_1789, %swap3A_1790] {strides = array<i32>} : memref<128x128xf32, #tpu.memory_space<vmem>>, vector<16xf32>,
        tpu.vector_store %swap3A_1788[%swap3A_1789, %swap3A_1790], %mul3A_1784 {strides = array<i32>} : memref<128x128xf32, #tpu.memory_space<vmem>>, vector<16xf32>,
        %get3A_1792 = arith.constant 0 : i32
        %get3A_1793 = arith.constant 0 : i32
        %get3A_1794 = tpu.memref_slice %arg15[%rem3A_275, %get3A_1792, %get3A_1793] : memref<2x128x128xf32, #tpu.memory_space<vmem>> -> memref<1x128x128xf32, #tpu.memory_space<vmem>>
        %get3A_1795 = tpu.memref_squeeze %get3A_1794 : memref<1x128x128xf32, #tpu.memory_space<vmem>> -> memref<128x128xf32, #tpu.memory_space<vmem>>
        %get3A_1796 = arith.index_cast %add3A_1775 : i32 to index
        %get3A_1797 = arith.constant 16 : index
        %get3A_1798 = tpu.vector_load %get3A_1795[%get3A_1796, %get3A_1797] {strides = array<i32>} : memref<128x128xf32, #tpu.memory_space<vmem>>, vector<16xf32>,
        %mul3A_1799 = vector.broadcast %squeeze3A_1771 : f32 to vector<16xf32>
        %mul3A_1800 = arith.mulf %get3A_1798, %mul3A_1799 : vector<16xf32>
        %swap3A_1801 = arith.constant 0 : i32
        %swap3A_1802 = arith.constant 0 : i32
        %swap3A_1803 = tpu.memref_slice %arg15[%rem3A_275, %swap3A_1801, %swap3A_1802] : memref<2x128x128xf32, #tpu.memory_space<vmem>> -> memref<1x128x128xf32, #tpu.memory_space<vmem>>
        %swap3A_1804 = tpu.memref_squeeze %swap3A_1803 : memref<1x128x128xf32, #tpu.memory_space<vmem>> -> memref<128x128xf32, #tpu.memory_space<vmem>>
        %swap3A_1805 = arith.index_cast %add3A_1775 : i32 to index
        %swap3A_1806 = arith.constant 16 : index
        %swap3A_1807 = tpu.vector_load %swap3A_1804[%swap3A_1805, %swap3A_1806] {strides = array<i32>} : memref<128x128xf32, #tpu.memory_space<vmem>>, vector<16xf32>,
        tpu.vector_store %swap3A_1804[%swap3A_1805, %swap3A_1806], %mul3A_1800 {strides = array<i32>} : memref<128x128xf32, #tpu.memory_space<vmem>>, vector<16xf32>,
        %get3A_1808 = arith.constant 0 : i32
        %get3A_1809 = arith.constant 0 : i32
        %get3A_1810 = tpu.memref_slice %arg15[%rem3A_275, %get3A_1808, %get3A_1809] : memref<2x128x128xf32, #tpu.memory_space<vmem>> -> memref<1x128x128xf32, #tpu.memory_space<vmem>>
        %get3A_1811 = tpu.memref_squeeze %get3A_1810 : memref<1x128x128xf32, #tpu.memory_space<vmem>> -> memref<128x128xf32, #tpu.memory_space<vmem>>
        %get3A_1812 = arith.index_cast %add3A_1775 : i32 to index
        %get3A_1813 = arith.constant 32 : index
        %get3A_1814 = tpu.vector_load %get3A_1811[%get3A_1812, %get3A_1813] {strides = array<i32>} : memref<128x128xf32, #tpu.memory_space<vmem>>, vector<16xf32>,
        %mul3A_1815 = vector.broadcast %squeeze3A_1771 : f32 to vector<16xf32>
        %mul3A_1816 = arith.mulf %get3A_1814, %mul3A_1815 : vector<16xf32>
        %swap3A_1817 = arith.constant 0 : i32
        %swap3A_1818 = arith.constant 0 : i32
        %swap3A_1819 = tpu.memref_slice %arg15[%rem3A_275, %swap3A_1817, %swap3A_1818] : memref<2x128x128xf32, #tpu.memory_space<vmem>> -> memref<1x128x128xf32, #tpu.memory_space<vmem>>
        %swap3A_1820 = tpu.memref_squeeze %swap3A_1819 : memref<1x128x128xf32, #tpu.memory_space<vmem>> -> memref<128x128xf32, #tpu.memory_space<vmem>>
        %swap3A_1821 = arith.index_cast %add3A_1775 : i32 to index
        %swap3A_1822 = arith.constant 32 : index
        %swap3A_1823 = tpu.vector_load %swap3A_1820[%swap3A_1821, %swap3A_1822] {strides = array<i32>} : memref<128x128xf32, #tpu.memory_space<vmem>>, vector<16xf32>,
        tpu.vector_store %swap3A_1820[%swap3A_1821, %swap3A_1822], %mul3A_1816 {strides = array<i32>} : memref<128x128xf32, #tpu.memory_space<vmem>>, vector<16xf32>,
        %get3A_1824 = arith.constant 0 : i32
        %get3A_1825 = arith.constant 0 : i32
        %get3A_1826 = tpu.memref_slice %arg15[%rem3A_275, %get3A_1824, %get3A_1825] : memref<2x128x128xf32, #tpu.memory_space<vmem>> -> memref<1x128x128xf32, #tpu.memory_space<vmem>>
        %get3A_1827 = tpu.memref_squeeze %get3A_1826 : memref<1x128x128xf32, #tpu.memory_space<vmem>> -> memref<128x128xf32, #tpu.memory_space<vmem>>
        %get3A_1828 = arith.index_cast %add3A_1775 : i32 to index
        %get3A_1829 = arith.constant 48 : index
        %get3A_1830 = tpu.vector_load %get3A_1827[%get3A_1828, %get3A_1829] {strides = array<i32>} : memref<128x128xf32, #tpu.memory_space<vmem>>, vector<16xf32>,
        %mul3A_1831 = vector.broadcast %squeeze3A_1771 : f32 to vector<16xf32>
        %mul3A_1832 = arith.mulf %get3A_1830, %mul3A_1831 : vector<16xf32>
        %swap3A_1833 = arith.constant 0 : i32
        %swap3A_1834 = arith.constant 0 : i32
        %swap3A_1835 = tpu.memref_slice %arg15[%rem3A_275, %swap3A_1833, %swap3A_1834] : memref<2x128x128xf32, #tpu.memory_space<vmem>> -> memref<1x128x128xf32, #tpu.memory_space<vmem>>
        %swap3A_1836 = tpu.memref_squeeze %swap3A_1835 : memref<1x128x128xf32, #tpu.memory_space<vmem>> -> memref<128x128xf32, #tpu.memory_space<vmem>>
        %swap3A_1837 = arith.index_cast %add3A_1775 : i32 to index
        %swap3A_1838 = arith.constant 48 : index
        %swap3A_1839 = tpu.vector_load %swap3A_1836[%swap3A_1837, %swap3A_1838] {strides = array<i32>} : memref<128x128xf32, #tpu.memory_space<vmem>>, vector<16xf32>,
        tpu.vector_store %swap3A_1836[%swap3A_1837, %swap3A_1838], %mul3A_1832 {strides = array<i32>} : memref<128x128xf32, #tpu.memory_space<vmem>>, vector<16xf32>,
        %get3A_1840 = arith.constant 0 : i32
        %get3A_1841 = arith.constant 0 : i32
        %get3A_1842 = tpu.memref_slice %arg15[%rem3A_275, %get3A_1840, %get3A_1841] : memref<2x128x128xf32, #tpu.memory_space<vmem>> -> memref<1x128x128xf32, #tpu.memory_space<vmem>>
        %get3A_1843 = tpu.memref_squeeze %get3A_1842 : memref<1x128x128xf32, #tpu.memory_space<vmem>> -> memref<128x128xf32, #tpu.memory_space<vmem>>
        %get3A_1844 = arith.index_cast %add3A_1775 : i32 to index
        %get3A_1845 = arith.constant 64 : index
        %get3A_1846 = tpu.vector_load %get3A_1843[%get3A_1844, %get3A_1845] {strides = array<i32>} : memref<128x128xf32, #tpu.memory_space<vmem>>, vector<16xf32>,
        %mul3A_1847 = vector.broadcast %squeeze3A_1771 : f32 to vector<16xf32>
        %mul3A_1848 = arith.mulf %get3A_1846, %mul3A_1847 : vector<16xf32>
        %swap3A_1849 = arith.constant 0 : i32
        %swap3A_1850 = arith.constant 0 : i32
        %swap3A_1851 = tpu.memref_slice %arg15[%rem3A_275, %swap3A_1849, %swap3A_1850] : memref<2x128x128xf32, #tpu.memory_space<vmem>> -> memref<1x128x128xf32, #tpu.memory_space<vmem>>
        %swap3A_1852 = tpu.memref_squeeze %swap3A_1851 : memref<1x128x128xf32, #tpu.memory_space<vmem>> -> memref<128x128xf32, #tpu.memory_space<vmem>>
        %swap3A_1853 = arith.index_cast %add3A_1775 : i32 to index
        %swap3A_1854 = arith.constant 64 : index
        %swap3A_1855 = tpu.vector_load %swap3A_1852[%swap3A_1853, %swap3A_1854] {strides = array<i32>} : memref<128x128xf32, #tpu.memory_space<vmem>>, vector<16xf32>,
        tpu.vector_store %swap3A_1852[%swap3A_1853, %swap3A_1854], %mul3A_1848 {strides = array<i32>} : memref<128x128xf32, #tpu.memory_space<vmem>>, vector<16xf32>,
        %get3A_1856 = arith.constant 0 : i32
        %get3A_1857 = arith.constant 0 : i32
        %get3A_1858 = tpu.memref_slice %arg15[%rem3A_275, %get3A_1856, %get3A_1857] : memref<2x128x128xf32, #tpu.memory_space<vmem>> -> memref<1x128x128xf32, #tpu.memory_space<vmem>>
        %get3A_1859 = tpu.memref_squeeze %get3A_1858 : memref<1x128x128xf32, #tpu.memory_space<vmem>> -> memref<128x128xf32, #tpu.memory_space<vmem>>
        %get3A_1860 = arith.index_cast %add3A_1775 : i32 to index
        %get3A_1861 = arith.constant 80 : index
        %get3A_1862 = tpu.vector_load %get3A_1859[%get3A_1860, %get3A_1861] {strides = array<i32>} : memref<128x128xf32, #tpu.memory_space<vmem>>, vector<16xf32>,
        %mul3A_1863 = vector.broadcast %squeeze3A_1771 : f32 to vector<16xf32>
        %mul3A_1864 = arith.mulf %get3A_1862, %mul3A_1863 : vector<16xf32>
        %swap3A_1865 = arith.constant 0 : i32
        %swap3A_1866 = arith.constant 0 : i32
        %swap3A_1867 = tpu.memref_slice %arg15[%rem3A_275, %swap3A_1865, %swap3A_1866] : memref<2x128x128xf32, #tpu.memory_space<vmem>> -> memref<1x128x128xf32, #tpu.memory_space<vmem>>
        %swap3A_1868 = tpu.memref_squeeze %swap3A_1867 : memref<1x128x128xf32, #tpu.memory_space<vmem>> -> memref<128x128xf32, #tpu.memory_space<vmem>>
        %swap3A_1869 = arith.index_cast %add3A_1775 : i32 to index
        %swap3A_1870 = arith.constant 80 : index
        %swap3A_1871 = tpu.vector_load %swap3A_1868[%swap3A_1869, %swap3A_1870] {strides = array<i32>} : memref<128x128xf32, #tpu.memory_space<vmem>>, vector<16xf32>,
        tpu.vector_store %swap3A_1868[%swap3A_1869, %swap3A_1870], %mul3A_1864 {strides = array<i32>} : memref<128x128xf32, #tpu.memory_space<vmem>>, vector<16xf32>,
        %get3A_1872 = arith.constant 0 : i32
        %get3A_1873 = arith.constant 0 : i32
        %get3A_1874 = tpu.memref_slice %arg15[%rem3A_275, %get3A_1872, %get3A_1873] : memref<2x128x128xf32, #tpu.memory_space<vmem>> -> memref<1x128x128xf32, #tpu.memory_space<vmem>>
        %get3A_1875 = tpu.memref_squeeze %get3A_1874 : memref<1x128x128xf32, #tpu.memory_space<vmem>> -> memref<128x128xf32, #tpu.memory_space<vmem>>
        %get3A_1876 = arith.index_cast %add3A_1775 : i32 to index
        %get3A_1877 = arith.constant 96 : index
        %get3A_1878 = tpu.vector_load %get3A_1875[%get3A_1876, %get3A_1877] {strides = array<i32>} : memref<128x128xf32, #tpu.memory_space<vmem>>, vector<16xf32>,
        %mul3A_1879 = vector.broadcast %squeeze3A_1771 : f32 to vector<16xf32>
        %mul3A_1880 = arith.mulf %get3A_1878, %mul3A_1879 : vector<16xf32>
        %swap3A_1881 = arith.constant 0 : i32
        %swap3A_1882 = arith.constant 0 : i32
        %swap3A_1883 = tpu.memref_slice %arg15[%rem3A_275, %swap3A_1881, %swap3A_1882] : memref<2x128x128xf32, #tpu.memory_space<vmem>> -> memref<1x128x128xf32, #tpu.memory_space<vmem>>
        %swap3A_1884 = tpu.memref_squeeze %swap3A_1883 : memref<1x128x128xf32, #tpu.memory_space<vmem>> -> memref<128x128xf32, #tpu.memory_space<vmem>>
        %swap3A_1885 = arith.index_cast %add3A_1775 : i32 to index
        %swap3A_1886 = arith.constant 96 : index
        %swap3A_1887 = tpu.vector_load %swap3A_1884[%swap3A_1885, %swap3A_1886] {strides = array<i32>} : memref<128x128xf32, #tpu.memory_space<vmem>>, vector<16xf32>,
        tpu.vector_store %swap3A_1884[%swap3A_1885, %swap3A_1886], %mul3A_1880 {strides = array<i32>} : memref<128x128xf32, #tpu.memory_space<vmem>>, vector<16xf32>,
        %get3A_1888 = arith.constant 0 : i32
        %get3A_1889 = arith.constant 0 : i32
        %get3A_1890 = tpu.memref_slice %arg15[%rem3A_275, %get3A_1888, %get3A_1889] : memref<2x128x128xf32, #tpu.memory_space<vmem>> -> memref<1x128x128xf32, #tpu.memory_space<vmem>>
        %get3A_1891 = tpu.memref_squeeze %get3A_1890 : memref<1x128x128xf32, #tpu.memory_space<vmem>> -> memref<128x128xf32, #tpu.memory_space<vmem>>
        %get3A_1892 = arith.index_cast %add3A_1775 : i32 to index
        %get3A_1893 = arith.constant 112 : index
        %get3A_1894 = tpu.vector_load %get3A_1891[%get3A_1892, %get3A_1893] {strides = array<i32>} : memref<128x128xf32, #tpu.memory_space<vmem>>, vector<16xf32>,
        %mul3A_1895 = vector.broadcast %squeeze3A_1771 : f32 to vector<16xf32>
        %mul3A_1896 = arith.mulf %get3A_1894, %mul3A_1895 : vector<16xf32>
        %swap3A_1897 = arith.constant 0 : i32
        %swap3A_1898 = arith.constant 0 : i32
        %swap3A_1899 = tpu.memref_slice %arg15[%rem3A_275, %swap3A_1897, %swap3A_1898] : memref<2x128x128xf32, #tpu.memory_space<vmem>> -> memref<1x128x128xf32, #tpu.memory_space<vmem>>
        %swap3A_1900 = tpu.memref_squeeze %swap3A_1899 : memref<1x128x128xf32, #tpu.memory_space<vmem>> -> memref<128x128xf32, #tpu.memory_space<vmem>>
        %swap3A_1901 = arith.index_cast %add3A_1775 : i32 to index
        %swap3A_1902 = arith.constant 112 : index
        %swap3A_1903 = tpu.vector_load %swap3A_1900[%swap3A_1901, %swap3A_1902] {strides = array<i32>} : memref<128x128xf32, #tpu.memory_space<vmem>>, vector<16xf32>,
        tpu.vector_store %swap3A_1900[%swap3A_1901, %swap3A_1902], %mul3A_1896 {strides = array<i32>} : memref<128x128xf32, #tpu.memory_space<vmem>>, vector<16xf32>,
        %slice3A_1904 = vector.extract_strided_slice %get3A_565 {offsets = [10], sizes = [1], strides = [1]} : vector<16xf32> to vector<1xf32>
        %squeeze3A_1905 = vector.extract %slice3A_1904[0] : f32 from vector<1xf32>
        %mul3A_1906 = arith.constant 16 : i32
        %mul3A_1907 = arith.muli %scan3A_558, %mul3A_1906 : i32
        %add3A_1908 = arith.constant 10 : i32
        %add3A_1909 = arith.addi %mul3A_1907, %add3A_1908 : i32
        %get3A_1910 = arith.constant 0 : i32
        %get3A_1911 = arith.constant 0 : i32
        %get3A_1912 = tpu.memref_slice %arg15[%rem3A_275, %get3A_1910, %get3A_1911] : memref<2x128x128xf32, #tpu.memory_space<vmem>> -> memref<1x128x128xf32, #tpu.memory_space<vmem>>
        %get3A_1913 = tpu.memref_squeeze %get3A_1912 : memref<1x128x128xf32, #tpu.memory_space<vmem>> -> memref<128x128xf32, #tpu.memory_space<vmem>>
        %get3A_1914 = arith.index_cast %add3A_1909 : i32 to index
        %get3A_1915 = arith.constant 0 : index
        %get3A_1916 = tpu.vector_load %get3A_1913[%get3A_1914, %get3A_1915] {strides = array<i32>} : memref<128x128xf32, #tpu.memory_space<vmem>>, vector<16xf32>,
        %mul3A_1917 = vector.broadcast %squeeze3A_1905 : f32 to vector<16xf32>
        %mul3A_1918 = arith.mulf %get3A_1916, %mul3A_1917 : vector<16xf32>
        %swap3A_1919 = arith.constant 0 : i32
        %swap3A_1920 = arith.constant 0 : i32
        %swap3A_1921 = tpu.memref_slice %arg15[%rem3A_275, %swap3A_1919, %swap3A_1920] : memref<2x128x128xf32, #tpu.memory_space<vmem>> -> memref<1x128x128xf32, #tpu.memory_space<vmem>>
        %swap3A_1922 = tpu.memref_squeeze %swap3A_1921 : memref<1x128x128xf32, #tpu.memory_space<vmem>> -> memref<128x128xf32, #tpu.memory_space<vmem>>
        %swap3A_1923 = arith.index_cast %add3A_1909 : i32 to index
        %swap3A_1924 = arith.constant 0 : index
        %swap3A_1925 = tpu.vector_load %swap3A_1922[%swap3A_1923, %swap3A_1924] {strides = array<i32>} : memref<128x128xf32, #tpu.memory_space<vmem>>, vector<16xf32>,
        tpu.vector_store %swap3A_1922[%swap3A_1923, %swap3A_1924], %mul3A_1918 {strides = array<i32>} : memref<128x128xf32, #tpu.memory_space<vmem>>, vector<16xf32>,
        %get3A_1926 = arith.constant 0 : i32
        %get3A_1927 = arith.constant 0 : i32
        %get3A_1928 = tpu.memref_slice %arg15[%rem3A_275, %get3A_1926, %get3A_1927] : memref<2x128x128xf32, #tpu.memory_space<vmem>> -> memref<1x128x128xf32, #tpu.memory_space<vmem>>
        %get3A_1929 = tpu.memref_squeeze %get3A_1928 : memref<1x128x128xf32, #tpu.memory_space<vmem>> -> memref<128x128xf32, #tpu.memory_space<vmem>>
        %get3A_1930 = arith.index_cast %add3A_1909 : i32 to index
        %get3A_1931 = arith.constant 16 : index
        %get3A_1932 = tpu.vector_load %get3A_1929[%get3A_1930, %get3A_1931] {strides = array<i32>} : memref<128x128xf32, #tpu.memory_space<vmem>>, vector<16xf32>,
        %mul3A_1933 = vector.broadcast %squeeze3A_1905 : f32 to vector<16xf32>
        %mul3A_1934 = arith.mulf %get3A_1932, %mul3A_1933 : vector<16xf32>
        %swap3A_1935 = arith.constant 0 : i32
        %swap3A_1936 = arith.constant 0 : i32
        %swap3A_1937 = tpu.memref_slice %arg15[%rem3A_275, %swap3A_1935, %swap3A_1936] : memref<2x128x128xf32, #tpu.memory_space<vmem>> -> memref<1x128x128xf32, #tpu.memory_space<vmem>>
        %swap3A_1938 = tpu.memref_squeeze %swap3A_1937 : memref<1x128x128xf32, #tpu.memory_space<vmem>> -> memref<128x128xf32, #tpu.memory_space<vmem>>
        %swap3A_1939 = arith.index_cast %add3A_1909 : i32 to index
        %swap3A_1940 = arith.constant 16 : index
        %swap3A_1941 = tpu.vector_load %swap3A_1938[%swap3A_1939, %swap3A_1940] {strides = array<i32>} : memref<128x128xf32, #tpu.memory_space<vmem>>, vector<16xf32>,
        tpu.vector_store %swap3A_1938[%swap3A_1939, %swap3A_1940], %mul3A_1934 {strides = array<i32>} : memref<128x128xf32, #tpu.memory_space<vmem>>, vector<16xf32>,
        %get3A_1942 = arith.constant 0 : i32
        %get3A_1943 = arith.constant 0 : i32
        %get3A_1944 = tpu.memref_slice %arg15[%rem3A_275, %get3A_1942, %get3A_1943] : memref<2x128x128xf32, #tpu.memory_space<vmem>> -> memref<1x128x128xf32, #tpu.memory_space<vmem>>
        %get3A_1945 = tpu.memref_squeeze %get3A_1944 : memref<1x128x128xf32, #tpu.memory_space<vmem>> -> memref<128x128xf32, #tpu.memory_space<vmem>>
        %get3A_1946 = arith.index_cast %add3A_1909 : i32 to index
        %get3A_1947 = arith.constant 32 : index
        %get3A_1948 = tpu.vector_load %get3A_1945[%get3A_1946, %get3A_1947] {strides = array<i32>} : memref<128x128xf32, #tpu.memory_space<vmem>>, vector<16xf32>,
        %mul3A_1949 = vector.broadcast %squeeze3A_1905 : f32 to vector<16xf32>
        %mul3A_1950 = arith.mulf %get3A_1948, %mul3A_1949 : vector<16xf32>
        %swap3A_1951 = arith.constant 0 : i32
        %swap3A_1952 = arith.constant 0 : i32
        %swap3A_1953 = tpu.memref_slice %arg15[%rem3A_275, %swap3A_1951, %swap3A_1952] : memref<2x128x128xf32, #tpu.memory_space<vmem>> -> memref<1x128x128xf32, #tpu.memory_space<vmem>>
        %swap3A_1954 = tpu.memref_squeeze %swap3A_1953 : memref<1x128x128xf32, #tpu.memory_space<vmem>> -> memref<128x128xf32, #tpu.memory_space<vmem>>
        %swap3A_1955 = arith.index_cast %add3A_1909 : i32 to index
        %swap3A_1956 = arith.constant 32 : index
        %swap3A_1957 = tpu.vector_load %swap3A_1954[%swap3A_1955, %swap3A_1956] {strides = array<i32>} : memref<128x128xf32, #tpu.memory_space<vmem>>, vector<16xf32>,
        tpu.vector_store %swap3A_1954[%swap3A_1955, %swap3A_1956], %mul3A_1950 {strides = array<i32>} : memref<128x128xf32, #tpu.memory_space<vmem>>, vector<16xf32>,
        %get3A_1958 = arith.constant 0 : i32
        %get3A_1959 = arith.constant 0 : i32
        %get3A_1960 = tpu.memref_slice %arg15[%rem3A_275, %get3A_1958, %get3A_1959] : memref<2x128x128xf32, #tpu.memory_space<vmem>> -> memref<1x128x128xf32, #tpu.memory_space<vmem>>
        %get3A_1961 = tpu.memref_squeeze %get3A_1960 : memref<1x128x128xf32, #tpu.memory_space<vmem>> -> memref<128x128xf32, #tpu.memory_space<vmem>>
        %get3A_1962 = arith.index_cast %add3A_1909 : i32 to index
        %get3A_1963 = arith.constant 48 : index
        %get3A_1964 = tpu.vector_load %get3A_1961[%get3A_1962, %get3A_1963] {strides = array<i32>} : memref<128x128xf32, #tpu.memory_space<vmem>>, vector<16xf32>,
        %mul3A_1965 = vector.broadcast %squeeze3A_1905 : f32 to vector<16xf32>
        %mul3A_1966 = arith.mulf %get3A_1964, %mul3A_1965 : vector<16xf32>
        %swap3A_1967 = arith.constant 0 : i32
        %swap3A_1968 = arith.constant 0 : i32
        %swap3A_1969 = tpu.memref_slice %arg15[%rem3A_275, %swap3A_1967, %swap3A_1968] : memref<2x128x128xf32, #tpu.memory_space<vmem>> -> memref<1x128x128xf32, #tpu.memory_space<vmem>>
        %swap3A_1970 = tpu.memref_squeeze %swap3A_1969 : memref<1x128x128xf32, #tpu.memory_space<vmem>> -> memref<128x128xf32, #tpu.memory_space<vmem>>
        %swap3A_1971 = arith.index_cast %add3A_1909 : i32 to index
        %swap3A_1972 = arith.constant 48 : index
        %swap3A_1973 = tpu.vector_load %swap3A_1970[%swap3A_1971, %swap3A_1972] {strides = array<i32>} : memref<128x128xf32, #tpu.memory_space<vmem>>, vector<16xf32>,
        tpu.vector_store %swap3A_1970[%swap3A_1971, %swap3A_1972], %mul3A_1966 {strides = array<i32>} : memref<128x128xf32, #tpu.memory_space<vmem>>, vector<16xf32>,
        %get3A_1974 = arith.constant 0 : i32
        %get3A_1975 = arith.constant 0 : i32
        %get3A_1976 = tpu.memref_slice %arg15[%rem3A_275, %get3A_1974, %get3A_1975] : memref<2x128x128xf32, #tpu.memory_space<vmem>> -> memref<1x128x128xf32, #tpu.memory_space<vmem>>
        %get3A_1977 = tpu.memref_squeeze %get3A_1976 : memref<1x128x128xf32, #tpu.memory_space<vmem>> -> memref<128x128xf32, #tpu.memory_space<vmem>>
        %get3A_1978 = arith.index_cast %add3A_1909 : i32 to index
        %get3A_1979 = arith.constant 64 : index
        %get3A_1980 = tpu.vector_load %get3A_1977[%get3A_1978, %get3A_1979] {strides = array<i32>} : memref<128x128xf32, #tpu.memory_space<vmem>>, vector<16xf32>,
        %mul3A_1981 = vector.broadcast %squeeze3A_1905 : f32 to vector<16xf32>
        %mul3A_1982 = arith.mulf %get3A_1980, %mul3A_1981 : vector<16xf32>
        %swap3A_1983 = arith.constant 0 : i32
        %swap3A_1984 = arith.constant 0 : i32
        %swap3A_1985 = tpu.memref_slice %arg15[%rem3A_275, %swap3A_1983, %swap3A_1984] : memref<2x128x128xf32, #tpu.memory_space<vmem>> -> memref<1x128x128xf32, #tpu.memory_space<vmem>>
        %swap3A_1986 = tpu.memref_squeeze %swap3A_1985 : memref<1x128x128xf32, #tpu.memory_space<vmem>> -> memref<128x128xf32, #tpu.memory_space<vmem>>
        %swap3A_1987 = arith.index_cast %add3A_1909 : i32 to index
        %swap3A_1988 = arith.constant 64 : index
        %swap3A_1989 = tpu.vector_load %swap3A_1986[%swap3A_1987, %swap3A_1988] {strides = array<i32>} : memref<128x128xf32, #tpu.memory_space<vmem>>, vector<16xf32>,
        tpu.vector_store %swap3A_1986[%swap3A_1987, %swap3A_1988], %mul3A_1982 {strides = array<i32>} : memref<128x128xf32, #tpu.memory_space<vmem>>, vector<16xf32>,
        %get3A_1990 = arith.constant 0 : i32
        %get3A_1991 = arith.constant 0 : i32
        %get3A_1992 = tpu.memref_slice %arg15[%rem3A_275, %get3A_1990, %get3A_1991] : memref<2x128x128xf32, #tpu.memory_space<vmem>> -> memref<1x128x128xf32, #tpu.memory_space<vmem>>
        %get3A_1993 = tpu.memref_squeeze %get3A_1992 : memref<1x128x128xf32, #tpu.memory_space<vmem>> -> memref<128x128xf32, #tpu.memory_space<vmem>>
        %get3A_1994 = arith.index_cast %add3A_1909 : i32 to index
        %get3A_1995 = arith.constant 80 : index
        %get3A_1996 = tpu.vector_load %get3A_1993[%get3A_1994, %get3A_1995] {strides = array<i32>} : memref<128x128xf32, #tpu.memory_space<vmem>>, vector<16xf32>,
        %mul3A_1997 = vector.broadcast %squeeze3A_1905 : f32 to vector<16xf32>
        %mul3A_1998 = arith.mulf %get3A_1996, %mul3A_1997 : vector<16xf32>
        %swap3A_1999 = arith.constant 0 : i32
        %swap3A_2000 = arith.constant 0 : i32
        %swap3A_2001 = tpu.memref_slice %arg15[%rem3A_275, %swap3A_1999, %swap3A_2000] : memref<2x128x128xf32, #tpu.memory_space<vmem>> -> memref<1x128x128xf32, #tpu.memory_space<vmem>>
        %swap3A_2002 = tpu.memref_squeeze %swap3A_2001 : memref<1x128x128xf32, #tpu.memory_space<vmem>> -> memref<128x128xf32, #tpu.memory_space<vmem>>
        %swap3A_2003 = arith.index_cast %add3A_1909 : i32 to index
        %swap3A_2004 = arith.constant 80 : index
        %swap3A_2005 = tpu.vector_load %swap3A_2002[%swap3A_2003, %swap3A_2004] {strides = array<i32>} : memref<128x128xf32, #tpu.memory_space<vmem>>, vector<16xf32>,
        tpu.vector_store %swap3A_2002[%swap3A_2003, %swap3A_2004], %mul3A_1998 {strides = array<i32>} : memref<128x128xf32, #tpu.memory_space<vmem>>, vector<16xf32>,
        %get3A_2006 = arith.constant 0 : i32
        %get3A_2007 = arith.constant 0 : i32
        %get3A_2008 = tpu.memref_slice %arg15[%rem3A_275, %get3A_2006, %get3A_2007] : memref<2x128x128xf32, #tpu.memory_space<vmem>> -> memref<1x128x128xf32, #tpu.memory_space<vmem>>
        %get3A_2009 = tpu.memref_squeeze %get3A_2008 : memref<1x128x128xf32, #tpu.memory_space<vmem>> -> memref<128x128xf32, #tpu.memory_space<vmem>>
        %get3A_2010 = arith.index_cast %add3A_1909 : i32 to index
        %get3A_2011 = arith.constant 96 : index
        %get3A_2012 = tpu.vector_load %get3A_2009[%get3A_2010, %get3A_2011] {strides = array<i32>} : memref<128x128xf32, #tpu.memory_space<vmem>>, vector<16xf32>,
        %mul3A_2013 = vector.broadcast %squeeze3A_1905 : f32 to vector<16xf32>
        %mul3A_2014 = arith.mulf %get3A_2012, %mul3A_2013 : vector<16xf32>
        %swap3A_2015 = arith.constant 0 : i32
        %swap3A_2016 = arith.constant 0 : i32
        %swap3A_2017 = tpu.memref_slice %arg15[%rem3A_275, %swap3A_2015, %swap3A_2016] : memref<2x128x128xf32, #tpu.memory_space<vmem>> -> memref<1x128x128xf32, #tpu.memory_space<vmem>>
        %swap3A_2018 = tpu.memref_squeeze %swap3A_2017 : memref<1x128x128xf32, #tpu.memory_space<vmem>> -> memref<128x128xf32, #tpu.memory_space<vmem>>
        %swap3A_2019 = arith.index_cast %add3A_1909 : i32 to index
        %swap3A_2020 = arith.constant 96 : index
        %swap3A_2021 = tpu.vector_load %swap3A_2018[%swap3A_2019, %swap3A_2020] {strides = array<i32>} : memref<128x128xf32, #tpu.memory_space<vmem>>, vector<16xf32>,
        tpu.vector_store %swap3A_2018[%swap3A_2019, %swap3A_2020], %mul3A_2014 {strides = array<i32>} : memref<128x128xf32, #tpu.memory_space<vmem>>, vector<16xf32>,
        %get3A_2022 = arith.constant 0 : i32
        %get3A_2023 = arith.constant 0 : i32
        %get3A_2024 = tpu.memref_slice %arg15[%rem3A_275, %get3A_2022, %get3A_2023] : memref<2x128x128xf32, #tpu.memory_space<vmem>> -> memref<1x128x128xf32, #tpu.memory_space<vmem>>
        %get3A_2025 = tpu.memref_squeeze %get3A_2024 : memref<1x128x128xf32, #tpu.memory_space<vmem>> -> memref<128x128xf32, #tpu.memory_space<vmem>>
        %get3A_2026 = arith.index_cast %add3A_1909 : i32 to index
        %get3A_2027 = arith.constant 112 : index
        %get3A_2028 = tpu.vector_load %get3A_2025[%get3A_2026, %get3A_2027] {strides = array<i32>} : memref<128x128xf32, #tpu.memory_space<vmem>>, vector<16xf32>,
        %mul3A_2029 = vector.broadcast %squeeze3A_1905 : f32 to vector<16xf32>
        %mul3A_2030 = arith.mulf %get3A_2028, %mul3A_2029 : vector<16xf32>
        %swap3A_2031 = arith.constant 0 : i32
        %swap3A_2032 = arith.constant 0 : i32
        %swap3A_2033 = tpu.memref_slice %arg15[%rem3A_275, %swap3A_2031, %swap3A_2032] : memref<2x128x128xf32, #tpu.memory_space<vmem>> -> memref<1x128x128xf32, #tpu.memory_space<vmem>>
        %swap3A_2034 = tpu.memref_squeeze %swap3A_2033 : memref<1x128x128xf32, #tpu.memory_space<vmem>> -> memref<128x128xf32, #tpu.memory_space<vmem>>
        %swap3A_2035 = arith.index_cast %add3A_1909 : i32 to index
        %swap3A_2036 = arith.constant 112 : index
        %swap3A_2037 = tpu.vector_load %swap3A_2034[%swap3A_2035, %swap3A_2036] {strides = array<i32>} : memref<128x128xf32, #tpu.memory_space<vmem>>, vector<16xf32>,
        tpu.vector_store %swap3A_2034[%swap3A_2035, %swap3A_2036], %mul3A_2030 {strides = array<i32>} : memref<128x128xf32, #tpu.memory_space<vmem>>, vector<16xf32>,
        %slice3A_2038 = vector.extract_strided_slice %get3A_565 {offsets = [11], sizes = [1], strides = [1]} : vector<16xf32> to vector<1xf32>
        %squeeze3A_2039 = vector.extract %slice3A_2038[0] : f32 from vector<1xf32>
        %mul3A_2040 = arith.constant 16 : i32
        %mul3A_2041 = arith.muli %scan3A_558, %mul3A_2040 : i32
        %add3A_2042 = arith.constant 11 : i32
        %add3A_2043 = arith.addi %mul3A_2041, %add3A_2042 : i32
        %get3A_2044 = arith.constant 0 : i32
        %get3A_2045 = arith.constant 0 : i32
        %get3A_2046 = tpu.memref_slice %arg15[%rem3A_275, %get3A_2044, %get3A_2045] : memref<2x128x128xf32, #tpu.memory_space<vmem>> -> memref<1x128x128xf32, #tpu.memory_space<vmem>>
        %get3A_2047 = tpu.memref_squeeze %get3A_2046 : memref<1x128x128xf32, #tpu.memory_space<vmem>> -> memref<128x128xf32, #tpu.memory_space<vmem>>
        %get3A_2048 = arith.index_cast %add3A_2043 : i32 to index
        %get3A_2049 = arith.constant 0 : index
        %get3A_2050 = tpu.vector_load %get3A_2047[%get3A_2048, %get3A_2049] {strides = array<i32>} : memref<128x128xf32, #tpu.memory_space<vmem>>, vector<16xf32>,
        %mul3A_2051 = vector.broadcast %squeeze3A_2039 : f32 to vector<16xf32>
        %mul3A_2052 = arith.mulf %get3A_2050, %mul3A_2051 : vector<16xf32>
        %swap3A_2053 = arith.constant 0 : i32
        %swap3A_2054 = arith.constant 0 : i32
        %swap3A_2055 = tpu.memref_slice %arg15[%rem3A_275, %swap3A_2053, %swap3A_2054] : memref<2x128x128xf32, #tpu.memory_space<vmem>> -> memref<1x128x128xf32, #tpu.memory_space<vmem>>
        %swap3A_2056 = tpu.memref_squeeze %swap3A_2055 : memref<1x128x128xf32, #tpu.memory_space<vmem>> -> memref<128x128xf32, #tpu.memory_space<vmem>>
        %swap3A_2057 = arith.index_cast %add3A_2043 : i32 to index
        %swap3A_2058 = arith.constant 0 : index
        %swap3A_2059 = tpu.vector_load %swap3A_2056[%swap3A_2057, %swap3A_2058] {strides = array<i32>} : memref<128x128xf32, #tpu.memory_space<vmem>>, vector<16xf32>,
        tpu.vector_store %swap3A_2056[%swap3A_2057, %swap3A_2058], %mul3A_2052 {strides = array<i32>} : memref<128x128xf32, #tpu.memory_space<vmem>>, vector<16xf32>,
        %get3A_2060 = arith.constant 0 : i32
        %get3A_2061 = arith.constant 0 : i32
        %get3A_2062 = tpu.memref_slice %arg15[%rem3A_275, %get3A_2060, %get3A_2061] : memref<2x128x128xf32, #tpu.memory_space<vmem>> -> memref<1x128x128xf32, #tpu.memory_space<vmem>>
        %get3A_2063 = tpu.memref_squeeze %get3A_2062 : memref<1x128x128xf32, #tpu.memory_space<vmem>> -> memref<128x128xf32, #tpu.memory_space<vmem>>
        %get3A_2064 = arith.index_cast %add3A_2043 : i32 to index
        %get3A_2065 = arith.constant 16 : index
        %get3A_2066 = tpu.vector_load %get3A_2063[%get3A_2064, %get3A_2065] {strides = array<i32>} : memref<128x128xf32, #tpu.memory_space<vmem>>, vector<16xf32>,
        %mul3A_2067 = vector.broadcast %squeeze3A_2039 : f32 to vector<16xf32>
        %mul3A_2068 = arith.mulf %get3A_2066, %mul3A_2067 : vector<16xf32>
        %swap3A_2069 = arith.constant 0 : i32
        %swap3A_2070 = arith.constant 0 : i32
        %swap3A_2071 = tpu.memref_slice %arg15[%rem3A_275, %swap3A_2069, %swap3A_2070] : memref<2x128x128xf32, #tpu.memory_space<vmem>> -> memref<1x128x128xf32, #tpu.memory_space<vmem>>
        %swap3A_2072 = tpu.memref_squeeze %swap3A_2071 : memref<1x128x128xf32, #tpu.memory_space<vmem>> -> memref<128x128xf32, #tpu.memory_space<vmem>>
        %swap3A_2073 = arith.index_cast %add3A_2043 : i32 to index
        %swap3A_2074 = arith.constant 16 : index
        %swap3A_2075 = tpu.vector_load %swap3A_2072[%swap3A_2073, %swap3A_2074] {strides = array<i32>} : memref<128x128xf32, #tpu.memory_space<vmem>>, vector<16xf32>,
        tpu.vector_store %swap3A_2072[%swap3A_2073, %swap3A_2074], %mul3A_2068 {strides = array<i32>} : memref<128x128xf32, #tpu.memory_space<vmem>>, vector<16xf32>,
        %get3A_2076 = arith.constant 0 : i32
        %get3A_2077 = arith.constant 0 : i32
        %get3A_2078 = tpu.memref_slice %arg15[%rem3A_275, %get3A_2076, %get3A_2077] : memref<2x128x128xf32, #tpu.memory_space<vmem>> -> memref<1x128x128xf32, #tpu.memory_space<vmem>>
        %get3A_2079 = tpu.memref_squeeze %get3A_2078 : memref<1x128x128xf32, #tpu.memory_space<vmem>> -> memref<128x128xf32, #tpu.memory_space<vmem>>
        %get3A_2080 = arith.index_cast %add3A_2043 : i32 to index
        %get3A_2081 = arith.constant 32 : index
        %get3A_2082 = tpu.vector_load %get3A_2079[%get3A_2080, %get3A_2081] {strides = array<i32>} : memref<128x128xf32, #tpu.memory_space<vmem>>, vector<16xf32>,
        %mul3A_2083 = vector.broadcast %squeeze3A_2039 : f32 to vector<16xf32>
        %mul3A_2084 = arith.mulf %get3A_2082, %mul3A_2083 : vector<16xf32>
        %swap3A_2085 = arith.constant 0 : i32
        %swap3A_2086 = arith.constant 0 : i32
        %swap3A_2087 = tpu.memref_slice %arg15[%rem3A_275, %swap3A_2085, %swap3A_2086] : memref<2x128x128xf32, #tpu.memory_space<vmem>> -> memref<1x128x128xf32, #tpu.memory_space<vmem>>
        %swap3A_2088 = tpu.memref_squeeze %swap3A_2087 : memref<1x128x128xf32, #tpu.memory_space<vmem>> -> memref<128x128xf32, #tpu.memory_space<vmem>>
        %swap3A_2089 = arith.index_cast %add3A_2043 : i32 to index
        %swap3A_2090 = arith.constant 32 : index
        %swap3A_2091 = tpu.vector_load %swap3A_2088[%swap3A_2089, %swap3A_2090] {strides = array<i32>} : memref<128x128xf32, #tpu.memory_space<vmem>>, vector<16xf32>,
        tpu.vector_store %swap3A_2088[%swap3A_2089, %swap3A_2090], %mul3A_2084 {strides = array<i32>} : memref<128x128xf32, #tpu.memory_space<vmem>>, vector<16xf32>,
        %get3A_2092 = arith.constant 0 : i32
        %get3A_2093 = arith.constant 0 : i32
        %get3A_2094 = tpu.memref_slice %arg15[%rem3A_275, %get3A_2092, %get3A_2093] : memref<2x128x128xf32, #tpu.memory_space<vmem>> -> memref<1x128x128xf32, #tpu.memory_space<vmem>>
        %get3A_2095 = tpu.memref_squeeze %get3A_2094 : memref<1x128x128xf32, #tpu.memory_space<vmem>> -> memref<128x128xf32, #tpu.memory_space<vmem>>
        %get3A_2096 = arith.index_cast %add3A_2043 : i32 to index
        %get3A_2097 = arith.constant 48 : index
        %get3A_2098 = tpu.vector_load %get3A_2095[%get3A_2096, %get3A_2097] {strides = array<i32>} : memref<128x128xf32, #tpu.memory_space<vmem>>, vector<16xf32>,
        %mul3A_2099 = vector.broadcast %squeeze3A_2039 : f32 to vector<16xf32>
        %mul3A_2100 = arith.mulf %get3A_2098, %mul3A_2099 : vector<16xf32>
        %swap3A_2101 = arith.constant 0 : i32
        %swap3A_2102 = arith.constant 0 : i32
        %swap3A_2103 = tpu.memref_slice %arg15[%rem3A_275, %swap3A_2101, %swap3A_2102] : memref<2x128x128xf32, #tpu.memory_space<vmem>> -> memref<1x128x128xf32, #tpu.memory_space<vmem>>
        %swap3A_2104 = tpu.memref_squeeze %swap3A_2103 : memref<1x128x128xf32, #tpu.memory_space<vmem>> -> memref<128x128xf32, #tpu.memory_space<vmem>>
        %swap3A_2105 = arith.index_cast %add3A_2043 : i32 to index
        %swap3A_2106 = arith.constant 48 : index
        %swap3A_2107 = tpu.vector_load %swap3A_2104[%swap3A_2105, %swap3A_2106] {strides = array<i32>} : memref<128x128xf32, #tpu.memory_space<vmem>>, vector<16xf32>,
        tpu.vector_store %swap3A_2104[%swap3A_2105, %swap3A_2106], %mul3A_2100 {strides = array<i32>} : memref<128x128xf32, #tpu.memory_space<vmem>>, vector<16xf32>,
        %get3A_2108 = arith.constant 0 : i32
        %get3A_2109 = arith.constant 0 : i32
        %get3A_2110 = tpu.memref_slice %arg15[%rem3A_275, %get3A_2108, %get3A_2109] : memref<2x128x128xf32, #tpu.memory_space<vmem>> -> memref<1x128x128xf32, #tpu.memory_space<vmem>>
        %get3A_2111 = tpu.memref_squeeze %get3A_2110 : memref<1x128x128xf32, #tpu.memory_space<vmem>> -> memref<128x128xf32, #tpu.memory_space<vmem>>
        %get3A_2112 = arith.index_cast %add3A_2043 : i32 to index
        %get3A_2113 = arith.constant 64 : index
        %get3A_2114 = tpu.vector_load %get3A_2111[%get3A_2112, %get3A_2113] {strides = array<i32>} : memref<128x128xf32, #tpu.memory_space<vmem>>, vector<16xf32>,
        %mul3A_2115 = vector.broadcast %squeeze3A_2039 : f32 to vector<16xf32>
        %mul3A_2116 = arith.mulf %get3A_2114, %mul3A_2115 : vector<16xf32>
        %swap3A_2117 = arith.constant 0 : i32
        %swap3A_2118 = arith.constant 0 : i32
        %swap3A_2119 = tpu.memref_slice %arg15[%rem3A_275, %swap3A_2117, %swap3A_2118] : memref<2x128x128xf32, #tpu.memory_space<vmem>> -> memref<1x128x128xf32, #tpu.memory_space<vmem>>
        %swap3A_2120 = tpu.memref_squeeze %swap3A_2119 : memref<1x128x128xf32, #tpu.memory_space<vmem>> -> memref<128x128xf32, #tpu.memory_space<vmem>>
        %swap3A_2121 = arith.index_cast %add3A_2043 : i32 to index
        %swap3A_2122 = arith.constant 64 : index
        %swap3A_2123 = tpu.vector_load %swap3A_2120[%swap3A_2121, %swap3A_2122] {strides = array<i32>} : memref<128x128xf32, #tpu.memory_space<vmem>>, vector<16xf32>,
        tpu.vector_store %swap3A_2120[%swap3A_2121, %swap3A_2122], %mul3A_2116 {strides = array<i32>} : memref<128x128xf32, #tpu.memory_space<vmem>>, vector<16xf32>,
        %get3A_2124 = arith.constant 0 : i32
        %get3A_2125 = arith.constant 0 : i32
        %get3A_2126 = tpu.memref_slice %arg15[%rem3A_275, %get3A_2124, %get3A_2125] : memref<2x128x128xf32, #tpu.memory_space<vmem>> -> memref<1x128x128xf32, #tpu.memory_space<vmem>>
        %get3A_2127 = tpu.memref_squeeze %get3A_2126 : memref<1x128x128xf32, #tpu.memory_space<vmem>> -> memref<128x128xf32, #tpu.memory_space<vmem>>
        %get3A_2128 = arith.index_cast %add3A_2043 : i32 to index
        %get3A_2129 = arith.constant 80 : index
        %get3A_2130 = tpu.vector_load %get3A_2127[%get3A_2128, %get3A_2129] {strides = array<i32>} : memref<128x128xf32, #tpu.memory_space<vmem>>, vector<16xf32>,
        %mul3A_2131 = vector.broadcast %squeeze3A_2039 : f32 to vector<16xf32>
        %mul3A_2132 = arith.mulf %get3A_2130, %mul3A_2131 : vector<16xf32>
        %swap3A_2133 = arith.constant 0 : i32
        %swap3A_2134 = arith.constant 0 : i32
        %swap3A_2135 = tpu.memref_slice %arg15[%rem3A_275, %swap3A_2133, %swap3A_2134] : memref<2x128x128xf32, #tpu.memory_space<vmem>> -> memref<1x128x128xf32, #tpu.memory_space<vmem>>
        %swap3A_2136 = tpu.memref_squeeze %swap3A_2135 : memref<1x128x128xf32, #tpu.memory_space<vmem>> -> memref<128x128xf32, #tpu.memory_space<vmem>>
        %swap3A_2137 = arith.index_cast %add3A_2043 : i32 to index
        %swap3A_2138 = arith.constant 80 : index
        %swap3A_2139 = tpu.vector_load %swap3A_2136[%swap3A_2137, %swap3A_2138] {strides = array<i32>} : memref<128x128xf32, #tpu.memory_space<vmem>>, vector<16xf32>,
        tpu.vector_store %swap3A_2136[%swap3A_2137, %swap3A_2138], %mul3A_2132 {strides = array<i32>} : memref<128x128xf32, #tpu.memory_space<vmem>>, vector<16xf32>,
        %get3A_2140 = arith.constant 0 : i32
        %get3A_2141 = arith.constant 0 : i32
        %get3A_2142 = tpu.memref_slice %arg15[%rem3A_275, %get3A_2140, %get3A_2141] : memref<2x128x128xf32, #tpu.memory_space<vmem>> -> memref<1x128x128xf32, #tpu.memory_space<vmem>>
        %get3A_2143 = tpu.memref_squeeze %get3A_2142 : memref<1x128x128xf32, #tpu.memory_space<vmem>> -> memref<128x128xf32, #tpu.memory_space<vmem>>
        %get3A_2144 = arith.index_cast %add3A_2043 : i32 to index
        %get3A_2145 = arith.constant 96 : index
        %get3A_2146 = tpu.vector_load %get3A_2143[%get3A_2144, %get3A_2145] {strides = array<i32>} : memref<128x128xf32, #tpu.memory_space<vmem>>, vector<16xf32>,
        %mul3A_2147 = vector.broadcast %squeeze3A_2039 : f32 to vector<16xf32>
        %mul3A_2148 = arith.mulf %get3A_2146, %mul3A_2147 : vector<16xf32>
        %swap3A_2149 = arith.constant 0 : i32
        %swap3A_2150 = arith.constant 0 : i32
        %swap3A_2151 = tpu.memref_slice %arg15[%rem3A_275, %swap3A_2149, %swap3A_2150] : memref<2x128x128xf32, #tpu.memory_space<vmem>> -> memref<1x128x128xf32, #tpu.memory_space<vmem>>
        %swap3A_2152 = tpu.memref_squeeze %swap3A_2151 : memref<1x128x128xf32, #tpu.memory_space<vmem>> -> memref<128x128xf32, #tpu.memory_space<vmem>>
        %swap3A_2153 = arith.index_cast %add3A_2043 : i32 to index
        %swap3A_2154 = arith.constant 96 : index
        %swap3A_2155 = tpu.vector_load %swap3A_2152[%swap3A_2153, %swap3A_2154] {strides = array<i32>} : memref<128x128xf32, #tpu.memory_space<vmem>>, vector<16xf32>,
        tpu.vector_store %swap3A_2152[%swap3A_2153, %swap3A_2154], %mul3A_2148 {strides = array<i32>} : memref<128x128xf32, #tpu.memory_space<vmem>>, vector<16xf32>,
        %get3A_2156 = arith.constant 0 : i32
        %get3A_2157 = arith.constant 0 : i32
        %get3A_2158 = tpu.memref_slice %arg15[%rem3A_275, %get3A_2156, %get3A_2157] : memref<2x128x128xf32, #tpu.memory_space<vmem>> -> memref<1x128x128xf32, #tpu.memory_space<vmem>>
        %get3A_2159 = tpu.memref_squeeze %get3A_2158 : memref<1x128x128xf32, #tpu.memory_space<vmem>> -> memref<128x128xf32, #tpu.memory_space<vmem>>
        %get3A_2160 = arith.index_cast %add3A_2043 : i32 to index
        %get3A_2161 = arith.constant 112 : index
        %get3A_2162 = tpu.vector_load %get3A_2159[%get3A_2160, %get3A_2161] {strides = array<i32>} : memref<128x128xf32, #tpu.memory_space<vmem>>, vector<16xf32>,
        %mul3A_2163 = vector.broadcast %squeeze3A_2039 : f32 to vector<16xf32>
        %mul3A_2164 = arith.mulf %get3A_2162, %mul3A_2163 : vector<16xf32>
        %swap3A_2165 = arith.constant 0 : i32
        %swap3A_2166 = arith.constant 0 : i32
        %swap3A_2167 = tpu.memref_slice %arg15[%rem3A_275, %swap3A_2165, %swap3A_2166] : memref<2x128x128xf32, #tpu.memory_space<vmem>> -> memref<1x128x128xf32, #tpu.memory_space<vmem>>
        %swap3A_2168 = tpu.memref_squeeze %swap3A_2167 : memref<1x128x128xf32, #tpu.memory_space<vmem>> -> memref<128x128xf32, #tpu.memory_space<vmem>>
        %swap3A_2169 = arith.index_cast %add3A_2043 : i32 to index
        %swap3A_2170 = arith.constant 112 : index
        %swap3A_2171 = tpu.vector_load %swap3A_2168[%swap3A_2169, %swap3A_2170] {strides = array<i32>} : memref<128x128xf32, #tpu.memory_space<vmem>>, vector<16xf32>,
        tpu.vector_store %swap3A_2168[%swap3A_2169, %swap3A_2170], %mul3A_2164 {strides = array<i32>} : memref<128x128xf32, #tpu.memory_space<vmem>>, vector<16xf32>,
        %slice3A_2172 = vector.extract_strided_slice %get3A_565 {offsets = [12], sizes = [1], strides = [1]} : vector<16xf32> to vector<1xf32>
        %squeeze3A_2173 = vector.extract %slice3A_2172[0] : f32 from vector<1xf32>
        %mul3A_2174 = arith.constant 16 : i32
        %mul3A_2175 = arith.muli %scan3A_558, %mul3A_2174 : i32
        %add3A_2176 = arith.constant 12 : i32
        %add3A_2177 = arith.addi %mul3A_2175, %add3A_2176 : i32
        %get3A_2178 = arith.constant 0 : i32
        %get3A_2179 = arith.constant 0 : i32
        %get3A_2180 = tpu.memref_slice %arg15[%rem3A_275, %get3A_2178, %get3A_2179] : memref<2x128x128xf32, #tpu.memory_space<vmem>> -> memref<1x128x128xf32, #tpu.memory_space<vmem>>
        %get3A_2181 = tpu.memref_squeeze %get3A_2180 : memref<1x128x128xf32, #tpu.memory_space<vmem>> -> memref<128x128xf32, #tpu.memory_space<vmem>>
        %get3A_2182 = arith.index_cast %add3A_2177 : i32 to index
        %get3A_2183 = arith.constant 0 : index
        %get3A_2184 = tpu.vector_load %get3A_2181[%get3A_2182, %get3A_2183] {strides = array<i32>} : memref<128x128xf32, #tpu.memory_space<vmem>>, vector<16xf32>,
        %mul3A_2185 = vector.broadcast %squeeze3A_2173 : f32 to vector<16xf32>
        %mul3A_2186 = arith.mulf %get3A_2184, %mul3A_2185 : vector<16xf32>
        %swap3A_2187 = arith.constant 0 : i32
        %swap3A_2188 = arith.constant 0 : i32
        %swap3A_2189 = tpu.memref_slice %arg15[%rem3A_275, %swap3A_2187, %swap3A_2188] : memref<2x128x128xf32, #tpu.memory_space<vmem>> -> memref<1x128x128xf32, #tpu.memory_space<vmem>>
        %swap3A_2190 = tpu.memref_squeeze %swap3A_2189 : memref<1x128x128xf32, #tpu.memory_space<vmem>> -> memref<128x128xf32, #tpu.memory_space<vmem>>
        %swap3A_2191 = arith.index_cast %add3A_2177 : i32 to index
        %swap3A_2192 = arith.constant 0 : index
        %swap3A_2193 = tpu.vector_load %swap3A_2190[%swap3A_2191, %swap3A_2192] {strides = array<i32>} : memref<128x128xf32, #tpu.memory_space<vmem>>, vector<16xf32>,
        tpu.vector_store %swap3A_2190[%swap3A_2191, %swap3A_2192], %mul3A_2186 {strides = array<i32>} : memref<128x128xf32, #tpu.memory_space<vmem>>, vector<16xf32>,
        %get3A_2194 = arith.constant 0 : i32
        %get3A_2195 = arith.constant 0 : i32
        %get3A_2196 = tpu.memref_slice %arg15[%rem3A_275, %get3A_2194, %get3A_2195] : memref<2x128x128xf32, #tpu.memory_space<vmem>> -> memref<1x128x128xf32, #tpu.memory_space<vmem>>
        %get3A_2197 = tpu.memref_squeeze %get3A_2196 : memref<1x128x128xf32, #tpu.memory_space<vmem>> -> memref<128x128xf32, #tpu.memory_space<vmem>>
        %get3A_2198 = arith.index_cast %add3A_2177 : i32 to index
        %get3A_2199 = arith.constant 16 : index
        %get3A_2200 = tpu.vector_load %get3A_2197[%get3A_2198, %get3A_2199] {strides = array<i32>} : memref<128x128xf32, #tpu.memory_space<vmem>>, vector<16xf32>,
        %mul3A_2201 = vector.broadcast %squeeze3A_2173 : f32 to vector<16xf32>
        %mul3A_2202 = arith.mulf %get3A_2200, %mul3A_2201 : vector<16xf32>
        %swap3A_2203 = arith.constant 0 : i32
        %swap3A_2204 = arith.constant 0 : i32
        %swap3A_2205 = tpu.memref_slice %arg15[%rem3A_275, %swap3A_2203, %swap3A_2204] : memref<2x128x128xf32, #tpu.memory_space<vmem>> -> memref<1x128x128xf32, #tpu.memory_space<vmem>>
        %swap3A_2206 = tpu.memref_squeeze %swap3A_2205 : memref<1x128x128xf32, #tpu.memory_space<vmem>> -> memref<128x128xf32, #tpu.memory_space<vmem>>
        %swap3A_2207 = arith.index_cast %add3A_2177 : i32 to index
        %swap3A_2208 = arith.constant 16 : index
        %swap3A_2209 = tpu.vector_load %swap3A_2206[%swap3A_2207, %swap3A_2208] {strides = array<i32>} : memref<128x128xf32, #tpu.memory_space<vmem>>, vector<16xf32>,
        tpu.vector_store %swap3A_2206[%swap3A_2207, %swap3A_2208], %mul3A_2202 {strides = array<i32>} : memref<128x128xf32, #tpu.memory_space<vmem>>, vector<16xf32>,
        %get3A_2210 = arith.constant 0 : i32
        %get3A_2211 = arith.constant 0 : i32
        %get3A_2212 = tpu.memref_slice %arg15[%rem3A_275, %get3A_2210, %get3A_2211] : memref<2x128x128xf32, #tpu.memory_space<vmem>> -> memref<1x128x128xf32, #tpu.memory_space<vmem>>
        %get3A_2213 = tpu.memref_squeeze %get3A_2212 : memref<1x128x128xf32, #tpu.memory_space<vmem>> -> memref<128x128xf32, #tpu.memory_space<vmem>>
        %get3A_2214 = arith.index_cast %add3A_2177 : i32 to index
        %get3A_2215 = arith.constant 32 : index
        %get3A_2216 = tpu.vector_load %get3A_2213[%get3A_2214, %get3A_2215] {strides = array<i32>} : memref<128x128xf32, #tpu.memory_space<vmem>>, vector<16xf32>,
        %mul3A_2217 = vector.broadcast %squeeze3A_2173 : f32 to vector<16xf32>
        %mul3A_2218 = arith.mulf %get3A_2216, %mul3A_2217 : vector<16xf32>
        %swap3A_2219 = arith.constant 0 : i32
        %swap3A_2220 = arith.constant 0 : i32
        %swap3A_2221 = tpu.memref_slice %arg15[%rem3A_275, %swap3A_2219, %swap3A_2220] : memref<2x128x128xf32, #tpu.memory_space<vmem>> -> memref<1x128x128xf32, #tpu.memory_space<vmem>>
        %swap3A_2222 = tpu.memref_squeeze %swap3A_2221 : memref<1x128x128xf32, #tpu.memory_space<vmem>> -> memref<128x128xf32, #tpu.memory_space<vmem>>
        %swap3A_2223 = arith.index_cast %add3A_2177 : i32 to index
        %swap3A_2224 = arith.constant 32 : index
        %swap3A_2225 = tpu.vector_load %swap3A_2222[%swap3A_2223, %swap3A_2224] {strides = array<i32>} : memref<128x128xf32, #tpu.memory_space<vmem>>, vector<16xf32>,
        tpu.vector_store %swap3A_2222[%swap3A_2223, %swap3A_2224], %mul3A_2218 {strides = array<i32>} : memref<128x128xf32, #tpu.memory_space<vmem>>, vector<16xf32>,
        %get3A_2226 = arith.constant 0 : i32
        %get3A_2227 = arith.constant 0 : i32
        %get3A_2228 = tpu.memref_slice %arg15[%rem3A_275, %get3A_2226, %get3A_2227] : memref<2x128x128xf32, #tpu.memory_space<vmem>> -> memref<1x128x128xf32, #tpu.memory_space<vmem>>
        %get3A_2229 = tpu.memref_squeeze %get3A_2228 : memref<1x128x128xf32, #tpu.memory_space<vmem>> -> memref<128x128xf32, #tpu.memory_space<vmem>>
        %get3A_2230 = arith.index_cast %add3A_2177 : i32 to index
        %get3A_2231 = arith.constant 48 : index
        %get3A_2232 = tpu.vector_load %get3A_2229[%get3A_2230, %get3A_2231] {strides = array<i32>} : memref<128x128xf32, #tpu.memory_space<vmem>>, vector<16xf32>,
        %mul3A_2233 = vector.broadcast %squeeze3A_2173 : f32 to vector<16xf32>
        %mul3A_2234 = arith.mulf %get3A_2232, %mul3A_2233 : vector<16xf32>
        %swap3A_2235 = arith.constant 0 : i32
        %swap3A_2236 = arith.constant 0 : i32
        %swap3A_2237 = tpu.memref_slice %arg15[%rem3A_275, %swap3A_2235, %swap3A_2236] : memref<2x128x128xf32, #tpu.memory_space<vmem>> -> memref<1x128x128xf32, #tpu.memory_space<vmem>>
        %swap3A_2238 = tpu.memref_squeeze %swap3A_2237 : memref<1x128x128xf32, #tpu.memory_space<vmem>> -> memref<128x128xf32, #tpu.memory_space<vmem>>
        %swap3A_2239 = arith.index_cast %add3A_2177 : i32 to index
        %swap3A_2240 = arith.constant 48 : index
        %swap3A_2241 = tpu.vector_load %swap3A_2238[%swap3A_2239, %swap3A_2240] {strides = array<i32>} : memref<128x128xf32, #tpu.memory_space<vmem>>, vector<16xf32>,
        tpu.vector_store %swap3A_2238[%swap3A_2239, %swap3A_2240], %mul3A_2234 {strides = array<i32>} : memref<128x128xf32, #tpu.memory_space<vmem>>, vector<16xf32>,
        %get3A_2242 = arith.constant 0 : i32
        %get3A_2243 = arith.constant 0 : i32
        %get3A_2244 = tpu.memref_slice %arg15[%rem3A_275, %get3A_2242, %get3A_2243] : memref<2x128x128xf32, #tpu.memory_space<vmem>> -> memref<1x128x128xf32, #tpu.memory_space<vmem>>
        %get3A_2245 = tpu.memref_squeeze %get3A_2244 : memref<1x128x128xf32, #tpu.memory_space<vmem>> -> memref<128x128xf32, #tpu.memory_space<vmem>>
        %get3A_2246 = arith.index_cast %add3A_2177 : i32 to index
        %get3A_2247 = arith.constant 64 : index
        %get3A_2248 = tpu.vector_load %get3A_2245[%get3A_2246, %get3A_2247] {strides = array<i32>} : memref<128x128xf32, #tpu.memory_space<vmem>>, vector<16xf32>,
        %mul3A_2249 = vector.broadcast %squeeze3A_2173 : f32 to vector<16xf32>
        %mul3A_2250 = arith.mulf %get3A_2248, %mul3A_2249 : vector<16xf32>
        %swap3A_2251 = arith.constant 0 : i32
        %swap3A_2252 = arith.constant 0 : i32
        %swap3A_2253 = tpu.memref_slice %arg15[%rem3A_275, %swap3A_2251, %swap3A_2252] : memref<2x128x128xf32, #tpu.memory_space<vmem>> -> memref<1x128x128xf32, #tpu.memory_space<vmem>>
        %swap3A_2254 = tpu.memref_squeeze %swap3A_2253 : memref<1x128x128xf32, #tpu.memory_space<vmem>> -> memref<128x128xf32, #tpu.memory_space<vmem>>
        %swap3A_2255 = arith.index_cast %add3A_2177 : i32 to index
        %swap3A_2256 = arith.constant 64 : index
        %swap3A_2257 = tpu.vector_load %swap3A_2254[%swap3A_2255, %swap3A_2256] {strides = array<i32>} : memref<128x128xf32, #tpu.memory_space<vmem>>, vector<16xf32>,
        tpu.vector_store %swap3A_2254[%swap3A_2255, %swap3A_2256], %mul3A_2250 {strides = array<i32>} : memref<128x128xf32, #tpu.memory_space<vmem>>, vector<16xf32>,
        %get3A_2258 = arith.constant 0 : i32
        %get3A_2259 = arith.constant 0 : i32
        %get3A_2260 = tpu.memref_slice %arg15[%rem3A_275, %get3A_2258, %get3A_2259] : memref<2x128x128xf32, #tpu.memory_space<vmem>> -> memref<1x128x128xf32, #tpu.memory_space<vmem>>
        %get3A_2261 = tpu.memref_squeeze %get3A_2260 : memref<1x128x128xf32, #tpu.memory_space<vmem>> -> memref<128x128xf32, #tpu.memory_space<vmem>>
        %get3A_2262 = arith.index_cast %add3A_2177 : i32 to index
        %get3A_2263 = arith.constant 80 : index
        %get3A_2264 = tpu.vector_load %get3A_2261[%get3A_2262, %get3A_2263] {strides = array<i32>} : memref<128x128xf32, #tpu.memory_space<vmem>>, vector<16xf32>,
        %mul3A_2265 = vector.broadcast %squeeze3A_2173 : f32 to vector<16xf32>
        %mul3A_2266 = arith.mulf %get3A_2264, %mul3A_2265 : vector<16xf32>
        %swap3A_2267 = arith.constant 0 : i32
        %swap3A_2268 = arith.constant 0 : i32
        %swap3A_2269 = tpu.memref_slice %arg15[%rem3A_275, %swap3A_2267, %swap3A_2268] : memref<2x128x128xf32, #tpu.memory_space<vmem>> -> memref<1x128x128xf32, #tpu.memory_space<vmem>>
        %swap3A_2270 = tpu.memref_squeeze %swap3A_2269 : memref<1x128x128xf32, #tpu.memory_space<vmem>> -> memref<128x128xf32, #tpu.memory_space<vmem>>
        %swap3A_2271 = arith.index_cast %add3A_2177 : i32 to index
        %swap3A_2272 = arith.constant 80 : index
        %swap3A_2273 = tpu.vector_load %swap3A_2270[%swap3A_2271, %swap3A_2272] {strides = array<i32>} : memref<128x128xf32, #tpu.memory_space<vmem>>, vector<16xf32>,
        tpu.vector_store %swap3A_2270[%swap3A_2271, %swap3A_2272], %mul3A_2266 {strides = array<i32>} : memref<128x128xf32, #tpu.memory_space<vmem>>, vector<16xf32>,
        %get3A_2274 = arith.constant 0 : i32
        %get3A_2275 = arith.constant 0 : i32
        %get3A_2276 = tpu.memref_slice %arg15[%rem3A_275, %get3A_2274, %get3A_2275] : memref<2x128x128xf32, #tpu.memory_space<vmem>> -> memref<1x128x128xf32, #tpu.memory_space<vmem>>
        %get3A_2277 = tpu.memref_squeeze %get3A_2276 : memref<1x128x128xf32, #tpu.memory_space<vmem>> -> memref<128x128xf32, #tpu.memory_space<vmem>>
        %get3A_2278 = arith.index_cast %add3A_2177 : i32 to index
        %get3A_2279 = arith.constant 96 : index
        %get3A_2280 = tpu.vector_load %get3A_2277[%get3A_2278, %get3A_2279] {strides = array<i32>} : memref<128x128xf32, #tpu.memory_space<vmem>>, vector<16xf32>,
        %mul3A_2281 = vector.broadcast %squeeze3A_2173 : f32 to vector<16xf32>
        %mul3A_2282 = arith.mulf %get3A_2280, %mul3A_2281 : vector<16xf32>
        %swap3A_2283 = arith.constant 0 : i32
        %swap3A_2284 = arith.constant 0 : i32
        %swap3A_2285 = tpu.memref_slice %arg15[%rem3A_275, %swap3A_2283, %swap3A_2284] : memref<2x128x128xf32, #tpu.memory_space<vmem>> -> memref<1x128x128xf32, #tpu.memory_space<vmem>>
        %swap3A_2286 = tpu.memref_squeeze %swap3A_2285 : memref<1x128x128xf32, #tpu.memory_space<vmem>> -> memref<128x128xf32, #tpu.memory_space<vmem>>
        %swap3A_2287 = arith.index_cast %add3A_2177 : i32 to index
        %swap3A_2288 = arith.constant 96 : index
        %swap3A_2289 = tpu.vector_load %swap3A_2286[%swap3A_2287, %swap3A_2288] {strides = array<i32>} : memref<128x128xf32, #tpu.memory_space<vmem>>, vector<16xf32>,
        tpu.vector_store %swap3A_2286[%swap3A_2287, %swap3A_2288], %mul3A_2282 {strides = array<i32>} : memref<128x128xf32, #tpu.memory_space<vmem>>, vector<16xf32>,
        %get3A_2290 = arith.constant 0 : i32
        %get3A_2291 = arith.constant 0 : i32
        %get3A_2292 = tpu.memref_slice %arg15[%rem3A_275, %get3A_2290, %get3A_2291] : memref<2x128x128xf32, #tpu.memory_space<vmem>> -> memref<1x128x128xf32, #tpu.memory_space<vmem>>
        %get3A_2293 = tpu.memref_squeeze %get3A_2292 : memref<1x128x128xf32, #tpu.memory_space<vmem>> -> memref<128x128xf32, #tpu.memory_space<vmem>>
        %get3A_2294 = arith.index_cast %add3A_2177 : i32 to index
        %get3A_2295 = arith.constant 112 : index
        %get3A_2296 = tpu.vector_load %get3A_2293[%get3A_2294, %get3A_2295] {strides = array<i32>} : memref<128x128xf32, #tpu.memory_space<vmem>>, vector<16xf32>,
        %mul3A_2297 = vector.broadcast %squeeze3A_2173 : f32 to vector<16xf32>
        %mul3A_2298 = arith.mulf %get3A_2296, %mul3A_2297 : vector<16xf32>
        %swap3A_2299 = arith.constant 0 : i32
        %swap3A_2300 = arith.constant 0 : i32
        %swap3A_2301 = tpu.memref_slice %arg15[%rem3A_275, %swap3A_2299, %swap3A_2300] : memref<2x128x128xf32, #tpu.memory_space<vmem>> -> memref<1x128x128xf32, #tpu.memory_space<vmem>>
        %swap3A_2302 = tpu.memref_squeeze %swap3A_2301 : memref<1x128x128xf32, #tpu.memory_space<vmem>> -> memref<128x128xf32, #tpu.memory_space<vmem>>
        %swap3A_2303 = arith.index_cast %add3A_2177 : i32 to index
        %swap3A_2304 = arith.constant 112 : index
        %swap3A_2305 = tpu.vector_load %swap3A_2302[%swap3A_2303, %swap3A_2304] {strides = array<i32>} : memref<128x128xf32, #tpu.memory_space<vmem>>, vector<16xf32>,
        tpu.vector_store %swap3A_2302[%swap3A_2303, %swap3A_2304], %mul3A_2298 {strides = array<i32>} : memref<128x128xf32, #tpu.memory_space<vmem>>, vector<16xf32>,
        %slice3A_2306 = vector.extract_strided_slice %get3A_565 {offsets = [13], sizes = [1], strides = [1]} : vector<16xf32> to vector<1xf32>
        %squeeze3A_2307 = vector.extract %slice3A_2306[0] : f32 from vector<1xf32>
        %mul3A_2308 = arith.constant 16 : i32
        %mul3A_2309 = arith.muli %scan3A_558, %mul3A_2308 : i32
        %add3A_2310 = arith.constant 13 : i32
        %add3A_2311 = arith.addi %mul3A_2309, %add3A_2310 : i32
        %get3A_2312 = arith.constant 0 : i32
        %get3A_2313 = arith.constant 0 : i32
        %get3A_2314 = tpu.memref_slice %arg15[%rem3A_275, %get3A_2312, %get3A_2313] : memref<2x128x128xf32, #tpu.memory_space<vmem>> -> memref<1x128x128xf32, #tpu.memory_space<vmem>>
        %get3A_2315 = tpu.memref_squeeze %get3A_2314 : memref<1x128x128xf32, #tpu.memory_space<vmem>> -> memref<128x128xf32, #tpu.memory_space<vmem>>
        %get3A_2316 = arith.index_cast %add3A_2311 : i32 to index
        %get3A_2317 = arith.constant 0 : index
        %get3A_2318 = tpu.vector_load %get3A_2315[%get3A_2316, %get3A_2317] {strides = array<i32>} : memref<128x128xf32, #tpu.memory_space<vmem>>, vector<16xf32>,
        %mul3A_2319 = vector.broadcast %squeeze3A_2307 : f32 to vector<16xf32>
        %mul3A_2320 = arith.mulf %get3A_2318, %mul3A_2319 : vector<16xf32>
        %swap3A_2321 = arith.constant 0 : i32
        %swap3A_2322 = arith.constant 0 : i32
        %swap3A_2323 = tpu.memref_slice %arg15[%rem3A_275, %swap3A_2321, %swap3A_2322] : memref<2x128x128xf32, #tpu.memory_space<vmem>> -> memref<1x128x128xf32, #tpu.memory_space<vmem>>
        %swap3A_2324 = tpu.memref_squeeze %swap3A_2323 : memref<1x128x128xf32, #tpu.memory_space<vmem>> -> memref<128x128xf32, #tpu.memory_space<vmem>>
        %swap3A_2325 = arith.index_cast %add3A_2311 : i32 to index
        %swap3A_2326 = arith.constant 0 : index
        %swap3A_2327 = tpu.vector_load %swap3A_2324[%swap3A_2325, %swap3A_2326] {strides = array<i32>} : memref<128x128xf32, #tpu.memory_space<vmem>>, vector<16xf32>,
        tpu.vector_store %swap3A_2324[%swap3A_2325, %swap3A_2326], %mul3A_2320 {strides = array<i32>} : memref<128x128xf32, #tpu.memory_space<vmem>>, vector<16xf32>,
        %get3A_2328 = arith.constant 0 : i32
        %get3A_2329 = arith.constant 0 : i32
        %get3A_2330 = tpu.memref_slice %arg15[%rem3A_275, %get3A_2328, %get3A_2329] : memref<2x128x128xf32, #tpu.memory_space<vmem>> -> memref<1x128x128xf32, #tpu.memory_space<vmem>>
        %get3A_2331 = tpu.memref_squeeze %get3A_2330 : memref<1x128x128xf32, #tpu.memory_space<vmem>> -> memref<128x128xf32, #tpu.memory_space<vmem>>
        %get3A_2332 = arith.index_cast %add3A_2311 : i32 to index
        %get3A_2333 = arith.constant 16 : index
        %get3A_2334 = tpu.vector_load %get3A_2331[%get3A_2332, %get3A_2333] {strides = array<i32>} : memref<128x128xf32, #tpu.memory_space<vmem>>, vector<16xf32>,
        %mul3A_2335 = vector.broadcast %squeeze3A_2307 : f32 to vector<16xf32>
        %mul3A_2336 = arith.mulf %get3A_2334, %mul3A_2335 : vector<16xf32>
        %swap3A_2337 = arith.constant 0 : i32
        %swap3A_2338 = arith.constant 0 : i32
        %swap3A_2339 = tpu.memref_slice %arg15[%rem3A_275, %swap3A_2337, %swap3A_2338] : memref<2x128x128xf32, #tpu.memory_space<vmem>> -> memref<1x128x128xf32, #tpu.memory_space<vmem>>
        %swap3A_2340 = tpu.memref_squeeze %swap3A_2339 : memref<1x128x128xf32, #tpu.memory_space<vmem>> -> memref<128x128xf32, #tpu.memory_space<vmem>>
        %swap3A_2341 = arith.index_cast %add3A_2311 : i32 to index
        %swap3A_2342 = arith.constant 16 : index
        %swap3A_2343 = tpu.vector_load %swap3A_2340[%swap3A_2341, %swap3A_2342] {strides = array<i32>} : memref<128x128xf32, #tpu.memory_space<vmem>>, vector<16xf32>,
        tpu.vector_store %swap3A_2340[%swap3A_2341, %swap3A_2342], %mul3A_2336 {strides = array<i32>} : memref<128x128xf32, #tpu.memory_space<vmem>>, vector<16xf32>,
        %get3A_2344 = arith.constant 0 : i32
        %get3A_2345 = arith.constant 0 : i32
        %get3A_2346 = tpu.memref_slice %arg15[%rem3A_275, %get3A_2344, %get3A_2345] : memref<2x128x128xf32, #tpu.memory_space<vmem>> -> memref<1x128x128xf32, #tpu.memory_space<vmem>>
        %get3A_2347 = tpu.memref_squeeze %get3A_2346 : memref<1x128x128xf32, #tpu.memory_space<vmem>> -> memref<128x128xf32, #tpu.memory_space<vmem>>
        %get3A_2348 = arith.index_cast %add3A_2311 : i32 to index
        %get3A_2349 = arith.constant 32 : index
        %get3A_2350 = tpu.vector_load %get3A_2347[%get3A_2348, %get3A_2349] {strides = array<i32>} : memref<128x128xf32, #tpu.memory_space<vmem>>, vector<16xf32>,
        %mul3A_2351 = vector.broadcast %squeeze3A_2307 : f32 to vector<16xf32>
        %mul3A_2352 = arith.mulf %get3A_2350, %mul3A_2351 : vector<16xf32>
        %swap3A_2353 = arith.constant 0 : i32
        %swap3A_2354 = arith.constant 0 : i32
        %swap3A_2355 = tpu.memref_slice %arg15[%rem3A_275, %swap3A_2353, %swap3A_2354] : memref<2x128x128xf32, #tpu.memory_space<vmem>> -> memref<1x128x128xf32, #tpu.memory_space<vmem>>
        %swap3A_2356 = tpu.memref_squeeze %swap3A_2355 : memref<1x128x128xf32, #tpu.memory_space<vmem>> -> memref<128x128xf32, #tpu.memory_space<vmem>>
        %swap3A_2357 = arith.index_cast %add3A_2311 : i32 to index
        %swap3A_2358 = arith.constant 32 : index
        %swap3A_2359 = tpu.vector_load %swap3A_2356[%swap3A_2357, %swap3A_2358] {strides = array<i32>} : memref<128x128xf32, #tpu.memory_space<vmem>>, vector<16xf32>,
        tpu.vector_store %swap3A_2356[%swap3A_2357, %swap3A_2358], %mul3A_2352 {strides = array<i32>} : memref<128x128xf32, #tpu.memory_space<vmem>>, vector<16xf32>,
        %get3A_2360 = arith.constant 0 : i32
        %get3A_2361 = arith.constant 0 : i32
        %get3A_2362 = tpu.memref_slice %arg15[%rem3A_275, %get3A_2360, %get3A_2361] : memref<2x128x128xf32, #tpu.memory_space<vmem>> -> memref<1x128x128xf32, #tpu.memory_space<vmem>>
        %get3A_2363 = tpu.memref_squeeze %get3A_2362 : memref<1x128x128xf32, #tpu.memory_space<vmem>> -> memref<128x128xf32, #tpu.memory_space<vmem>>
        %get3A_2364 = arith.index_cast %add3A_2311 : i32 to index
        %get3A_2365 = arith.constant 48 : index
        %get3A_2366 = tpu.vector_load %get3A_2363[%get3A_2364, %get3A_2365] {strides = array<i32>} : memref<128x128xf32, #tpu.memory_space<vmem>>, vector<16xf32>,
        %mul3A_2367 = vector.broadcast %squeeze3A_2307 : f32 to vector<16xf32>
        %mul3A_2368 = arith.mulf %get3A_2366, %mul3A_2367 : vector<16xf32>
        %swap3A_2369 = arith.constant 0 : i32
        %swap3A_2370 = arith.constant 0 : i32
        %swap3A_2371 = tpu.memref_slice %arg15[%rem3A_275, %swap3A_2369, %swap3A_2370] : memref<2x128x128xf32, #tpu.memory_space<vmem>> -> memref<1x128x128xf32, #tpu.memory_space<vmem>>
        %swap3A_2372 = tpu.memref_squeeze %swap3A_2371 : memref<1x128x128xf32, #tpu.memory_space<vmem>> -> memref<128x128xf32, #tpu.memory_space<vmem>>
        %swap3A_2373 = arith.index_cast %add3A_2311 : i32 to index
        %swap3A_2374 = arith.constant 48 : index
        %swap3A_2375 = tpu.vector_load %swap3A_2372[%swap3A_2373, %swap3A_2374] {strides = array<i32>} : memref<128x128xf32, #tpu.memory_space<vmem>>, vector<16xf32>,
        tpu.vector_store %swap3A_2372[%swap3A_2373, %swap3A_2374], %mul3A_2368 {strides = array<i32>} : memref<128x128xf32, #tpu.memory_space<vmem>>, vector<16xf32>,
        %get3A_2376 = arith.constant 0 : i32
        %get3A_2377 = arith.constant 0 : i32
        %get3A_2378 = tpu.memref_slice %arg15[%rem3A_275, %get3A_2376, %get3A_2377] : memref<2x128x128xf32, #tpu.memory_space<vmem>> -> memref<1x128x128xf32, #tpu.memory_space<vmem>>
        %get3A_2379 = tpu.memref_squeeze %get3A_2378 : memref<1x128x128xf32, #tpu.memory_space<vmem>> -> memref<128x128xf32, #tpu.memory_space<vmem>>
        %get3A_2380 = arith.index_cast %add3A_2311 : i32 to index
        %get3A_2381 = arith.constant 64 : index
        %get3A_2382 = tpu.vector_load %get3A_2379[%get3A_2380, %get3A_2381] {strides = array<i32>} : memref<128x128xf32, #tpu.memory_space<vmem>>, vector<16xf32>,
        %mul3A_2383 = vector.broadcast %squeeze3A_2307 : f32 to vector<16xf32>
        %mul3A_2384 = arith.mulf %get3A_2382, %mul3A_2383 : vector<16xf32>
        %swap3A_2385 = arith.constant 0 : i32
        %swap3A_2386 = arith.constant 0 : i32
        %swap3A_2387 = tpu.memref_slice %arg15[%rem3A_275, %swap3A_2385, %swap3A_2386] : memref<2x128x128xf32, #tpu.memory_space<vmem>> -> memref<1x128x128xf32, #tpu.memory_space<vmem>>
        %swap3A_2388 = tpu.memref_squeeze %swap3A_2387 : memref<1x128x128xf32, #tpu.memory_space<vmem>> -> memref<128x128xf32, #tpu.memory_space<vmem>>
        %swap3A_2389 = arith.index_cast %add3A_2311 : i32 to index
        %swap3A_2390 = arith.constant 64 : index
        %swap3A_2391 = tpu.vector_load %swap3A_2388[%swap3A_2389, %swap3A_2390] {strides = array<i32>} : memref<128x128xf32, #tpu.memory_space<vmem>>, vector<16xf32>,
        tpu.vector_store %swap3A_2388[%swap3A_2389, %swap3A_2390], %mul3A_2384 {strides = array<i32>} : memref<128x128xf32, #tpu.memory_space<vmem>>, vector<16xf32>,
        %get3A_2392 = arith.constant 0 : i32
        %get3A_2393 = arith.constant 0 : i32
        %get3A_2394 = tpu.memref_slice %arg15[%rem3A_275, %get3A_2392, %get3A_2393] : memref<2x128x128xf32, #tpu.memory_space<vmem>> -> memref<1x128x128xf32, #tpu.memory_space<vmem>>
        %get3A_2395 = tpu.memref_squeeze %get3A_2394 : memref<1x128x128xf32, #tpu.memory_space<vmem>> -> memref<128x128xf32, #tpu.memory_space<vmem>>
        %get3A_2396 = arith.index_cast %add3A_2311 : i32 to index
        %get3A_2397 = arith.constant 80 : index
        %get3A_2398 = tpu.vector_load %get3A_2395[%get3A_2396, %get3A_2397] {strides = array<i32>} : memref<128x128xf32, #tpu.memory_space<vmem>>, vector<16xf32>,
        %mul3A_2399 = vector.broadcast %squeeze3A_2307 : f32 to vector<16xf32>
        %mul3A_2400 = arith.mulf %get3A_2398, %mul3A_2399 : vector<16xf32>
        %swap3A_2401 = arith.constant 0 : i32
        %swap3A_2402 = arith.constant 0 : i32
        %swap3A_2403 = tpu.memref_slice %arg15[%rem3A_275, %swap3A_2401, %swap3A_2402] : memref<2x128x128xf32, #tpu.memory_space<vmem>> -> memref<1x128x128xf32, #tpu.memory_space<vmem>>
        %swap3A_2404 = tpu.memref_squeeze %swap3A_2403 : memref<1x128x128xf32, #tpu.memory_space<vmem>> -> memref<128x128xf32, #tpu.memory_space<vmem>>
        %swap3A_2405 = arith.index_cast %add3A_2311 : i32 to index
        %swap3A_2406 = arith.constant 80 : index
        %swap3A_2407 = tpu.vector_load %swap3A_2404[%swap3A_2405, %swap3A_2406] {strides = array<i32>} : memref<128x128xf32, #tpu.memory_space<vmem>>, vector<16xf32>,
        tpu.vector_store %swap3A_2404[%swap3A_2405, %swap3A_2406], %mul3A_2400 {strides = array<i32>} : memref<128x128xf32, #tpu.memory_space<vmem>>, vector<16xf32>,
        %get3A_2408 = arith.constant 0 : i32
        %get3A_2409 = arith.constant 0 : i32
        %get3A_2410 = tpu.memref_slice %arg15[%rem3A_275, %get3A_2408, %get3A_2409] : memref<2x128x128xf32, #tpu.memory_space<vmem>> -> memref<1x128x128xf32, #tpu.memory_space<vmem>>
        %get3A_2411 = tpu.memref_squeeze %get3A_2410 : memref<1x128x128xf32, #tpu.memory_space<vmem>> -> memref<128x128xf32, #tpu.memory_space<vmem>>
        %get3A_2412 = arith.index_cast %add3A_2311 : i32 to index
        %get3A_2413 = arith.constant 96 : index
        %get3A_2414 = tpu.vector_load %get3A_2411[%get3A_2412, %get3A_2413] {strides = array<i32>} : memref<128x128xf32, #tpu.memory_space<vmem>>, vector<16xf32>,
        %mul3A_2415 = vector.broadcast %squeeze3A_2307 : f32 to vector<16xf32>
        %mul3A_2416 = arith.mulf %get3A_2414, %mul3A_2415 : vector<16xf32>
        %swap3A_2417 = arith.constant 0 : i32
        %swap3A_2418 = arith.constant 0 : i32
        %swap3A_2419 = tpu.memref_slice %arg15[%rem3A_275, %swap3A_2417, %swap3A_2418] : memref<2x128x128xf32, #tpu.memory_space<vmem>> -> memref<1x128x128xf32, #tpu.memory_space<vmem>>
        %swap3A_2420 = tpu.memref_squeeze %swap3A_2419 : memref<1x128x128xf32, #tpu.memory_space<vmem>> -> memref<128x128xf32, #tpu.memory_space<vmem>>
        %swap3A_2421 = arith.index_cast %add3A_2311 : i32 to index
        %swap3A_2422 = arith.constant 96 : index
        %swap3A_2423 = tpu.vector_load %swap3A_2420[%swap3A_2421, %swap3A_2422] {strides = array<i32>} : memref<128x128xf32, #tpu.memory_space<vmem>>, vector<16xf32>,
        tpu.vector_store %swap3A_2420[%swap3A_2421, %swap3A_2422], %mul3A_2416 {strides = array<i32>} : memref<128x128xf32, #tpu.memory_space<vmem>>, vector<16xf32>,
        %get3A_2424 = arith.constant 0 : i32
        %get3A_2425 = arith.constant 0 : i32
        %get3A_2426 = tpu.memref_slice %arg15[%rem3A_275, %get3A_2424, %get3A_2425] : memref<2x128x128xf32, #tpu.memory_space<vmem>> -> memref<1x128x128xf32, #tpu.memory_space<vmem>>
        %get3A_2427 = tpu.memref_squeeze %get3A_2426 : memref<1x128x128xf32, #tpu.memory_space<vmem>> -> memref<128x128xf32, #tpu.memory_space<vmem>>
        %get3A_2428 = arith.index_cast %add3A_2311 : i32 to index
        %get3A_2429 = arith.constant 112 : index
        %get3A_2430 = tpu.vector_load %get3A_2427[%get3A_2428, %get3A_2429] {strides = array<i32>} : memref<128x128xf32, #tpu.memory_space<vmem>>, vector<16xf32>,
        %mul3A_2431 = vector.broadcast %squeeze3A_2307 : f32 to vector<16xf32>
        %mul3A_2432 = arith.mulf %get3A_2430, %mul3A_2431 : vector<16xf32>
        %swap3A_2433 = arith.constant 0 : i32
        %swap3A_2434 = arith.constant 0 : i32
        %swap3A_2435 = tpu.memref_slice %arg15[%rem3A_275, %swap3A_2433, %swap3A_2434] : memref<2x128x128xf32, #tpu.memory_space<vmem>> -> memref<1x128x128xf32, #tpu.memory_space<vmem>>
        %swap3A_2436 = tpu.memref_squeeze %swap3A_2435 : memref<1x128x128xf32, #tpu.memory_space<vmem>> -> memref<128x128xf32, #tpu.memory_space<vmem>>
        %swap3A_2437 = arith.index_cast %add3A_2311 : i32 to index
        %swap3A_2438 = arith.constant 112 : index
        %swap3A_2439 = tpu.vector_load %swap3A_2436[%swap3A_2437, %swap3A_2438] {strides = array<i32>} : memref<128x128xf32, #tpu.memory_space<vmem>>, vector<16xf32>,
        tpu.vector_store %swap3A_2436[%swap3A_2437, %swap3A_2438], %mul3A_2432 {strides = array<i32>} : memref<128x128xf32, #tpu.memory_space<vmem>>, vector<16xf32>,
        %slice3A_2440 = vector.extract_strided_slice %get3A_565 {offsets = [14], sizes = [1], strides = [1]} : vector<16xf32> to vector<1xf32>
        %squeeze3A_2441 = vector.extract %slice3A_2440[0] : f32 from vector<1xf32>
        %mul3A_2442 = arith.constant 16 : i32
        %mul3A_2443 = arith.muli %scan3A_558, %mul3A_2442 : i32
        %add3A_2444 = arith.constant 14 : i32
        %add3A_2445 = arith.addi %mul3A_2443, %add3A_2444 : i32
        %get3A_2446 = arith.constant 0 : i32
        %get3A_2447 = arith.constant 0 : i32
        %get3A_2448 = tpu.memref_slice %arg15[%rem3A_275, %get3A_2446, %get3A_2447] : memref<2x128x128xf32, #tpu.memory_space<vmem>> -> memref<1x128x128xf32, #tpu.memory_space<vmem>>
        %get3A_2449 = tpu.memref_squeeze %get3A_2448 : memref<1x128x128xf32, #tpu.memory_space<vmem>> -> memref<128x128xf32, #tpu.memory_space<vmem>>
        %get3A_2450 = arith.index_cast %add3A_2445 : i32 to index
        %get3A_2451 = arith.constant 0 : index
        %get3A_2452 = tpu.vector_load %get3A_2449[%get3A_2450, %get3A_2451] {strides = array<i32>} : memref<128x128xf32, #tpu.memory_space<vmem>>, vector<16xf32>,
        %mul3A_2453 = vector.broadcast %squeeze3A_2441 : f32 to vector<16xf32>
        %mul3A_2454 = arith.mulf %get3A_2452, %mul3A_2453 : vector<16xf32>
        %swap3A_2455 = arith.constant 0 : i32
        %swap3A_2456 = arith.constant 0 : i32
        %swap3A_2457 = tpu.memref_slice %arg15[%rem3A_275, %swap3A_2455, %swap3A_2456] : memref<2x128x128xf32, #tpu.memory_space<vmem>> -> memref<1x128x128xf32, #tpu.memory_space<vmem>>
        %swap3A_2458 = tpu.memref_squeeze %swap3A_2457 : memref<1x128x128xf32, #tpu.memory_space<vmem>> -> memref<128x128xf32, #tpu.memory_space<vmem>>
        %swap3A_2459 = arith.index_cast %add3A_2445 : i32 to index
        %swap3A_2460 = arith.constant 0 : index
        %swap3A_2461 = tpu.vector_load %swap3A_2458[%swap3A_2459, %swap3A_2460] {strides = array<i32>} : memref<128x128xf32, #tpu.memory_space<vmem>>, vector<16xf32>,
        tpu.vector_store %swap3A_2458[%swap3A_2459, %swap3A_2460], %mul3A_2454 {strides = array<i32>} : memref<128x128xf32, #tpu.memory_space<vmem>>, vector<16xf32>,
        %get3A_2462 = arith.constant 0 : i32
        %get3A_2463 = arith.constant 0 : i32
        %get3A_2464 = tpu.memref_slice %arg15[%rem3A_275, %get3A_2462, %get3A_2463] : memref<2x128x128xf32, #tpu.memory_space<vmem>> -> memref<1x128x128xf32, #tpu.memory_space<vmem>>
        %get3A_2465 = tpu.memref_squeeze %get3A_2464 : memref<1x128x128xf32, #tpu.memory_space<vmem>> -> memref<128x128xf32, #tpu.memory_space<vmem>>
        %get3A_2466 = arith.index_cast %add3A_2445 : i32 to index
        %get3A_2467 = arith.constant 16 : index
        %get3A_2468 = tpu.vector_load %get3A_2465[%get3A_2466, %get3A_2467] {strides = array<i32>} : memref<128x128xf32, #tpu.memory_space<vmem>>, vector<16xf32>,
        %mul3A_2469 = vector.broadcast %squeeze3A_2441 : f32 to vector<16xf32>
        %mul3A_2470 = arith.mulf %get3A_2468, %mul3A_2469 : vector<16xf32>
        %swap3A_2471 = arith.constant 0 : i32
        %swap3A_2472 = arith.constant 0 : i32
        %swap3A_2473 = tpu.memref_slice %arg15[%rem3A_275, %swap3A_2471, %swap3A_2472] : memref<2x128x128xf32, #tpu.memory_space<vmem>> -> memref<1x128x128xf32, #tpu.memory_space<vmem>>
        %swap3A_2474 = tpu.memref_squeeze %swap3A_2473 : memref<1x128x128xf32, #tpu.memory_space<vmem>> -> memref<128x128xf32, #tpu.memory_space<vmem>>
        %swap3A_2475 = arith.index_cast %add3A_2445 : i32 to index
        %swap3A_2476 = arith.constant 16 : index
        %swap3A_2477 = tpu.vector_load %swap3A_2474[%swap3A_2475, %swap3A_2476] {strides = array<i32>} : memref<128x128xf32, #tpu.memory_space<vmem>>, vector<16xf32>,
        tpu.vector_store %swap3A_2474[%swap3A_2475, %swap3A_2476], %mul3A_2470 {strides = array<i32>} : memref<128x128xf32, #tpu.memory_space<vmem>>, vector<16xf32>,
        %get3A_2478 = arith.constant 0 : i32
        %get3A_2479 = arith.constant 0 : i32
        %get3A_2480 = tpu.memref_slice %arg15[%rem3A_275, %get3A_2478, %get3A_2479] : memref<2x128x128xf32, #tpu.memory_space<vmem>> -> memref<1x128x128xf32, #tpu.memory_space<vmem>>
        %get3A_2481 = tpu.memref_squeeze %get3A_2480 : memref<1x128x128xf32, #tpu.memory_space<vmem>> -> memref<128x128xf32, #tpu.memory_space<vmem>>
        %get3A_2482 = arith.index_cast %add3A_2445 : i32 to index
        %get3A_2483 = arith.constant 32 : index
        %get3A_2484 = tpu.vector_load %get3A_2481[%get3A_2482, %get3A_2483] {strides = array<i32>} : memref<128x128xf32, #tpu.memory_space<vmem>>, vector<16xf32>,
        %mul3A_2485 = vector.broadcast %squeeze3A_2441 : f32 to vector<16xf32>
        %mul3A_2486 = arith.mulf %get3A_2484, %mul3A_2485 : vector<16xf32>
        %swap3A_2487 = arith.constant 0 : i32
        %swap3A_2488 = arith.constant 0 : i32
        %swap3A_2489 = tpu.memref_slice %arg15[%rem3A_275, %swap3A_2487, %swap3A_2488] : memref<2x128x128xf32, #tpu.memory_space<vmem>> -> memref<1x128x128xf32, #tpu.memory_space<vmem>>
        %swap3A_2490 = tpu.memref_squeeze %swap3A_2489 : memref<1x128x128xf32, #tpu.memory_space<vmem>> -> memref<128x128xf32, #tpu.memory_space<vmem>>
        %swap3A_2491 = arith.index_cast %add3A_2445 : i32 to index
        %swap3A_2492 = arith.constant 32 : index
        %swap3A_2493 = tpu.vector_load %swap3A_2490[%swap3A_2491, %swap3A_2492] {strides = array<i32>} : memref<128x128xf32, #tpu.memory_space<vmem>>, vector<16xf32>,
        tpu.vector_store %swap3A_2490[%swap3A_2491, %swap3A_2492], %mul3A_2486 {strides = array<i32>} : memref<128x128xf32, #tpu.memory_space<vmem>>, vector<16xf32>,
        %get3A_2494 = arith.constant 0 : i32
        %get3A_2495 = arith.constant 0 : i32
        %get3A_2496 = tpu.memref_slice %arg15[%rem3A_275, %get3A_2494, %get3A_2495] : memref<2x128x128xf32, #tpu.memory_space<vmem>> -> memref<1x128x128xf32, #tpu.memory_space<vmem>>
        %get3A_2497 = tpu.memref_squeeze %get3A_2496 : memref<1x128x128xf32, #tpu.memory_space<vmem>> -> memref<128x128xf32, #tpu.memory_space<vmem>>
        %get3A_2498 = arith.index_cast %add3A_2445 : i32 to index
        %get3A_2499 = arith.constant 48 : index
        %get3A_2500 = tpu.vector_load %get3A_2497[%get3A_2498, %get3A_2499] {strides = array<i32>} : memref<128x128xf32, #tpu.memory_space<vmem>>, vector<16xf32>,
        %mul3A_2501 = vector.broadcast %squeeze3A_2441 : f32 to vector<16xf32>
        %mul3A_2502 = arith.mulf %get3A_2500, %mul3A_2501 : vector<16xf32>
        %swap3A_2503 = arith.constant 0 : i32
        %swap3A_2504 = arith.constant 0 : i32
        %swap3A_2505 = tpu.memref_slice %arg15[%rem3A_275, %swap3A_2503, %swap3A_2504] : memref<2x128x128xf32, #tpu.memory_space<vmem>> -> memref<1x128x128xf32, #tpu.memory_space<vmem>>
        %swap3A_2506 = tpu.memref_squeeze %swap3A_2505 : memref<1x128x128xf32, #tpu.memory_space<vmem>> -> memref<128x128xf32, #tpu.memory_space<vmem>>
        %swap3A_2507 = arith.index_cast %add3A_2445 : i32 to index
        %swap3A_2508 = arith.constant 48 : index
        %swap3A_2509 = tpu.vector_load %swap3A_2506[%swap3A_2507, %swap3A_2508] {strides = array<i32>} : memref<128x128xf32, #tpu.memory_space<vmem>>, vector<16xf32>,
        tpu.vector_store %swap3A_2506[%swap3A_2507, %swap3A_2508], %mul3A_2502 {strides = array<i32>} : memref<128x128xf32, #tpu.memory_space<vmem>>, vector<16xf32>,
        %get3A_2510 = arith.constant 0 : i32
        %get3A_2511 = arith.constant 0 : i32
        %get3A_2512 = tpu.memref_slice %arg15[%rem3A_275, %get3A_2510, %get3A_2511] : memref<2x128x128xf32, #tpu.memory_space<vmem>> -> memref<1x128x128xf32, #tpu.memory_space<vmem>>
        %get3A_2513 = tpu.memref_squeeze %get3A_2512 : memref<1x128x128xf32, #tpu.memory_space<vmem>> -> memref<128x128xf32, #tpu.memory_space<vmem>>
        %get3A_2514 = arith.index_cast %add3A_2445 : i32 to index
        %get3A_2515 = arith.constant 64 : index
        %get3A_2516 = tpu.vector_load %get3A_2513[%get3A_2514, %get3A_2515] {strides = array<i32>} : memref<128x128xf32, #tpu.memory_space<vmem>>, vector<16xf32>,
        %mul3A_2517 = vector.broadcast %squeeze3A_2441 : f32 to vector<16xf32>
        %mul3A_2518 = arith.mulf %get3A_2516, %mul3A_2517 : vector<16xf32>
        %swap3A_2519 = arith.constant 0 : i32
        %swap3A_2520 = arith.constant 0 : i32
        %swap3A_2521 = tpu.memref_slice %arg15[%rem3A_275, %swap3A_2519, %swap3A_2520] : memref<2x128x128xf32, #tpu.memory_space<vmem>> -> memref<1x128x128xf32, #tpu.memory_space<vmem>>
        %swap3A_2522 = tpu.memref_squeeze %swap3A_2521 : memref<1x128x128xf32, #tpu.memory_space<vmem>> -> memref<128x128xf32, #tpu.memory_space<vmem>>
        %swap3A_2523 = arith.index_cast %add3A_2445 : i32 to index
        %swap3A_2524 = arith.constant 64 : index
        %swap3A_2525 = tpu.vector_load %swap3A_2522[%swap3A_2523, %swap3A_2524] {strides = array<i32>} : memref<128x128xf32, #tpu.memory_space<vmem>>, vector<16xf32>,
        tpu.vector_store %swap3A_2522[%swap3A_2523, %swap3A_2524], %mul3A_2518 {strides = array<i32>} : memref<128x128xf32, #tpu.memory_space<vmem>>, vector<16xf32>,
        %get3A_2526 = arith.constant 0 : i32
        %get3A_2527 = arith.constant 0 : i32
        %get3A_2528 = tpu.memref_slice %arg15[%rem3A_275, %get3A_2526, %get3A_2527] : memref<2x128x128xf32, #tpu.memory_space<vmem>> -> memref<1x128x128xf32, #tpu.memory_space<vmem>>
        %get3A_2529 = tpu.memref_squeeze %get3A_2528 : memref<1x128x128xf32, #tpu.memory_space<vmem>> -> memref<128x128xf32, #tpu.memory_space<vmem>>
        %get3A_2530 = arith.index_cast %add3A_2445 : i32 to index
        %get3A_2531 = arith.constant 80 : index
        %get3A_2532 = tpu.vector_load %get3A_2529[%get3A_2530, %get3A_2531] {strides = array<i32>} : memref<128x128xf32, #tpu.memory_space<vmem>>, vector<16xf32>,
        %mul3A_2533 = vector.broadcast %squeeze3A_2441 : f32 to vector<16xf32>
        %mul3A_2534 = arith.mulf %get3A_2532, %mul3A_2533 : vector<16xf32>
        %swap3A_2535 = arith.constant 0 : i32
        %swap3A_2536 = arith.constant 0 : i32
        %swap3A_2537 = tpu.memref_slice %arg15[%rem3A_275, %swap3A_2535, %swap3A_2536] : memref<2x128x128xf32, #tpu.memory_space<vmem>> -> memref<1x128x128xf32, #tpu.memory_space<vmem>>
        %swap3A_2538 = tpu.memref_squeeze %swap3A_2537 : memref<1x128x128xf32, #tpu.memory_space<vmem>> -> memref<128x128xf32, #tpu.memory_space<vmem>>
        %swap3A_2539 = arith.index_cast %add3A_2445 : i32 to index
        %swap3A_2540 = arith.constant 80 : index
        %swap3A_2541 = tpu.vector_load %swap3A_2538[%swap3A_2539, %swap3A_2540] {strides = array<i32>} : memref<128x128xf32, #tpu.memory_space<vmem>>, vector<16xf32>,
        tpu.vector_store %swap3A_2538[%swap3A_2539, %swap3A_2540], %mul3A_2534 {strides = array<i32>} : memref<128x128xf32, #tpu.memory_space<vmem>>, vector<16xf32>,
        %get3A_2542 = arith.constant 0 : i32
        %get3A_2543 = arith.constant 0 : i32
        %get3A_2544 = tpu.memref_slice %arg15[%rem3A_275, %get3A_2542, %get3A_2543] : memref<2x128x128xf32, #tpu.memory_space<vmem>> -> memref<1x128x128xf32, #tpu.memory_space<vmem>>
        %get3A_2545 = tpu.memref_squeeze %get3A_2544 : memref<1x128x128xf32, #tpu.memory_space<vmem>> -> memref<128x128xf32, #tpu.memory_space<vmem>>
        %get3A_2546 = arith.index_cast %add3A_2445 : i32 to index
        %get3A_2547 = arith.constant 96 : index
        %get3A_2548 = tpu.vector_load %get3A_2545[%get3A_2546, %get3A_2547] {strides = array<i32>} : memref<128x128xf32, #tpu.memory_space<vmem>>, vector<16xf32>,
        %mul3A_2549 = vector.broadcast %squeeze3A_2441 : f32 to vector<16xf32>
        %mul3A_2550 = arith.mulf %get3A_2548, %mul3A_2549 : vector<16xf32>
        %swap3A_2551 = arith.constant 0 : i32
        %swap3A_2552 = arith.constant 0 : i32
        %swap3A_2553 = tpu.memref_slice %arg15[%rem3A_275, %swap3A_2551, %swap3A_2552] : memref<2x128x128xf32, #tpu.memory_space<vmem>> -> memref<1x128x128xf32, #tpu.memory_space<vmem>>
        %swap3A_2554 = tpu.memref_squeeze %swap3A_2553 : memref<1x128x128xf32, #tpu.memory_space<vmem>> -> memref<128x128xf32, #tpu.memory_space<vmem>>
        %swap3A_2555 = arith.index_cast %add3A_2445 : i32 to index
        %swap3A_2556 = arith.constant 96 : index
        %swap3A_2557 = tpu.vector_load %swap3A_2554[%swap3A_2555, %swap3A_2556] {strides = array<i32>} : memref<128x128xf32, #tpu.memory_space<vmem>>, vector<16xf32>,
        tpu.vector_store %swap3A_2554[%swap3A_2555, %swap3A_2556], %mul3A_2550 {strides = array<i32>} : memref<128x128xf32, #tpu.memory_space<vmem>>, vector<16xf32>,
        %get3A_2558 = arith.constant 0 : i32
        %get3A_2559 = arith.constant 0 : i32
        %get3A_2560 = tpu.memref_slice %arg15[%rem3A_275, %get3A_2558, %get3A_2559] : memref<2x128x128xf32, #tpu.memory_space<vmem>> -> memref<1x128x128xf32, #tpu.memory_space<vmem>>
        %get3A_2561 = tpu.memref_squeeze %get3A_2560 : memref<1x128x128xf32, #tpu.memory_space<vmem>> -> memref<128x128xf32, #tpu.memory_space<vmem>>
        %get3A_2562 = arith.index_cast %add3A_2445 : i32 to index
        %get3A_2563 = arith.constant 112 : index
        %get3A_2564 = tpu.vector_load %get3A_2561[%get3A_2562, %get3A_2563] {strides = array<i32>} : memref<128x128xf32, #tpu.memory_space<vmem>>, vector<16xf32>,
        %mul3A_2565 = vector.broadcast %squeeze3A_2441 : f32 to vector<16xf32>
        %mul3A_2566 = arith.mulf %get3A_2564, %mul3A_2565 : vector<16xf32>
        %swap3A_2567 = arith.constant 0 : i32
        %swap3A_2568 = arith.constant 0 : i32
        %swap3A_2569 = tpu.memref_slice %arg15[%rem3A_275, %swap3A_2567, %swap3A_2568] : memref<2x128x128xf32, #tpu.memory_space<vmem>> -> memref<1x128x128xf32, #tpu.memory_space<vmem>>
        %swap3A_2570 = tpu.memref_squeeze %swap3A_2569 : memref<1x128x128xf32, #tpu.memory_space<vmem>> -> memref<128x128xf32, #tpu.memory_space<vmem>>
        %swap3A_2571 = arith.index_cast %add3A_2445 : i32 to index
        %swap3A_2572 = arith.constant 112 : index
        %swap3A_2573 = tpu.vector_load %swap3A_2570[%swap3A_2571, %swap3A_2572] {strides = array<i32>} : memref<128x128xf32, #tpu.memory_space<vmem>>, vector<16xf32>,
        tpu.vector_store %swap3A_2570[%swap3A_2571, %swap3A_2572], %mul3A_2566 {strides = array<i32>} : memref<128x128xf32, #tpu.memory_space<vmem>>, vector<16xf32>,
        %slice3A_2574 = vector.extract_strided_slice %get3A_565 {offsets = [15], sizes = [1], strides = [1]} : vector<16xf32> to vector<1xf32>
        %squeeze3A_2575 = vector.extract %slice3A_2574[0] : f32 from vector<1xf32>
        %mul3A_2576 = arith.constant 16 : i32
        %mul3A_2577 = arith.muli %scan3A_558, %mul3A_2576 : i32
        %add3A_2578 = arith.constant 15 : i32
        %add3A_2579 = arith.addi %mul3A_2577, %add3A_2578 : i32
        %get3A_2580 = arith.constant 0 : i32
        %get3A_2581 = arith.constant 0 : i32
        %get3A_2582 = tpu.memref_slice %arg15[%rem3A_275, %get3A_2580, %get3A_2581] : memref<2x128x128xf32, #tpu.memory_space<vmem>> -> memref<1x128x128xf32, #tpu.memory_space<vmem>>
        %get3A_2583 = tpu.memref_squeeze %get3A_2582 : memref<1x128x128xf32, #tpu.memory_space<vmem>> -> memref<128x128xf32, #tpu.memory_space<vmem>>
        %get3A_2584 = arith.index_cast %add3A_2579 : i32 to index
        %get3A_2585 = arith.constant 0 : index
        %get3A_2586 = tpu.vector_load %get3A_2583[%get3A_2584, %get3A_2585] {strides = array<i32>} : memref<128x128xf32, #tpu.memory_space<vmem>>, vector<16xf32>,
        %mul3A_2587 = vector.broadcast %squeeze3A_2575 : f32 to vector<16xf32>
        %mul3A_2588 = arith.mulf %get3A_2586, %mul3A_2587 : vector<16xf32>
        %swap3A_2589 = arith.constant 0 : i32
        %swap3A_2590 = arith.constant 0 : i32
        %swap3A_2591 = tpu.memref_slice %arg15[%rem3A_275, %swap3A_2589, %swap3A_2590] : memref<2x128x128xf32, #tpu.memory_space<vmem>> -> memref<1x128x128xf32, #tpu.memory_space<vmem>>
        %swap3A_2592 = tpu.memref_squeeze %swap3A_2591 : memref<1x128x128xf32, #tpu.memory_space<vmem>> -> memref<128x128xf32, #tpu.memory_space<vmem>>
        %swap3A_2593 = arith.index_cast %add3A_2579 : i32 to index
        %swap3A_2594 = arith.constant 0 : index
        %swap3A_2595 = tpu.vector_load %swap3A_2592[%swap3A_2593, %swap3A_2594] {strides = array<i32>} : memref<128x128xf32, #tpu.memory_space<vmem>>, vector<16xf32>,
        tpu.vector_store %swap3A_2592[%swap3A_2593, %swap3A_2594], %mul3A_2588 {strides = array<i32>} : memref<128x128xf32, #tpu.memory_space<vmem>>, vector<16xf32>,
        %get3A_2596 = arith.constant 0 : i32
        %get3A_2597 = arith.constant 0 : i32
        %get3A_2598 = tpu.memref_slice %arg15[%rem3A_275, %get3A_2596, %get3A_2597] : memref<2x128x128xf32, #tpu.memory_space<vmem>> -> memref<1x128x128xf32, #tpu.memory_space<vmem>>
        %get3A_2599 = tpu.memref_squeeze %get3A_2598 : memref<1x128x128xf32, #tpu.memory_space<vmem>> -> memref<128x128xf32, #tpu.memory_space<vmem>>
        %get3A_2600 = arith.index_cast %add3A_2579 : i32 to index
        %get3A_2601 = arith.constant 16 : index
        %get3A_2602 = tpu.vector_load %get3A_2599[%get3A_2600, %get3A_2601] {strides = array<i32>} : memref<128x128xf32, #tpu.memory_space<vmem>>, vector<16xf32>,
        %mul3A_2603 = vector.broadcast %squeeze3A_2575 : f32 to vector<16xf32>
        %mul3A_2604 = arith.mulf %get3A_2602, %mul3A_2603 : vector<16xf32>
        %swap3A_2605 = arith.constant 0 : i32
        %swap3A_2606 = arith.constant 0 : i32
        %swap3A_2607 = tpu.memref_slice %arg15[%rem3A_275, %swap3A_2605, %swap3A_2606] : memref<2x128x128xf32, #tpu.memory_space<vmem>> -> memref<1x128x128xf32, #tpu.memory_space<vmem>>
        %swap3A_2608 = tpu.memref_squeeze %swap3A_2607 : memref<1x128x128xf32, #tpu.memory_space<vmem>> -> memref<128x128xf32, #tpu.memory_space<vmem>>
        %swap3A_2609 = arith.index_cast %add3A_2579 : i32 to index
        %swap3A_2610 = arith.constant 16 : index
        %swap3A_2611 = tpu.vector_load %swap3A_2608[%swap3A_2609, %swap3A_2610] {strides = array<i32>} : memref<128x128xf32, #tpu.memory_space<vmem>>, vector<16xf32>,
        tpu.vector_store %swap3A_2608[%swap3A_2609, %swap3A_2610], %mul3A_2604 {strides = array<i32>} : memref<128x128xf32, #tpu.memory_space<vmem>>, vector<16xf32>,
        %get3A_2612 = arith.constant 0 : i32
        %get3A_2613 = arith.constant 0 : i32
        %get3A_2614 = tpu.memref_slice %arg15[%rem3A_275, %get3A_2612, %get3A_2613] : memref<2x128x128xf32, #tpu.memory_space<vmem>> -> memref<1x128x128xf32, #tpu.memory_space<vmem>>
        %get3A_2615 = tpu.memref_squeeze %get3A_2614 : memref<1x128x128xf32, #tpu.memory_space<vmem>> -> memref<128x128xf32, #tpu.memory_space<vmem>>
        %get3A_2616 = arith.index_cast %add3A_2579 : i32 to index
        %get3A_2617 = arith.constant 32 : index
        %get3A_2618 = tpu.vector_load %get3A_2615[%get3A_2616, %get3A_2617] {strides = array<i32>} : memref<128x128xf32, #tpu.memory_space<vmem>>, vector<16xf32>,
        %mul3A_2619 = vector.broadcast %squeeze3A_2575 : f32 to vector<16xf32>
        %mul3A_2620 = arith.mulf %get3A_2618, %mul3A_2619 : vector<16xf32>
        %swap3A_2621 = arith.constant 0 : i32
        %swap3A_2622 = arith.constant 0 : i32
        %swap3A_2623 = tpu.memref_slice %arg15[%rem3A_275, %swap3A_2621, %swap3A_2622] : memref<2x128x128xf32, #tpu.memory_space<vmem>> -> memref<1x128x128xf32, #tpu.memory_space<vmem>>
        %swap3A_2624 = tpu.memref_squeeze %swap3A_2623 : memref<1x128x128xf32, #tpu.memory_space<vmem>> -> memref<128x128xf32, #tpu.memory_space<vmem>>
        %swap3A_2625 = arith.index_cast %add3A_2579 : i32 to index
        %swap3A_2626 = arith.constant 32 : index
        %swap3A_2627 = tpu.vector_load %swap3A_2624[%swap3A_2625, %swap3A_2626] {strides = array<i32>} : memref<128x128xf32, #tpu.memory_space<vmem>>, vector<16xf32>,
        tpu.vector_store %swap3A_2624[%swap3A_2625, %swap3A_2626], %mul3A_2620 {strides = array<i32>} : memref<128x128xf32, #tpu.memory_space<vmem>>, vector<16xf32>,
        %get3A_2628 = arith.constant 0 : i32
        %get3A_2629 = arith.constant 0 : i32
        %get3A_2630 = tpu.memref_slice %arg15[%rem3A_275, %get3A_2628, %get3A_2629] : memref<2x128x128xf32, #tpu.memory_space<vmem>> -> memref<1x128x128xf32, #tpu.memory_space<vmem>>
        %get3A_2631 = tpu.memref_squeeze %get3A_2630 : memref<1x128x128xf32, #tpu.memory_space<vmem>> -> memref<128x128xf32, #tpu.memory_space<vmem>>
        %get3A_2632 = arith.index_cast %add3A_2579 : i32 to index
        %get3A_2633 = arith.constant 48 : index
        %get3A_2634 = tpu.vector_load %get3A_2631[%get3A_2632, %get3A_2633] {strides = array<i32>} : memref<128x128xf32, #tpu.memory_space<vmem>>, vector<16xf32>,
        %mul3A_2635 = vector.broadcast %squeeze3A_2575 : f32 to vector<16xf32>
        %mul3A_2636 = arith.mulf %get3A_2634, %mul3A_2635 : vector<16xf32>
        %swap3A_2637 = arith.constant 0 : i32
        %swap3A_2638 = arith.constant 0 : i32
        %swap3A_2639 = tpu.memref_slice %arg15[%rem3A_275, %swap3A_2637, %swap3A_2638] : memref<2x128x128xf32, #tpu.memory_space<vmem>> -> memref<1x128x128xf32, #tpu.memory_space<vmem>>
        %swap3A_2640 = tpu.memref_squeeze %swap3A_2639 : memref<1x128x128xf32, #tpu.memory_space<vmem>> -> memref<128x128xf32, #tpu.memory_space<vmem>>
        %swap3A_2641 = arith.index_cast %add3A_2579 : i32 to index
        %swap3A_2642 = arith.constant 48 : index
        %swap3A_2643 = tpu.vector_load %swap3A_2640[%swap3A_2641, %swap3A_2642] {strides = array<i32>} : memref<128x128xf32, #tpu.memory_space<vmem>>, vector<16xf32>,
        tpu.vector_store %swap3A_2640[%swap3A_2641, %swap3A_2642], %mul3A_2636 {strides = array<i32>} : memref<128x128xf32, #tpu.memory_space<vmem>>, vector<16xf32>,
        %get3A_2644 = arith.constant 0 : i32
        %get3A_2645 = arith.constant 0 : i32
        %get3A_2646 = tpu.memref_slice %arg15[%rem3A_275, %get3A_2644, %get3A_2645] : memref<2x128x128xf32, #tpu.memory_space<vmem>> -> memref<1x128x128xf32, #tpu.memory_space<vmem>>
        %get3A_2647 = tpu.memref_squeeze %get3A_2646 : memref<1x128x128xf32, #tpu.memory_space<vmem>> -> memref<128x128xf32, #tpu.memory_space<vmem>>
        %get3A_2648 = arith.index_cast %add3A_2579 : i32 to index
        %get3A_2649 = arith.constant 64 : index
        %get3A_2650 = tpu.vector_load %get3A_2647[%get3A_2648, %get3A_2649] {strides = array<i32>} : memref<128x128xf32, #tpu.memory_space<vmem>>, vector<16xf32>,
        %mul3A_2651 = vector.broadcast %squeeze3A_2575 : f32 to vector<16xf32>
        %mul3A_2652 = arith.mulf %get3A_2650, %mul3A_2651 : vector<16xf32>
        %swap3A_2653 = arith.constant 0 : i32
        %swap3A_2654 = arith.constant 0 : i32
        %swap3A_2655 = tpu.memref_slice %arg15[%rem3A_275, %swap3A_2653, %swap3A_2654] : memref<2x128x128xf32, #tpu.memory_space<vmem>> -> memref<1x128x128xf32, #tpu.memory_space<vmem>>
        %swap3A_2656 = tpu.memref_squeeze %swap3A_2655 : memref<1x128x128xf32, #tpu.memory_space<vmem>> -> memref<128x128xf32, #tpu.memory_space<vmem>>
        %swap3A_2657 = arith.index_cast %add3A_2579 : i32 to index
        %swap3A_2658 = arith.constant 64 : index
        %swap3A_2659 = tpu.vector_load %swap3A_2656[%swap3A_2657, %swap3A_2658] {strides = array<i32>} : memref<128x128xf32, #tpu.memory_space<vmem>>, vector<16xf32>,
        tpu.vector_store %swap3A_2656[%swap3A_2657, %swap3A_2658], %mul3A_2652 {strides = array<i32>} : memref<128x128xf32, #tpu.memory_space<vmem>>, vector<16xf32>,
        %get3A_2660 = arith.constant 0 : i32
        %get3A_2661 = arith.constant 0 : i32
        %get3A_2662 = tpu.memref_slice %arg15[%rem3A_275, %get3A_2660, %get3A_2661] : memref<2x128x128xf32, #tpu.memory_space<vmem>> -> memref<1x128x128xf32, #tpu.memory_space<vmem>>
        %get3A_2663 = tpu.memref_squeeze %get3A_2662 : memref<1x128x128xf32, #tpu.memory_space<vmem>> -> memref<128x128xf32, #tpu.memory_space<vmem>>
        %get3A_2664 = arith.index_cast %add3A_2579 : i32 to index
        %get3A_2665 = arith.constant 80 : index
        %get3A_2666 = tpu.vector_load %get3A_2663[%get3A_2664, %get3A_2665] {strides = array<i32>} : memref<128x128xf32, #tpu.memory_space<vmem>>, vector<16xf32>,
        %mul3A_2667 = vector.broadcast %squeeze3A_2575 : f32 to vector<16xf32>
        %mul3A_2668 = arith.mulf %get3A_2666, %mul3A_2667 : vector<16xf32>
        %swap3A_2669 = arith.constant 0 : i32
        %swap3A_2670 = arith.constant 0 : i32
        %swap3A_2671 = tpu.memref_slice %arg15[%rem3A_275, %swap3A_2669, %swap3A_2670] : memref<2x128x128xf32, #tpu.memory_space<vmem>> -> memref<1x128x128xf32, #tpu.memory_space<vmem>>
        %swap3A_2672 = tpu.memref_squeeze %swap3A_2671 : memref<1x128x128xf32, #tpu.memory_space<vmem>> -> memref<128x128xf32, #tpu.memory_space<vmem>>
        %swap3A_2673 = arith.index_cast %add3A_2579 : i32 to index
        %swap3A_2674 = arith.constant 80 : index
        %swap3A_2675 = tpu.vector_load %swap3A_2672[%swap3A_2673, %swap3A_2674] {strides = array<i32>} : memref<128x128xf32, #tpu.memory_space<vmem>>, vector<16xf32>,
        tpu.vector_store %swap3A_2672[%swap3A_2673, %swap3A_2674], %mul3A_2668 {strides = array<i32>} : memref<128x128xf32, #tpu.memory_space<vmem>>, vector<16xf32>,
        %get3A_2676 = arith.constant 0 : i32
        %get3A_2677 = arith.constant 0 : i32
        %get3A_2678 = tpu.memref_slice %arg15[%rem3A_275, %get3A_2676, %get3A_2677] : memref<2x128x128xf32, #tpu.memory_space<vmem>> -> memref<1x128x128xf32, #tpu.memory_space<vmem>>
        %get3A_2679 = tpu.memref_squeeze %get3A_2678 : memref<1x128x128xf32, #tpu.memory_space<vmem>> -> memref<128x128xf32, #tpu.memory_space<vmem>>
        %get3A_2680 = arith.index_cast %add3A_2579 : i32 to index
        %get3A_2681 = arith.constant 96 : index
        %get3A_2682 = tpu.vector_load %get3A_2679[%get3A_2680, %get3A_2681] {strides = array<i32>} : memref<128x128xf32, #tpu.memory_space<vmem>>, vector<16xf32>,
        %mul3A_2683 = vector.broadcast %squeeze3A_2575 : f32 to vector<16xf32>
        %mul3A_2684 = arith.mulf %get3A_2682, %mul3A_2683 : vector<16xf32>
        %swap3A_2685 = arith.constant 0 : i32
        %swap3A_2686 = arith.constant 0 : i32
        %swap3A_2687 = tpu.memref_slice %arg15[%rem3A_275, %swap3A_2685, %swap3A_2686] : memref<2x128x128xf32, #tpu.memory_space<vmem>> -> memref<1x128x128xf32, #tpu.memory_space<vmem>>
        %swap3A_2688 = tpu.memref_squeeze %swap3A_2687 : memref<1x128x128xf32, #tpu.memory_space<vmem>> -> memref<128x128xf32, #tpu.memory_space<vmem>>
        %swap3A_2689 = arith.index_cast %add3A_2579 : i32 to index
        %swap3A_2690 = arith.constant 96 : index
        %swap3A_2691 = tpu.vector_load %swap3A_2688[%swap3A_2689, %swap3A_2690] {strides = array<i32>} : memref<128x128xf32, #tpu.memory_space<vmem>>, vector<16xf32>,
        tpu.vector_store %swap3A_2688[%swap3A_2689, %swap3A_2690], %mul3A_2684 {strides = array<i32>} : memref<128x128xf32, #tpu.memory_space<vmem>>, vector<16xf32>,
        %get3A_2692 = arith.constant 0 : i32
        %get3A_2693 = arith.constant 0 : i32
        %get3A_2694 = tpu.memref_slice %arg15[%rem3A_275, %get3A_2692, %get3A_2693] : memref<2x128x128xf32, #tpu.memory_space<vmem>> -> memref<1x128x128xf32, #tpu.memory_space<vmem>>
        %get3A_2695 = tpu.memref_squeeze %get3A_2694 : memref<1x128x128xf32, #tpu.memory_space<vmem>> -> memref<128x128xf32, #tpu.memory_space<vmem>>
        %get3A_2696 = arith.index_cast %add3A_2579 : i32 to index
        %get3A_2697 = arith.constant 112 : index
        %get3A_2698 = tpu.vector_load %get3A_2695[%get3A_2696, %get3A_2697] {strides = array<i32>} : memref<128x128xf32, #tpu.memory_space<vmem>>, vector<16xf32>,
        %mul3A_2699 = vector.broadcast %squeeze3A_2575 : f32 to vector<16xf32>
        %mul3A_2700 = arith.mulf %get3A_2698, %mul3A_2699 : vector<16xf32>
        %swap3A_2701 = arith.constant 0 : i32
        %swap3A_2702 = arith.constant 0 : i32
        %swap3A_2703 = tpu.memref_slice %arg15[%rem3A_275, %swap3A_2701, %swap3A_2702] : memref<2x128x128xf32, #tpu.memory_space<vmem>> -> memref<1x128x128xf32, #tpu.memory_space<vmem>>
        %swap3A_2704 = tpu.memref_squeeze %swap3A_2703 : memref<1x128x128xf32, #tpu.memory_space<vmem>> -> memref<128x128xf32, #tpu.memory_space<vmem>>
        %swap3A_2705 = arith.index_cast %add3A_2579 : i32 to index
        %swap3A_2706 = arith.constant 112 : index
        %swap3A_2707 = tpu.vector_load %swap3A_2704[%swap3A_2705, %swap3A_2706] {strides = array<i32>} : memref<128x128xf32, #tpu.memory_space<vmem>>, vector<16xf32>,
        tpu.vector_store %swap3A_2704[%swap3A_2705, %swap3A_2706], %mul3A_2700 {strides = array<i32>} : memref<128x128xf32, #tpu.memory_space<vmem>>, vector<16xf32>,
      }
      %scan3A_533 = arith.constant 8 : i32
      %dma_start3A_534 = arith.constant 0 : i32
      %dma_start3A_535 = arith.constant 0 : i32
      %dma_start3A_536 = arith.constant 0 : i32
      %dma_start3A_537 = tpu.memref_slice %arg15[%rem3A_275, %dma_start3A_535, %dma_start3A_536] : memref<2x128x128xf32, #tpu.memory_space<vmem>> -> memref<1x128x128xf32, #tpu.memory_space<vmem>>
      %dma_start3A_538 = tpu.memref_squeeze %dma_start3A_537 : memref<1x128x128xf32, #tpu.memory_space<vmem>> -> memref<128x128xf32, #tpu.memory_space<vmem>>
      %dma_start3A_539 = arith.constant 0 : i32
      %dma_start3A_540 = tpu.memref_slice %arg10[%rem3A_278, %dma_start3A_534, %dma_start3A_539] : memref<3x2x128xi32, #tpu.memory_space<vmem>> -> memref<1x1x128xi32, #tpu.memory_space<vmem>>
      %dma_start3A_541 = tpu.memref_squeeze %dma_start3A_540 : memref<1x1x128xi32, #tpu.memory_space<vmem>> -> memref<128xi32, #tpu.memory_space<vmem>>
      %dma_start3A_542 = arith.constant 0 : i32
      %dma_start3A_543 = arith.constant 0 : i32
      %dma_start3A_544 = tpu.memref_slice %arg16[%dma_start3A_542, %dma_start3A_543] : memref<10240x128xf32, #tpu.memory_space<vmem_shared>> -> memref<10240x128xf32, #tpu.memory_space<vmem_shared>>
      %dma_start3A_545 = tpu.memref_slice %arg24[%rem3A_275] : memref<2x!tpu.dma_semaphore, #tpu.memory_space<semaphore_mem>> -> memref<1x!tpu.dma_semaphore, #tpu.memory_space<semaphore_mem>>
      %dma_start3A_546 = tpu.memref_squeeze %dma_start3A_545 : memref<1x!tpu.dma_semaphore, #tpu.memory_space<semaphore_mem>> -> memref<!tpu.dma_semaphore, #tpu.memory_space<semaphore_mem>>
      tpu.enqueue_indirect_dma source(%dma_start3A_538 : memref<128x128xf32, #tpu.memory_space<vmem>>) target(%dma_start3A_544 : memref<10240x128xf32, #tpu.memory_space<vmem_shared>>) offsets(%dma_start3A_541 : memref<128xi32, #tpu.memory_space<vmem>>) semaphore(%dma_start3A_546 : memref<!tpu.dma_semaphore, #tpu.memory_space<semaphore_mem>>) {add = true}
      %dma_start3A_547 = arith.constant 0 : i32
      %dma_start3A_548 = arith.constant 0 : i32
      %dma_start3A_549 = tpu.memref_slice %arg14[%rem3A_275, %dma_start3A_548] : memref<2x128xf32, #tpu.memory_space<vmem>> -> memref<1x128xf32, #tpu.memory_space<vmem>>
      %dma_start3A_550 = tpu.memref_squeeze %dma_start3A_549 : memref<1x128xf32, #tpu.memory_space<vmem>> -> memref<128xf32, #tpu.memory_space<vmem>>
      %dma_start3A_551 = arith.constant 0 : i32
      %dma_start3A_552 = tpu.memref_slice %arg10[%rem3A_278, %dma_start3A_547, %dma_start3A_551] : memref<3x2x128xi32, #tpu.memory_space<vmem>> -> memref<1x1x128xi32, #tpu.memory_space<vmem>>
      %dma_start3A_553 = tpu.memref_squeeze %dma_start3A_552 : memref<1x1x128xi32, #tpu.memory_space<vmem>> -> memref<128xi32, #tpu.memory_space<vmem>>
      %dma_start3A_554 = arith.constant 0 : i32
      %dma_start3A_555 = tpu.memref_slice %arg17[%dma_start3A_554] : memref<10240xf32, #tpu.memory_space<vmem_shared>> -> memref<10240xf32, #tpu.memory_space<vmem_shared>>
      %dma_start3A_556 = tpu.memref_slice %arg25[%rem3A_275] : memref<2x!tpu.dma_semaphore, #tpu.memory_space<semaphore_mem>> -> memref<1x!tpu.dma_semaphore, #tpu.memory_space<semaphore_mem>>
      %dma_start3A_557 = tpu.memref_squeeze %dma_start3A_556 : memref<1x!tpu.dma_semaphore, #tpu.memory_space<semaphore_mem>> -> memref<!tpu.dma_semaphore, #tpu.memory_space<semaphore_mem>>
      tpu.enqueue_indirect_dma source(%dma_start3A_550 : memref<128xf32, #tpu.memory_space<vmem>>) target(%dma_start3A_555 : memref<10240xf32, #tpu.memory_space<vmem_shared>>) offsets(%dma_start3A_553 : memref<128xi32, #tpu.memory_space<vmem>>) semaphore(%dma_start3A_557 : memref<!tpu.dma_semaphore, #tpu.memory_space<semaphore_mem>>) {add = true}
    }
    %scan3A_242 = arith.constant 80 : i32
    %dma_wait3A_243 = arith.constant 1 : i32
    %dma_wait3A_244 = arith.constant 0 : i32
    %dma_wait3A_245 = arith.constant 0 : i32
    %dma_wait3A_246 = arith.constant 1 : i32
    %dma_wait3A_247 = arith.constant 0 : i32
    %dma_wait3A_248 = arith.constant 0 : i32
    %dma_wait3A_249 = tpu.memref_slice %arg15[%dma_wait3A_243, %dma_wait3A_247, %dma_wait3A_248] : memref<2x128x128xf32, #tpu.memory_space<vmem>> -> memref<1x128x128xf32, #tpu.memory_space<vmem>>
    %dma_wait3A_250 = tpu.memref_squeeze %dma_wait3A_249 : memref<1x128x128xf32, #tpu.memory_space<vmem>> -> memref<128x128xf32, #tpu.memory_space<vmem>>
    %dma_wait3A_251 = arith.constant 0 : i32
    %dma_wait3A_252 = tpu.memref_slice %arg10[%dma_wait3A_244, %dma_wait3A_245, %dma_wait3A_251] : memref<3x2x128xi32, #tpu.memory_space<vmem>> -> memref<1x1x128xi32, #tpu.memory_space<vmem>>
    %dma_wait3A_253 = tpu.memref_squeeze %dma_wait3A_252 : memref<1x1x128xi32, #tpu.memory_space<vmem>> -> memref<128xi32, #tpu.memory_space<vmem>>
    %dma_wait3A_254 = arith.constant 0 : i32
    %dma_wait3A_255 = arith.constant 0 : i32
    %dma_wait3A_256 = tpu.memref_slice %arg16[%dma_wait3A_254, %dma_wait3A_255] : memref<10240x128xf32, #tpu.memory_space<vmem_shared>> -> memref<10240x128xf32, #tpu.memory_space<vmem_shared>>
    %dma_wait3A_257 = tpu.memref_slice %arg24[%dma_wait3A_246] : memref<2x!tpu.dma_semaphore, #tpu.memory_space<semaphore_mem>> -> memref<1x!tpu.dma_semaphore, #tpu.memory_space<semaphore_mem>>
    %dma_wait3A_258 = tpu.memref_squeeze %dma_wait3A_257 : memref<1x!tpu.dma_semaphore, #tpu.memory_space<semaphore_mem>> -> memref<!tpu.dma_semaphore, #tpu.memory_space<semaphore_mem>>
    tpu.wait_indirect_dma semaphore(%dma_wait3A_258 : memref<!tpu.dma_semaphore, #tpu.memory_space<semaphore_mem>>) src(%dma_wait3A_250 : memref<128x128xf32, #tpu.memory_space<vmem>>) dst(%dma_wait3A_256 : memref<10240x128xf32, #tpu.memory_space<vmem_shared>>)
    %dma_wait3A_259 = arith.constant 1 : i32
    %dma_wait3A_260 = arith.constant 0 : i32
    %dma_wait3A_261 = arith.constant 0 : i32
    %dma_wait3A_262 = arith.constant 1 : i32
    %dma_wait3A_263 = arith.constant 0 : i32
    %dma_wait3A_264 = tpu.memref_slice %arg14[%dma_wait3A_259, %dma_wait3A_263] : memref<2x128xf32, #tpu.memory_space<vmem>> -> memref<1x128xf32, #tpu.memory_space<vmem>>
    %dma_wait3A_265 = tpu.memref_squeeze %dma_wait3A_264 : memref<1x128xf32, #tpu.memory_space<vmem>> -> memref<128xf32, #tpu.memory_space<vmem>>
    %dma_wait3A_266 = arith.constant 0 : i32
    %dma_wait3A_267 = tpu.memref_slice %arg10[%dma_wait3A_260, %dma_wait3A_261, %dma_wait3A_266] : memref<3x2x128xi32, #tpu.memory_space<vmem>> -> memref<1x1x128xi32, #tpu.memory_space<vmem>>
    %dma_wait3A_268 = tpu.memref_squeeze %dma_wait3A_267 : memref<1x1x128xi32, #tpu.memory_space<vmem>> -> memref<128xi32, #tpu.memory_space<vmem>>
    %dma_wait3A_269 = arith.constant 0 : i32
    %dma_wait3A_270 = tpu.memref_slice %arg17[%dma_wait3A_269] : memref<10240xf32, #tpu.memory_space<vmem_shared>> -> memref<10240xf32, #tpu.memory_space<vmem_shared>>
    %dma_wait3A_271 = tpu.memref_slice %arg25[%dma_wait3A_262] : memref<2x!tpu.dma_semaphore, #tpu.memory_space<semaphore_mem>> -> memref<1x!tpu.dma_semaphore, #tpu.memory_space<semaphore_mem>>
    %dma_wait3A_272 = tpu.memref_squeeze %dma_wait3A_271 : memref<1x!tpu.dma_semaphore, #tpu.memory_space<semaphore_mem>> -> memref<!tpu.dma_semaphore, #tpu.memory_space<semaphore_mem>>
    tpu.wait_indirect_dma semaphore(%dma_wait3A_272 : memref<!tpu.dma_semaphore, #tpu.memory_space<semaphore_mem>>) src(%dma_wait3A_265 : memref<128xf32, #tpu.memory_space<vmem>>) dst(%dma_wait3A_270 : memref<10240xf32, #tpu.memory_space<vmem_shared>>)
    %barrier3A_273 = arith.constant 0 : index
    tpu.barrier barrier_id(%barrier3A_273)
    "tpu.region"() ({
      %run_scoped3A_274 = tpu.sem_alloc : memref<!tpu.dma_semaphore, #tpu.memory_space<semaphore_mem>>
      %dma_start3A_275 = arith.constant 0 : i32
      %dma_start3A_276 = tpu.memref_slice %arg8[%arg0, %mul3A_55, %dma_start3A_275] : memref<2x10240x128xf32, #tpu.memory_space<hbm>> -> memref<1x640x128xf32, #tpu.memory_space<hbm>>
      %dma_start3A_277 = tpu.memref_squeeze %dma_start3A_276 : memref<1x640x128xf32, #tpu.memory_space<hbm>> -> memref<640x128xf32, #tpu.memory_space<hbm>>
      %dma_start3A_278 = arith.constant 0 : i32
      %dma_start3A_279 = tpu.memref_slice %arg16[%mul3A_55, %dma_start3A_278] : memref<10240x128xf32, #tpu.memory_space<vmem_shared>> -> memref<640x128xf32, #tpu.memory_space<vmem_shared>>
      tpu.enqueue_dma source(%dma_start3A_279 : memref<640x128xf32, #tpu.memory_space<vmem_shared>>) target(%dma_start3A_277 : memref<640x128xf32, #tpu.memory_space<hbm>>) target_semaphore(%run_scoped3A_274 : memref<!tpu.dma_semaphore, #tpu.memory_space<semaphore_mem>>)
      %dma_wait3A_280 = arith.constant 0 : i32
      %dma_wait3A_281 = tpu.memref_slice %arg8[%arg0, %mul3A_55, %dma_wait3A_280] : memref<2x10240x128xf32, #tpu.memory_space<hbm>> -> memref<1x640x128xf32, #tpu.memory_space<hbm>>
      %dma_wait3A_282 = tpu.memref_squeeze %dma_wait3A_281 : memref<1x640x128xf32, #tpu.memory_space<hbm>> -> memref<640x128xf32, #tpu.memory_space<hbm>>
      %dma_wait3A_283 = arith.constant 0 : i32
      %dma_wait3A_284 = tpu.memref_slice %arg16[%mul3A_55, %dma_wait3A_283] : memref<10240x128xf32, #tpu.memory_space<vmem_shared>> -> memref<640x128xf32, #tpu.memory_space<vmem_shared>>
      tpu.wait_dma2 semaphore(%run_scoped3A_274 : memref<!tpu.dma_semaphore, #tpu.memory_space<semaphore_mem>>) src(%dma_wait3A_284 : memref<640x128xf32, #tpu.memory_space<vmem_shared>>) dst(%dma_wait3A_282 : memref<640x128xf32, #tpu.memory_space<hbm>>)
      tpu.yield
    }) : () -> ()
    "tpu.region"() ({
      %run_scoped3A_274 = tpu.sem_alloc : memref<!tpu.dma_semaphore, #tpu.memory_space<semaphore_mem>>
      %dma_start3A_275 = tpu.memref_slice %arg9[%arg0, %mul3A_55] : memref<2x10240xf32, #tpu.memory_space<hbm>> -> memref<1x640xf32, #tpu.memory_space<hbm>>
      %dma_start3A_276 = tpu.memref_squeeze %dma_start3A_275 : memref<1x640xf32, #tpu.memory_space<hbm>> -> memref<640xf32, #tpu.memory_space<hbm>>
      %dma_start3A_277 = tpu.memref_slice %arg17[%mul3A_55] : memref<10240xf32, #tpu.memory_space<vmem_shared>> -> memref<640xf32, #tpu.memory_space<vmem_shared>>
      tpu.enqueue_dma source(%dma_start3A_277 : memref<640xf32, #tpu.memory_space<vmem_shared>>) target(%dma_start3A_276 : memref<640xf32, #tpu.memory_space<hbm>>) target_semaphore(%run_scoped3A_274 : memref<!tpu.dma_semaphore, #tpu.memory_space<semaphore_mem>>)
      %dma_wait3A_278 = tpu.memref_slice %arg9[%arg0, %mul3A_55] : memref<2x10240xf32, #tpu.memory_space<hbm>> -> memref<1x640xf32, #tpu.memory_space<hbm>>
      %dma_wait3A_279 = tpu.memref_squeeze %dma_wait3A_278 : memref<1x640xf32, #tpu.memory_space<hbm>> -> memref<640xf32, #tpu.memory_space<hbm>>
      %dma_wait3A_280 = tpu.memref_slice %arg17[%mul3A_55] : memref<10240xf32, #tpu.memory_space<vmem_shared>> -> memref<640xf32, #tpu.memory_space<vmem_shared>>
      tpu.wait_dma2 semaphore(%run_scoped3A_274 : memref<!tpu.dma_semaphore, #tpu.memory_space<semaphore_mem>>) src(%dma_wait3A_280 : memref<640xf32, #tpu.memory_space<vmem_shared>>) dst(%dma_wait3A_279 : memref<640xf32, #tpu.memory_space<hbm>>)
      tpu.yield
    }) : () -> ()
    return
  }
}

module attributes {stable_mosaic.version = 14 : i64} {
  func.func @_prep(%arg0: memref<10000x128xf32, #tpu.memory_space<vmem>>, %arg1: memref<128x128xf32, #tpu.memory_space<vmem>>, %arg2: memref<1x128xf32, #tpu.memory_space<vmem>>, %arg3: memref<1x128xf32, #tpu.memory_space<vmem>>, %arg4: memref<1x128xf32, #tpu.memory_space<vmem>>, %arg5: memref<10240x128xf32, #tpu.memory_space<vmem>>, %arg6: memref<1x10240xf32, #tpu.memory_space<vmem>>, %arg7: memref<1x10240xf32, #tpu.memory_space<vmem>>, %arg8: memref<1x128xf32, #tpu.memory_space<vmem>>) attributes {dimension_semantics = [], scalar_prefetch = 0 : i64, scratch_operands = 0 : i64, tpu.core_type = #tpu.core_type<tc>} {
    %get3A = arith.constant 0 : index
    %get3A_0 = arith.constant 0 : index
    %get3A_1 = vector.load %arg0[%get3A, %get3A_0] : memref<10000x128xf32, #tpu.memory_space<vmem>>, vector<10000x128xf32>
    %get3A_2 = arith.constant 0 : index
    %get3A_3 = arith.constant 0 : index
    %get3A_4 = vector.load %arg1[%get3A_2, %get3A_3] : memref<128x128xf32, #tpu.memory_space<vmem>>, vector<128x128xf32>
    %dot_general3A = arith.constant dense<0.000000e+00> : vector<10000x128xf32>
    %dot_general3A_5 = tpu.matmul %get3A_1, %get3A_4, %dot_general3A {dimension_numbers = #tpu.dot_dimension_numbers<[1], [0], [0], [1], [0, 0, 1, 1], [], []>, transpose_lhs_hint = false} : vector<10000x128xf32>, vector<128x128xf32>, vector<10000x128xf32> -> vector<10000x128xf32>
    %get3A_6 = arith.constant 0 : index
    %get3A_7 = arith.constant 0 : index
    %get3A_8 = vector.load %arg2[%get3A_6, %get3A_7] : memref<1x128xf32, #tpu.memory_space<vmem>>, vector<1x128xf32>
    %get3A_9 = vector.shape_cast %get3A_8 : vector<1x128xf32> to vector<128xf32>
    %broadcast_in_dim3A = vector.shape_cast %get3A_9 : vector<128xf32> to vector<1x128xf32>
    %add3A = vector.broadcast %broadcast_in_dim3A : vector<1x128xf32> to vector<10000x128xf32>
    %add3A_10 = arith.addf %dot_general3A_5, %add3A : vector<10000x128xf32>
    %broadcast_in_dim3A_11 = arith.constant 0.000000e+00 : f32
    %broadcast_in_dim3A_12 = vector.broadcast %broadcast_in_dim3A_11 : f32 to vector<240x128xf32>
    %concatenate3A = tpu.concatenate %add3A_10, %broadcast_in_dim3A_12 in 0 : vector<10000x128xf32>, vector<240x128xf32> -> vector<10240x128xf32>
    %swap3A = arith.constant 0 : index
    %swap3A_13 = arith.constant 0 : index
    %swap3A_14 = vector.load %arg5[%swap3A, %swap3A_13] : memref<10240x128xf32, #tpu.memory_space<vmem>>, vector<10240x128xf32>
    tpu.vector_store %arg5[%swap3A, %swap3A_13], %concatenate3A {strides = array<i32>} : memref<10240x128xf32, #tpu.memory_space<vmem>>, vector<10240x128xf32>,
    %get3A_15 = arith.constant 0 : index
    %get3A_16 = arith.constant 0 : index
    %get3A_17 = vector.load %arg3[%get3A_15, %get3A_16] : memref<1x128xf32, #tpu.memory_space<vmem>>, vector<1x128xf32>
    %get3A_18 = vector.shape_cast %get3A_17 : vector<1x128xf32> to vector<128xf32>
    %dot_general3A_19 = arith.constant dense<0.000000e+00> : vector<10240xf32>
    %dot_general3A_20 = tpu.matmul %concatenate3A, %get3A_18, %dot_general3A_19 {dimension_numbers = #tpu.dot_dimension_numbers<[1], [0], [0], [], [0, 0], [], []>, transpose_lhs_hint = false} : vector<10240x128xf32>, vector<128xf32>, vector<10240xf32> -> vector<10240xf32>
    %get3A_21 = arith.constant 0 : index
    %get3A_22 = arith.constant 0 : index
    %get3A_23 = vector.load %arg4[%get3A_21, %get3A_22] : memref<1x128xf32, #tpu.memory_space<vmem>>, vector<1x128xf32>
    %get3A_24 = vector.shape_cast %get3A_23 : vector<1x128xf32> to vector<128xf32>
    %dot_general3A_25 = arith.constant dense<0.000000e+00> : vector<10240xf32>
    %dot_general3A_26 = tpu.matmul %concatenate3A, %get3A_24, %dot_general3A_25 {dimension_numbers = #tpu.dot_dimension_numbers<[1], [0], [0], [], [0, 0], [], []>, transpose_lhs_hint = false} : vector<10240x128xf32>, vector<128xf32>, vector<10240xf32> -> vector<10240xf32>
    %iota3A = tpu.iota {dimensions = array<i32: 1>} : vector<1x10240xi32>
    %iota3A_27 = vector.shape_cast %iota3A : vector<1x10240xi32> to vector<10240xi32>
    %lt3A = arith.constant 10000 : i32
    %lt3A_28 = vector.broadcast %lt3A : i32 to vector<10240xi32>
    %lt3A_29 = arith.cmpi slt, %iota3A_27, %lt3A_28 : vector<10240xi32>
    %jit3A = arith.constant -1.000000e+30 : f32
    %broadcast_in_dim3A_30 = vector.broadcast %jit3A : f32 to vector<10240xf32>
    %select_n3A = arith.select %lt3A_29, %dot_general3A_20, %broadcast_in_dim3A_30 : vector<10240xi1>, vector<10240xf32>
    %jit3A_31 = arith.constant -1.000000e+30 : f32
    %broadcast_in_dim3A_32 = vector.broadcast %jit3A_31 : f32 to vector<10240xf32>
    %select_n3A_33 = arith.select %lt3A_29, %dot_general3A_26, %broadcast_in_dim3A_32 : vector<10240xi1>, vector<10240xf32>
    %reshape3A = vector.shape_cast %select_n3A : vector<10240xf32> to vector<1x10240xf32>
    %swap3A_34 = arith.constant 0 : index
    %swap3A_35 = arith.constant 0 : index
    %swap3A_36 = vector.load %arg6[%swap3A_34, %swap3A_35] : memref<1x10240xf32, #tpu.memory_space<vmem>>, vector<1x10240xf32>
    tpu.vector_store %arg6[%swap3A_34, %swap3A_35], %reshape3A {strides = array<i32>} : memref<1x10240xf32, #tpu.memory_space<vmem>>, vector<1x10240xf32>,
    %reshape3A_37 = vector.shape_cast %select_n3A_33 : vector<10240xf32> to vector<1x10240xf32>
    %swap3A_38 = arith.constant 0 : index
    %swap3A_39 = arith.constant 0 : index
    %swap3A_40 = vector.load %arg7[%swap3A_38, %swap3A_39] : memref<1x10240xf32, #tpu.memory_space<vmem>>, vector<1x10240xf32>
    tpu.vector_store %arg7[%swap3A_38, %swap3A_39], %reshape3A_37 {strides = array<i32>} : memref<1x10240xf32, #tpu.memory_space<vmem>>, vector<1x10240xf32>,
    %reduce_max3A = vector.shape_cast %select_n3A : vector<10240xf32> to vector<1x10240xf32>
    %reduce_max3A_41 = arith.constant dense<0xFF800000> : vector<1xf32>
    %reduce_max3A_42 = vector.multi_reduction <maximumf>, %reduce_max3A, %reduce_max3A_41 [1] : vector<1x10240xf32> to vector<1xf32>
    %reduce_max3A_43 = vector.shape_cast %reduce_max3A_42 : vector<1xf32> to vector<1x1xf32>
    %reduce_max3A_44 = vector.extract %reduce_max3A_43[0, 0] : f32 from vector<1x1xf32>
    %reduce_max3A_45 = vector.shape_cast %select_n3A_33 : vector<10240xf32> to vector<1x10240xf32>
    %reduce_max3A_46 = arith.constant dense<0xFF800000> : vector<1xf32>
    %reduce_max3A_47 = vector.multi_reduction <maximumf>, %reduce_max3A_45, %reduce_max3A_46 [1] : vector<1x10240xf32> to vector<1xf32>
    %reduce_max3A_48 = vector.shape_cast %reduce_max3A_47 : vector<1xf32> to vector<1x1xf32>
    %reduce_max3A_49 = vector.extract %reduce_max3A_48[0, 0] : f32 from vector<1x1xf32>
    %add3A_50 = arith.addf %reduce_max3A_44, %reduce_max3A_49 : f32
    %max3A = arith.constant 0.000000e+00 : f32
    %max3A_51 = arith.maximumf %add3A_50, %max3A : f32
    %broadcast_in_dim3A_52 = vector.broadcast %max3A_51 : f32 to vector<1x128xf32>
    %swap3A_53 = arith.constant 0 : index
    %swap3A_54 = arith.constant 0 : index
    %swap3A_55 = vector.load %arg8[%swap3A_53, %swap3A_54] : memref<1x128xf32, #tpu.memory_space<vmem>>, vector<1x128xf32>
    tpu.vector_store %arg8[%swap3A_53, %swap3A_54], %broadcast_in_dim3A_52 {strides = array<i32>} : memref<1x128xf32, #tpu.memory_space<vmem>>, vector<1x128xf32>,
    return
  }
}

module attributes {stable_mosaic.version = 14 : i64} {
  func.func @_finish(%arg0: memref<2x10240x128xf32, #tpu.memory_space<vmem>>, %arg1: memref<2x1x10240xf32, #tpu.memory_space<vmem>>, %arg2: memref<10000x128xf32, #tpu.memory_space<vmem>>) attributes {dimension_semantics = [], scalar_prefetch = 0 : i64, scratch_operands = 0 : i64, tpu.core_type = #tpu.core_type<tc>} {
    %get3A = arith.constant 0 : index
    %get3A_0 = arith.constant 0 : index
    %get3A_1 = arith.constant 0 : index
    %get3A_2 = vector.load %arg0[%get3A, %get3A_0, %get3A_1] : memref<2x10240x128xf32, #tpu.memory_space<vmem>>, vector<1x10000x128xf32>
    %get3A_3 = vector.shape_cast %get3A_2 : vector<1x10000x128xf32> to vector<10000x128xf32>
    %get3A_4 = arith.constant 1 : index
    %get3A_5 = arith.constant 0 : index
    %get3A_6 = arith.constant 0 : index
    %get3A_7 = vector.load %arg0[%get3A_4, %get3A_5, %get3A_6] : memref<2x10240x128xf32, #tpu.memory_space<vmem>>, vector<1x10000x128xf32>
    %get3A_8 = vector.shape_cast %get3A_7 : vector<1x10000x128xf32> to vector<10000x128xf32>
    %add3A = arith.addf %get3A_3, %get3A_8 : vector<10000x128xf32>
    %get3A_9 = arith.constant 0 : index
    %get3A_10 = arith.constant 0 : index
    %get3A_11 = arith.constant 0 : index
    %get3A_12 = vector.load %arg1[%get3A_9, %get3A_10, %get3A_11] : memref<2x1x10240xf32, #tpu.memory_space<vmem>>, vector<1x1x10000xf32>
    %get3A_13 = vector.shape_cast %get3A_12 : vector<1x1x10000xf32> to vector<10000xf32>
    %get3A_14 = arith.constant 1 : index
    %get3A_15 = arith.constant 0 : index
    %get3A_16 = arith.constant 0 : index
    %get3A_17 = vector.load %arg1[%get3A_14, %get3A_15, %get3A_16] : memref<2x1x10240xf32, #tpu.memory_space<vmem>>, vector<1x1x10000xf32>
    %get3A_18 = vector.shape_cast %get3A_17 : vector<1x1x10000xf32> to vector<10000xf32>
    %add3A_19 = arith.addf %get3A_13, %get3A_18 : vector<10000xf32>
    %add3A_20 = arith.constant 1.000000e-16 : f32
    %add3A_21 = vector.broadcast %add3A_20 : f32 to vector<10000xf32>
    %add3A_22 = arith.addf %add3A_19, %add3A_21 : vector<10000xf32>
    %broadcast_in_dim3A = vector.shape_cast %add3A_22 : vector<10000xf32> to vector<10000x1xf32>
    %div3A = vector.broadcast %broadcast_in_dim3A : vector<10000x1xf32> to vector<10000x128xf32>
    %div3A_23 = arith.divf %add3A, %div3A : vector<10000x128xf32>
    %swap3A = arith.constant 0 : index
    %swap3A_24 = arith.constant 0 : index
    %swap3A_25 = vector.load %arg2[%swap3A, %swap3A_24] : memref<10000x128xf32, #tpu.memory_space<vmem>>, vector<10000x128xf32>
    tpu.vector_store %arg2[%swap3A, %swap3A_24], %div3A_23 {strides = array<i32>} : memref<10000x128xf32, #tpu.memory_space<vmem>>, vector<10000x128xf32>,
    return
  }
}

</mosaic_0001>

<sc_bundles>
// kernel: kernel.5.cloned.1.call-start
scs
__scs_entry_jumppad:
0x0: {  	(pc) =	sbr.rel $0x88, $3  }
0x1: {  	(tag) =	ssettag $0x0;
	lr =	simm.s32 $0x1  }
0x2: {  	[smem:$0x3F9B] =	sst lr;
	_ =	strace $0xD0000000  }
0x3: {  	_ = 	snop  }
0x4: {  	_ = 	snop  }
0x5: {  	_ = 	snop  }
0x6: {  	_ = 	snop  }
0x7: {  	_ = 	snop  }
__scs_overlays_trampoline_lowered:
0x8: {  	[smem:$0x3FAA] =	sst s0  }
0x9: {  	[smem:$0x3FAB] =	sst s1  }
0xa: {  	[smem:$0x3FAC] =	sst s2  }
0xb: {  	[smem:$0x3FAD] =	sst s3  }
0xc: {  	[smem:$0x3FAE] =	sst s4  }
0xd: {  	[smem:$0x3FAF] =	sst s5  }
0xe: {  	[smem:$0x3FB0] =	sst s6  }
0xf: {  	[smem:$0x3FB1] =	sst s7  }
0x10: {  	[smem:$0x3FB2] =	sst s8  }
0x11: {  	[smem:$0x3FB3] =	sst s9;
	s0 =	simm.s32 @!p0 $0x0  }
0x12: {  	s1 =	sld [smem:$0x3F99];
	s0 =	simm.s32 @p0 $0x1  }
0x13: {  	[smem:$0x3FB4] =	sst s0;
	s0 =	simm.s32 @!p1 $0x0  }
0x14: {  	s2 =	sld [smem:$0x3F98];
	s0 =	simm.s32 @p1 $0x1  }
0x15: {  	[smem:$0x3FB5] =	sst s0;
	s0 =	simm.s32 @!p2 $0x0  }
0x16: {  	s3 =	sld [smem:$0x3FDB];
	s0 =	simm.s32 @p2 $0x1  }
0x17: {  	s4 =	simm.s32 $0x1BF5;
	[smem:$0x3FB7] =	sst s0  }
0x18: {  	s0 =	sld [smem:$0x3F9A];
	_ =	swait.ge [sflag:s4], $0x0  }
0x19: {  	s7 =	sld [smem:$0x3F9B]  }
0x1a: {  	s8 =	sadd.s32 $0xFFFFE003, lr  }
0x1b: {  	s9 =	sadd.s32 $0xFFFFFEF7, lr;
	s5 =	simm.s32 $0xFFFFFFFF;
	p2 =	slt.u32 s8, $0xFFFFF086  }
0x1c: {  	p1 =	slt.u32 s9, $0xF7A;
	s5 =	simm.s32 @!p2 $0x0  }
0x1d: {  	s5 =	simm.s32 @p1 $0x1;
	p0 =	seq.s32 s7, s2  }
0x1e: {  	s7 =	smul.u32 @!p0 $0xF7A, s2;
	p2 =	seq.s32 @!p0 s5, $0x0  }
0x1f: {  	s9 =	smul.u32 $0xF7A, s1;
	s8 =	simm.s32 @!p0 $0x1BF5;
	p2 =	por !p2, p0  }
0x20: {  	[sflag:s8] =	ssyncset.s32 @!p0 $0xFFFFF086;
	s6 =	sadd.s32 @!p0 s3, s7;
	s7 =	simm.s32 @!p0 $0x108  }
0x21: {  	s3 =	sadd.s32 s3, s9;
	s6 =	sadd.s32 @!p0 $0x88, s6;
	s7 =	simm.s32 @p2 $0x1082  }
0x22: {  	[simem:s7], [sflag:s8] =	dma.local @!p0 [hbm:s6], $0xF7A  }
0x23: {  	s9 =	sor.u32 $0xD0000000, s2;
	s6 =	simm.s32 $0x108;
	_ =	swait.ge @!p0 [sflag:s8], $0x0  }
0x24: {  	s3 =	sadd.s32 $0x88, s3;
	s6 =	simm.s32 @!p1 $0x1082;
	[sflag:s4] =	ssyncset.s32 $0xFFFFF086  }
0x25: {  	[simem:s6], [sflag:s4] =	dma.local [hbm:s3], $0xF7A  }
0x26: {  	[smem:$0x3F9B] =	sst s1;
	(tag) =	ssettag s2;
	_ =	strace s9  }
0x27: {  	s1 =	sld [smem:$0x3FAB]  }
0x28: {  	s2 =	sld [smem:$0x3FAC]  }
0x29: {  	s4 =	sld [smem:$0x3FAE]  }
0x2a: {  	p0 =	seq.s32 s5, $0x0;
	s5 =	sld [smem:$0x3FAF]  }
0x2b: {  	s6 =	sld [smem:$0x3FB0]  }
0x2c: {  	s7 =	sld [smem:$0x3FB1]  }
0x2d: {  	s3 =	simm.s32 $0x108;
	s8 =	sld [smem:$0x3FB2]  }
0x2e: {  	s3 =	simm.s32 @!p0 $0x1082;
	s9 =	sld [smem:$0x3FB3]  }
0x2f: {  	lr =	sadd.s32 s0, s3;
	s0 =	sld [smem:$0x3FAA]  }
0x30: {  	s3 =	sld [smem:$0x3FAD]  }
0x31: {  	[smem:$0x3FB6] =	sst s10  }
0x32: {  	s10 =	sld [smem:$0x3FB4];
	_ =	sdelay $0x3  }
0x33: {  	p0 =	seq.s32 s10, $0x1;
	s10 =	sld [smem:$0x3FB6];
	_ =	sdelay $0x3  }
0x34: {  	[smem:$0x3FB6] =	sst s10  }
0x35: {  	s10 =	sld [smem:$0x3FB5];
	_ =	sdelay $0x3  }
0x36: {  	p1 =	seq.s32 s10, $0x1;
	s10 =	sld [smem:$0x3FB6];
	_ =	sdelay $0x3  }
0x37: {  	[smem:$0x3FB6] =	sst s10  }
0x38: {  	s10 =	sld [smem:$0x3FB7]  }
0x39: {  	_ = 	snop;
	(pc) =	sbr.ind lr, $3  }
0x3a: {  	_ = 	snop  }
0x3b: {  	_ = 	snop  }
0x3c: {  	p2 =	seq.s32 s10, $0x1;
	s10 =	sld [smem:$0x3FB6]  }
0x3d: {  	_ =	shalt  }
0x3e: {  	_ =	shalt  }
0x3f: {  	_ =	shalt  }
0x40: {  	_ =	shalt  }
0x41: {  	_ =	shalt  }
0x42: {  	_ =	shalt  }
0x43: {  	_ =	shalt  }
0x44: {  	_ =	shalt  }
0x45: {  	_ =	shalt  }
0x46: {  	_ =	shalt  }
0x47: {  	_ =	shalt  }
0x48: {  	_ =	shalt  }
0x49: {  	_ =	shalt  }
0x4a: {  	_ =	shalt  }
0x4b: {  	_ =	shalt  }
0x4c: {  	_ =	shalt  }
0x4d: {  	_ =	shalt  }
0x4e: {  	_ =	shalt  }
0x4f: {  	_ =	shalt  }
0x50: {  	_ =	shalt  }
0x51: {  	_ =	shalt  }
0x52: {  	_ =	shalt  }
0x53: {  	_ =	shalt  }
0x54: {  	_ =	shalt  }
0x55: {  	_ =	shalt  }
0x56: {  	_ =	shalt  }
0x57: {  	_ =	shalt  }
0x58: {  	_ =	shalt  }
0x59: {  	_ =	shalt  }
0x5a: {  	_ =	shalt  }
0x5b: {  	_ =	shalt  }
0x5c: {  	_ =	shalt  }
0x5d: {  	_ =	shalt  }
0x5e: {  	_ =	shalt  }
0x5f: {  	_ =	shalt  }
0x60: {  	_ =	shalt  }
0x61: {  	_ =	shalt  }
0x62: {  	_ =	shalt  }
0x63: {  	_ =	shalt  }
0x64: {  	_ =	shalt  }
0x65: {  	_ =	shalt  }
0x66: {  	_ =	shalt  }
0x67: {  	_ =	shalt  }
0x68: {  	_ =	shalt  }
0x69: {  	_ =	shalt  }
0x6a: {  	_ =	shalt  }
0x6b: {  	_ =	shalt  }
0x6c: {  	_ =	shalt  }
0x6d: {  	_ =	shalt  }
0x6e: {  	_ =	shalt  }
0x6f: {  	_ =	shalt  }
0x70: {  	_ =	shalt  }
0x71: {  	_ =	shalt  }
0x72: {  	_ =	shalt  }
0x73: {  	_ =	shalt  }
0x74: {  	_ =	shalt  }
0x75: {  	_ =	shalt  }
0x76: {  	_ =	shalt  }
0x77: {  	_ =	shalt  }
0x78: {  	_ =	shalt  }
0x79: {  	_ =	shalt  }
0x7a: {  	_ =	shalt  }
0x7b: {  	_ =	shalt  }
0x7c: {  	_ =	shalt  }
0x7d: {  	_ =	shalt  }
0x7e: {  	_ =	shalt  }
0x7f: {  	_ =	shalt  }
0x80: {  	_ =	shalt  }
0x81: {  	_ =	shalt  }
0x82: {  	_ =	shalt  }
0x83: {  	_ =	shalt  }
0x84: {  	_ =	shalt  }
0x85: {  	_ =	shalt  }
0x86: {  	_ =	shalt  }
0x87: {  	_ =	shalt  }
.Lfunc_end0:
.L_simem_size_0:
called_computation_lowered:
.L_overlay_start_0:
0x88: {  	s2 =	sld [smem:$0x3FD9]  }
0x89: {  	s3 =	sld [smem:$0x3FFE];
	_ =	sdelay $0x1  }
0x8a: {  	s1 =	srdreg.scid  }
0x8b: {  	s0 =	sand.u32 $0x1, s1  }
0x8c: {  	s17 =	sshll.u32 s0, $0xA;
	s2 =	sadd.s32 s3, s2  }
0x8d: {  	s2 =	sadd.s32 s2, s17  }
0x8e: {  	[smem:$0x3FC2] =	sst s2  }
0x8f: {  	_ = 	snop  }
0x90: {  	s2 =	sld [smem:$0x3FD0];
	(tm) =	ssettm $0x1  }
0x91: {  	s18 =	sld [smem:$0x3FFB];
	_ =	sdelay $0x3  }
0x92: {  	_ =	strace s18  }
0x93: {  	s3 =	sld [smem:$0x3FFC];
	_ =	sdelay $0x3  }
0x94: {  	_ =	strace s3  }
0x95: {  	s3 =	sld [smem:$0x3FFD];
	_ =	sdelay $0x3  }
0x96: {  	_ =	strace s3  }
0x97: {  	_ =	strace $0x8FFFFFFF  }
0x98: {  	s19 =	sld [smem:$0x3FDB];
	_ =	sdelay $0x1  }
0x99: {  	s4 =	simm.s32 $_scs_section_size  }
0x9a: {  	s5 =	simm.s32 $_size__tile_overlayer_lowered;
	s6 =	simm.s32 $_tile_overlayer_lowered  }
0x9b: {  	s22 =	simm.s32 $0x1BFF;
	s21 =	sshll.u32 s6, $0x1;
	s3 =	sadd.s32 s4, s19  }
0x9c: {  	s7 =	simm.s32 $0x0;
	s20 =	sshll.u32 s5, $0x1;
	s5 =	sadd.s32 s21, s3  }
0x9d: {  	[timem:s7], [sflag:s22] =	dma.local [hbm:s5], s20  }
0x9e: {  	_ =	swait.ge [sflag:s22], s20  }
0x9f: {  	s4 =	ssub.s32 $0x0, s20;
	[sflag:s22] =	ssyncset.done $0x0  }
0xa0: {  	[sflag:s22] =	ssyncadd.s32 s4;
	_ =	sdelay $0x1  }
0xa1: {  	s23 =	simm.s32 $0x1B8B  }
0xa2: {  	_ =	swait.ge [sflag:s23], $0x1  }
0xa3: {  	[sflag:s23] =	ssyncset.done $0x0  }
0xa4: {  	s25 =	simm.s32 $0x1B8E;
	s24 =	sld [smem:$0x3FFE];
	[sflag:s23] =	ssyncadd.s32 $0xFFFFFFFF  }
0xa5: {  	s26 =	simm.s32 $execute0_lowered;
	[smem:$0x3FD2] =	sst s25  }
0xa6: {  	s5 =	sshll.u32 s26, $0x1;
	_ =	strace $0x80000046;
	[dreg:$0x1] =	wrdreg $0xFFFFFFFF  }
0xa7: {  	s28 =	simm.s32 $_size_execute0_lowered;
	s3 =	sadd.s32 s3, s5;
	[dreg:$0x0] =	wrdreg $0x0  }
0xa8: {  	s5 =	sshll.u32 s28, $0x1;
	[dreg:$0x2] =	wrdreg s3  }
0xa9: {  	[dreg:$0x3] =	wrdreg s5  }
0xaa: {  	[dreg:$0x4] =	wrdreg $0xC0  }
0xab: {  	_ =	task [dreg:s7], $0x5FFFF  }
0xac: {  	[dreg:$0x1] =	wrdreg $0xFFFFFFFF  }
0xad: {  	[dreg:$0x0] =	wrdreg $0x60  }
0xae: {  	[dreg:$0x2] =	wrdreg s2  }
0xaf: {  	[dreg:$0x3] =	wrdreg s24  }
0xb0: {  	[dreg:$0x4] =	wrdreg $0x86800  }
0xb1: {  	[dreg:$0x5] =	wrdreg $0x1C9000  }
0xb2: {  	[dreg:$0x6] =	wrdreg $0x1CB800  }
0xb3: {  	[dreg:$0x7] =	wrdreg $0x1C6800  }
0xb4: {  	[dreg:$0x8] =	wrdreg $0x9  }
0xb5: {  	_ =	task.clear_ibuf [dreg:s7], $0x9FFFF;
	_ =	strace $0x90000046  }
0xb6: {  	s29 =	simm.s32 $0x9;
	_ =	strace $0x80000048  }
0xb7: {  	_ =	swait.ge [sflag:s29], $0x1  }
0xb8: {  	[sflag:s29] =	ssyncadd.s32 $0xFFFFFFFF  }
0xb9: {  	_ =	strace $0x90000048  }
0xba: {  	_ =	sfence  }
0xbb: {  	s30 =	sld [smem:$0x0];
	_ =	sdelay $0x2  }
0xbc: {  	s31 =	sshll.u32 s1, $0xD;
	s1 =	sshrl.u32 s1, $0x2  }
0xbd: {  	s3 =	sand.u32 $0x4000, s31;
	s1 =	sadd.s32 s1, s30  }
0xbe: {  	s0 =	sor.u32 s3, s0;
	s1 =	sshll.u32 s1, $0x11  }
0xbf: {  	s0 =	sor.u32 s1, s0  }
0xc0: {  	s0 =	sadd.s32 $0x8F2B, s0  }
0xc1: {  	[sflag:s0] =	ssyncadd.remote.s32 $0x1  }
0xc2: {  	_ =	sfence.sel $0xFFFF  }
0xc3: {  	[dreg:$0x0] =	wrdreg $0xFFFFFFFF;
	(pc) =	sbr.abs _section_cstart, $3  }
0xc4: {  	[dreg:$0x1] =	wrdreg $0xFFFFFFFF  }
0xc5: {  	_ =	task.clear_ibuf [dreg:s7], $0x2FFFF;
	_ =	strace $0x9FFFFFFF  }
0xc6: {  	(tm) =	ssettm $0x7FFFFFFF  }
0xc7: {  	_ =	shalt  }
tec
execute0_lowered:
.L_overlay_start_1:
0x0: {  	(tag) =	ssettag $0x1  }
0x1: {  	s0 =	rddreg [dreg:$0x0]  }
0x2: {  	s1 =	rddreg [dreg:$0x1]  }
0x3: {  	s2 =	rddreg [dreg:$0x2]  }
0x4: {  	s3 =	rddreg [dreg:$0x3]  }
0x5: {  	s4 =	rddreg [dreg:$0x4]  }
0x6: {  	s5 =	rddreg [dreg:$0x5];
	s6 =	srdreg.scid  }
0x7: {  	s8 =	simm.s32 $0x0;
	s17 =	stileid.u32;
	s6 =	sand.u32 $0x1, s6  }
0x8: {  	[smem:$0x7FF] =	sst s8;
	s10 =	smul.u32 $0x14000, s17;
	s8 =	sadd.s32 $0x1600, s1  }
0x9: {  	s9 =	sadd.s32 $0xB600, s1;
	s11 =	sadd.s32 $0x33600, s1;
	s16 =	smul.u32 $0x500, s17  }
0xa: {  	s18 =	sadd.s32 $0x33C00, s1;
	s12 =	sadd.s32 $0x34200, s1;
	s21 =	smul.u32 $0x50000, s17  }
0xb: {  	s15 =	smul.u32 $0x280, s17;
	_ =	strace $0x80000047;
	[dreg:$0x7] =	wrdreg s11  }
0xc: {  	p0 =	sne.s32 s17, $0x0;
	s7 =	smul.u32 $0x140000, s6;
	[dreg:$0x8] =	wrdreg s18  }
0xd: {  	s19 =	sshll.u32 s6, $0x7;
	[dreg:$0x9] =	wrdreg s12;
	s20 =	ssub.s32 $0x2, s6  }
0xe: {  	s6 =	sshll.u32 s6, $0x4;
	s22 =	sshrl.u32 s20, $0x1;
	s23 =	sshrl.u32 s21, $0x2  }
0xf: {  	s6 =	sor.u32 s17, s6;
	s24 =	sadd.s32 $0x80, s15;
	s14 =	sadd.s32 s15, s5  }
0x10: {  	s7 =	sadd.s32 s10, s7;
	s10 =	sor.u32 s19, s16;
	s13 =	sadd.s32 s23, s2  }
0x11: {  	s25 =	sshll.u32 s24, $0x7;
	s16 =	sadd.s32 $0x100, s15;
	s11 =	sadd.s32 s24, s5  }
0x12: {  	s19 =	smul.u32 $0x2800, s6;
	s7 =	sshrl.u32 s7, $0x3;
	s10 =	sshrl.u32 s10, $0x3  }
0x13: {  	s12 =	sadd.s32 s25, s2;
	[dreg:$0xb] =	wrdreg s11;
	s26 =	sshll.u32 s16, $0x7  }
0x14: {  	s7 =	sadd.s32 s7, s1;
	s1 =	sadd.s32 s10, s1;
	s10 =	ssub.s32 s20, s22  }
0x15: {  	[dreg:$0xa] =	wrdreg s12;
	s11 =	sadd.s32 s26, s2;
	s12 =	sadd.s32 s16, s5  }
0x16: {  	s16 =	sadd.s32 $0x180, s15;
	s15 =	sadd.s32 $0x200, s15;
	[dreg:$0xc] =	wrdreg s11  }
0x17: {  	s24 =	sshrl.u32 s19, $0x3;
	[dreg:$0xd] =	wrdreg s12;
	s18 =	sshll.u32 s16, $0x7  }
0x18: {  	s21 =	sadd.s32 s16, s5;
	s22 =	sshll.u32 s15, $0x7;
	s23 =	sadd.s32 s15, s5  }
0x19: {  	s25 =	sadd.s32 s0, s24;
	s26 =	sadd.s32 s8, s24;
	s29 =	sadd.s32 $0x34E00, s7  }
0x1a: {  	s30 =	sadd.s32 $0x34400, s1;
	s31 =	smax.u32 s10, $0x1;
	[dreg:$0xf] =	wrdreg s21  }
0x1b: {  	s1 =	simm.s32 $0x680;
	s7 =	simm.s32 $0x580;
	[dreg:$0x11] =	wrdreg s23  }
0x1c: {  	s10 =	simm.s32 $0x80;
	s11 =	simm.s32 $0x1;
	[dreg:$0x12] =	wrdreg s25  }
0x1d: {  	s12 =	simm.s32 $0xB;
	s20 =	sadd.s32 s18, s2;
	[dreg:$0x13] =	wrdreg s26  }
0x1e: {  	s15 =	simm.s32 $0xD;
	s6 =	sadd.s32 s22, s2;
	[dreg:$0xe] =	wrdreg s20  }
0x1f: {  	s16 =	simm.s32 $0x0;
	[dreg:$0x10] =	wrdreg s6;
	s6 =	sor.u32 $0x10, s24  }
0x20: {  	v0 =	vimm.f32 $0.0e+00;
	s26 =	sadd.s32 s0, s6;
	s28 =	sadd.s32 s8, s6;
	s6 =	simm.s32 $0xE  }
.LBB2_1:
0x21: {  	s17 =	simm.s32 $0x0;
	s18 =	rddreg [dreg:$0x9];
	s20 =	simm.s32 $0x500  }
0x22: {  	[tilespmem:s20], [sflag:$0xE] =	stream.linear.gather [hbm4b:s18+s17], $0x10, $0x38;
	[tilespmem:$0x1CE00] =	vst v63  }
0x23: {  	_ =	swait.ge [sflag:s6], $0x10  }
0x24: {  	s17 =	sshrl.u32 @!p0 s3, $0x3;
	[sflag:s6] =	ssyncset.done $0x0  }
0x25: {  	s18 =	simm.s32 @!p0 $0x1C0E;
	s20 =	rddreg [dreg:$0x7];
	[sflag:s6] =	ssyncadd.s32 $0xFFFFFFF0  }
0x26: {  	[spmem:s17], [sflag:s18] =	dma.local @!p0 [hbm:s20], $0x500  }
0x27: {  	s17 =	simm.s32 @!p0 $0xE  }
0x28: {  	_ =	swait.ge @!p0 [sflag:s17], $0x500  }
0x29: {  	[sflag:s17] =	ssyncset.done @!p0 $0x0  }
0x2a: {  	s20 =	sshrl.u32 @!p0 s4, $0x3;
	s21 =	rddreg [dreg:$0x8];
	[sflag:s17] =	ssyncadd.s32 @!p0 $0xFFFFFB00  }
0x2b: {  	[spmem:s20], [sflag:s18] =	dma.local @!p0 [hbm:s21], $0x500  }
0x2c: {  	_ =	swait.ge @!p0 [sflag:s17], $0x500  }
0x2d: {  	[sflag:s17] =	ssyncset.done @!p0 $0x0  }
0x2e: {  	s18 =	simm.s32 $0x200;
	[sflag:s17] =	ssyncadd.s32 @!p0 $0xFFFFFB00;
	s17 =	simm.s32 $0x0  }
.LBB2_2:
0x2f: {  	p1 =	sne.s32 s18, $0xFE00;
	[tilespmem:s17+$0x6F0] =	vst v0  }
0x30: {  	[tilespmem:s17+$0x680] =	vst v0  }
0x31: {  	[tilespmem:s17+$0x690] =	vst v0  }
.Ltmp0:
0x32: {  	[tilespmem:s17+$0x6A0] =	vst v0;
	(pc) =	sbr.rel @p1 .LBB2_2-.Ltmp0, $4  }
0x33: {  	[tilespmem:s17+$0x6B0] =	vst v0  }
0x34: {  	[tilespmem:s17+$0x6C0] =	vst v0  }
0x35: {  	[tilespmem:s17+$0x6D0] =	vst v0  }
0x36: {  	[tilespmem:s17+$0x6E0] =	vst v0;
	s17 =	sshra.s32 s18, $0x2;
	s18 =	sadd.s32 $0x200, s18  }
0x37: {  	[tilespmem:s17+$0x6F0] =	vst v0  }
0x38: {  	[tilespmem:s17+$0x680] =	vst v0  }
0x39: {  	[tilespmem:s17+$0x690] =	vst v0  }
0x3a: {  	[tilespmem:s17+$0x6A0] =	vst v0  }
0x3b: {  	[tilespmem:s17+$0x6B0] =	vst v0  }
0x3c: {  	[tilespmem:s17+$0x6C0] =	vst v0  }
0x3d: {  	[tilespmem:s17+$0x6D0] =	vst v0  }
0x3e: {  	[tilespmem:s17+$0x6E0] =	vst v0  }
0x3f: {  	[tilespmem:$0x580] =	vst v0  }
0x40: {  	[tilespmem:$0x590] =	vst v0  }
0x41: {  	[tilespmem:$0x5A0] =	vst v0  }
0x42: {  	[tilespmem:$0x5B0] =	vst v0  }
0x43: {  	[tilespmem:$0x5C0] =	vst v0  }
0x44: {  	[tilespmem:$0x5D0] =	vst v0  }
0x45: {  	[tilespmem:$0x5E0] =	vst v0  }
0x46: {  	[tilespmem:$0x5F0] =	vst v0  }
0x47: {  	[spmem:s13] =	stream.linear.scatter [tilespmem:s1], [sflag:$0xE], $0x4000, $0x38;
	[tilespmem:$0x1CE00] =	vst v63  }
0x48: {  	_ =	swait.ge [sflag:s6], $0x4000  }
0x49: {  	[sflag:s6] =	ssyncset.done $0x0  }
0x4a: {  	[sflag:s6] =	ssyncadd.s32 $0xFFFFC000  }
0x4b: {  	[spmem:s14] =	stream.linear.scatter [tilespmem:s7], [sflag:$0xE], $0x80, $0x38;
	[tilespmem:$0x1CE00] =	vst v63  }
0x4c: {  	_ =	swait.ge [sflag:s6], $0x80  }
0x4d: {  	[sflag:s6] =	ssyncset.done $0x0  }
0x4e: {  	s25 =	rddreg [dreg:$0xa];
	[sflag:s6] =	ssyncadd.s32 $0xFFFFFF80  }
0x4f: {  	[spmem:s25] =	stream.linear.scatter [tilespmem:s1], [sflag:$0xE], $0x4000, $0x38;
	[tilespmem:$0x1CE00] =	vst v63  }
0x50: {  	_ =	swait.ge [sflag:s6], $0x4000  }
0x51: {  	[sflag:s6] =	ssyncset.done $0x0  }
0x52: {  	s18 =	rddreg [dreg:$0xb];
	[sflag:s6] =	ssyncadd.s32 $0xFFFFC000  }
0x53: {  	[spmem:s18] =	stream.linear.scatter [tilespmem:s7], [sflag:$0xE], $0x80, $0x38;
	[tilespmem:$0x1CE00] =	vst v63  }
0x54: {  	_ =	swait.ge [sflag:s6], $0x80  }
0x55: {  	[sflag:s6] =	ssyncset.done $0x0  }
0x56: {  	s20 =	rddreg [dreg:$0xc];
	[sflag:s6] =	ssyncadd.s32 $0xFFFFFF80  }
0x57: {  	[spmem:s20] =	stream.linear.scatter [tilespmem:s1], [sflag:$0xE], $0x4000, $0x38;
	[tilespmem:$0x1CE00] =	vst v63  }
0x58: {  	_ =	swait.ge [sflag:s6], $0x4000  }
0x59: {  	[sflag:s6] =	ssyncset.done $0x0  }
0x5a: {  	s21 =	rddreg [dreg:$0xd];
	[sflag:s6] =	ssyncadd.s32 $0xFFFFC000  }
0x5b: {  	[spmem:s21] =	stream.linear.scatter [tilespmem:s7], [sflag:$0xE], $0x80, $0x38;
	[tilespmem:$0x1CE00] =	vst v63  }
0x5c: {  	_ =	swait.ge [sflag:s6], $0x80  }
0x5d: {  	[sflag:s6] =	ssyncset.done $0x0  }
0x5e: {  	s22 =	rddreg [dreg:$0xe];
	[sflag:s6] =	ssyncadd.s32 $0xFFFFFF80  }
0x5f: {  	[spmem:s22] =	stream.linear.scatter [tilespmem:s1], [sflag:$0xE], $0x4000, $0x38;
	[tilespmem:$0x1CE00] =	vst v63  }
0x60: {  	_ =	swait.ge [sflag:s6], $0x4000  }
0x61: {  	[sflag:s6] =	ssyncset.done $0x0  }
0x62: {  	s23 =	rddreg [dreg:$0xf];
	[sflag:s6] =	ssyncadd.s32 $0xFFFFC000  }
0x63: {  	[spmem:s23] =	stream.linear.scatter [tilespmem:s7], [sflag:$0xE], $0x80, $0x38;
	[tilespmem:$0x1CE00] =	vst v63  }
0x64: {  	_ =	swait.ge [sflag:s6], $0x80  }
0x65: {  	[sflag:s6] =	ssyncset.done $0x0  }
0x66: {  	s24 =	rddreg [dreg:$0x10];
	[sflag:s6] =	ssyncadd.s32 $0xFFFFFF80  }
0x67: {  	[spmem:s24] =	stream.linear.scatter [tilespmem:s1], [sflag:$0xE], $0x4000, $0x38;
	[tilespmem:$0x1CE00] =	vst v63  }
0x68: {  	_ =	swait.ge [sflag:s6], $0x4000  }
0x69: {  	[sflag:s6] =	ssyncset.done $0x0  }
0x6a: {  	s25 =	rddreg [dreg:$0x11];
	[sflag:s6] =	ssyncadd.s32 $0xFFFFC000  }
0x6b: {  	[spmem:s25] =	stream.linear.scatter [tilespmem:s7], [sflag:$0xE], $0x80, $0x38;
	[tilespmem:$0x1CE00] =	vst v63  }
0x6c: {  	_ =	swait.ge [sflag:s6], $0x80  }
0x6d: {  	[sflag:s6] =	ssyncset.done $0x0  }
0x6e: {  	[sflag:s6] =	ssyncadd.s32 $0xFFFFFF80  }
0x6f: {  	[bflag:$0x0] =	sbarrier.arrive $0xFFFF  }
0x70: {  	s20 =	simm.s32 $0x0;
	s18 =	rddreg [dreg:$0x12]  }
0x71: {  	v1 =	vld [tilespmem:$0x500];
	[tilespmem:s20], [sflag:$0x1] =	stream.linear.gather [hbm4b:s18+s20], $0x80, $0x38  }
0x72: {  	s21 =	rddreg [dreg:$0x13]  }
0x73: {  	[tilespmem:s10], [sflag:$0x1] =	stream.linear.gather [hbm4b:s21+s20], $0x80, $0x38;
	[tilespmem:$0x1CE00] =	vst v63  }
0x74: {  	s22 =	simm.s32 $0x100  }
0x75: {  	[tilespmem:s22], [sflag:$0x2] =	stream.linear.gather [hbm4b:s26+s20], $0x80, $0x38;
	[tilespmem:$0x1CE00] =	vst v63  }
0x76: {  	s23 =	simm.s32 $0x180  }
0x77: {  	[tilespmem:s23], [sflag:$0x2] =	stream.linear.gather [hbm4b:s28+s20], $0x80, $0x38;
	[tilespmem:$0x1CE00] =	vst v63  }
0x78: {  	_ =	swait.ge [sflag:s11], $0x80  }
0x79: {  	[sflag:s11] =	ssyncset.done $0x0  }
0x7a: {  	[sflag:s11] =	ssyncadd.s32 $0xFFFFFF80  }
0x7b: {  	_ =	swait.ge [sflag:s11], $0x80  }
0x7c: {  	[sflag:s11] =	ssyncset.done $0x0  }
0x7d: {  	s24 =	simm.s32 $0x300;
	[sflag:s11] =	ssyncadd.s32 $0xFFFFFF80  }
0x7e: {  	[tilespmem:s24], [sflag:$0x4] =	stream.indirect.gather [spmem:s3], $0x1, s20, s10, $0xb8;
	[tilespmem:$0x1CE00] =	vst v63  }
0x7f: {  	s25 =	simm.s32 $0x400  }
0x80: {  	[tilespmem:s25], [sflag:$0x6] =	stream.indirect.gather [spmem:s4], $0x1, s10, s10, $0xb8;
	[tilespmem:$0x1CE00] =	vst v63  }
0x81: {  	_ = 	snop  }
0x82: {  	[tilespmem:s1], [sflag:$0x8] =	stream.indirect.gather [hbm4b:s9+s10], $0x80, s10, s10, $0xb8;
	[tilespmem:$0x1CE00] =	vst v63  }
.LBB2_4:
0x83: {  	s17 =	sand.u32 $0x1, s20  }
0x84: {  	p1 =	seq.s32 s20, $0x0;
	s21 =	sxor.u32 $0x1, s17  }
0x85: {  	p2 =	seq.s32 @!p1 s20, $0x4F;
	s18 =	sor.u32 @!p1 $0xA, s21  }
0x86: {  	p2 =	por p1, !p2;
	_ =	swait.ge @!p1 [sflag:s18], $0x4000  }
.Ltmp1:
0x87: {  	[sflag:s18] =	ssyncset.done @!p1 $0x0;
	(pc) =	sbr.rel @!p2 .LBB2_6-.Ltmp1, $4  }
0x88: {  	[sflag:s18] =	ssyncadd.s32 @!p1 $0xFFFFC000;
	s18 =	sor.u32 @!p1 $0xC, s21  }
0x89: {  	_ =	swait.ge @!p1 [sflag:s18], $0x80  }
0x8a: {  	[sflag:s18] =	ssyncset.done @!p1 $0x0  }
0x8b: {  	[sflag:s18] =	ssyncadd.s32 @!p1 $0xFFFFFF80;
	s18 =	simm.s32 @!p1 $0x50  }
0x8c: {  	s18 =	sadd.s32 @!p1 $0x1, s20  }
0x8d: {  	s18 =	simm.s32 @p1 $0x1  }
0x8e: {  	s22 =	smul.u32 $0xAB, s18;
	_ =	sdelay $0x1  }
0x8f: {  	s22 =	sshrl.u32 s22, $0x9  }
0x90: {  	s22 =	sand.u32 $0x7F, s22  }
0x91: {  	s22 =	smul.u32 $0x3, s22;
	_ =	sdelay $0x1  }
0x92: {  	s22 =	ssub.s32 s18, s22  }
0x93: {  	s22 =	sand.u32 $0xFF, s22  }
0x94: {  	s23 =	sadd.s32 $0x1, s22  }
0x95: {  	_ =	swait.ge [sflag:s23], $0x80  }
0x96: {  	[sflag:s23] =	ssyncset.done $0x0  }
0x97: {  	[sflag:s23] =	ssyncadd.s32 $0xFFFFFF80  }
0x98: {  	s24 =	sshll.u32 s21, $0x7;
	_ =	swait.ge [sflag:s23], $0x80  }
0x99: {  	s25 =	sor.u32 $0x4, s21;
	p1 =	sgt.u32 s20, $0x4D;
	[sflag:s23] =	ssyncset.done $0x0  }
0x9a: {  	s22 =	sshll.u32 s22, $0x8;
	[sflag:s23] =	ssyncadd.s32 $0xFFFFFF80;
	s23 =	sor.u32 $0x300, s24  }
0x9b: {  	[tilespmem:s23], [sflag:s25] =	stream.indirect.gather [spmem:s3], $0x1, s22, s10, $0xb8;
	[tilespmem:$0x1CE00] =	vst v63  }
0x9c: {  	s24 =	sor.u32 $0x400, s24;
	s22 =	sor.u32 $0x80, s22;
	s25 =	sor.u32 $0x6, s21  }
0x9d: {  	[tilespmem:s24], [sflag:s25] =	stream.indirect.gather [spmem:s4], $0x1, s22, s10, $0xb8;
	[tilespmem:$0x1CE00] =	vst v63  }
0x9e: {  	s25 =	sshll.u32 s21, $0xE;
	s24 =	sadd.s32 @!p1 $0x2, s20  }
0x9f: {  	s21 =	sor.u32 $0x8, s21;
	s23 =	sor.u32 $0x680, s25;
	s25 =	smul.u32 @!p1 $0xAB, s24  }
0xa0: {  	[tilespmem:s23], [sflag:s21] =	stream.indirect.gather [hbm4b:s9+s10], $0x80, s22, s10, $0xb8;
	[tilespmem:$0x1CE00] =	vst v63  }
0xa1: {  	s21 =	sshrl.u32 @!p1 s25, $0x9  }
0xa2: {  	s22 =	sshll.u32 @!p1 s24, $0x7;
	s21 =	sand.u32 @!p1 $0x7F, s21  }
0xa3: {  	s23 =	sand.u32 @!p1 $0x7C00, s22;
	s21 =	smul.u32 @!p1 $0x3, s21  }
0xa4: {  	s22 =	sand.u32 @!p1 $0x380, s22;
	s23 =	sadd.s32 @!p1 s19, s23  }
0xa5: {  	s22 =	sor.u32 @!p1 s22, s23;
	s21 =	ssub.s32 @!p1 s24, s21  }
0xa6: {  	s25 =	simm.s32 @!p1 $0x0;
	s22 =	sshrl.u32 @!p1 s22, $0x3;
	s21 =	sand.u32 @!p1 $0xFF, s21  }
0xa7: {  	s24 =	sadd.s32 @!p1 s0, s22;
	s23 =	sadd.s32 @!p1 $0x1, s21;
	s21 =	sshll.u32 @!p1 s21, $0x8  }
0xa8: {  	[tilespmem:s21], [sflag:s23] =	stream.linear.gather @!p1 [hbm4b:s24+s25], $0x80, $0x38;
	[tilespmem:$0x1CE00] =	vst v63  }
0xa9: {  	s22 =	sadd.s32 @!p1 s8, s22;
	s21 =	sor.u32 @!p1 $0x80, s21  }
0xaa: {  	[tilespmem:s21], [sflag:s23] =	stream.linear.gather @!p1 [hbm4b:s22+s25], $0x80, $0x38;
	[tilespmem:$0x1CE00] =	vst v63  }
.LBB2_6:
0xab: {  	s21 =	sor.u32 $0x4, s17  }
0xac: {  	_ =	swait.ge [sflag:s21], $0x80  }
0xad: {  	[sflag:s21] =	ssyncset.done $0x0  }
0xae: {  	s23 =	sor.u32 $0x6, s17;
	[sflag:s21] =	ssyncadd.s32 $0xFFFFFF80  }
0xaf: {  	_ =	swait.ge [sflag:s23], $0x80  }
0xb0: {  	[sflag:s23] =	ssyncset.done $0x0  }
0xb1: {  	s24 =	sor.u32 $0x8, s17;
	[sflag:s23] =	ssyncadd.s32 $0xFFFFFF80  }
0xb2: {  	_ =	swait.ge [sflag:s24], $0x4000  }
0xb3: {  	[sflag:s24] =	ssyncset.done $0x0  }
0xb4: {  	s23 =	sshll.u32 s17, $0x7;
	[sflag:s24] =	ssyncadd.s32 $0xFFFFC000  }
0xb5: {  	v2 =	vld [tilespmem:s23+$0x300]  }
0xb6: {  	v3 =	vld [tilespmem:s23+$0x400]  }
0xb7: {  	v4 =	vld [tilespmem:s23+$0x310]  }
0xb8: {  	v5 =	vld [tilespmem:s23+$0x410];
	_ =	sdelay $0x1  }
0xb9: {  	v6 =	vld [tilespmem:s23+$0x320]  }
0xba: {  	v7 =	vld [tilespmem:s23+$0x420]  }
0xbb: {  	v8 =	vld [tilespmem:s23+$0x430];
	v2 =	vadd.f32 v3, v2  }
0xbc: {  	v10 =	vld [tilespmem:s23+$0x340];
	v3 =	vadd.f32 v5, v4  }
0xbd: {  	v12 =	vld [tilespmem:s23+$0x360];
	v5 =	vmul.f32 $2.000000030e-01, v2  }
0xbe: {  	v59 =	vld [tilespmem:s23+$0x460];
	vm0 =	vgt.f32 v2, $0.0e+00;
	v9 =	vmul.f32 $2.000000030e-01, v3  }
0xbf: {  	v4 =	vld [tilespmem:s23+$0x330];
	vm9 =	vgt.f32 v3, $0.0e+00;
	v2 =	vsel vm0, v2, v5;
	v5 =	vadd.f32 v7, v6  }
0xc0: {  	v56 =	vld [tilespmem:s23+$0x440];
	v3 =	vsel vm9, v3, v9;
	v2 =	vsub.f32 v2, v1  }
0xc1: {  	v57 =	vld [tilespmem:s23+$0x350];
	v3 =	vsub.f32 v3, v1;
	v58 =	vmul.f32 $2.000000030e-01, v5  }
0xc2: {  	v11 =	vld [tilespmem:s23+$0x450];
	vm10 =	vgt.f32 v5, $0.0e+00;
	v2 =	vmul.f32 $1.442695020e+00, v2  }
0xc3: {  	v60 =	vld [tilespmem:s23+$0x470];
	v61 =	vadd.f32 v59, v12;
	v3 =	vmul.f32 $1.442695020e+00, v3;
	v5 =	vsel vm10, v5, v58  }
0xc4: {  	v4 =	vadd.f32 v8, v4;
	(erf) = vpow2.f32 v2;
	v2 =	vsub.f32 v5, v1;
	v5 =	vld [tilespmem:s23+$0x370]  }
0xc5: {  	v62 =	vmul.f32 $2.000000030e-01, v61;
	(erf) = vpow2.f32 v3;
	v3 =	vadd.f32 v56, v10  }
0xc6: {  	vm14 =	vgt.f32 v61, $0.0e+00;
	v8 =	vmul.f32 $2.000000030e-01, v4;
	v2 =	vmul.f32 $1.442695020e+00, v2  }
0xc7: {  	v7 =	vadd.f32 v11, v57;
	vm11 =	vgt.f32 v4, $0.0e+00;
	v10 =	vmul.f32 $2.000000030e-01, v3  }
0xc8: {  	v4 =	vsel vm11, v4, v8;
	vm12 =	vgt.f32 v3, $0.0e+00;
	(erf) = vpow2.f32 v2  }
0xc9: {  	v2 =	vsel vm12, v3, v10;
	v3 =	vmul.f32 $2.000000030e-01, v7;
	v5 =	vadd.f32 v60, v5  }
0xca: {  	v6 =	vsel vm14, v61, v62;
	vm13 =	vgt.f32 v7, $0.0e+00;
	v4 =	vsub.f32 v4, v1  }
0xcb: {  	v2 =	vsub.f32 v2, v1;
	v3 =	vsel vm13, v7, v3;
	v63 =	vmul.f32 $2.000000030e-01, v5  }
0xcc: {  	v4 =	vmul.f32 $1.442695020e+00, v4;
	vm15 =	vgt.f32 v5, $0.0e+00;
	v3 =	vsub.f32 v3, v1  }
0xcd: {  	v6 =	vsub.f32 v6, v1;
	v2 =	vmul.f32 $1.442695020e+00, v2;
	v5 =	vsel vm15, v5, v63  }
0xce: {  	(erf) = vpow2.f32 v4;
	v3 =	vmul.f32 $1.442695020e+00, v3;
	v4 =	vsub.f32 v5, v1  }
0xcf: {  	(erf) = vpow2.f32 v2;
	v2 =	vmul.f32 $1.442695020e+00, v6  }
0xd0: {  	(erf) = vpow2.f32 v3;
	v3 =	vmul.f32 $1.442695020e+00, v4  }
0xd1: {  	(erf) = vpow2.f32 v2  }
0xd2: {  	(erf) = vpow2.f32 v3;
	_ =	sdelay $0x1  }
0xd3: {  	v2 =	vpop (erf)  }
0xd4: {  	s25 =	smul.u32 $0xAB, s20;
	v3 =	vpop (erf)  }
0xd5: {  	[tilespmem:s23+$0x580] =	vst v2;
	v2 =	vpop (erf)  }
0xd6: {  	s21 =	sshrl.u32 s25, $0x9;
	[tilespmem:s23+$0x590] =	vst v3;
	v3 =	vpop (erf)  }
0xd7: {  	s21 =	sand.u32 $0x7F, s21;
	[tilespmem:s23+$0x5A0] =	vst v2;
	v2 =	vpop (erf)  }
0xd8: {  	s21 =	smul.u32 $0x3, s21;
	[tilespmem:s23+$0x5B0] =	vst v3;
	v3 =	vpop (erf)  }
0xd9: {  	[tilespmem:s23+$0x5C0] =	vst v2;
	v2 =	vpop (erf)  }
0xda: {  	s24 =	ssub.s32 s20, s21;
	s20 =	sadd.s32 $0x580, s23;
	[tilespmem:s23+$0x5E0] =	vst v2;
	v2 =	vpop (erf)  }
0xdb: {  	s22 =	sshll.u32 s17, $0xE;
	[tilespmem:s23+$0x5F0] =	vst v2;
	v2 =	vmov s20  }
0xdc: {  	s21 =	sor.u32 $0x680, s22  }
0xdd: {  	s22 =	sand.u32 $0xFF, s24;
	[tilespmem:s23+$0x5D0] =	vst v3;
	v3 =	vmov s21;
	s23 =	simm.s32 $0x0  }
.LBB2_7:
0xde: {  	s24 =	sshll.u32 s23, $0x4  }
0xdf: {  	s24 =	sand.u32 $0x3FFFFFF0, s24  }
0xe0: {  	s25 =	sshll.u32 s23, $0xB;
	v4 =	vld.idx.msk [tilespmem:v2+s24+$0x0 ss:$0x1], $0xffff  }
0xe1: {  	s24 =	sand.u32 $0x3FFFF800, s25  }
0xe2: {  	v5 =	vld.idx.msk [tilespmem:v3+s24+$0x0 ss:$0x1], $0xffff;
	_ =	sdelay $0x2  }
0xe3: {  	v6 =	vbroadcast v4, $0x0;
	_ =	sdelay $0x1  }
0xe4: {  	v5 =	vmul.f32 v6, v5;
	_ =	sdelay $0x1  }
0xe5: {  	[tilespmem:v3+s24+$0x0 ss:$0x1] =	vst.idx.msk $0xffff, v5  }
0xe6: {  	v5 =	vld.idx.msk [tilespmem:v3+s24+$0x10 ss:$0x1], $0xffff;
	_ =	sdelay $0x4  }
0xe7: {  	v5 =	vmul.f32 v5, v6;
	_ =	sdelay $0x1  }
0xe8: {  	[tilespmem:v3+s24+$0x10 ss:$0x1] =	vst.idx.msk $0xffff, v5  }
0xe9: {  	v5 =	vld.idx.msk [tilespmem:v3+s24+$0x20 ss:$0x1], $0xffff;
	_ =	sdelay $0x4  }
0xea: {  	v5 =	vmul.f32 v5, v6;
	_ =	sdelay $0x1  }
0xeb: {  	[tilespmem:v3+s24+$0x20 ss:$0x1] =	vst.idx.msk $0xffff, v5  }
0xec: {  	v5 =	vld.idx.msk [tilespmem:v3+s24+$0x30 ss:$0x1], $0xffff;
	_ =	sdelay $0x4  }
0xed: {  	v5 =	vmul.f32 v5, v6;
	_ =	sdelay $0x1  }
0xee: {  	[tilespmem:v3+s24+$0x30 ss:$0x1] =	vst.idx.msk $0xffff, v5  }
0xef: {  	v5 =	vld.idx.msk [tilespmem:v3+s24+$0x40 ss:$0x1], $0xffff;
	_ =	sdelay $0x4  }
0xf0: {  	v5 =	vmul.f32 v5, v6;
	_ =	sdelay $0x1  }
0xf1: {  	[tilespmem:v3+s24+$0x40 ss:$0x1] =	vst.idx.msk $0xffff, v5  }
0xf2: {  	v5 =	vld.idx.msk [tilespmem:v3+s24+$0x50 ss:$0x1], $0xffff;
	_ =	sdelay $0x4  }
0xf3: {  	v5 =	vmul.f32 v5, v6;
	_ =	sdelay $0x1  }
0xf4: {  	[tilespmem:v3+s24+$0x50 ss:$0x1] =	vst.idx.msk $0xffff, v5  }
0xf5: {  	v5 =	vld.idx.msk [tilespmem:v3+s24+$0x60 ss:$0x1], $0xffff;
	_ =	sdelay $0x4  }
0xf6: {  	v5 =	vmul.f32 v5, v6;
	_ =	sdelay $0x1  }
0xf7: {  	[tilespmem:v3+s24+$0x60 ss:$0x1] =	vst.idx.msk $0xffff, v5  }
0xf8: {  	v5 =	vld.idx.msk [tilespmem:v3+s24+$0x70 ss:$0x1], $0xffff;
	_ =	sdelay $0x4  }
0xf9: {  	v5 =	vmul.f32 v5, v6;
	_ =	sdelay $0x1  }
0xfa: {  	[tilespmem:v3+s24+$0x70 ss:$0x1] =	vst.idx.msk $0xffff, v5  }
0xfb: {  	v5 =	vld.idx.msk [tilespmem:v3+s24+$0x80 ss:$0x1], $0xffff;
	_ =	sdelay $0x2  }
0xfc: {  	v50 =	vbroadcast v4, $0x1;
	_ =	sdelay $0x1  }
0xfd: {  	v5 =	vmul.f32 v5, v50;
	_ =	sdelay $0x1  }
0xfe: {  	[tilespmem:v3+s24+$0x80 ss:$0x1] =	vst.idx.msk $0xffff, v5  }
0xff: {  	v5 =	vld.idx.msk [tilespmem:v3+s24+$0x90 ss:$0x1], $0xffff;
	_ =	sdelay $0x4  }
0x100: {  	v5 =	vmul.f32 v5, v50;
	_ =	sdelay $0x1  }
0x101: {  	[tilespmem:v3+s24+$0x90 ss:$0x1] =	vst.idx.msk $0xffff, v5  }
0x102: {  	v5 =	vld.idx.msk [tilespmem:v3+s24+$0xA0 ss:$0x1], $0xffff;
	_ =	sdelay $0x4  }
0x103: {  	v5 =	vmul.f32 v5, v50;
	_ =	sdelay $0x1  }
0x104: {  	[tilespmem:v3+s24+$0xA0 ss:$0x1] =	vst.idx.msk $0xffff, v5  }
0x105: {  	v5 =	vld.idx.msk [tilespmem:v3+s24+$0xB0 ss:$0x1], $0xffff;
	_ =	sdelay $0x4  }
0x106: {  	v5 =	vmul.f32 v5, v50;
	_ =	sdelay $0x1  }
0x107: {  	[tilespmem:v3+s24+$0xB0 ss:$0x1] =	vst.idx.msk $0xffff, v5  }
0x108: {  	v5 =	vld.idx.msk [tilespmem:v3+s24+$0xC0 ss:$0x1], $0xffff;
	_ =	sdelay $0x4  }
0x109: {  	v5 =	vmul.f32 v5, v50;
	_ =	sdelay $0x1  }
0x10a: {  	[tilespmem:v3+s24+$0xC0 ss:$0x1] =	vst.idx.msk $0xffff, v5  }
0x10b: {  	v5 =	vld.idx.msk [tilespmem:v3+s24+$0xD0 ss:$0x1], $0xffff;
	_ =	sdelay $0x4  }
0x10c: {  	v5 =	vmul.f32 v5, v50;
	_ =	sdelay $0x1  }
0x10d: {  	[tilespmem:v3+s24+$0xD0 ss:$0x1] =	vst.idx.msk $0xffff, v5  }
0x10e: {  	v5 =	vld.idx.msk [tilespmem:v3+s24+$0xE0 ss:$0x1], $0xffff;
	_ =	sdelay $0x4  }
0x10f: {  	v5 =	vmul.f32 v5, v50;
	_ =	sdelay $0x1  }
0x110: {  	[tilespmem:v3+s24+$0xE0 ss:$0x1] =	vst.idx.msk $0xffff, v5  }
0x111: {  	v5 =	vld.idx.msk [tilespmem:v3+s24+$0xF0 ss:$0x1], $0xffff;
	_ =	sdelay $0x4  }
0x112: {  	v5 =	vmul.f32 v5, v50;
	_ =	sdelay $0x1  }
0x113: {  	[tilespmem:v3+s24+$0xF0 ss:$0x1] =	vst.idx.msk $0xffff, v5  }
0x114: {  	v5 =	vld.idx.msk [tilespmem:v3+s24+$0x100 ss:$0x1], $0xffff;
	_ =	sdelay $0x2  }
0x115: {  	v51 =	vbroadcast v4, $0x2;
	_ =	sdelay $0x1  }
0x116: {  	v5 =	vmul.f32 v5, v51;
	_ =	sdelay $0x1  }
0x117: {  	[tilespmem:v3+s24+$0x100 ss:$0x1] =	vst.idx.msk $0xffff, v5  }
0x118: {  	v5 =	vld.idx.msk [tilespmem:v3+s24+$0x110 ss:$0x1], $0xffff;
	_ =	sdelay $0x4  }
0x119: {  	v5 =	vmul.f32 v5, v51;
	_ =	sdelay $0x1  }
0x11a: {  	[tilespmem:v3+s24+$0x110 ss:$0x1] =	vst.idx.msk $0xffff, v5  }
0x11b: {  	v5 =	vld.idx.msk [tilespmem:v3+s24+$0x120 ss:$0x1], $0xffff;
	_ =	sdelay $0x4  }
0x11c: {  	v5 =	vmul.f32 v5, v51;
	_ =	sdelay $0x1  }
0x11d: {  	[tilespmem:v3+s24+$0x120 ss:$0x1] =	vst.idx.msk $0xffff, v5  }
0x11e: {  	v5 =	vld.idx.msk [tilespmem:v3+s24+$0x130 ss:$0x1], $0xffff;
	_ =	sdelay $0x4  }
0x11f: {  	v5 =	vmul.f32 v5, v51;
	_ =	sdelay $0x1  }
0x120: {  	[tilespmem:v3+s24+$0x130 ss:$0x1] =	vst.idx.msk $0xffff, v5  }
0x121: {  	v5 =	vld.idx.msk [tilespmem:v3+s24+$0x140 ss:$0x1], $0xffff;
	_ =	sdelay $0x4  }
0x122: {  	v5 =	vmul.f32 v5, v51;
	_ =	sdelay $0x1  }
0x123: {  	[tilespmem:v3+s24+$0x140 ss:$0x1] =	vst.idx.msk $0xffff, v5  }
0x124: {  	v5 =	vld.idx.msk [tilespmem:v3+s24+$0x150 ss:$0x1], $0xffff;
	_ =	sdelay $0x4  }
0x125: {  	v5 =	vmul.f32 v5, v51;
	_ =	sdelay $0x1  }
0x126: {  	[tilespmem:v3+s24+$0x150 ss:$0x1] =	vst.idx.msk $0xffff, v5  }
0x127: {  	v5 =	vld.idx.msk [tilespmem:v3+s24+$0x160 ss:$0x1], $0xffff;
	_ =	sdelay $0x4  }
0x128: {  	v5 =	vmul.f32 v5, v51;
	_ =	sdelay $0x1  }
0x129: {  	[tilespmem:v3+s24+$0x160 ss:$0x1] =	vst.idx.msk $0xffff, v5  }
0x12a: {  	v5 =	vld.idx.msk [tilespmem:v3+s24+$0x170 ss:$0x1], $0xffff;
	_ =	sdelay $0x4  }
0x12b: {  	v5 =	vmul.f32 v5, v51;
	_ =	sdelay $0x1  }
0x12c: {  	[tilespmem:v3+s24+$0x170 ss:$0x1] =	vst.idx.msk $0xffff, v5  }
0x12d: {  	v5 =	vld.idx.msk [tilespmem:v3+s24+$0x180 ss:$0x1], $0xffff;
	_ =	sdelay $0x2  }
0x12e: {  	v52 =	vbroadcast v4, $0x3;
	_ =	sdelay $0x1  }
0x12f: {  	v5 =	vmul.f32 v5, v52;
	_ =	sdelay $0x1  }
0x130: {  	[tilespmem:v3+s24+$0x180 ss:$0x1] =	vst.idx.msk $0xffff, v5  }
0x131: {  	v5 =	vld.idx.msk [tilespmem:v3+s24+$0x190 ss:$0x1], $0xffff;
	_ =	sdelay $0x4  }
0x132: {  	v5 =	vmul.f32 v5, v52;
	_ =	sdelay $0x1  }
0x133: {  	[tilespmem:v3+s24+$0x190 ss:$0x1] =	vst.idx.msk $0xffff, v5  }
0x134: {  	v5 =	vld.idx.msk [tilespmem:v3+s24+$0x1A0 ss:$0x1], $0xffff;
	_ =	sdelay $0x4  }
0x135: {  	v5 =	vmul.f32 v5, v52;
	_ =	sdelay $0x1  }
0x136: {  	[tilespmem:v3+s24+$0x1A0 ss:$0x1] =	vst.idx.msk $0xffff, v5  }
0x137: {  	v5 =	vld.idx.msk [tilespmem:v3+s24+$0x1B0 ss:$0x1], $0xffff;
	_ =	sdelay $0x4  }
0x138: {  	v5 =	vmul.f32 v5, v52;
	_ =	sdelay $0x1  }
0x139: {  	[tilespmem:v3+s24+$0x1B0 ss:$0x1] =	vst.idx.msk $0xffff, v5  }
0x13a: {  	v5 =	vld.idx.msk [tilespmem:v3+s24+$0x1C0 ss:$0x1], $0xffff;
	_ =	sdelay $0x4  }
0x13b: {  	v5 =	vmul.f32 v5, v52;
	_ =	sdelay $0x1  }
0x13c: {  	[tilespmem:v3+s24+$0x1C0 ss:$0x1] =	vst.idx.msk $0xffff, v5  }
0x13d: {  	v5 =	vld.idx.msk [tilespmem:v3+s24+$0x1D0 ss:$0x1], $0xffff;
	_ =	sdelay $0x4  }
0x13e: {  	v5 =	vmul.f32 v5, v52;
	_ =	sdelay $0x1  }
0x13f: {  	[tilespmem:v3+s24+$0x1D0 ss:$0x1] =	vst.idx.msk $0xffff, v5  }
0x140: {  	v5 =	vld.idx.msk [tilespmem:v3+s24+$0x1E0 ss:$0x1], $0xffff;
	_ =	sdelay $0x4  }
0x141: {  	v5 =	vmul.f32 v5, v52;
	_ =	sdelay $0x1  }
0x142: {  	[tilespmem:v3+s24+$0x1E0 ss:$0x1] =	vst.idx.msk $0xffff, v5  }
0x143: {  	v5 =	vld.idx.msk [tilespmem:v3+s24+$0x1F0 ss:$0x1], $0xffff;
	_ =	sdelay $0x4  }
0x144: {  	v5 =	vmul.f32 v5, v52;
	_ =	sdelay $0x1  }
0x145: {  	[tilespmem:v3+s24+$0x1F0 ss:$0x1] =	vst.idx.msk $0xffff, v5  }
0x146: {  	v5 =	vld.idx.msk [tilespmem:v3+s24+$0x200 ss:$0x1], $0xffff;
	_ =	sdelay $0x2  }
0x147: {  	v53 =	vbroadcast v4, $0x4;
	_ =	sdelay $0x1  }
0x148: {  	v5 =	vmul.f32 v5, v53;
	_ =	sdelay $0x1  }
0x149: {  	[tilespmem:v3+s24+$0x200 ss:$0x1] =	vst.idx.msk $0xffff, v5  }
0x14a: {  	v5 =	vld.idx.msk [tilespmem:v3+s24+$0x210 ss:$0x1], $0xffff;
	_ =	sdelay $0x4  }
0x14b: {  	v5 =	vmul.f32 v5, v53;
	_ =	sdelay $0x1  }
0x14c: {  	[tilespmem:v3+s24+$0x210 ss:$0x1] =	vst.idx.msk $0xffff, v5  }
0x14d: {  	v5 =	vld.idx.msk [tilespmem:v3+s24+$0x220 ss:$0x1], $0xffff;
	_ =	sdelay $0x4  }
0x14e: {  	v5 =	vmul.f32 v5, v53;
	_ =	sdelay $0x1  }
0x14f: {  	[tilespmem:v3+s24+$0x220 ss:$0x1] =	vst.idx.msk $0xffff, v5  }
0x150: {  	v5 =	vld.idx.msk [tilespmem:v3+s24+$0x230 ss:$0x1], $0xffff;
	_ =	sdelay $0x4  }
0x151: {  	v5 =	vmul.f32 v5, v53;
	_ =	sdelay $0x1  }
0x152: {  	[tilespmem:v3+s24+$0x230 ss:$0x1] =	vst.idx.msk $0xffff, v5  }
0x153: {  	v5 =	vld.idx.msk [tilespmem:v3+s24+$0x240 ss:$0x1], $0xffff;
	_ =	sdelay $0x4  }
0x154: {  	v5 =	vmul.f32 v5, v53;
	_ =	sdelay $0x1  }
0x155: {  	[tilespmem:v3+s24+$0x240 ss:$0x1] =	vst.idx.msk $0xffff, v5  }
0x156: {  	v5 =	vld.idx.msk [tilespmem:v3+s24+$0x250 ss:$0x1], $0xffff;
	_ =	sdelay $0x4  }
0x157: {  	v5 =	vmul.f32 v5, v53;
	_ =	sdelay $0x1  }
0x158: {  	[tilespmem:v3+s24+$0x250 ss:$0x1] =	vst.idx.msk $0xffff, v5  }
0x159: {  	v5 =	vld.idx.msk [tilespmem:v3+s24+$0x260 ss:$0x1], $0xffff;
	_ =	sdelay $0x4  }
0x15a: {  	v5 =	vmul.f32 v5, v53;
	_ =	sdelay $0x1  }
0x15b: {  	[tilespmem:v3+s24+$0x260 ss:$0x1] =	vst.idx.msk $0xffff, v5  }
0x15c: {  	v5 =	vld.idx.msk [tilespmem:v3+s24+$0x270 ss:$0x1], $0xffff;
	_ =	sdelay $0x4  }
0x15d: {  	v5 =	vmul.f32 v5, v53;
	_ =	sdelay $0x1  }
0x15e: {  	[tilespmem:v3+s24+$0x270 ss:$0x1] =	vst.idx.msk $0xffff, v5  }
0x15f: {  	v5 =	vld.idx.msk [tilespmem:v3+s24+$0x280 ss:$0x1], $0xffff;
	_ =	sdelay $0x2  }
0x160: {  	v54 =	vbroadcast v4, $0x5;
	_ =	sdelay $0x1  }
0x161: {  	v5 =	vmul.f32 v5, v54;
	_ =	sdelay $0x1  }
0x162: {  	[tilespmem:v3+s24+$0x280 ss:$0x1] =	vst.idx.msk $0xffff, v5  }
0x163: {  	v5 =	vld.idx.msk [tilespmem:v3+s24+$0x290 ss:$0x1], $0xffff;
	_ =	sdelay $0x4  }
0x164: {  	v5 =	vmul.f32 v5, v54;
	_ =	sdelay $0x1  }
0x165: {  	[tilespmem:v3+s24+$0x290 ss:$0x1] =	vst.idx.msk $0xffff, v5  }
0x166: {  	v5 =	vld.idx.msk [tilespmem:v3+s24+$0x2A0 ss:$0x1], $0xffff;
	_ =	sdelay $0x4  }
0x167: {  	v5 =	vmul.f32 v5, v54;
	_ =	sdelay $0x1  }
0x168: {  	[tilespmem:v3+s24+$0x2A0 ss:$0x1] =	vst.idx.msk $0xffff, v5  }
0x169: {  	v5 =	vld.idx.msk [tilespmem:v3+s24+$0x2B0 ss:$0x1], $0xffff;
	_ =	sdelay $0x4  }
0x16a: {  	v5 =	vmul.f32 v5, v54;
	_ =	sdelay $0x1  }
0x16b: {  	[tilespmem:v3+s24+$0x2B0 ss:$0x1] =	vst.idx.msk $0xffff, v5  }
0x16c: {  	v5 =	vld.idx.msk [tilespmem:v3+s24+$0x2C0 ss:$0x1], $0xffff;
	_ =	sdelay $0x4  }
0x16d: {  	v5 =	vmul.f32 v5, v54;
	_ =	sdelay $0x1  }
0x16e: {  	[tilespmem:v3+s24+$0x2C0 ss:$0x1] =	vst.idx.msk $0xffff, v5  }
0x16f: {  	v5 =	vld.idx.msk [tilespmem:v3+s24+$0x2D0 ss:$0x1], $0xffff;
	_ =	sdelay $0x4  }
0x170: {  	v5 =	vmul.f32 v5, v54;
	_ =	sdelay $0x1  }
0x171: {  	[tilespmem:v3+s24+$0x2D0 ss:$0x1] =	vst.idx.msk $0xffff, v5  }
0x172: {  	v5 =	vld.idx.msk [tilespmem:v3+s24+$0x2E0 ss:$0x1], $0xffff;
	_ =	sdelay $0x4  }
0x173: {  	v5 =	vmul.f32 v5, v54;
	_ =	sdelay $0x1  }
0x174: {  	[tilespmem:v3+s24+$0x2E0 ss:$0x1] =	vst.idx.msk $0xffff, v5  }
0x175: {  	v5 =	vld.idx.msk [tilespmem:v3+s24+$0x2F0 ss:$0x1], $0xffff;
	_ =	sdelay $0x4  }
0x176: {  	v5 =	vmul.f32 v5, v54;
	_ =	sdelay $0x1  }
0x177: {  	[tilespmem:v3+s24+$0x2F0 ss:$0x1] =	vst.idx.msk $0xffff, v5  }
0x178: {  	v5 =	vld.idx.msk [tilespmem:v3+s24+$0x300 ss:$0x1], $0xffff;
	_ =	sdelay $0x2  }
0x179: {  	v55 =	vbroadcast v4, $0x6;
	_ =	sdelay $0x1  }
0x17a: {  	v5 =	vmul.f32 v5, v55;
	_ =	sdelay $0x1  }
0x17b: {  	[tilespmem:v3+s24+$0x300 ss:$0x1] =	vst.idx.msk $0xffff, v5  }
0x17c: {  	v5 =	vld.idx.msk [tilespmem:v3+s24+$0x310 ss:$0x1], $0xffff;
	_ =	sdelay $0x4  }
0x17d: {  	v5 =	vmul.f32 v5, v55;
	_ =	sdelay $0x1  }
0x17e: {  	[tilespmem:v3+s24+$0x310 ss:$0x1] =	vst.idx.msk $0xffff, v5  }
0x17f: {  	v5 =	vld.idx.msk [tilespmem:v3+s24+$0x320 ss:$0x1], $0xffff;
	_ =	sdelay $0x4  }
0x180: {  	v5 =	vmul.f32 v5, v55;
	_ =	sdelay $0x1  }
0x181: {  	[tilespmem:v3+s24+$0x320 ss:$0x1] =	vst.idx.msk $0xffff, v5  }
0x182: {  	v5 =	vld.idx.msk [tilespmem:v3+s24+$0x330 ss:$0x1], $0xffff;
	_ =	sdelay $0x4  }
0x183: {  	v5 =	vmul.f32 v5, v55;
	_ =	sdelay $0x1  }
0x184: {  	[tilespmem:v3+s24+$0x330 ss:$0x1] =	vst.idx.msk $0xffff, v5  }
0x185: {  	v5 =	vld.idx.msk [tilespmem:v3+s24+$0x340 ss:$0x1], $0xffff;
	_ =	sdelay $0x4  }
0x186: {  	v5 =	vmul.f32 v5, v55;
	_ =	sdelay $0x1  }
0x187: {  	[tilespmem:v3+s24+$0x340 ss:$0x1] =	vst.idx.msk $0xffff, v5  }
0x188: {  	v5 =	vld.idx.msk [tilespmem:v3+s24+$0x350 ss:$0x1], $0xffff;
	_ =	sdelay $0x4  }
0x189: {  	v5 =	vmul.f32 v5, v55;
	_ =	sdelay $0x1  }
0x18a: {  	[tilespmem:v3+s24+$0x350 ss:$0x1] =	vst.idx.msk $0xffff, v5  }
0x18b: {  	v5 =	vld.idx.msk [tilespmem:v3+s24+$0x360 ss:$0x1], $0xffff;
	_ =	sdelay $0x4  }
0x18c: {  	v5 =	vmul.f32 v5, v55;
	_ =	sdelay $0x1  }
0x18d: {  	[tilespmem:v3+s24+$0x360 ss:$0x1] =	vst.idx.msk $0xffff, v5  }
0x18e: {  	v5 =	vld.idx.msk [tilespmem:v3+s24+$0x370 ss:$0x1], $0xffff;
	_ =	sdelay $0x4  }
0x18f: {  	v5 =	vmul.f32 v5, v55;
	_ =	sdelay $0x1  }
0x190: {  	[tilespmem:v3+s24+$0x370 ss:$0x1] =	vst.idx.msk $0xffff, v5  }
0x191: {  	v5 =	vld.idx.msk [tilespmem:v3+s24+$0x380 ss:$0x1], $0xffff;
	_ =	sdelay $0x2  }
0x192: {  	v56 =	vbroadcast v4, $0x7;
	_ =	sdelay $0x1  }
0x193: {  	v5 =	vmul.f32 v5, v56;
	_ =	sdelay $0x1  }
0x194: {  	[tilespmem:v3+s24+$0x380 ss:$0x1] =	vst.idx.msk $0xffff, v5  }
0x195: {  	v5 =	vld.idx.msk [tilespmem:v3+s24+$0x390 ss:$0x1], $0xffff;
	_ =	sdelay $0x4  }
0x196: {  	v5 =	vmul.f32 v5, v56;
	_ =	sdelay $0x1  }
0x197: {  	[tilespmem:v3+s24+$0x390 ss:$0x1] =	vst.idx.msk $0xffff, v5  }
0x198: {  	v5 =	vld.idx.msk [tilespmem:v3+s24+$0x3A0 ss:$0x1], $0xffff;
	_ =	sdelay $0x4  }
0x199: {  	v5 =	vmul.f32 v5, v56;
	_ =	sdelay $0x1  }
0x19a: {  	[tilespmem:v3+s24+$0x3A0 ss:$0x1] =	vst.idx.msk $0xffff, v5  }
0x19b: {  	v5 =	vld.idx.msk [tilespmem:v3+s24+$0x3B0 ss:$0x1], $0xffff;
	_ =	sdelay $0x4  }
0x19c: {  	v5 =	vmul.f32 v5, v56;
	_ =	sdelay $0x1  }
0x19d: {  	[tilespmem:v3+s24+$0x3B0 ss:$0x1] =	vst.idx.msk $0xffff, v5  }
0x19e: {  	v5 =	vld.idx.msk [tilespmem:v3+s24+$0x3C0 ss:$0x1], $0xffff;
	_ =	sdelay $0x4  }
0x19f: {  	v5 =	vmul.f32 v5, v56;
	_ =	sdelay $0x1  }
0x1a0: {  	[tilespmem:v3+s24+$0x3C0 ss:$0x1] =	vst.idx.msk $0xffff, v5  }
0x1a1: {  	v5 =	vld.idx.msk [tilespmem:v3+s24+$0x3D0 ss:$0x1], $0xffff;
	_ =	sdelay $0x4  }
0x1a2: {  	v5 =	vmul.f32 v5, v56;
	_ =	sdelay $0x1  }
0x1a3: {  	[tilespmem:v3+s24+$0x3D0 ss:$0x1] =	vst.idx.msk $0xffff, v5  }
0x1a4: {  	v5 =	vld.idx.msk [tilespmem:v3+s24+$0x3E0 ss:$0x1], $0xffff;
	_ =	sdelay $0x4  }
0x1a5: {  	v5 =	vmul.f32 v5, v56;
	_ =	sdelay $0x1  }
0x1a6: {  	[tilespmem:v3+s24+$0x3E0 ss:$0x1] =	vst.idx.msk $0xffff, v5  }
0x1a7: {  	v5 =	vld.idx.msk [tilespmem:v3+s24+$0x3F0 ss:$0x1], $0xffff;
	_ =	sdelay $0x4  }
0x1a8: {  	v5 =	vmul.f32 v5, v56;
	_ =	sdelay $0x1  }
0x1a9: {  	[tilespmem:v3+s24+$0x3F0 ss:$0x1] =	vst.idx.msk $0xffff, v5  }
0x1aa: {  	v5 =	vld.idx.msk [tilespmem:v3+s24+$0x400 ss:$0x1], $0xffff;
	_ =	sdelay $0x2  }
0x1ab: {  	v57 =	vbroadcast v4, $0x8;
	_ =	sdelay $0x1  }
0x1ac: {  	v5 =	vmul.f32 v5, v57;
	_ =	sdelay $0x1  }
0x1ad: {  	[tilespmem:v3+s24+$0x400 ss:$0x1] =	vst.idx.msk $0xffff, v5  }
0x1ae: {  	v5 =	vld.idx.msk [tilespmem:v3+s24+$0x410 ss:$0x1], $0xffff;
	_ =	sdelay $0x4  }
0x1af: {  	v5 =	vmul.f32 v5, v57;
	_ =	sdelay $0x1  }
0x1b0: {  	[tilespmem:v3+s24+$0x410 ss:$0x1] =	vst.idx.msk $0xffff, v5  }
0x1b1: {  	v5 =	vld.idx.msk [tilespmem:v3+s24+$0x420 ss:$0x1], $0xffff;
	_ =	sdelay $0x4  }
0x1b2: {  	v5 =	vmul.f32 v5, v57;
	_ =	sdelay $0x1  }
0x1b3: {  	[tilespmem:v3+s24+$0x420 ss:$0x1] =	vst.idx.msk $0xffff, v5  }
0x1b4: {  	v5 =	vld.idx.msk [tilespmem:v3+s24+$0x430 ss:$0x1], $0xffff;
	_ =	sdelay $0x4  }
0x1b5: {  	v5 =	vmul.f32 v5, v57;
	_ =	sdelay $0x1  }
0x1b6: {  	[tilespmem:v3+s24+$0x430 ss:$0x1] =	vst.idx.msk $0xffff, v5  }
0x1b7: {  	v5 =	vld.idx.msk [tilespmem:v3+s24+$0x440 ss:$0x1], $0xffff;
	_ =	sdelay $0x4  }
0x1b8: {  	v5 =	vmul.f32 v5, v57;
	_ =	sdelay $0x1  }
0x1b9: {  	[tilespmem:v3+s24+$0x440 ss:$0x1] =	vst.idx.msk $0xffff, v5  }
0x1ba: {  	v5 =	vld.idx.msk [tilespmem:v3+s24+$0x450 ss:$0x1], $0xffff;
	_ =	sdelay $0x4  }
0x1bb: {  	v5 =	vmul.f32 v5, v57;
	_ =	sdelay $0x1  }
0x1bc: {  	[tilespmem:v3+s24+$0x450 ss:$0x1] =	vst.idx.msk $0xffff, v5  }
0x1bd: {  	v5 =	vld.idx.msk [tilespmem:v3+s24+$0x460 ss:$0x1], $0xffff;
	_ =	sdelay $0x4  }
0x1be: {  	v5 =	vmul.f32 v5, v57;
	_ =	sdelay $0x1  }
0x1bf: {  	[tilespmem:v3+s24+$0x460 ss:$0x1] =	vst.idx.msk $0xffff, v5  }
0x1c0: {  	v5 =	vld.idx.msk [tilespmem:v3+s24+$0x470 ss:$0x1], $0xffff;
	_ =	sdelay $0x4  }
0x1c1: {  	v5 =	vmul.f32 v5, v57;
	_ =	sdelay $0x1  }
0x1c2: {  	[tilespmem:v3+s24+$0x470 ss:$0x1] =	vst.idx.msk $0xffff, v5  }
0x1c3: {  	v5 =	vld.idx.msk [tilespmem:v3+s24+$0x480 ss:$0x1], $0xffff;
	_ =	sdelay $0x2  }
0x1c4: {  	v58 =	vbroadcast v4, $0x9;
	_ =	sdelay $0x1  }
0x1c5: {  	v5 =	vmul.f32 v5, v58;
	_ =	sdelay $0x1  }
0x1c6: {  	[tilespmem:v3+s24+$0x480 ss:$0x1] =	vst.idx.msk $0xffff, v5  }
0x1c7: {  	v5 =	vld.idx.msk [tilespmem:v3+s24+$0x490 ss:$0x1], $0xffff;
	_ =	sdelay $0x4  }
0x1c8: {  	v5 =	vmul.f32 v5, v58;
	_ =	sdelay $0x1  }
0x1c9: {  	[tilespmem:v3+s24+$0x490 ss:$0x1] =	vst.idx.msk $0xffff, v5  }
0x1ca: {  	v5 =	vld.idx.msk [tilespmem:v3+s24+$0x4A0 ss:$0x1], $0xffff;
	_ =	sdelay $0x4  }
0x1cb: {  	v5 =	vmul.f32 v5, v58;
	_ =	sdelay $0x1  }
0x1cc: {  	[tilespmem:v3+s24+$0x4A0 ss:$0x1] =	vst.idx.msk $0xffff, v5  }
0x1cd: {  	v5 =	vld.idx.msk [tilespmem:v3+s24+$0x4B0 ss:$0x1], $0xffff;
	_ =	sdelay $0x4  }
0x1ce: {  	v5 =	vmul.f32 v5, v58;
	_ =	sdelay $0x1  }
0x1cf: {  	[tilespmem:v3+s24+$0x4B0 ss:$0x1] =	vst.idx.msk $0xffff, v5  }
0x1d0: {  	v5 =	vld.idx.msk [tilespmem:v3+s24+$0x4C0 ss:$0x1], $0xffff;
	_ =	sdelay $0x4  }
0x1d1: {  	v5 =	vmul.f32 v5, v58;
	_ =	sdelay $0x1  }
0x1d2: {  	[tilespmem:v3+s24+$0x4C0 ss:$0x1] =	vst.idx.msk $0xffff, v5  }
0x1d3: {  	v5 =	vld.idx.msk [tilespmem:v3+s24+$0x4D0 ss:$0x1], $0xffff;
	_ =	sdelay $0x4  }
0x1d4: {  	v5 =	vmul.f32 v5, v58;
	_ =	sdelay $0x1  }
0x1d5: {  	[tilespmem:v3+s24+$0x4D0 ss:$0x1] =	vst.idx.msk $0xffff, v5  }
0x1d6: {  	v5 =	vld.idx.msk [tilespmem:v3+s24+$0x4E0 ss:$0x1], $0xffff;
	_ =	sdelay $0x4  }
0x1d7: {  	v5 =	vmul.f32 v5, v58;
	_ =	sdelay $0x1  }
0x1d8: {  	[tilespmem:v3+s24+$0x4E0 ss:$0x1] =	vst.idx.msk $0xffff, v5  }
0x1d9: {  	v5 =	vld.idx.msk [tilespmem:v3+s24+$0x4F0 ss:$0x1], $0xffff;
	_ =	sdelay $0x4  }
0x1da: {  	v5 =	vmul.f32 v5, v58;
	_ =	sdelay $0x1  }
0x1db: {  	[tilespmem:v3+s24+$0x4F0 ss:$0x1] =	vst.idx.msk $0xffff, v5  }
0x1dc: {  	v5 =	vld.idx.msk [tilespmem:v3+s24+$0x500 ss:$0x1], $0xffff;
	_ =	sdelay $0x2  }
0x1dd: {  	v59 =	vbroadcast v4, $0xA;
	_ =	sdelay $0x1  }
0x1de: {  	v5 =	vmul.f32 v5, v59;
	_ =	sdelay $0x1  }
0x1df: {  	[tilespmem:v3+s24+$0x500 ss:$0x1] =	vst.idx.msk $0xffff, v5  }
0x1e0: {  	v5 =	vld.idx.msk [tilespmem:v3+s24+$0x510 ss:$0x1], $0xffff;
	_ =	sdelay $0x4  }
0x1e1: {  	v5 =	vmul.f32 v5, v59;
	_ =	sdelay $0x1  }
0x1e2: {  	[tilespmem:v3+s24+$0x510 ss:$0x1] =	vst.idx.msk $0xffff, v5  }
0x1e3: {  	v5 =	vld.idx.msk [tilespmem:v3+s24+$0x520 ss:$0x1], $0xffff;
	_ =	sdelay $0x4  }
0x1e4: {  	v5 =	vmul.f32 v5, v59;
	_ =	sdelay $0x1  }
0x1e5: {  	[tilespmem:v3+s24+$0x520 ss:$0x1] =	vst.idx.msk $0xffff, v5  }
0x1e6: {  	v5 =	vld.idx.msk [tilespmem:v3+s24+$0x530 ss:$0x1], $0xffff;
	_ =	sdelay $0x4  }
0x1e7: {  	v5 =	vmul.f32 v5, v59;
	_ =	sdelay $0x1  }
0x1e8: {  	[tilespmem:v3+s24+$0x530 ss:$0x1] =	vst.idx.msk $0xffff, v5  }
0x1e9: {  	v5 =	vld.idx.msk [tilespmem:v3+s24+$0x540 ss:$0x1], $0xffff;
	_ =	sdelay $0x4  }
0x1ea: {  	v5 =	vmul.f32 v5, v59;
	_ =	sdelay $0x1  }
0x1eb: {  	[tilespmem:v3+s24+$0x540 ss:$0x1] =	vst.idx.msk $0xffff, v5  }
0x1ec: {  	v5 =	vld.idx.msk [tilespmem:v3+s24+$0x550 ss:$0x1], $0xffff;
	_ =	sdelay $0x4  }
0x1ed: {  	v5 =	vmul.f32 v5, v59;
	_ =	sdelay $0x1  }
0x1ee: {  	[tilespmem:v3+s24+$0x550 ss:$0x1] =	vst.idx.msk $0xffff, v5  }
0x1ef: {  	v5 =	vld.idx.msk [tilespmem:v3+s24+$0x560 ss:$0x1], $0xffff;
	_ =	sdelay $0x4  }
0x1f0: {  	v5 =	vmul.f32 v5, v59;
	_ =	sdelay $0x1  }
0x1f1: {  	[tilespmem:v3+s24+$0x560 ss:$0x1] =	vst.idx.msk $0xffff, v5  }
0x1f2: {  	v5 =	vld.idx.msk [tilespmem:v3+s24+$0x570 ss:$0x1], $0xffff;
	_ =	sdelay $0x4  }
0x1f3: {  	v5 =	vmul.f32 v5, v59;
	_ =	sdelay $0x1  }
0x1f4: {  	[tilespmem:v3+s24+$0x570 ss:$0x1] =	vst.idx.msk $0xffff, v5  }
0x1f5: {  	v5 =	vld.idx.msk [tilespmem:v3+s24+$0x580 ss:$0x1], $0xffff;
	_ =	sdelay $0x2  }
0x1f6: {  	v60 =	vbroadcast v4, $0xB;
	_ =	sdelay $0x1  }
0x1f7: {  	v5 =	vmul.f32 v5, v60;
	_ =	sdelay $0x1  }
0x1f8: {  	[tilespmem:v3+s24+$0x580 ss:$0x1] =	vst.idx.msk $0xffff, v5  }
0x1f9: {  	v5 =	vld.idx.msk [tilespmem:v3+s24+$0x590 ss:$0x1], $0xffff;
	_ =	sdelay $0x4  }
0x1fa: {  	v5 =	vmul.f32 v5, v60;
	_ =	sdelay $0x1  }
0x1fb: {  	[tilespmem:v3+s24+$0x590 ss:$0x1] =	vst.idx.msk $0xffff, v5  }
0x1fc: {  	v5 =	vld.idx.msk [tilespmem:v3+s24+$0x5A0 ss:$0x1], $0xffff;
	_ =	sdelay $0x4  }
0x1fd: {  	v5 =	vmul.f32 v5, v60;
	_ =	sdelay $0x1  }
0x1fe: {  	[tilespmem:v3+s24+$0x5A0 ss:$0x1] =	vst.idx.msk $0xffff, v5  }
0x1ff: {  	v5 =	vld.idx.msk [tilespmem:v3+s24+$0x5B0 ss:$0x1], $0xffff;
	_ =	sdelay $0x4  }
0x200: {  	v5 =	vmul.f32 v5, v60;
	_ =	sdelay $0x1  }
0x201: {  	[tilespmem:v3+s24+$0x5B0 ss:$0x1] =	vst.idx.msk $0xffff, v5  }
0x202: {  	v5 =	vld.idx.msk [tilespmem:v3+s24+$0x5C0 ss:$0x1], $0xffff;
	_ =	sdelay $0x4  }
0x203: {  	v5 =	vmul.f32 v5, v60;
	_ =	sdelay $0x1  }
0x204: {  	[tilespmem:v3+s24+$0x5C0 ss:$0x1] =	vst.idx.msk $0xffff, v5  }
0x205: {  	v5 =	vld.idx.msk [tilespmem:v3+s24+$0x5D0 ss:$0x1], $0xffff;
	_ =	sdelay $0x4  }
0x206: {  	v5 =	vmul.f32 v5, v60;
	_ =	sdelay $0x1  }
0x207: {  	[tilespmem:v3+s24+$0x5D0 ss:$0x1] =	vst.idx.msk $0xffff, v5  }
0x208: {  	v5 =	vld.idx.msk [tilespmem:v3+s24+$0x5E0 ss:$0x1], $0xffff;
	_ =	sdelay $0x4  }
0x209: {  	v5 =	vmul.f32 v5, v60;
	_ =	sdelay $0x1  }
0x20a: {  	[tilespmem:v3+s24+$0x5E0 ss:$0x1] =	vst.idx.msk $0xffff, v5  }
0x20b: {  	v5 =	vld.idx.msk [tilespmem:v3+s24+$0x5F0 ss:$0x1], $0xffff;
	_ =	sdelay $0x4  }
0x20c: {  	v5 =	vmul.f32 v5, v60;
	_ =	sdelay $0x1  }
0x20d: {  	[tilespmem:v3+s24+$0x5F0 ss:$0x1] =	vst.idx.msk $0xffff, v5  }
0x20e: {  	v5 =	vld.idx.msk [tilespmem:v3+s24+$0x600 ss:$0x1], $0xffff;
	_ =	sdelay $0x2  }
0x20f: {  	v61 =	vbroadcast v4, $0xC;
	_ =	sdelay $0x1  }
0x210: {  	v5 =	vmul.f32 v5, v61;
	_ =	sdelay $0x1  }
0x211: {  	[tilespmem:v3+s24+$0x600 ss:$0x1] =	vst.idx.msk $0xffff, v5  }
0x212: {  	v5 =	vld.idx.msk [tilespmem:v3+s24+$0x610 ss:$0x1], $0xffff;
	_ =	sdelay $0x4  }
0x213: {  	v5 =	vmul.f32 v5, v61;
	_ =	sdelay $0x1  }
0x214: {  	[tilespmem:v3+s24+$0x610 ss:$0x1] =	vst.idx.msk $0xffff, v5  }
0x215: {  	v5 =	vld.idx.msk [tilespmem:v3+s24+$0x620 ss:$0x1], $0xffff;
	_ =	sdelay $0x4  }
0x216: {  	v5 =	vmul.f32 v5, v61;
	_ =	sdelay $0x1  }
0x217: {  	[tilespmem:v3+s24+$0x620 ss:$0x1] =	vst.idx.msk $0xffff, v5  }
0x218: {  	v5 =	vld.idx.msk [tilespmem:v3+s24+$0x630 ss:$0x1], $0xffff;
	_ =	sdelay $0x4  }
0x219: {  	v5 =	vmul.f32 v5, v61;
	_ =	sdelay $0x1  }
0x21a: {  	[tilespmem:v3+s24+$0x630 ss:$0x1] =	vst.idx.msk $0xffff, v5  }
0x21b: {  	v5 =	vld.idx.msk [tilespmem:v3+s24+$0x640 ss:$0x1], $0xffff;
	_ =	sdelay $0x4  }
0x21c: {  	v5 =	vmul.f32 v5, v61;
	_ =	sdelay $0x1  }
0x21d: {  	[tilespmem:v3+s24+$0x640 ss:$0x1] =	vst.idx.msk $0xffff, v5  }
0x21e: {  	v5 =	vld.idx.msk [tilespmem:v3+s24+$0x650 ss:$0x1], $0xffff;
	_ =	sdelay $0x4  }
0x21f: {  	v5 =	vmul.f32 v5, v61;
	_ =	sdelay $0x1  }
0x220: {  	[tilespmem:v3+s24+$0x650 ss:$0x1] =	vst.idx.msk $0xffff, v5  }
0x221: {  	v5 =	vld.idx.msk [tilespmem:v3+s24+$0x660 ss:$0x1], $0xffff;
	_ =	sdelay $0x4  }
0x222: {  	v5 =	vmul.f32 v5, v61;
	_ =	sdelay $0x1  }
0x223: {  	[tilespmem:v3+s24+$0x660 ss:$0x1] =	vst.idx.msk $0xffff, v5  }
0x224: {  	v5 =	vld.idx.msk [tilespmem:v3+s24+$0x670 ss:$0x1], $0xffff;
	_ =	sdelay $0x4  }
0x225: {  	v5 =	vmul.f32 v5, v61;
	_ =	sdelay $0x1  }
0x226: {  	[tilespmem:v3+s24+$0x670 ss:$0x1] =	vst.idx.msk $0xffff, v5  }
0x227: {  	v5 =	vld.idx.msk [tilespmem:v3+s24+$0x680 ss:$0x1], $0xffff;
	_ =	sdelay $0x2  }
0x228: {  	v62 =	vbroadcast v4, $0xD;
	_ =	sdelay $0x1  }
0x229: {  	v5 =	vmul.f32 v5, v62;
	_ =	sdelay $0x1  }
0x22a: {  	[tilespmem:v3+s24+$0x680 ss:$0x1] =	vst.idx.msk $0xffff, v5  }
0x22b: {  	v5 =	vld.idx.msk [tilespmem:v3+s24+$0x690 ss:$0x1], $0xffff;
	_ =	sdelay $0x4  }
0x22c: {  	v5 =	vmul.f32 v5, v62;
	_ =	sdelay $0x1  }
0x22d: {  	[tilespmem:v3+s24+$0x690 ss:$0x1] =	vst.idx.msk $0xffff, v5  }
0x22e: {  	v5 =	vld.idx.msk [tilespmem:v3+s24+$0x6A0 ss:$0x1], $0xffff;
	_ =	sdelay $0x4  }
0x22f: {  	v5 =	vmul.f32 v5, v62;
	_ =	sdelay $0x1  }
0x230: {  	[tilespmem:v3+s24+$0x6A0 ss:$0x1] =	vst.idx.msk $0xffff, v5  }
0x231: {  	v5 =	vld.idx.msk [tilespmem:v3+s24+$0x6B0 ss:$0x1], $0xffff;
	_ =	sdelay $0x4  }
0x232: {  	v5 =	vmul.f32 v5, v62;
	_ =	sdelay $0x1  }
0x233: {  	[tilespmem:v3+s24+$0x6B0 ss:$0x1] =	vst.idx.msk $0xffff, v5  }
0x234: {  	v5 =	vld.idx.msk [tilespmem:v3+s24+$0x6C0 ss:$0x1], $0xffff;
	_ =	sdelay $0x4  }
0x235: {  	v5 =	vmul.f32 v5, v62;
	_ =	sdelay $0x1  }
0x236: {  	[tilespmem:v3+s24+$0x6C0 ss:$0x1] =	vst.idx.msk $0xffff, v5  }
0x237: {  	v5 =	vld.idx.msk [tilespmem:v3+s24+$0x6D0 ss:$0x1], $0xffff;
	_ =	sdelay $0x4  }
0x238: {  	v5 =	vmul.f32 v5, v62;
	_ =	sdelay $0x1  }
0x239: {  	[tilespmem:v3+s24+$0x6D0 ss:$0x1] =	vst.idx.msk $0xffff, v5  }
0x23a: {  	v5 =	vld.idx.msk [tilespmem:v3+s24+$0x6E0 ss:$0x1], $0xffff;
	_ =	sdelay $0x4  }
0x23b: {  	v5 =	vmul.f32 v5, v62;
	_ =	sdelay $0x1  }
0x23c: {  	[tilespmem:v3+s24+$0x6E0 ss:$0x1] =	vst.idx.msk $0xffff, v5  }
0x23d: {  	v5 =	vld.idx.msk [tilespmem:v3+s24+$0x6F0 ss:$0x1], $0xffff;
	_ =	sdelay $0x4  }
0x23e: {  	v5 =	vmul.f32 v5, v62;
	_ =	sdelay $0x1  }
0x23f: {  	[tilespmem:v3+s24+$0x6F0 ss:$0x1] =	vst.idx.msk $0xffff, v5  }
0x240: {  	v5 =	vld.idx.msk [tilespmem:v3+s24+$0x700 ss:$0x1], $0xffff;
	_ =	sdelay $0x2  }
0x241: {  	v63 =	vbroadcast v4, $0xE;
	_ =	sdelay $0x1  }
0x242: {  	v5 =	vmul.f32 v5, v63;
	_ =	sdelay $0x1  }
0x243: {  	[tilespmem:v3+s24+$0x700 ss:$0x1] =	vst.idx.msk $0xffff, v5  }
0x244: {  	v5 =	vld.idx.msk [tilespmem:v3+s24+$0x710 ss:$0x1], $0xffff;
	_ =	sdelay $0x4  }
0x245: {  	v5 =	vmul.f32 v5, v63;
	_ =	sdelay $0x1  }
0x246: {  	[tilespmem:v3+s24+$0x710 ss:$0x1] =	vst.idx.msk $0xffff, v5  }
0x247: {  	v5 =	vld.idx.msk [tilespmem:v3+s24+$0x720 ss:$0x1], $0xffff;
	_ =	sdelay $0x4  }
0x248: {  	v5 =	vmul.f32 v5, v63;
	_ =	sdelay $0x1  }
0x249: {  	[tilespmem:v3+s24+$0x720 ss:$0x1] =	vst.idx.msk $0xffff, v5  }
0x24a: {  	v5 =	vld.idx.msk [tilespmem:v3+s24+$0x730 ss:$0x1], $0xffff;
	_ =	sdelay $0x4  }
0x24b: {  	v5 =	vmul.f32 v5, v63;
	_ =	sdelay $0x1  }
0x24c: {  	[tilespmem:v3+s24+$0x730 ss:$0x1] =	vst.idx.msk $0xffff, v5  }
0x24d: {  	v5 =	vld.idx.msk [tilespmem:v3+s24+$0x740 ss:$0x1], $0xffff;
	_ =	sdelay $0x4  }
0x24e: {  	v5 =	vmul.f32 v5, v63;
	_ =	sdelay $0x1  }
0x24f: {  	[tilespmem:v3+s24+$0x740 ss:$0x1] =	vst.idx.msk $0xffff, v5  }
0x250: {  	v5 =	vld.idx.msk [tilespmem:v3+s24+$0x750 ss:$0x1], $0xffff;
	_ =	sdelay $0x4  }
0x251: {  	v5 =	vmul.f32 v5, v63;
	_ =	sdelay $0x1  }
0x252: {  	[tilespmem:v3+s24+$0x750 ss:$0x1] =	vst.idx.msk $0xffff, v5  }
0x253: {  	v5 =	vld.idx.msk [tilespmem:v3+s24+$0x760 ss:$0x1], $0xffff;
	_ =	sdelay $0x4  }
0x254: {  	v5 =	vmul.f32 v5, v63;
	_ =	sdelay $0x1  }
0x255: {  	[tilespmem:v3+s24+$0x760 ss:$0x1] =	vst.idx.msk $0xffff, v5  }
0x256: {  	v5 =	vld.idx.msk [tilespmem:v3+s24+$0x770 ss:$0x1], $0xffff;
	_ =	sdelay $0x4  }
0x257: {  	v5 =	vmul.f32 v5, v63;
	_ =	sdelay $0x1  }
0x258: {  	[tilespmem:v3+s24+$0x770 ss:$0x1] =	vst.idx.msk $0xffff, v5  }
0x259: {  	v5 =	vld.idx.msk [tilespmem:v3+s24+$0x780 ss:$0x1], $0xffff;
	_ =	sdelay $0x2  }
0x25a: {  	v4 =	vbroadcast v4, $0xF;
	_ =	sdelay $0x1  }
0x25b: {  	v5 =	vmul.f32 v5, v4;
	_ =	sdelay $0x1  }
0x25c: {  	[tilespmem:v3+s24+$0x780 ss:$0x1] =	vst.idx.msk $0xffff, v5  }
0x25d: {  	v5 =	vld.idx.msk [tilespmem:v3+s24+$0x790 ss:$0x1], $0xffff;
	_ =	sdelay $0x4  }
0x25e: {  	v5 =	vmul.f32 v5, v4;
	_ =	sdelay $0x1  }
0x25f: {  	[tilespmem:v3+s24+$0x790 ss:$0x1] =	vst.idx.msk $0xffff, v5  }
0x260: {  	v5 =	vld.idx.msk [tilespmem:v3+s24+$0x7A0 ss:$0x1], $0xffff;
	_ =	sdelay $0x4  }
0x261: {  	v5 =	vmul.f32 v5, v4;
	_ =	sdelay $0x1  }
0x262: {  	[tilespmem:v3+s24+$0x7A0 ss:$0x1] =	vst.idx.msk $0xffff, v5  }
0x263: {  	v5 =	vld.idx.msk [tilespmem:v3+s24+$0x7B0 ss:$0x1], $0xffff;
	_ =	sdelay $0x4  }
0x264: {  	v5 =	vmul.f32 v5, v4;
	_ =	sdelay $0x1  }
0x265: {  	[tilespmem:v3+s24+$0x7B0 ss:$0x1] =	vst.idx.msk $0xffff, v5  }
0x266: {  	v5 =	vld.idx.msk [tilespmem:v3+s24+$0x7C0 ss:$0x1], $0xffff;
	_ =	sdelay $0x4  }
0x267: {  	v5 =	vmul.f32 v5, v4;
	_ =	sdelay $0x1  }
0x268: {  	[tilespmem:v3+s24+$0x7C0 ss:$0x1] =	vst.idx.msk $0xffff, v5  }
0x269: {  	v5 =	vld.idx.msk [tilespmem:v3+s24+$0x7D0 ss:$0x1], $0xffff;
	_ =	sdelay $0x4  }
0x26a: {  	v5 =	vmul.f32 v5, v4;
	_ =	sdelay $0x1  }
0x26b: {  	[tilespmem:v3+s24+$0x7D0 ss:$0x1] =	vst.idx.msk $0xffff, v5  }
0x26c: {  	v5 =	vld.idx.msk [tilespmem:v3+s24+$0x7E0 ss:$0x1], $0xffff;
	_ =	sdelay $0x4  }
0x26d: {  	v5 =	vmul.f32 v5, v4;
	_ =	sdelay $0x1  }
0x26e: {  	[tilespmem:v3+s24+$0x7E0 ss:$0x1] =	vst.idx.msk $0xffff, v5  }
0x26f: {  	v5 =	vld.idx.msk [tilespmem:v3+s24+$0x7F0 ss:$0x1], $0xffff;
	_ =	sdelay $0x1  }
0x270: {  	p1 =	sne.s32 s23, $0x7  }
.Ltmp2:
0x271: {  	_ = 	snop;
	(pc) =	sbr.rel @p1 .LBB2_7-.Ltmp2, $3  }
0x272: {  	_ = 	snop  }
0x273: {  	v4 =	vmul.f32 v5, v4;
	_ =	sdelay $0x1  }
0x274: {  	s23 =	sadd.s32 $0x1, s23;
	[tilespmem:v3+s24+$0x7F0 ss:$0x1] =	vst.idx.msk $0xffff, v4  }
0x275: {  	p1 =	slt.u32 s18, $0x50  }
.Ltmp3:
0x276: {  	s22 =	sshll.u32 s22, $0x8;
	s23 =	sor.u32 $0xA, s17;
	(pc) =	sbr.rel @p1 .LBB2_4-.Ltmp3, $4  }
0x277: {  	[spmem:s2] =	stream.indirect.scatter.add.f32 [tilespmem:s21], [sflag:s23], $0x80, s22, s10, $0xb8;
	[tilespmem:$0x1CE00] =	vst v63  }
0x278: {  	s25 =	sor.u32 $0xC, s17  }
0x279: {  	[spmem:s5] =	stream.indirect.scatter.add.f32 [tilespmem:s20], [sflag:s25], $0x1, s22, s10, $0xb8;
	[tilespmem:$0x1CE00] =	vst v63  }
0x27a: {  	s20 =	smov.u32 s18  }
0x27b: {  	_ =	swait.ge [sflag:s12], $0x4000  }
0x27c: {  	[sflag:s12] =	ssyncset.done $0x0  }
0x27d: {  	[sflag:s12] =	ssyncadd.s32 $0xFFFFC000  }
0x27e: {  	_ =	swait.ge [sflag:s15], $0x80  }
0x27f: {  	s17 =	stileid.u32;
	[sflag:s15] =	ssyncset.done $0x0  }
0x280: {  	s17 =	sshll.u32 s17, $0x6;
	[sflag:s15] =	ssyncadd.s32 $0xFFFFFF80  }
0x281: {  	s18 =	sshrl.u32 s13, $0x3;
	s17 =	sor.u32 $0x1C0E, s17;
	[bflag:$0x0] =	sbarrier.arrive $0xFFFF  }
0x282: {  	[hbm:s29], [sflag:s17] =	dma.local [spmem:s18], $0x2800  }
0x283: {  	s25 =	sshrl.u32 s14, $0x3;
	s16 =	sadd.s32 $0x1, s16;
	_ =	swait.ge [sflag:s6], $0x2800  }
0x284: {  	s20 =	simm.s32 $0x20;
	p1 =	sne.s32 s16, s31;
	[sflag:s6] =	ssyncset.done $0x0  }
.Ltmp4:
0x285: {  	s21 =	simm.s32 $0x10;
	[sflag:s6] =	ssyncadd.s32 $0xFFFFD800;
	(pc) =	sbr.rel @p1 .LBB2_1-.Ltmp4, $4  }
0x286: {  	[hbm:s30@s20], [sflag:s17] =	dma.strided [spmem:s25@s21], $0x50, s11, $0x10   }
0x287: {  	_ =	swait.ge [sflag:s6], $0x50  }
0x288: {  	[sflag:s6] =	ssyncset.done $0x0  }
0x289: {  	[sflag:s6] =	ssyncadd.s32 $0xFFFFFFB0  }
0x28a: {  	_ =	sfence.sel $0x180000  }
0x28b: {  	[bflag:$0x0] =	sbarrier.arrive $0xFFFF  }
0x28c: {  	_ =	strace $0x90000047  }
0x28d: {  	[bflag:$0x2] =	sbarrier.arrive $0xFFFF  }
0x28e: {  	s0 =	rddreg [dreg:$0x6]  }
0x28f: {  	s0 =	sadd.s32 @!p0 $0x100000, s0  }
0x290: {  	[sflag:s0] =	ssyncadd.tile.s32 @!p0 $0x1;
	_ =	shalt  }
.Lfunc_end2:
_tile_overlayer_lowered:
.L_overlay_start_2:
0x291: {  	(tag) =	ssettag $0x2  }
0x292: {  	s0 =	rddreg [dreg:$0x0];
	s2 =	stileid.u32  }
0x293: {  	s1 =	rddreg [dreg:$0x1];
	p0 =	sne.s32 s2, $0x0  }
0x294: {  	s3 =	rddreg [dreg:$0x2];
	[bflag:$0x3] =	sbarrier.arrive $0xFFFF;
	s2 =	simm.s32 @!p0 $0x1C0E  }
0x295: {  	[timem:s3], [sflag:s2] =	dma.local @!p0 [hbm:s0], s1  }
0x296: {  	s0 =	simm.s32 @!p0 $0xE  }
0x297: {  	_ =	swait.ge @!p0 [sflag:s0], s1  }
0x298: {  	s1 =	ssub.s32 @!p0 $0x0, s1;
	[sflag:s0] =	ssyncset.done @!p0 $0x0  }
0x299: {  	[sflag:s0] =	ssyncadd.s32 @!p0 s1  }
0x29a: {  	[bflag:$0x3] =	sbarrier.arrive $0xFFFF  }
0x29b: {  	_ =	shalt  }

</sc_bundles>
